<compile_context>
chip_gen: v7x
topology: tpu7x:2x2x1
jax: 0.10.2.dev20260603
libtpu: 0.0.44.dev20260713+nightly
codegen_flags: <defaults>
</compile_context>

<pallas_src>
import functools

import jax
import jax.numpy as jnp
from jax import lax
from jax.experimental import pallas as pl
from jax.experimental.pallas import tpu as pltpu
from jax.experimental.pallas import tpu_sc as plsc

NC = 2
NS = 16
NW = NC * NS
CHUNK = 128
K = 8
SB = 4


def _mesh():
    return plsc.VectorSubcoreMesh(core_axis_name="c", subcore_axis_name="s")



def _sc_degree(n_pad, chunks):
    rpt = n_pad // NS
    nzc = rpt // CHUNK

    @functools.partial(
        pl.kernel,
        out_type=[jax.ShapeDtypeStruct((n_pad,), jnp.float32),
                  jax.ShapeDtypeStruct((n_pad,), jnp.float32)],
        mesh=_mesh(),
        scratch_types=[
            pltpu.VMEM((chunks, CHUNK), jnp.int32),
            pltpu.VMEM((CHUNK,), jnp.float32),
            pltpu.VMEM((CHUNK,), jnp.float32),
            pltpu.VMEM_SHARED((n_pad,), jnp.float32),
        ],
    )
    def deg_kernel(dst_hbm, out0, out1, idx_v, ones_v, stg_v, acc_sh):
        c = lax.axis_index("c")
        s = lax.axis_index("s")
        wid = s * NC + c
        for k in range(CHUNK // 16):
            ones_v[pl.ds(k * 16, 16)] = jnp.ones((16,), jnp.float32)
            stg_v[pl.ds(k * 16, 16)] = jnp.zeros((16,), jnp.float32)
        for i in range(nzc):
            pltpu.sync_copy(stg_v, acc_sh.at[pl.ds(s * rpt + i * CHUNK,
                                                   CHUNK)])
        plsc.subcore_barrier()
        pltpu.sync_copy(dst_hbm.at[wid], idx_v)

        def body(j, carry):
            pltpu.sync_copy(ones_v, acc_sh.at[idx_v.at[j]], add=True)
            return carry

        lax.fori_loop(0, chunks, body, 0)
        plsc.subcore_barrier()
        for i in range(nzc):
            sl = pl.ds(s * rpt + i * CHUNK, CHUNK)
            pltpu.sync_copy(acc_sh.at[sl], stg_v)

            @pl.when(c == 0)
            def _():
                pltpu.sync_copy(stg_v, out0.at[sl])

            @pl.when(c == 1)
            def _():
                pltpu.sync_copy(stg_v, out1.at[sl])

    return deg_kernel


def _sc_rows(n_pad, chunks, h):
    rpt = n_pad // NS
    nzc = rpt // CHUNK
    nblocks = chunks // SB

    @functools.partial(
        pl.kernel,
        out_type=jax.ShapeDtypeStruct((NC, n_pad, h), jnp.float32),
        mesh=_mesh(),
        scratch_types=[
            pltpu.VMEM((2 * SB, CHUNK), jnp.int32),
            pltpu.VMEM((2 * SB, CHUNK), jnp.int32),
            pltpu.VMEM((CHUNK, h), jnp.float32),
            pltpu.VMEM((CHUNK, h), jnp.float32),
            pltpu.VMEM_SHARED((n_pad, h), jnp.float32),
            pltpu.SemaphoreType.DMA,
            pltpu.SemaphoreType.DMA,
            pltpu.SemaphoreType.DMA,
            pltpu.SemaphoreType.DMA,
        ],
    )
    def rows_kernel(y_hbm, comb_hbm, zeros_hbm, out_hbm,
                    ring0, ring1, d0, d1, acc_sh,
                    isem0, isem1, gsem0, gsem1):
        rings = (ring0, ring1)
        isems = (isem0, isem1)
        dbufs = (d0, d1)
        gsems = (gsem0, gsem1)
        c = lax.axis_index("c")
        s = lax.axis_index("s")
        wid = s * NC + c
        pltpu.sync_copy(zeros_hbm, d0)
        for i in range(nzc):
            pltpu.sync_copy(d0,
                            acc_sh.at[pl.ds(s * rpt + i * CHUNK, CHUNK)])
        plsc.subcore_barrier()
        pltpu.sync_copy(comb_hbm.at[wid, pl.ds(0, 2 * SB)], ring0)
        pltpu.async_copy(comb_hbm.at[wid, pl.ds(2 * SB, 2 * SB)],
                         ring1, isem1)
        pltpu.async_copy(y_hbm.at[ring0.at[0]], d0, gsem0)
        pltpu.async_copy(y_hbm.at[ring0.at[2]], d1, gsem1)

        def outer(m, carry):
            for r in range(2):
                o = 2 * m + r
                ring, ringn = rings[r], rings[1 - r]
                for i in range(SB):
                    j = SB * o + i
                    d = i % 2
                    pltpu.make_async_copy(y_hbm.at[ring.at[2 * i]],
                                          dbufs[d], gsems[d]).wait()
                    pltpu.sync_copy(dbufs[d],
                                    acc_sh.at[ring.at[2 * i + 1]],
                                    add=True)

                    @pl.when(j + 2 < chunks)
                    def _():
                        if i < SB - 2:
                            pltpu.async_copy(
                                y_hbm.at[ring.at[2 * (i + 2)]],
                                dbufs[d], gsems[d])
                        else:
                            if i == SB - 2:
                                pltpu.make_async_copy(
                                    comb_hbm.at[
                                        wid,
                                        pl.ds(2 * SB * (o + 1), 2 * SB)],
                                    ringn, isems[1 - r]).wait()
                            pltpu.async_copy(
                                y_hbm.at[ringn.at[2 * (i - (SB - 2))]],
                                dbufs[d], gsems[d])

                @pl.when(o + 2 < nblocks)
                def _():
                    pltpu.async_copy(
                        comb_hbm.at[wid, pl.ds(2 * SB * (o + 2), 2 * SB)],
                        ring, isems[r])
            return carry

        lax.fori_loop(0, nblocks // 2, outer, 0)
        plsc.subcore_barrier()
        for i in range(nzc):
            sl = pl.ds(s * rpt + i * CHUNK, CHUNK)
            pltpu.sync_copy(acc_sh.at[sl], d0)
            pltpu.sync_copy(d0, out_hbm.at[c, sl])

    return rows_kernel


def _sc_scalar_final(n_pad, chunks2):
    rpt = n_pad // NS
    nzc = rpt // CHUNK
    niter = chunks2 // K

    @functools.partial(
        pl.kernel,
        out_type=jax.ShapeDtypeStruct((n_pad,), jnp.float32),
        mesh=_mesh(),
        scratch_types=(
            [pltpu.VMEM((chunks2, CHUNK), jnp.int32),
             pltpu.VMEM((chunks2, CHUNK), jnp.int32)]
            + [pltpu.VMEM((CHUNK,), jnp.float32)] * K
            + [pltpu.VMEM_SHARED((n_pad,), jnp.float32)]
            + [pltpu.VMEM((n_pad // NS,), jnp.float32)] * 3
            + [pltpu.VMEM((16,), jnp.float32)]
            + [pltpu.SemaphoreType.DMA] * K
        ),
    )
    def scalf_kernel(y_hbm, src_hbm, dst_hbm, dinv_hbm, b3_hbm, out_hbm,
                     src_v, dst_v, *rest):
        bufs = rest[:K]
        acc_sh = rest[K]
        vbuf, ybuf, obuf, bbuf = rest[K + 1:K + 5]
        gsem = rest[K + 5:]
        c = lax.axis_index("c")
        s = lax.axis_index("s")

        @pl.when(c == 0)
        def _():
            for k in range(CHUNK // 16):
                bufs[0][pl.ds(k * 16, 16)] = jnp.zeros((16,), jnp.float32)
            for i in range(nzc):
                pltpu.sync_copy(
                    bufs[0], acc_sh.at[pl.ds(s * rpt + i * CHUNK, CHUNK)])
            plsc.subcore_barrier()
            pltpu.sync_copy(src_hbm.at[s], src_v)
            pltpu.sync_copy(dst_hbm.at[s], dst_v)

            for b in range(K):
                pltpu.async_copy(y_hbm.at[src_v.at[b]], bufs[b], gsem[b])

            def body(o, carry):
                for b in range(K):
                    j = o * K + b
                    pltpu.make_async_copy(y_hbm.at[src_v.at[j]],
                                          bufs[b], gsem[b]).wait()
                    pltpu.sync_copy(bufs[b], acc_sh.at[dst_v.at[j]],
                                    add=True)

                    @pl.when(o < niter - 1)
                    def _():
                        pltpu.async_copy(y_hbm.at[src_v.at[j + K]],
                                         bufs[b], gsem[b])
                return carry

            lax.fori_loop(0, niter, body, 0)
            plsc.subcore_barrier()
            sl = pl.ds(s * rpt, rpt)
            pltpu.sync_copy(acc_sh.at[sl], vbuf)
            pltpu.sync_copy(y_hbm.at[sl], ybuf)
            pltpu.sync_copy(b3_hbm, bbuf)
            bb = bbuf[...]
            for k in range(rpt // 16):
                kl = pl.ds(k * 16, 16)
                obuf[kl] = vbuf[kl] + ybuf[kl]
            pltpu.sync_copy(dinv_hbm.at[sl], vbuf)
            for k in range(rpt // 16):
                kl = pl.ds(k * 16, 16)
                obuf[kl] = vbuf[kl] * obuf[kl] + bb
            pltpu.sync_copy(obuf, out_hbm.at[sl])

    return scalf_kernel



def _tc_prep(n_pad, f_in, h):

    def body(deg0_ref, deg1_ref, x_ref, w_ref, y_ref, dinv_ref):
        total = deg0_ref[...] + deg1_ref[...] + 1.0
        dinv = lax.rsqrt(total)
        dinv_ref[...] = dinv
        y_ref[...] = jnp.dot(x_ref[...], w_ref[...],
                             preferred_element_type=jnp.float32) * dinv

    return pl.pallas_call(
        body,
        out_shape=[
            jax.ShapeDtypeStruct((n_pad, h), jnp.float32),
            jax.ShapeDtypeStruct((n_pad, 1), jnp.float32),
        ],
    )


def _tc_mid(n, n_pad, h, w_out):

    def body(s_ref, y_ref, dinv_ref, b_ref, g_ref, be_ref, w_ref, out_ref):
        dinv = dinv_ref[...]
        pre = dinv * (s_ref[0] + s_ref[1] + y_ref[...]) + b_ref[...]
        row = lax.broadcasted_iota(jnp.int32, (n_pad, 1), 0)
        mask = row < n
        pm = jnp.where(mask, pre, 0.0)
        mean = jnp.sum(pm, axis=0, keepdims=True) * (1.0 / n)
        meansq = jnp.sum(pm * pre, axis=0, keepdims=True) * (1.0 / n)
        var = meansq - mean * mean
        hh = (pre - mean) * lax.rsqrt(var + 1e-5) * g_ref[...] + be_ref[...]
        hh = jnp.where(mask, jnp.maximum(hh, 0.0), 0.0)
        out_ref[...] = jnp.dot(hh, w_ref[...],
                               preferred_element_type=jnp.float32) * dinv

    return pl.pallas_call(
        body,
        out_shape=jax.ShapeDtypeStruct((n_pad, w_out), jnp.float32),
    )



def kernel(x, edge_index, W1, b1, g1, be1, W2, b2, g2, be2, W3, b3):
    n, f_in = x.shape
    h = W1.shape[1]
    e = edge_index.shape[1]

    cpw = -(-e // (NW * CHUNK))
    chunks = -(-cpw // (2 * SB)) * (2 * SB)
    e_pad = NW * chunks * CHUNK
    n_pad = -(-(n + 1) // (NS * CHUNK)) * (NS * CHUNK)

    trash = n + jnp.arange(e_pad - e, dtype=jnp.int32) % (n_pad - n)
    src = jnp.concatenate(
        [edge_index[0].astype(jnp.int32), trash]).reshape(NW, chunks, CHUNK)
    dst = jnp.concatenate(
        [edge_index[1].astype(jnp.int32), trash]).reshape(NW, chunks, CHUNK)
    comb = jnp.stack([src, dst], axis=2).reshape(NW, 2 * chunks, CHUNK)
    x_p = jnp.zeros((n_pad, f_in), jnp.float32).at[:n].set(x)
    zeros2 = jnp.zeros((CHUNK, h), jnp.float32)

    deg0, deg1 = _sc_degree(n_pad, chunks)(dst)
    y1, dinv = _tc_prep(n_pad, f_in, h)(
        deg0.reshape(n_pad, 1), deg1.reshape(n_pad, 1), x_p, W1)

    s1 = _sc_rows(n_pad, chunks, h)(y1, comb, zeros2)
    y2 = _tc_mid(n, n_pad, h, h)(
        s1, y1, dinv, b1.reshape(1, h), g1.reshape(1, h),
        be1.reshape(1, h), W2)

    s2 = _sc_rows(n_pad, chunks, h)(y2, comb, zeros2)
    y3 = _tc_mid(n, n_pad, h, 1)(
        s2, y2, dinv, b2.reshape(1, h), g2.reshape(1, h),
        be2.reshape(1, h), W3)

    out = _sc_scalar_final(n_pad, 2 * chunks)(
        y3.reshape(n_pad),
        src.reshape(NS, 2 * chunks, CHUNK),
        dst.reshape(NS, 2 * chunks, CHUNK),
        dinv.reshape(n_pad),
        jnp.broadcast_to(b3, (16,)))
    return out.reshape(n_pad, 1)[:n]

# --- scband reference (transcript-rebuilt; emitter-appended) ---
"""Pipeline reference for scband-gcnregression-51170240364590 (READ-ONLY COPY).

The authoritative reference and input builder live on the scoring server;
editing this copy changes nothing except your own understanding.
"""

import jax, jax.numpy as jnp
import numpy as np

N = 10000
E = 320000
F_IN = 128
H = 128
C = 1


def gcn_conv(x, edge_index, W, b):
    n = x.shape[0]
    xw = x @ W
    loop = jnp.arange(n, dtype=edge_index.dtype)
    src = jnp.concatenate([edge_index[0], loop])
    dst = jnp.concatenate([edge_index[1], loop])
    deg = jnp.zeros((n,), xw.dtype).at[dst].add(1.0)
    dinv = jnp.where(deg > 0, jax.lax.rsqrt(jnp.maximum(deg, 1e-12)), 0.0)
    norm = dinv[src] * dinv[dst]
    msg = jnp.take(xw, src, axis=0) * norm[:, None]
    out = jnp.zeros((n, W.shape[1]), xw.dtype).at[dst].add(msg)
    return out + b


def batch_norm(x, gamma, beta, eps=1e-5):
    mean = jnp.mean(x, axis=0)
    var = jnp.var(x, axis=0)
    return (x - mean) * jax.lax.rsqrt(var + eps) * gamma + beta


def setup_inputs(seed: int = 0) -> dict:
    key = jax.random.key(seed)
    ks = jax.random.split(key, 10)
    x = jax.random.normal(ks[0], (N, F_IN), dtype=jnp.float32)
    edge_index = jax.random.randint(ks[1], (2, E), 0, N, dtype=jnp.int64)
    W1 = jax.random.normal(ks[2], (F_IN, H), dtype=jnp.float32) * (1.0 / np.sqrt(F_IN))
    b1 = jnp.zeros((H,), dtype=jnp.float32)
    g1 = jnp.ones((H,), dtype=jnp.float32)
    be1 = jnp.zeros((H,), dtype=jnp.float32)
    W2 = jax.random.normal(ks[3], (H, H), dtype=jnp.float32) * (1.0 / np.sqrt(H))
    b2 = jnp.zeros((H,), dtype=jnp.float32)
    g2 = jnp.ones((H,), dtype=jnp.float32)
    be2 = jnp.zeros((H,), dtype=jnp.float32)
    W3 = jax.random.normal(ks[4], (H, C), dtype=jnp.float32) * (1.0 / np.sqrt(H))
    b3 = jnp.zeros((C,), dtype=jnp.float32)
    return {"x": x, "edge_index": edge_index, "W1": W1, "b1": b1, "g1": g1, "be1": be1,
            "W2": W2, "b2": b2, "g2": g2, "be2": be2, "W3": W3, "b3": b3}


def reference(x, edge_index, W1, b1, g1, be1, W2, b2, g2, be2, W3, b3):
    h = gcn_conv(x, edge_index, W1, b1)
    h = batch_norm(h, g1, be1)
    h = jax.nn.relu(h)
    # dropout is identity in eval mode
    h = gcn_conv(h, edge_index, W2, b2)
    h = batch_norm(h, g2, be2)
    h = jax.nn.relu(h)
    h = gcn_conv(h, edge_index, W3, b3)
    return h

if __name__ == "__main__":
    import jax
    _d = setup_inputs()
    print(jax.jit(kernel)(*tuple(_d.values())))

</pallas_src>

<mosaic_0001>
#map = affine_map<(d0, d1) -> (0, 0)>
#map1 = affine_map<(d0, d1) -> (0, 0, 0)>
module attributes {stable_mosaic.version = 14 : i64} {
  func.func @rows_kernel(%arg0: i32, %arg1: i32, %arg2: memref<10240x128xf32, #tpu.memory_space<hbm>>, %arg3: memref<32x160x128xi32, #tpu.memory_space<hbm>>, %arg4: memref<128x128xf32, #tpu.memory_space<hbm>>, %arg5: memref<2x10240x128xf32, #tpu.memory_space<hbm>>, %arg6: memref<8x128xi32, #tpu.memory_space<vmem>>, %arg7: memref<8x128xi32, #tpu.memory_space<vmem>>, %arg8: memref<128x128xf32, #tpu.memory_space<vmem>>, %arg9: memref<128x128xf32, #tpu.memory_space<vmem>>, %arg10: memref<10240x128xf32, #tpu.memory_space<vmem_shared>>, %arg11: memref<!tpu.dma_semaphore, #tpu.memory_space<semaphore_mem>>, %arg12: memref<!tpu.dma_semaphore, #tpu.memory_space<semaphore_mem>>, %arg13: memref<!tpu.dma_semaphore, #tpu.memory_space<semaphore_mem>>, %arg14: memref<!tpu.dma_semaphore, #tpu.memory_space<semaphore_mem>>) attributes {dimension_semantics = [#tpu.dimension_semantics<core_parallel>, #tpu.dimension_semantics<subcore_parallel>], iteration_bounds = array<i64: 2, 16>, scalar_prefetch = 0 : i64, scratch_operands = 9 : i64, tpu.core_type = #tpu.core_type<sc_vector_subcore>, window_params = [{transform_indices = #map}, {transform_indices = #map1}, {transform_indices = #map}, {transform_indices = #map1}]} {
    %mul3A = arith.constant 2 : i32
    %mul3A_0 = arith.muli %arg1, %mul3A : i32
    %add3A = arith.addi %mul3A_0, %arg0 : i32
    "tpu.region"() ({
      %run_scoped3A = tpu.sem_alloc : memref<!tpu.dma_semaphore, #tpu.memory_space<semaphore_mem>>
      tpu.enqueue_dma source(%arg4 : memref<128x128xf32, #tpu.memory_space<hbm>>) target(%arg8 : memref<128x128xf32, #tpu.memory_space<vmem>>) target_semaphore(%run_scoped3A : memref<!tpu.dma_semaphore, #tpu.memory_space<semaphore_mem>>)
      tpu.wait_dma2 semaphore(%run_scoped3A : memref<!tpu.dma_semaphore, #tpu.memory_space<semaphore_mem>>) src(%arg4 : memref<128x128xf32, #tpu.memory_space<hbm>>) dst(%arg8 : memref<128x128xf32, #tpu.memory_space<vmem>>)
      tpu.yield
    }) : () -> ()
    %mul3A_1 = arith.constant 640 : i32
    %mul3A_2 = arith.muli %arg1, %mul3A_1 : i32
    %add3A_3 = arith.constant 0 : i32
    %add3A_4 = arith.addi %mul3A_2, %add3A_3 : i32
    "tpu.region"() ({
      %run_scoped3A = tpu.sem_alloc : memref<!tpu.dma_semaphore, #tpu.memory_space<semaphore_mem>>
      %dma_start3A_68 = arith.constant 0 : i32
      %dma_start3A_69 = tpu.memref_slice %arg10[%add3A_4, %dma_start3A_68] : memref<10240x128xf32, #tpu.memory_space<vmem_shared>> -> memref<128x128xf32, #tpu.memory_space<vmem_shared>>
      %dma_start3A_70 = arith.constant 0 : i32
      %dma_start3A_71 = tpu.memref_slice %arg10[%add3A_4, %dma_start3A_70] : memref<10240x128xf32, #tpu.memory_space<vmem_shared>> -> memref<128x128xf32, #tpu.memory_space<vmem_shared>>
      tpu.enqueue_dma source(%arg8 : memref<128x128xf32, #tpu.memory_space<vmem>>) target(%dma_start3A_71 : memref<128x128xf32, #tpu.memory_space<vmem_shared>>) target_semaphore(%run_scoped3A : memref<!tpu.dma_semaphore, #tpu.memory_space<semaphore_mem>>)
      %dma_wait3A = arith.constant 0 : i32
      %dma_wait3A_72 = tpu.memref_slice %arg10[%add3A_4, %dma_wait3A] : memref<10240x128xf32, #tpu.memory_space<vmem_shared>> -> memref<128x128xf32, #tpu.memory_space<vmem_shared>>
      %dma_wait3A_73 = arith.constant 0 : i32
      %dma_wait3A_74 = tpu.memref_slice %arg10[%add3A_4, %dma_wait3A_73] : memref<10240x128xf32, #tpu.memory_space<vmem_shared>> -> memref<128x128xf32, #tpu.memory_space<vmem_shared>>
      tpu.wait_dma2 semaphore(%run_scoped3A : memref<!tpu.dma_semaphore, #tpu.memory_space<semaphore_mem>>) src(%arg8 : memref<128x128xf32, #tpu.memory_space<vmem>>) dst(%dma_wait3A_74 : memref<128x128xf32, #tpu.memory_space<vmem_shared>>)
      tpu.yield
    }) : () -> ()
    %mul3A_5 = arith.constant 640 : i32
    %mul3A_6 = arith.muli %arg1, %mul3A_5 : i32
    %add3A_7 = arith.constant 128 : i32
    %add3A_8 = arith.addi %mul3A_6, %add3A_7 : i32
    "tpu.region"() ({
      %run_scoped3A = tpu.sem_alloc : memref<!tpu.dma_semaphore, #tpu.memory_space<semaphore_mem>>
      %dma_start3A_68 = arith.constant 0 : i32
      %dma_start3A_69 = tpu.memref_slice %arg10[%add3A_8, %dma_start3A_68] : memref<10240x128xf32, #tpu.memory_space<vmem_shared>> -> memref<128x128xf32, #tpu.memory_space<vmem_shared>>
      %dma_start3A_70 = arith.constant 0 : i32
      %dma_start3A_71 = tpu.memref_slice %arg10[%add3A_8, %dma_start3A_70] : memref<10240x128xf32, #tpu.memory_space<vmem_shared>> -> memref<128x128xf32, #tpu.memory_space<vmem_shared>>
      tpu.enqueue_dma source(%arg8 : memref<128x128xf32, #tpu.memory_space<vmem>>) target(%dma_start3A_71 : memref<128x128xf32, #tpu.memory_space<vmem_shared>>) target_semaphore(%run_scoped3A : memref<!tpu.dma_semaphore, #tpu.memory_space<semaphore_mem>>)
      %dma_wait3A = arith.constant 0 : i32
      %dma_wait3A_72 = tpu.memref_slice %arg10[%add3A_8, %dma_wait3A] : memref<10240x128xf32, #tpu.memory_space<vmem_shared>> -> memref<128x128xf32, #tpu.memory_space<vmem_shared>>
      %dma_wait3A_73 = arith.constant 0 : i32
      %dma_wait3A_74 = tpu.memref_slice %arg10[%add3A_8, %dma_wait3A_73] : memref<10240x128xf32, #tpu.memory_space<vmem_shared>> -> memref<128x128xf32, #tpu.memory_space<vmem_shared>>
      tpu.wait_dma2 semaphore(%run_scoped3A : memref<!tpu.dma_semaphore, #tpu.memory_space<semaphore_mem>>) src(%arg8 : memref<128x128xf32, #tpu.memory_space<vmem>>) dst(%dma_wait3A_74 : memref<128x128xf32, #tpu.memory_space<vmem_shared>>)
      tpu.yield
    }) : () -> ()
    %mul3A_9 = arith.constant 640 : i32
    %mul3A_10 = arith.muli %arg1, %mul3A_9 : i32
    %add3A_11 = arith.constant 256 : i32
    %add3A_12 = arith.addi %mul3A_10, %add3A_11 : i32
    "tpu.region"() ({
      %run_scoped3A = tpu.sem_alloc : memref<!tpu.dma_semaphore, #tpu.memory_space<semaphore_mem>>
      %dma_start3A_68 = arith.constant 0 : i32
      %dma_start3A_69 = tpu.memref_slice %arg10[%add3A_12, %dma_start3A_68] : memref<10240x128xf32, #tpu.memory_space<vmem_shared>> -> memref<128x128xf32, #tpu.memory_space<vmem_shared>>
      %dma_start3A_70 = arith.constant 0 : i32
      %dma_start3A_71 = tpu.memref_slice %arg10[%add3A_12, %dma_start3A_70] : memref<10240x128xf32, #tpu.memory_space<vmem_shared>> -> memref<128x128xf32, #tpu.memory_space<vmem_shared>>
      tpu.enqueue_dma source(%arg8 : memref<128x128xf32, #tpu.memory_space<vmem>>) target(%dma_start3A_71 : memref<128x128xf32, #tpu.memory_space<vmem_shared>>) target_semaphore(%run_scoped3A : memref<!tpu.dma_semaphore, #tpu.memory_space<semaphore_mem>>)
      %dma_wait3A = arith.constant 0 : i32
      %dma_wait3A_72 = tpu.memref_slice %arg10[%add3A_12, %dma_wait3A] : memref<10240x128xf32, #tpu.memory_space<vmem_shared>> -> memref<128x128xf32, #tpu.memory_space<vmem_shared>>
      %dma_wait3A_73 = arith.constant 0 : i32
      %dma_wait3A_74 = tpu.memref_slice %arg10[%add3A_12, %dma_wait3A_73] : memref<10240x128xf32, #tpu.memory_space<vmem_shared>> -> memref<128x128xf32, #tpu.memory_space<vmem_shared>>
      tpu.wait_dma2 semaphore(%run_scoped3A : memref<!tpu.dma_semaphore, #tpu.memory_space<semaphore_mem>>) src(%arg8 : memref<128x128xf32, #tpu.memory_space<vmem>>) dst(%dma_wait3A_74 : memref<128x128xf32, #tpu.memory_space<vmem_shared>>)
      tpu.yield
    }) : () -> ()
    %mul3A_13 = arith.constant 640 : i32
    %mul3A_14 = arith.muli %arg1, %mul3A_13 : i32
    %add3A_15 = arith.constant 384 : i32
    %add3A_16 = arith.addi %mul3A_14, %add3A_15 : i32
    "tpu.region"() ({
      %run_scoped3A = tpu.sem_alloc : memref<!tpu.dma_semaphore, #tpu.memory_space<semaphore_mem>>
      %dma_start3A_68 = arith.constant 0 : i32
      %dma_start3A_69 = tpu.memref_slice %arg10[%add3A_16, %dma_start3A_68] : memref<10240x128xf32, #tpu.memory_space<vmem_shared>> -> memref<128x128xf32, #tpu.memory_space<vmem_shared>>
      %dma_start3A_70 = arith.constant 0 : i32
      %dma_start3A_71 = tpu.memref_slice %arg10[%add3A_16, %dma_start3A_70] : memref<10240x128xf32, #tpu.memory_space<vmem_shared>> -> memref<128x128xf32, #tpu.memory_space<vmem_shared>>
      tpu.enqueue_dma source(%arg8 : memref<128x128xf32, #tpu.memory_space<vmem>>) target(%dma_start3A_71 : memref<128x128xf32, #tpu.memory_space<vmem_shared>>) target_semaphore(%run_scoped3A : memref<!tpu.dma_semaphore, #tpu.memory_space<semaphore_mem>>)
      %dma_wait3A = arith.constant 0 : i32
      %dma_wait3A_72 = tpu.memref_slice %arg10[%add3A_16, %dma_wait3A] : memref<10240x128xf32, #tpu.memory_space<vmem_shared>> -> memref<128x128xf32, #tpu.memory_space<vmem_shared>>
      %dma_wait3A_73 = arith.constant 0 : i32
      %dma_wait3A_74 = tpu.memref_slice %arg10[%add3A_16, %dma_wait3A_73] : memref<10240x128xf32, #tpu.memory_space<vmem_shared>> -> memref<128x128xf32, #tpu.memory_space<vmem_shared>>
      tpu.wait_dma2 semaphore(%run_scoped3A : memref<!tpu.dma_semaphore, #tpu.memory_space<semaphore_mem>>) src(%arg8 : memref<128x128xf32, #tpu.memory_space<vmem>>) dst(%dma_wait3A_74 : memref<128x128xf32, #tpu.memory_space<vmem_shared>>)
      tpu.yield
    }) : () -> ()
    %mul3A_17 = arith.constant 640 : i32
    %mul3A_18 = arith.muli %arg1, %mul3A_17 : i32
    %add3A_19 = arith.constant 512 : i32
    %add3A_20 = arith.addi %mul3A_18, %add3A_19 : i32
    "tpu.region"() ({
      %run_scoped3A = tpu.sem_alloc : memref<!tpu.dma_semaphore, #tpu.memory_space<semaphore_mem>>
      %dma_start3A_68 = arith.constant 0 : i32
      %dma_start3A_69 = tpu.memref_slice %arg10[%add3A_20, %dma_start3A_68] : memref<10240x128xf32, #tpu.memory_space<vmem_shared>> -> memref<128x128xf32, #tpu.memory_space<vmem_shared>>
      %dma_start3A_70 = arith.constant 0 : i32
      %dma_start3A_71 = tpu.memref_slice %arg10[%add3A_20, %dma_start3A_70] : memref<10240x128xf32, #tpu.memory_space<vmem_shared>> -> memref<128x128xf32, #tpu.memory_space<vmem_shared>>
      tpu.enqueue_dma source(%arg8 : memref<128x128xf32, #tpu.memory_space<vmem>>) target(%dma_start3A_71 : memref<128x128xf32, #tpu.memory_space<vmem_shared>>) target_semaphore(%run_scoped3A : memref<!tpu.dma_semaphore, #tpu.memory_space<semaphore_mem>>)
      %dma_wait3A = arith.constant 0 : i32
      %dma_wait3A_72 = tpu.memref_slice %arg10[%add3A_20, %dma_wait3A] : memref<10240x128xf32, #tpu.memory_space<vmem_shared>> -> memref<128x128xf32, #tpu.memory_space<vmem_shared>>
      %dma_wait3A_73 = arith.constant 0 : i32
      %dma_wait3A_74 = tpu.memref_slice %arg10[%add3A_20, %dma_wait3A_73] : memref<10240x128xf32, #tpu.memory_space<vmem_shared>> -> memref<128x128xf32, #tpu.memory_space<vmem_shared>>
      tpu.wait_dma2 semaphore(%run_scoped3A : memref<!tpu.dma_semaphore, #tpu.memory_space<semaphore_mem>>) src(%arg8 : memref<128x128xf32, #tpu.memory_space<vmem>>) dst(%dma_wait3A_74 : memref<128x128xf32, #tpu.memory_space<vmem_shared>>)
      tpu.yield
    }) : () -> ()
    %barrier3A = arith.constant 0 : index
    tpu.barrier barrier_id(%barrier3A)
    "tpu.region"() ({
      %run_scoped3A = tpu.sem_alloc : memref<!tpu.dma_semaphore, #tpu.memory_space<semaphore_mem>>
      %dma_start3A_68 = arith.constant 0 : i32
      %dma_start3A_69 = arith.constant 0 : i32
      %dma_start3A_70 = tpu.memref_slice %arg3[%add3A, %dma_start3A_68, %dma_start3A_69] : memref<32x160x128xi32, #tpu.memory_space<hbm>> -> memref<1x8x128xi32, #tpu.memory_space<hbm>>
      %dma_start3A_71 = tpu.memref_squeeze %dma_start3A_70 : memref<1x8x128xi32, #tpu.memory_space<hbm>> -> memref<8x128xi32, #tpu.memory_space<hbm>>
      %dma_start3A_72 = arith.constant 0 : i32
      %dma_start3A_73 = arith.constant 0 : i32
      %dma_start3A_74 = tpu.memref_slice %arg3[%add3A, %dma_start3A_72, %dma_start3A_73] : memref<32x160x128xi32, #tpu.memory_space<hbm>> -> memref<1x8x128xi32, #tpu.memory_space<hbm>>
      %dma_start3A_75 = tpu.memref_squeeze %dma_start3A_74 : memref<1x8x128xi32, #tpu.memory_space<hbm>> -> memref<8x128xi32, #tpu.memory_space<hbm>>
      tpu.enqueue_dma source(%dma_start3A_75 : memref<8x128xi32, #tpu.memory_space<hbm>>) target(%arg6 : memref<8x128xi32, #tpu.memory_space<vmem>>) target_semaphore(%run_scoped3A : memref<!tpu.dma_semaphore, #tpu.memory_space<semaphore_mem>>)
      %dma_wait3A = arith.constant 0 : i32
      %dma_wait3A_76 = arith.constant 0 : i32
      %dma_wait3A_77 = tpu.memref_slice %arg3[%add3A, %dma_wait3A, %dma_wait3A_76] : memref<32x160x128xi32, #tpu.memory_space<hbm>> -> memref<1x8x128xi32, #tpu.memory_space<hbm>>
      %dma_wait3A_78 = tpu.memref_squeeze %dma_wait3A_77 : memref<1x8x128xi32, #tpu.memory_space<hbm>> -> memref<8x128xi32, #tpu.memory_space<hbm>>
      %dma_wait3A_79 = arith.constant 0 : i32
      %dma_wait3A_80 = arith.constant 0 : i32
      %dma_wait3A_81 = tpu.memref_slice %arg3[%add3A, %dma_wait3A_79, %dma_wait3A_80] : memref<32x160x128xi32, #tpu.memory_space<hbm>> -> memref<1x8x128xi32, #tpu.memory_space<hbm>>
      %dma_wait3A_82 = tpu.memref_squeeze %dma_wait3A_81 : memref<1x8x128xi32, #tpu.memory_space<hbm>> -> memref<8x128xi32, #tpu.memory_space<hbm>>
      tpu.wait_dma2 semaphore(%run_scoped3A : memref<!tpu.dma_semaphore, #tpu.memory_space<semaphore_mem>>) src(%dma_wait3A_82 : memref<8x128xi32, #tpu.memory_space<hbm>>) dst(%arg6 : memref<8x128xi32, #tpu.memory_space<vmem>>)
      tpu.yield
    }) : () -> ()
    %dma_start3A = arith.constant 8 : i32
    %dma_start3A_21 = arith.constant 0 : i32
    %dma_start3A_22 = tpu.memref_slice %arg3[%add3A, %dma_start3A, %dma_start3A_21] : memref<32x160x128xi32, #tpu.memory_space<hbm>> -> memref<1x8x128xi32, #tpu.memory_space<hbm>>
    %dma_start3A_23 = tpu.memref_squeeze %dma_start3A_22 : memref<1x8x128xi32, #tpu.memory_space<hbm>> -> memref<8x128xi32, #tpu.memory_space<hbm>>
    %dma_start3A_24 = arith.constant 8 : i32
    %dma_start3A_25 = arith.constant 0 : i32
    %dma_start3A_26 = tpu.memref_slice %arg3[%add3A, %dma_start3A_24, %dma_start3A_25] : memref<32x160x128xi32, #tpu.memory_space<hbm>> -> memref<1x8x128xi32, #tpu.memory_space<hbm>>
    %dma_start3A_27 = tpu.memref_squeeze %dma_start3A_26 : memref<1x8x128xi32, #tpu.memory_space<hbm>> -> memref<8x128xi32, #tpu.memory_space<hbm>>
    tpu.enqueue_dma source(%dma_start3A_27 : memref<8x128xi32, #tpu.memory_space<hbm>>) target(%arg7 : memref<8x128xi32, #tpu.memory_space<vmem>>) target_semaphore(%arg12 : memref<!tpu.dma_semaphore, #tpu.memory_space<semaphore_mem>>)
    %dma_start3A_28 = arith.constant 0 : i32
    %dma_start3A_29 = arith.constant 0 : i32
    %dma_start3A_30 = tpu.memref_slice %arg6[%dma_start3A_28, %dma_start3A_29] : memref<8x128xi32, #tpu.memory_space<vmem>> -> memref<1x128xi32, #tpu.memory_space<vmem>>
    %dma_start3A_31 = tpu.memref_squeeze %dma_start3A_30 : memref<1x128xi32, #tpu.memory_space<vmem>> -> memref<128xi32, #tpu.memory_space<vmem>>
    %dma_start3A_32 = arith.constant 0 : i32
    %dma_start3A_33 = arith.constant 0 : i32
    %dma_start3A_34 = tpu.memref_slice %arg2[%dma_start3A_32, %dma_start3A_33] : memref<10240x128xf32, #tpu.memory_space<hbm>> -> memref<10240x128xf32, #tpu.memory_space<hbm>>
    tpu.enqueue_indirect_dma source(%dma_start3A_34 : memref<10240x128xf32, #tpu.memory_space<hbm>>) target(%arg8 : memref<128x128xf32, #tpu.memory_space<vmem>>) offsets(%dma_start3A_31 : memref<128xi32, #tpu.memory_space<vmem>>) semaphore(%arg13 : memref<!tpu.dma_semaphore, #tpu.memory_space<semaphore_mem>>)
    %dma_start3A_35 = arith.constant 2 : i32
    %dma_start3A_36 = arith.constant 0 : i32
    %dma_start3A_37 = tpu.memref_slice %arg6[%dma_start3A_35, %dma_start3A_36] : memref<8x128xi32, #tpu.memory_space<vmem>> -> memref<1x128xi32, #tpu.memory_space<vmem>>
    %dma_start3A_38 = tpu.memref_squeeze %dma_start3A_37 : memref<1x128xi32, #tpu.memory_space<vmem>> -> memref<128xi32, #tpu.memory_space<vmem>>
    %dma_start3A_39 = arith.constant 0 : i32
    %dma_start3A_40 = arith.constant 0 : i32
    %dma_start3A_41 = tpu.memref_slice %arg2[%dma_start3A_39, %dma_start3A_40] : memref<10240x128xf32, #tpu.memory_space<hbm>> -> memref<10240x128xf32, #tpu.memory_space<hbm>>
    tpu.enqueue_indirect_dma source(%dma_start3A_41 : memref<10240x128xf32, #tpu.memory_space<hbm>>) target(%arg9 : memref<128x128xf32, #tpu.memory_space<vmem>>) offsets(%dma_start3A_38 : memref<128xi32, #tpu.memory_space<vmem>>) semaphore(%arg14 : memref<!tpu.dma_semaphore, #tpu.memory_space<semaphore_mem>>)
    %scan3A = arith.constant 0 : i32
    %scan3A_42 = arith.constant 0 : i32
    %scan3A_43 = arith.constant 10 : i32
    %scan3A_44 = arith.addi %scan3A_42, %scan3A_43 : i32
    %scan3A_45 = arith.constant 1 : i32
    scf.for %scan3A_68 = %scan3A_42 to %scan3A_44 step %scan3A_45  : i32 {
      %mul3A_69 = arith.constant 2 : i32
      %mul3A_70 = arith.muli %mul3A_69, %scan3A_68 : i32
      %add3A_71 = arith.constant 0 : i32
      %add3A_72 = arith.addi %mul3A_70, %add3A_71 : i32
      %mul3A_73 = arith.constant 4 : i32
      %mul3A_74 = arith.muli %mul3A_73, %add3A_72 : i32
      %add3A_75 = arith.constant 0 : i32
      %add3A_76 = arith.addi %mul3A_74, %add3A_75 : i32
      %dma_wait3A = arith.constant 0 : i32
      %dma_wait3A_77 = arith.constant 0 : i32
      %dma_wait3A_78 = tpu.memref_slice %arg6[%dma_wait3A, %dma_wait3A_77] : memref<8x128xi32, #tpu.memory_space<vmem>> -> memref<1x128xi32, #tpu.memory_space<vmem>>
      %dma_wait3A_79 = tpu.memref_squeeze %dma_wait3A_78 : memref<1x128xi32, #tpu.memory_space<vmem>> -> memref<128xi32, #tpu.memory_space<vmem>>
      %dma_wait3A_80 = arith.constant 0 : i32
      %dma_wait3A_81 = arith.constant 0 : i32
      %dma_wait3A_82 = tpu.memref_slice %arg2[%dma_wait3A_80, %dma_wait3A_81] : memref<10240x128xf32, #tpu.memory_space<hbm>> -> memref<10240x128xf32, #tpu.memory_space<hbm>>
      tpu.wait_indirect_dma semaphore(%arg13 : memref<!tpu.dma_semaphore, #tpu.memory_space<semaphore_mem>>) src(%dma_wait3A_82 : memref<10240x128xf32, #tpu.memory_space<hbm>>) dst(%arg8 : memref<128x128xf32, #tpu.memory_space<vmem>>)
      %run_scoped3A = arith.constant 1 : i32
      "tpu.region"() ({
        %run_scoped3A_238 = tpu.sem_alloc : memref<!tpu.dma_semaphore, #tpu.memory_space<semaphore_mem>>
        %dma_start3A_239 = arith.constant 0 : i32
        %dma_start3A_240 = tpu.memref_slice %arg6[%run_scoped3A, %dma_start3A_239] : memref<8x128xi32, #tpu.memory_space<vmem>> -> memref<1x128xi32, #tpu.memory_space<vmem>>
        %dma_start3A_241 = tpu.memref_squeeze %dma_start3A_240 : memref<1x128xi32, #tpu.memory_space<vmem>> -> memref<128xi32, #tpu.memory_space<vmem>>
        %dma_start3A_242 = arith.constant 0 : i32
        %dma_start3A_243 = arith.constant 0 : i32
        %dma_start3A_244 = tpu.memref_slice %arg10[%dma_start3A_242, %dma_start3A_243] : memref<10240x128xf32, #tpu.memory_space<vmem_shared>> -> memref<10240x128xf32, #tpu.memory_space<vmem_shared>>
        tpu.enqueue_indirect_dma source(%arg8 : memref<128x128xf32, #tpu.memory_space<vmem>>) target(%dma_start3A_244 : memref<10240x128xf32, #tpu.memory_space<vmem_shared>>) offsets(%dma_start3A_241 : memref<128xi32, #tpu.memory_space<vmem>>) semaphore(%run_scoped3A_238 : memref<!tpu.dma_semaphore, #tpu.memory_space<semaphore_mem>>) {add = true}
        %dma_wait3A_245 = arith.constant 0 : i32
        %dma_wait3A_246 = tpu.memref_slice %arg6[%run_scoped3A, %dma_wait3A_245] : memref<8x128xi32, #tpu.memory_space<vmem>> -> memref<1x128xi32, #tpu.memory_space<vmem>>
        %dma_wait3A_247 = tpu.memref_squeeze %dma_wait3A_246 : memref<1x128xi32, #tpu.memory_space<vmem>> -> memref<128xi32, #tpu.memory_space<vmem>>
        %dma_wait3A_248 = arith.constant 0 : i32
        %dma_wait3A_249 = arith.constant 0 : i32
        %dma_wait3A_250 = tpu.memref_slice %arg10[%dma_wait3A_248, %dma_wait3A_249] : memref<10240x128xf32, #tpu.memory_space<vmem_shared>> -> memref<10240x128xf32, #tpu.memory_space<vmem_shared>>
        tpu.wait_indirect_dma semaphore(%run_scoped3A_238 : memref<!tpu.dma_semaphore, #tpu.memory_space<semaphore_mem>>) src(%arg8 : memref<128x128xf32, #tpu.memory_space<vmem>>) dst(%dma_wait3A_250 : memref<10240x128xf32, #tpu.memory_space<vmem_shared>>)
        tpu.yield
      }) : () -> ()
      %add3A_83 = arith.constant 2 : i32
      %add3A_84 = arith.addi %add3A_76, %add3A_83 : i32
      %lt3A = arith.constant 80 : i32
      %lt3A_85 = arith.cmpi slt, %add3A_84, %lt3A : i32
      %convert_element_type3A = arith.extui %lt3A_85 : i1 to i32
      %cond3A = arith.constant 0 : i32
      %cond3A_86 = arith.cmpi ne, %convert_element_type3A, %cond3A : i32
      scf.if %cond3A_86 {
        %dma_start3A_238 = arith.constant 4 : i32
        %dma_start3A_239 = arith.constant 0 : i32
        %dma_start3A_240 = tpu.memref_slice %arg6[%dma_start3A_238, %dma_start3A_239] : memref<8x128xi32, #tpu.memory_space<vmem>> -> memref<1x128xi32, #tpu.memory_space<vmem>>
        %dma_start3A_241 = tpu.memref_squeeze %dma_start3A_240 : memref<1x128xi32, #tpu.memory_space<vmem>> -> memref<128xi32, #tpu.memory_space<vmem>>
        %dma_start3A_242 = arith.constant 0 : i32
        %dma_start3A_243 = arith.constant 0 : i32
        %dma_start3A_244 = tpu.memref_slice %arg2[%dma_start3A_242, %dma_start3A_243] : memref<10240x128xf32, #tpu.memory_space<hbm>> -> memref<10240x128xf32, #tpu.memory_space<hbm>>
        tpu.enqueue_indirect_dma source(%dma_start3A_244 : memref<10240x128xf32, #tpu.memory_space<hbm>>) target(%arg8 : memref<128x128xf32, #tpu.memory_space<vmem>>) offsets(%dma_start3A_241 : memref<128xi32, #tpu.memory_space<vmem>>) semaphore(%arg13 : memref<!tpu.dma_semaphore, #tpu.memory_space<semaphore_mem>>)
      } else {
      }
      %mul3A_87 = arith.constant 4 : i32
      %mul3A_88 = arith.muli %mul3A_87, %add3A_72 : i32
      %add3A_89 = arith.constant 1 : i32
      %add3A_90 = arith.addi %mul3A_88, %add3A_89 : i32
      %dma_wait3A_91 = arith.constant 2 : i32
      %dma_wait3A_92 = arith.constant 0 : i32
      %dma_wait3A_93 = tpu.memref_slice %arg6[%dma_wait3A_91, %dma_wait3A_92] : memref<8x128xi32, #tpu.memory_space<vmem>> -> memref<1x128xi32, #tpu.memory_space<vmem>>
      %dma_wait3A_94 = tpu.memref_squeeze %dma_wait3A_93 : memref<1x128xi32, #tpu.memory_space<vmem>> -> memref<128xi32, #tpu.memory_space<vmem>>
      %dma_wait3A_95 = arith.constant 0 : i32
      %dma_wait3A_96 = arith.constant 0 : i32
      %dma_wait3A_97 = tpu.memref_slice %arg2[%dma_wait3A_95, %dma_wait3A_96] : memref<10240x128xf32, #tpu.memory_space<hbm>> -> memref<10240x128xf32, #tpu.memory_space<hbm>>
      tpu.wait_indirect_dma semaphore(%arg14 : memref<!tpu.dma_semaphore, #tpu.memory_space<semaphore_mem>>) src(%dma_wait3A_97 : memref<10240x128xf32, #tpu.memory_space<hbm>>) dst(%arg9 : memref<128x128xf32, #tpu.memory_space<vmem>>)
      %run_scoped3A_98 = arith.constant 3 : i32
      "tpu.region"() ({
        %run_scoped3A_238 = tpu.sem_alloc : memref<!tpu.dma_semaphore, #tpu.memory_space<semaphore_mem>>
        %dma_start3A_239 = arith.constant 0 : i32
        %dma_start3A_240 = tpu.memref_slice %arg6[%run_scoped3A_98, %dma_start3A_239] : memref<8x128xi32, #tpu.memory_space<vmem>> -> memref<1x128xi32, #tpu.memory_space<vmem>>
        %dma_start3A_241 = tpu.memref_squeeze %dma_start3A_240 : memref<1x128xi32, #tpu.memory_space<vmem>> -> memref<128xi32, #tpu.memory_space<vmem>>
        %dma_start3A_242 = arith.constant 0 : i32
        %dma_start3A_243 = arith.constant 0 : i32
        %dma_start3A_244 = tpu.memref_slice %arg10[%dma_start3A_242, %dma_start3A_243] : memref<10240x128xf32, #tpu.memory_space<vmem_shared>> -> memref<10240x128xf32, #tpu.memory_space<vmem_shared>>
        tpu.enqueue_indirect_dma source(%arg9 : memref<128x128xf32, #tpu.memory_space<vmem>>) target(%dma_start3A_244 : memref<10240x128xf32, #tpu.memory_space<vmem_shared>>) offsets(%dma_start3A_241 : memref<128xi32, #tpu.memory_space<vmem>>) semaphore(%run_scoped3A_238 : memref<!tpu.dma_semaphore, #tpu.memory_space<semaphore_mem>>) {add = true}
        %dma_wait3A_245 = arith.constant 0 : i32
        %dma_wait3A_246 = tpu.memref_slice %arg6[%run_scoped3A_98, %dma_wait3A_245] : memref<8x128xi32, #tpu.memory_space<vmem>> -> memref<1x128xi32, #tpu.memory_space<vmem>>
        %dma_wait3A_247 = tpu.memref_squeeze %dma_wait3A_246 : memref<1x128xi32, #tpu.memory_space<vmem>> -> memref<128xi32, #tpu.memory_space<vmem>>
        %dma_wait3A_248 = arith.constant 0 : i32
        %dma_wait3A_249 = arith.constant 0 : i32
        %dma_wait3A_250 = tpu.memref_slice %arg10[%dma_wait3A_248, %dma_wait3A_249] : memref<10240x128xf32, #tpu.memory_space<vmem_shared>> -> memref<10240x128xf32, #tpu.memory_space<vmem_shared>>
        tpu.wait_indirect_dma semaphore(%run_scoped3A_238 : memref<!tpu.dma_semaphore, #tpu.memory_space<semaphore_mem>>) src(%arg9 : memref<128x128xf32, #tpu.memory_space<vmem>>) dst(%dma_wait3A_250 : memref<10240x128xf32, #tpu.memory_space<vmem_shared>>)
        tpu.yield
      }) : () -> ()
      %add3A_99 = arith.constant 2 : i32
      %add3A_100 = arith.addi %add3A_90, %add3A_99 : i32
      %lt3A_101 = arith.constant 80 : i32
      %lt3A_102 = arith.cmpi slt, %add3A_100, %lt3A_101 : i32
      %convert_element_type3A_103 = arith.extui %lt3A_102 : i1 to i32
      %cond3A_104 = arith.constant 0 : i32
      %cond3A_105 = arith.cmpi ne, %convert_element_type3A_103, %cond3A_104 : i32
      scf.if %cond3A_105 {
        %dma_start3A_238 = arith.constant 6 : i32
        %dma_start3A_239 = arith.constant 0 : i32
        %dma_start3A_240 = tpu.memref_slice %arg6[%dma_start3A_238, %dma_start3A_239] : memref<8x128xi32, #tpu.memory_space<vmem>> -> memref<1x128xi32, #tpu.memory_space<vmem>>
        %dma_start3A_241 = tpu.memref_squeeze %dma_start3A_240 : memref<1x128xi32, #tpu.memory_space<vmem>> -> memref<128xi32, #tpu.memory_space<vmem>>
        %dma_start3A_242 = arith.constant 0 : i32
        %dma_start3A_243 = arith.constant 0 : i32
        %dma_start3A_244 = tpu.memref_slice %arg2[%dma_start3A_242, %dma_start3A_243] : memref<10240x128xf32, #tpu.memory_space<hbm>> -> memref<10240x128xf32, #tpu.memory_space<hbm>>
        tpu.enqueue_indirect_dma source(%dma_start3A_244 : memref<10240x128xf32, #tpu.memory_space<hbm>>) target(%arg9 : memref<128x128xf32, #tpu.memory_space<vmem>>) offsets(%dma_start3A_241 : memref<128xi32, #tpu.memory_space<vmem>>) semaphore(%arg14 : memref<!tpu.dma_semaphore, #tpu.memory_space<semaphore_mem>>)
      } else {
      }
      %mul3A_106 = arith.constant 4 : i32
      %mul3A_107 = arith.muli %mul3A_106, %add3A_72 : i32
      %add3A_108 = arith.constant 2 : i32
      %add3A_109 = arith.addi %mul3A_107, %add3A_108 : i32
      %dma_wait3A_110 = arith.constant 4 : i32
      %dma_wait3A_111 = arith.constant 0 : i32
      %dma_wait3A_112 = tpu.memref_slice %arg6[%dma_wait3A_110, %dma_wait3A_111] : memref<8x128xi32, #tpu.memory_space<vmem>> -> memref<1x128xi32, #tpu.memory_space<vmem>>
      %dma_wait3A_113 = tpu.memref_squeeze %dma_wait3A_112 : memref<1x128xi32, #tpu.memory_space<vmem>> -> memref<128xi32, #tpu.memory_space<vmem>>
      %dma_wait3A_114 = arith.constant 0 : i32
      %dma_wait3A_115 = arith.constant 0 : i32
      %dma_wait3A_116 = tpu.memref_slice %arg2[%dma_wait3A_114, %dma_wait3A_115] : memref<10240x128xf32, #tpu.memory_space<hbm>> -> memref<10240x128xf32, #tpu.memory_space<hbm>>
      tpu.wait_indirect_dma semaphore(%arg13 : memref<!tpu.dma_semaphore, #tpu.memory_space<semaphore_mem>>) src(%dma_wait3A_116 : memref<10240x128xf32, #tpu.memory_space<hbm>>) dst(%arg8 : memref<128x128xf32, #tpu.memory_space<vmem>>)
      %run_scoped3A_117 = arith.constant 5 : i32
      "tpu.region"() ({
        %run_scoped3A_238 = tpu.sem_alloc : memref<!tpu.dma_semaphore, #tpu.memory_space<semaphore_mem>>
        %dma_start3A_239 = arith.constant 0 : i32
        %dma_start3A_240 = tpu.memref_slice %arg6[%run_scoped3A_117, %dma_start3A_239] : memref<8x128xi32, #tpu.memory_space<vmem>> -> memref<1x128xi32, #tpu.memory_space<vmem>>
        %dma_start3A_241 = tpu.memref_squeeze %dma_start3A_240 : memref<1x128xi32, #tpu.memory_space<vmem>> -> memref<128xi32, #tpu.memory_space<vmem>>
        %dma_start3A_242 = arith.constant 0 : i32
        %dma_start3A_243 = arith.constant 0 : i32
        %dma_start3A_244 = tpu.memref_slice %arg10[%dma_start3A_242, %dma_start3A_243] : memref<10240x128xf32, #tpu.memory_space<vmem_shared>> -> memref<10240x128xf32, #tpu.memory_space<vmem_shared>>
        tpu.enqueue_indirect_dma source(%arg8 : memref<128x128xf32, #tpu.memory_space<vmem>>) target(%dma_start3A_244 : memref<10240x128xf32, #tpu.memory_space<vmem_shared>>) offsets(%dma_start3A_241 : memref<128xi32, #tpu.memory_space<vmem>>) semaphore(%run_scoped3A_238 : memref<!tpu.dma_semaphore, #tpu.memory_space<semaphore_mem>>) {add = true}
        %dma_wait3A_245 = arith.constant 0 : i32
        %dma_wait3A_246 = tpu.memref_slice %arg6[%run_scoped3A_117, %dma_wait3A_245] : memref<8x128xi32, #tpu.memory_space<vmem>> -> memref<1x128xi32, #tpu.memory_space<vmem>>
        %dma_wait3A_247 = tpu.memref_squeeze %dma_wait3A_246 : memref<1x128xi32, #tpu.memory_space<vmem>> -> memref<128xi32, #tpu.memory_space<vmem>>
        %dma_wait3A_248 = arith.constant 0 : i32
        %dma_wait3A_249 = arith.constant 0 : i32
        %dma_wait3A_250 = tpu.memref_slice %arg10[%dma_wait3A_248, %dma_wait3A_249] : memref<10240x128xf32, #tpu.memory_space<vmem_shared>> -> memref<10240x128xf32, #tpu.memory_space<vmem_shared>>
        tpu.wait_indirect_dma semaphore(%run_scoped3A_238 : memref<!tpu.dma_semaphore, #tpu.memory_space<semaphore_mem>>) src(%arg8 : memref<128x128xf32, #tpu.memory_space<vmem>>) dst(%dma_wait3A_250 : memref<10240x128xf32, #tpu.memory_space<vmem_shared>>)
        tpu.yield
      }) : () -> ()
      %add3A_118 = arith.constant 2 : i32
      %add3A_119 = arith.addi %add3A_109, %add3A_118 : i32
      %lt3A_120 = arith.constant 80 : i32
      %lt3A_121 = arith.cmpi slt, %add3A_119, %lt3A_120 : i32
      %convert_element_type3A_122 = arith.extui %lt3A_121 : i1 to i32
      %cond3A_123 = arith.constant 0 : i32
      %cond3A_124 = arith.cmpi ne, %convert_element_type3A_122, %cond3A_123 : i32
      scf.if %cond3A_124 {
        %add3A_238 = arith.constant 1 : i32
        %add3A_239 = arith.addi %add3A_72, %add3A_238 : i32
        %mul3A_240 = arith.constant 8 : i32
        %mul3A_241 = arith.muli %mul3A_240, %add3A_239 : i32
        %dma_wait3A_242 = arith.constant 0 : i32
        %dma_wait3A_243 = tpu.memref_slice %arg3[%add3A, %mul3A_241, %dma_wait3A_242] : memref<32x160x128xi32, #tpu.memory_space<hbm>> -> memref<1x8x128xi32, #tpu.memory_space<hbm>>
        %dma_wait3A_244 = tpu.memref_squeeze %dma_wait3A_243 : memref<1x8x128xi32, #tpu.memory_space<hbm>> -> memref<8x128xi32, #tpu.memory_space<hbm>>
        %dma_wait3A_245 = arith.constant 0 : i32
        %dma_wait3A_246 = tpu.memref_slice %arg3[%add3A, %mul3A_241, %dma_wait3A_245] : memref<32x160x128xi32, #tpu.memory_space<hbm>> -> memref<1x8x128xi32, #tpu.memory_space<hbm>>
        %dma_wait3A_247 = tpu.memref_squeeze %dma_wait3A_246 : memref<1x8x128xi32, #tpu.memory_space<hbm>> -> memref<8x128xi32, #tpu.memory_space<hbm>>
        tpu.wait_dma2 semaphore(%arg12 : memref<!tpu.dma_semaphore, #tpu.memory_space<semaphore_mem>>) src(%dma_wait3A_247 : memref<8x128xi32, #tpu.memory_space<hbm>>) dst(%arg7 : memref<8x128xi32, #tpu.memory_space<vmem>>)
        %dma_start3A_248 = arith.constant 0 : i32
        %dma_start3A_249 = arith.constant 0 : i32
        %dma_start3A_250 = tpu.memref_slice %arg7[%dma_start3A_248, %dma_start3A_249] : memref<8x128xi32, #tpu.memory_space<vmem>> -> memref<1x128xi32, #tpu.memory_space<vmem>>
        %dma_start3A_251 = tpu.memref_squeeze %dma_start3A_250 : memref<1x128xi32, #tpu.memory_space<vmem>> -> memref<128xi32, #tpu.memory_space<vmem>>
        %dma_start3A_252 = arith.constant 0 : i32
        %dma_start3A_253 = arith.constant 0 : i32
        %dma_start3A_254 = tpu.memref_slice %arg2[%dma_start3A_252, %dma_start3A_253] : memref<10240x128xf32, #tpu.memory_space<hbm>> -> memref<10240x128xf32, #tpu.memory_space<hbm>>
        tpu.enqueue_indirect_dma source(%dma_start3A_254 : memref<10240x128xf32, #tpu.memory_space<hbm>>) target(%arg8 : memref<128x128xf32, #tpu.memory_space<vmem>>) offsets(%dma_start3A_251 : memref<128xi32, #tpu.memory_space<vmem>>) semaphore(%arg13 : memref<!tpu.dma_semaphore, #tpu.memory_space<semaphore_mem>>)
      } else {
      }
      %mul3A_125 = arith.constant 4 : i32
      %mul3A_126 = arith.muli %mul3A_125, %add3A_72 : i32
      %add3A_127 = arith.constant 3 : i32
      %add3A_128 = arith.addi %mul3A_126, %add3A_127 : i32
      %dma_wait3A_129 = arith.constant 6 : i32
      %dma_wait3A_130 = arith.constant 0 : i32
      %dma_wait3A_131 = tpu.memref_slice %arg6[%dma_wait3A_129, %dma_wait3A_130] : memref<8x128xi32, #tpu.memory_space<vmem>> -> memref<1x128xi32, #tpu.memory_space<vmem>>
      %dma_wait3A_132 = tpu.memref_squeeze %dma_wait3A_131 : memref<1x128xi32, #tpu.memory_space<vmem>> -> memref<128xi32, #tpu.memory_space<vmem>>
      %dma_wait3A_133 = arith.constant 0 : i32
      %dma_wait3A_134 = arith.constant 0 : i32
      %dma_wait3A_135 = tpu.memref_slice %arg2[%dma_wait3A_133, %dma_wait3A_134] : memref<10240x128xf32, #tpu.memory_space<hbm>> -> memref<10240x128xf32, #tpu.memory_space<hbm>>
      tpu.wait_indirect_dma semaphore(%arg14 : memref<!tpu.dma_semaphore, #tpu.memory_space<semaphore_mem>>) src(%dma_wait3A_135 : memref<10240x128xf32, #tpu.memory_space<hbm>>) dst(%arg9 : memref<128x128xf32, #tpu.memory_space<vmem>>)
      %run_scoped3A_136 = arith.constant 7 : i32
      "tpu.region"() ({
        %run_scoped3A_238 = tpu.sem_alloc : memref<!tpu.dma_semaphore, #tpu.memory_space<semaphore_mem>>
        %dma_start3A_239 = arith.constant 0 : i32
        %dma_start3A_240 = tpu.memref_slice %arg6[%run_scoped3A_136, %dma_start3A_239] : memref<8x128xi32, #tpu.memory_space<vmem>> -> memref<1x128xi32, #tpu.memory_space<vmem>>
        %dma_start3A_241 = tpu.memref_squeeze %dma_start3A_240 : memref<1x128xi32, #tpu.memory_space<vmem>> -> memref<128xi32, #tpu.memory_space<vmem>>
        %dma_start3A_242 = arith.constant 0 : i32
        %dma_start3A_243 = arith.constant 0 : i32
        %dma_start3A_244 = tpu.memref_slice %arg10[%dma_start3A_242, %dma_start3A_243] : memref<10240x128xf32, #tpu.memory_space<vmem_shared>> -> memref<10240x128xf32, #tpu.memory_space<vmem_shared>>
        tpu.enqueue_indirect_dma source(%arg9 : memref<128x128xf32, #tpu.memory_space<vmem>>) target(%dma_start3A_244 : memref<10240x128xf32, #tpu.memory_space<vmem_shared>>) offsets(%dma_start3A_241 : memref<128xi32, #tpu.memory_space<vmem>>) semaphore(%run_scoped3A_238 : memref<!tpu.dma_semaphore, #tpu.memory_space<semaphore_mem>>) {add = true}
        %dma_wait3A_245 = arith.constant 0 : i32
        %dma_wait3A_246 = tpu.memref_slice %arg6[%run_scoped3A_136, %dma_wait3A_245] : memref<8x128xi32, #tpu.memory_space<vmem>> -> memref<1x128xi32, #tpu.memory_space<vmem>>
        %dma_wait3A_247 = tpu.memref_squeeze %dma_wait3A_246 : memref<1x128xi32, #tpu.memory_space<vmem>> -> memref<128xi32, #tpu.memory_space<vmem>>
        %dma_wait3A_248 = arith.constant 0 : i32
        %dma_wait3A_249 = arith.constant 0 : i32
        %dma_wait3A_250 = tpu.memref_slice %arg10[%dma_wait3A_248, %dma_wait3A_249] : memref<10240x128xf32, #tpu.memory_space<vmem_shared>> -> memref<10240x128xf32, #tpu.memory_space<vmem_shared>>
        tpu.wait_indirect_dma semaphore(%run_scoped3A_238 : memref<!tpu.dma_semaphore, #tpu.memory_space<semaphore_mem>>) src(%arg9 : memref<128x128xf32, #tpu.memory_space<vmem>>) dst(%dma_wait3A_250 : memref<10240x128xf32, #tpu.memory_space<vmem_shared>>)
        tpu.yield
      }) : () -> ()
      %add3A_137 = arith.constant 2 : i32
      %add3A_138 = arith.addi %add3A_128, %add3A_137 : i32
      %lt3A_139 = arith.constant 80 : i32
      %lt3A_140 = arith.cmpi slt, %add3A_138, %lt3A_139 : i32
      %convert_element_type3A_141 = arith.extui %lt3A_140 : i1 to i32
      %cond3A_142 = arith.constant 0 : i32
      %cond3A_143 = arith.cmpi ne, %convert_element_type3A_141, %cond3A_142 : i32
      scf.if %cond3A_143 {
        %dma_start3A_238 = arith.constant 2 : i32
        %dma_start3A_239 = arith.constant 0 : i32
        %dma_start3A_240 = tpu.memref_slice %arg7[%dma_start3A_238, %dma_start3A_239] : memref<8x128xi32, #tpu.memory_space<vmem>> -> memref<1x128xi32, #tpu.memory_space<vmem>>
        %dma_start3A_241 = tpu.memref_squeeze %dma_start3A_240 : memref<1x128xi32, #tpu.memory_space<vmem>> -> memref<128xi32, #tpu.memory_space<vmem>>
        %dma_start3A_242 = arith.constant 0 : i32
        %dma_start3A_243 = arith.constant 0 : i32
        %dma_start3A_244 = tpu.memref_slice %arg2[%dma_start3A_242, %dma_start3A_243] : memref<10240x128xf32, #tpu.memory_space<hbm>> -> memref<10240x128xf32, #tpu.memory_space<hbm>>
        tpu.enqueue_indirect_dma source(%dma_start3A_244 : memref<10240x128xf32, #tpu.memory_space<hbm>>) target(%arg9 : memref<128x128xf32, #tpu.memory_space<vmem>>) offsets(%dma_start3A_241 : memref<128xi32, #tpu.memory_space<vmem>>) semaphore(%arg14 : memref<!tpu.dma_semaphore, #tpu.memory_space<semaphore_mem>>)
      } else {
      }
      %add3A_144 = arith.constant 2 : i32
      %add3A_145 = arith.addi %add3A_72, %add3A_144 : i32
      %lt3A_146 = arith.constant 20 : i32
      %lt3A_147 = arith.cmpi slt, %add3A_145, %lt3A_146 : i32
      %convert_element_type3A_148 = arith.extui %lt3A_147 : i1 to i32
      %cond3A_149 = arith.constant 0 : i32
      %cond3A_150 = arith.cmpi ne, %convert_element_type3A_148, %cond3A_149 : i32
      scf.if %cond3A_150 {
        %add3A_238 = arith.constant 2 : i32
        %add3A_239 = arith.addi %add3A_72, %add3A_238 : i32
        %mul3A_240 = arith.constant 8 : i32
        %mul3A_241 = arith.muli %mul3A_240, %add3A_239 : i32
        %dma_start3A_242 = arith.constant 0 : i32
        %dma_start3A_243 = tpu.memref_slice %arg3[%add3A, %mul3A_241, %dma_start3A_242] : memref<32x160x128xi32, #tpu.memory_space<hbm>> -> memref<1x8x128xi32, #tpu.memory_space<hbm>>
        %dma_start3A_244 = tpu.memref_squeeze %dma_start3A_243 : memref<1x8x128xi32, #tpu.memory_space<hbm>> -> memref<8x128xi32, #tpu.memory_space<hbm>>
        %dma_start3A_245 = arith.constant 0 : i32
        %dma_start3A_246 = tpu.memref_slice %arg3[%add3A, %mul3A_241, %dma_start3A_245] : memref<32x160x128xi32, #tpu.memory_space<hbm>> -> memref<1x8x128xi32, #tpu.memory_space<hbm>>
        %dma_start3A_247 = tpu.memref_squeeze %dma_start3A_246 : memref<1x8x128xi32, #tpu.memory_space<hbm>> -> memref<8x128xi32, #tpu.memory_space<hbm>>
        tpu.enqueue_dma source(%dma_start3A_247 : memref<8x128xi32, #tpu.memory_space<hbm>>) target(%arg6 : memref<8x128xi32, #tpu.memory_space<vmem>>) target_semaphore(%arg11 : memref<!tpu.dma_semaphore, #tpu.memory_space<semaphore_mem>>)
      } else {
      }
      %mul3A_151 = arith.constant 2 : i32
      %mul3A_152 = arith.muli %mul3A_151, %scan3A_68 : i32
      %add3A_153 = arith.constant 1 : i32
      %add3A_154 = arith.addi %mul3A_152, %add3A_153 : i32
      %mul3A_155 = arith.constant 4 : i32
      %mul3A_156 = arith.muli %mul3A_155, %add3A_154 : i32
      %add3A_157 = arith.constant 0 : i32
      %add3A_158 = arith.addi %mul3A_156, %add3A_157 : i32
      %dma_wait3A_159 = arith.constant 0 : i32
      %dma_wait3A_160 = arith.constant 0 : i32
      %dma_wait3A_161 = tpu.memref_slice %arg7[%dma_wait3A_159, %dma_wait3A_160] : memref<8x128xi32, #tpu.memory_space<vmem>> -> memref<1x128xi32, #tpu.memory_space<vmem>>
      %dma_wait3A_162 = tpu.memref_squeeze %dma_wait3A_161 : memref<1x128xi32, #tpu.memory_space<vmem>> -> memref<128xi32, #tpu.memory_space<vmem>>
      %dma_wait3A_163 = arith.constant 0 : i32
      %dma_wait3A_164 = arith.constant 0 : i32
      %dma_wait3A_165 = tpu.memref_slice %arg2[%dma_wait3A_163, %dma_wait3A_164] : memref<10240x128xf32, #tpu.memory_space<hbm>> -> memref<10240x128xf32, #tpu.memory_space<hbm>>
      tpu.wait_indirect_dma semaphore(%arg13 : memref<!tpu.dma_semaphore, #tpu.memory_space<semaphore_mem>>) src(%dma_wait3A_165 : memref<10240x128xf32, #tpu.memory_space<hbm>>) dst(%arg8 : memref<128x128xf32, #tpu.memory_space<vmem>>)
      %run_scoped3A_166 = arith.constant 1 : i32
      "tpu.region"() ({
        %run_scoped3A_238 = tpu.sem_alloc : memref<!tpu.dma_semaphore, #tpu.memory_space<semaphore_mem>>
        %dma_start3A_239 = arith.constant 0 : i32
        %dma_start3A_240 = tpu.memref_slice %arg7[%run_scoped3A_166, %dma_start3A_239] : memref<8x128xi32, #tpu.memory_space<vmem>> -> memref<1x128xi32, #tpu.memory_space<vmem>>
        %dma_start3A_241 = tpu.memref_squeeze %dma_start3A_240 : memref<1x128xi32, #tpu.memory_space<vmem>> -> memref<128xi32, #tpu.memory_space<vmem>>
        %dma_start3A_242 = arith.constant 0 : i32
        %dma_start3A_243 = arith.constant 0 : i32
        %dma_start3A_244 = tpu.memref_slice %arg10[%dma_start3A_242, %dma_start3A_243] : memref<10240x128xf32, #tpu.memory_space<vmem_shared>> -> memref<10240x128xf32, #tpu.memory_space<vmem_shared>>
        tpu.enqueue_indirect_dma source(%arg8 : memref<128x128xf32, #tpu.memory_space<vmem>>) target(%dma_start3A_244 : memref<10240x128xf32, #tpu.memory_space<vmem_shared>>) offsets(%dma_start3A_241 : memref<128xi32, #tpu.memory_space<vmem>>) semaphore(%run_scoped3A_238 : memref<!tpu.dma_semaphore, #tpu.memory_space<semaphore_mem>>) {add = true}
        %dma_wait3A_245 = arith.constant 0 : i32
        %dma_wait3A_246 = tpu.memref_slice %arg7[%run_scoped3A_166, %dma_wait3A_245] : memref<8x128xi32, #tpu.memory_space<vmem>> -> memref<1x128xi32, #tpu.memory_space<vmem>>
        %dma_wait3A_247 = tpu.memref_squeeze %dma_wait3A_246 : memref<1x128xi32, #tpu.memory_space<vmem>> -> memref<128xi32, #tpu.memory_space<vmem>>
        %dma_wait3A_248 = arith.constant 0 : i32
        %dma_wait3A_249 = arith.constant 0 : i32
        %dma_wait3A_250 = tpu.memref_slice %arg10[%dma_wait3A_248, %dma_wait3A_249] : memref<10240x128xf32, #tpu.memory_space<vmem_shared>> -> memref<10240x128xf32, #tpu.memory_space<vmem_shared>>
        tpu.wait_indirect_dma semaphore(%run_scoped3A_238 : memref<!tpu.dma_semaphore, #tpu.memory_space<semaphore_mem>>) src(%arg8 : memref<128x128xf32, #tpu.memory_space<vmem>>) dst(%dma_wait3A_250 : memref<10240x128xf32, #tpu.memory_space<vmem_shared>>)
        tpu.yield
      }) : () -> ()
      %add3A_167 = arith.constant 2 : i32
      %add3A_168 = arith.addi %add3A_158, %add3A_167 : i32
      %lt3A_169 = arith.constant 80 : i32
      %lt3A_170 = arith.cmpi slt, %add3A_168, %lt3A_169 : i32
      %convert_element_type3A_171 = arith.extui %lt3A_170 : i1 to i32
      %cond3A_172 = arith.constant 0 : i32
      %cond3A_173 = arith.cmpi ne, %convert_element_type3A_171, %cond3A_172 : i32
      scf.if %cond3A_173 {
        %dma_start3A_238 = arith.constant 4 : i32
        %dma_start3A_239 = arith.constant 0 : i32
        %dma_start3A_240 = tpu.memref_slice %arg7[%dma_start3A_238, %dma_start3A_239] : memref<8x128xi32, #tpu.memory_space<vmem>> -> memref<1x128xi32, #tpu.memory_space<vmem>>
        %dma_start3A_241 = tpu.memref_squeeze %dma_start3A_240 : memref<1x128xi32, #tpu.memory_space<vmem>> -> memref<128xi32, #tpu.memory_space<vmem>>
        %dma_start3A_242 = arith.constant 0 : i32
        %dma_start3A_243 = arith.constant 0 : i32
        %dma_start3A_244 = tpu.memref_slice %arg2[%dma_start3A_242, %dma_start3A_243] : memref<10240x128xf32, #tpu.memory_space<hbm>> -> memref<10240x128xf32, #tpu.memory_space<hbm>>
        tpu.enqueue_indirect_dma source(%dma_start3A_244 : memref<10240x128xf32, #tpu.memory_space<hbm>>) target(%arg8 : memref<128x128xf32, #tpu.memory_space<vmem>>) offsets(%dma_start3A_241 : memref<128xi32, #tpu.memory_space<vmem>>) semaphore(%arg13 : memref<!tpu.dma_semaphore, #tpu.memory_space<semaphore_mem>>)
      } else {
      }
      %mul3A_174 = arith.constant 4 : i32
      %mul3A_175 = arith.muli %mul3A_174, %add3A_154 : i32
      %add3A_176 = arith.constant 1 : i32
      %add3A_177 = arith.addi %mul3A_175, %add3A_176 : i32
      %dma_wait3A_178 = arith.constant 2 : i32
      %dma_wait3A_179 = arith.constant 0 : i32
      %dma_wait3A_180 = tpu.memref_slice %arg7[%dma_wait3A_178, %dma_wait3A_179] : memref<8x128xi32, #tpu.memory_space<vmem>> -> memref<1x128xi32, #tpu.memory_space<vmem>>
      %dma_wait3A_181 = tpu.memref_squeeze %dma_wait3A_180 : memref<1x128xi32, #tpu.memory_space<vmem>> -> memref<128xi32, #tpu.memory_space<vmem>>
      %dma_wait3A_182 = arith.constant 0 : i32
      %dma_wait3A_183 = arith.constant 0 : i32
      %dma_wait3A_184 = tpu.memref_slice %arg2[%dma_wait3A_182, %dma_wait3A_183] : memref<10240x128xf32, #tpu.memory_space<hbm>> -> memref<10240x128xf32, #tpu.memory_space<hbm>>
      tpu.wait_indirect_dma semaphore(%arg14 : memref<!tpu.dma_semaphore, #tpu.memory_space<semaphore_mem>>) src(%dma_wait3A_184 : memref<10240x128xf32, #tpu.memory_space<hbm>>) dst(%arg9 : memref<128x128xf32, #tpu.memory_space<vmem>>)
      %run_scoped3A_185 = arith.constant 3 : i32
      "tpu.region"() ({
        %run_scoped3A_238 = tpu.sem_alloc : memref<!tpu.dma_semaphore, #tpu.memory_space<semaphore_mem>>
        %dma_start3A_239 = arith.constant 0 : i32
        %dma_start3A_240 = tpu.memref_slice %arg7[%run_scoped3A_185, %dma_start3A_239] : memref<8x128xi32, #tpu.memory_space<vmem>> -> memref<1x128xi32, #tpu.memory_space<vmem>>
        %dma_start3A_241 = tpu.memref_squeeze %dma_start3A_240 : memref<1x128xi32, #tpu.memory_space<vmem>> -> memref<128xi32, #tpu.memory_space<vmem>>
        %dma_start3A_242 = arith.constant 0 : i32
        %dma_start3A_243 = arith.constant 0 : i32
        %dma_start3A_244 = tpu.memref_slice %arg10[%dma_start3A_242, %dma_start3A_243] : memref<10240x128xf32, #tpu.memory_space<vmem_shared>> -> memref<10240x128xf32, #tpu.memory_space<vmem_shared>>
        tpu.enqueue_indirect_dma source(%arg9 : memref<128x128xf32, #tpu.memory_space<vmem>>) target(%dma_start3A_244 : memref<10240x128xf32, #tpu.memory_space<vmem_shared>>) offsets(%dma_start3A_241 : memref<128xi32, #tpu.memory_space<vmem>>) semaphore(%run_scoped3A_238 : memref<!tpu.dma_semaphore, #tpu.memory_space<semaphore_mem>>) {add = true}
        %dma_wait3A_245 = arith.constant 0 : i32
        %dma_wait3A_246 = tpu.memref_slice %arg7[%run_scoped3A_185, %dma_wait3A_245] : memref<8x128xi32, #tpu.memory_space<vmem>> -> memref<1x128xi32, #tpu.memory_space<vmem>>
        %dma_wait3A_247 = tpu.memref_squeeze %dma_wait3A_246 : memref<1x128xi32, #tpu.memory_space<vmem>> -> memref<128xi32, #tpu.memory_space<vmem>>
        %dma_wait3A_248 = arith.constant 0 : i32
        %dma_wait3A_249 = arith.constant 0 : i32
        %dma_wait3A_250 = tpu.memref_slice %arg10[%dma_wait3A_248, %dma_wait3A_249] : memref<10240x128xf32, #tpu.memory_space<vmem_shared>> -> memref<10240x128xf32, #tpu.memory_space<vmem_shared>>
        tpu.wait_indirect_dma semaphore(%run_scoped3A_238 : memref<!tpu.dma_semaphore, #tpu.memory_space<semaphore_mem>>) src(%arg9 : memref<128x128xf32, #tpu.memory_space<vmem>>) dst(%dma_wait3A_250 : memref<10240x128xf32, #tpu.memory_space<vmem_shared>>)
        tpu.yield
      }) : () -> ()
      %add3A_186 = arith.constant 2 : i32
      %add3A_187 = arith.addi %add3A_177, %add3A_186 : i32
      %lt3A_188 = arith.constant 80 : i32
      %lt3A_189 = arith.cmpi slt, %add3A_187, %lt3A_188 : i32
      %convert_element_type3A_190 = arith.extui %lt3A_189 : i1 to i32
      %cond3A_191 = arith.constant 0 : i32
      %cond3A_192 = arith.cmpi ne, %convert_element_type3A_190, %cond3A_191 : i32
      scf.if %cond3A_192 {
        %dma_start3A_238 = arith.constant 6 : i32
        %dma_start3A_239 = arith.constant 0 : i32
        %dma_start3A_240 = tpu.memref_slice %arg7[%dma_start3A_238, %dma_start3A_239] : memref<8x128xi32, #tpu.memory_space<vmem>> -> memref<1x128xi32, #tpu.memory_space<vmem>>
        %dma_start3A_241 = tpu.memref_squeeze %dma_start3A_240 : memref<1x128xi32, #tpu.memory_space<vmem>> -> memref<128xi32, #tpu.memory_space<vmem>>
        %dma_start3A_242 = arith.constant 0 : i32
        %dma_start3A_243 = arith.constant 0 : i32
        %dma_start3A_244 = tpu.memref_slice %arg2[%dma_start3A_242, %dma_start3A_243] : memref<10240x128xf32, #tpu.memory_space<hbm>> -> memref<10240x128xf32, #tpu.memory_space<hbm>>
        tpu.enqueue_indirect_dma source(%dma_start3A_244 : memref<10240x128xf32, #tpu.memory_space<hbm>>) target(%arg9 : memref<128x128xf32, #tpu.memory_space<vmem>>) offsets(%dma_start3A_241 : memref<128xi32, #tpu.memory_space<vmem>>) semaphore(%arg14 : memref<!tpu.dma_semaphore, #tpu.memory_space<semaphore_mem>>)
      } else {
      }
      %mul3A_193 = arith.constant 4 : i32
      %mul3A_194 = arith.muli %mul3A_193, %add3A_154 : i32
      %add3A_195 = arith.constant 2 : i32
      %add3A_196 = arith.addi %mul3A_194, %add3A_195 : i32
      %dma_wait3A_197 = arith.constant 4 : i32
      %dma_wait3A_198 = arith.constant 0 : i32
      %dma_wait3A_199 = tpu.memref_slice %arg7[%dma_wait3A_197, %dma_wait3A_198] : memref<8x128xi32, #tpu.memory_space<vmem>> -> memref<1x128xi32, #tpu.memory_space<vmem>>
      %dma_wait3A_200 = tpu.memref_squeeze %dma_wait3A_199 : memref<1x128xi32, #tpu.memory_space<vmem>> -> memref<128xi32, #tpu.memory_space<vmem>>
      %dma_wait3A_201 = arith.constant 0 : i32
      %dma_wait3A_202 = arith.constant 0 : i32
      %dma_wait3A_203 = tpu.memref_slice %arg2[%dma_wait3A_201, %dma_wait3A_202] : memref<10240x128xf32, #tpu.memory_space<hbm>> -> memref<10240x128xf32, #tpu.memory_space<hbm>>
      tpu.wait_indirect_dma semaphore(%arg13 : memref<!tpu.dma_semaphore, #tpu.memory_space<semaphore_mem>>) src(%dma_wait3A_203 : memref<10240x128xf32, #tpu.memory_space<hbm>>) dst(%arg8 : memref<128x128xf32, #tpu.memory_space<vmem>>)
      %run_scoped3A_204 = arith.constant 5 : i32
      "tpu.region"() ({
        %run_scoped3A_238 = tpu.sem_alloc : memref<!tpu.dma_semaphore, #tpu.memory_space<semaphore_mem>>
        %dma_start3A_239 = arith.constant 0 : i32
        %dma_start3A_240 = tpu.memref_slice %arg7[%run_scoped3A_204, %dma_start3A_239] : memref<8x128xi32, #tpu.memory_space<vmem>> -> memref<1x128xi32, #tpu.memory_space<vmem>>
        %dma_start3A_241 = tpu.memref_squeeze %dma_start3A_240 : memref<1x128xi32, #tpu.memory_space<vmem>> -> memref<128xi32, #tpu.memory_space<vmem>>
        %dma_start3A_242 = arith.constant 0 : i32
        %dma_start3A_243 = arith.constant 0 : i32
        %dma_start3A_244 = tpu.memref_slice %arg10[%dma_start3A_242, %dma_start3A_243] : memref<10240x128xf32, #tpu.memory_space<vmem_shared>> -> memref<10240x128xf32, #tpu.memory_space<vmem_shared>>
        tpu.enqueue_indirect_dma source(%arg8 : memref<128x128xf32, #tpu.memory_space<vmem>>) target(%dma_start3A_244 : memref<10240x128xf32, #tpu.memory_space<vmem_shared>>) offsets(%dma_start3A_241 : memref<128xi32, #tpu.memory_space<vmem>>) semaphore(%run_scoped3A_238 : memref<!tpu.dma_semaphore, #tpu.memory_space<semaphore_mem>>) {add = true}
        %dma_wait3A_245 = arith.constant 0 : i32
        %dma_wait3A_246 = tpu.memref_slice %arg7[%run_scoped3A_204, %dma_wait3A_245] : memref<8x128xi32, #tpu.memory_space<vmem>> -> memref<1x128xi32, #tpu.memory_space<vmem>>
        %dma_wait3A_247 = tpu.memref_squeeze %dma_wait3A_246 : memref<1x128xi32, #tpu.memory_space<vmem>> -> memref<128xi32, #tpu.memory_space<vmem>>
        %dma_wait3A_248 = arith.constant 0 : i32
        %dma_wait3A_249 = arith.constant 0 : i32
        %dma_wait3A_250 = tpu.memref_slice %arg10[%dma_wait3A_248, %dma_wait3A_249] : memref<10240x128xf32, #tpu.memory_space<vmem_shared>> -> memref<10240x128xf32, #tpu.memory_space<vmem_shared>>
        tpu.wait_indirect_dma semaphore(%run_scoped3A_238 : memref<!tpu.dma_semaphore, #tpu.memory_space<semaphore_mem>>) src(%arg8 : memref<128x128xf32, #tpu.memory_space<vmem>>) dst(%dma_wait3A_250 : memref<10240x128xf32, #tpu.memory_space<vmem_shared>>)
        tpu.yield
      }) : () -> ()
      %add3A_205 = arith.constant 2 : i32
      %add3A_206 = arith.addi %add3A_196, %add3A_205 : i32
      %lt3A_207 = arith.constant 80 : i32
      %lt3A_208 = arith.cmpi slt, %add3A_206, %lt3A_207 : i32
      %convert_element_type3A_209 = arith.extui %lt3A_208 : i1 to i32
      %cond3A_210 = arith.constant 0 : i32
      %cond3A_211 = arith.cmpi ne, %convert_element_type3A_209, %cond3A_210 : i32
      scf.if %cond3A_211 {
        %add3A_238 = arith.constant 1 : i32
        %add3A_239 = arith.addi %add3A_154, %add3A_238 : i32
        %mul3A_240 = arith.constant 8 : i32
        %mul3A_241 = arith.muli %mul3A_240, %add3A_239 : i32
        %dma_wait3A_242 = arith.constant 0 : i32
        %dma_wait3A_243 = tpu.memref_slice %arg3[%add3A, %mul3A_241, %dma_wait3A_242] : memref<32x160x128xi32, #tpu.memory_space<hbm>> -> memref<1x8x128xi32, #tpu.memory_space<hbm>>
        %dma_wait3A_244 = tpu.memref_squeeze %dma_wait3A_243 : memref<1x8x128xi32, #tpu.memory_space<hbm>> -> memref<8x128xi32, #tpu.memory_space<hbm>>
        %dma_wait3A_245 = arith.constant 0 : i32
        %dma_wait3A_246 = tpu.memref_slice %arg3[%add3A, %mul3A_241, %dma_wait3A_245] : memref<32x160x128xi32, #tpu.memory_space<hbm>> -> memref<1x8x128xi32, #tpu.memory_space<hbm>>
        %dma_wait3A_247 = tpu.memref_squeeze %dma_wait3A_246 : memref<1x8x128xi32, #tpu.memory_space<hbm>> -> memref<8x128xi32, #tpu.memory_space<hbm>>
        tpu.wait_dma2 semaphore(%arg11 : memref<!tpu.dma_semaphore, #tpu.memory_space<semaphore_mem>>) src(%dma_wait3A_247 : memref<8x128xi32, #tpu.memory_space<hbm>>) dst(%arg6 : memref<8x128xi32, #tpu.memory_space<vmem>>)
        %dma_start3A_248 = arith.constant 0 : i32
        %dma_start3A_249 = arith.constant 0 : i32
        %dma_start3A_250 = tpu.memref_slice %arg6[%dma_start3A_248, %dma_start3A_249] : memref<8x128xi32, #tpu.memory_space<vmem>> -> memref<1x128xi32, #tpu.memory_space<vmem>>
        %dma_start3A_251 = tpu.memref_squeeze %dma_start3A_250 : memref<1x128xi32, #tpu.memory_space<vmem>> -> memref<128xi32, #tpu.memory_space<vmem>>
        %dma_start3A_252 = arith.constant 0 : i32
        %dma_start3A_253 = arith.constant 0 : i32
        %dma_start3A_254 = tpu.memref_slice %arg2[%dma_start3A_252, %dma_start3A_253] : memref<10240x128xf32, #tpu.memory_space<hbm>> -> memref<10240x128xf32, #tpu.memory_space<hbm>>
        tpu.enqueue_indirect_dma source(%dma_start3A_254 : memref<10240x128xf32, #tpu.memory_space<hbm>>) target(%arg8 : memref<128x128xf32, #tpu.memory_space<vmem>>) offsets(%dma_start3A_251 : memref<128xi32, #tpu.memory_space<vmem>>) semaphore(%arg13 : memref<!tpu.dma_semaphore, #tpu.memory_space<semaphore_mem>>)
      } else {
      }
      %mul3A_212 = arith.constant 4 : i32
      %mul3A_213 = arith.muli %mul3A_212, %add3A_154 : i32
      %add3A_214 = arith.constant 3 : i32
      %add3A_215 = arith.addi %mul3A_213, %add3A_214 : i32
      %dma_wait3A_216 = arith.constant 6 : i32
      %dma_wait3A_217 = arith.constant 0 : i32
      %dma_wait3A_218 = tpu.memref_slice %arg7[%dma_wait3A_216, %dma_wait3A_217] : memref<8x128xi32, #tpu.memory_space<vmem>> -> memref<1x128xi32, #tpu.memory_space<vmem>>
      %dma_wait3A_219 = tpu.memref_squeeze %dma_wait3A_218 : memref<1x128xi32, #tpu.memory_space<vmem>> -> memref<128xi32, #tpu.memory_space<vmem>>
      %dma_wait3A_220 = arith.constant 0 : i32
      %dma_wait3A_221 = arith.constant 0 : i32
      %dma_wait3A_222 = tpu.memref_slice %arg2[%dma_wait3A_220, %dma_wait3A_221] : memref<10240x128xf32, #tpu.memory_space<hbm>> -> memref<10240x128xf32, #tpu.memory_space<hbm>>
      tpu.wait_indirect_dma semaphore(%arg14 : memref<!tpu.dma_semaphore, #tpu.memory_space<semaphore_mem>>) src(%dma_wait3A_222 : memref<10240x128xf32, #tpu.memory_space<hbm>>) dst(%arg9 : memref<128x128xf32, #tpu.memory_space<vmem>>)
      %run_scoped3A_223 = arith.constant 7 : i32
      "tpu.region"() ({
        %run_scoped3A_238 = tpu.sem_alloc : memref<!tpu.dma_semaphore, #tpu.memory_space<semaphore_mem>>
        %dma_start3A_239 = arith.constant 0 : i32
        %dma_start3A_240 = tpu.memref_slice %arg7[%run_scoped3A_223, %dma_start3A_239] : memref<8x128xi32, #tpu.memory_space<vmem>> -> memref<1x128xi32, #tpu.memory_space<vmem>>
        %dma_start3A_241 = tpu.memref_squeeze %dma_start3A_240 : memref<1x128xi32, #tpu.memory_space<vmem>> -> memref<128xi32, #tpu.memory_space<vmem>>
        %dma_start3A_242 = arith.constant 0 : i32
        %dma_start3A_243 = arith.constant 0 : i32
        %dma_start3A_244 = tpu.memref_slice %arg10[%dma_start3A_242, %dma_start3A_243] : memref<10240x128xf32, #tpu.memory_space<vmem_shared>> -> memref<10240x128xf32, #tpu.memory_space<vmem_shared>>
        tpu.enqueue_indirect_dma source(%arg9 : memref<128x128xf32, #tpu.memory_space<vmem>>) target(%dma_start3A_244 : memref<10240x128xf32, #tpu.memory_space<vmem_shared>>) offsets(%dma_start3A_241 : memref<128xi32, #tpu.memory_space<vmem>>) semaphore(%run_scoped3A_238 : memref<!tpu.dma_semaphore, #tpu.memory_space<semaphore_mem>>) {add = true}
        %dma_wait3A_245 = arith.constant 0 : i32
        %dma_wait3A_246 = tpu.memref_slice %arg7[%run_scoped3A_223, %dma_wait3A_245] : memref<8x128xi32, #tpu.memory_space<vmem>> -> memref<1x128xi32, #tpu.memory_space<vmem>>
        %dma_wait3A_247 = tpu.memref_squeeze %dma_wait3A_246 : memref<1x128xi32, #tpu.memory_space<vmem>> -> memref<128xi32, #tpu.memory_space<vmem>>
        %dma_wait3A_248 = arith.constant 0 : i32
        %dma_wait3A_249 = arith.constant 0 : i32
        %dma_wait3A_250 = tpu.memref_slice %arg10[%dma_wait3A_248, %dma_wait3A_249] : memref<10240x128xf32, #tpu.memory_space<vmem_shared>> -> memref<10240x128xf32, #tpu.memory_space<vmem_shared>>
        tpu.wait_indirect_dma semaphore(%run_scoped3A_238 : memref<!tpu.dma_semaphore, #tpu.memory_space<semaphore_mem>>) src(%arg9 : memref<128x128xf32, #tpu.memory_space<vmem>>) dst(%dma_wait3A_250 : memref<10240x128xf32, #tpu.memory_space<vmem_shared>>)
        tpu.yield
      }) : () -> ()
      %add3A_224 = arith.constant 2 : i32
      %add3A_225 = arith.addi %add3A_215, %add3A_224 : i32
      %lt3A_226 = arith.constant 80 : i32
      %lt3A_227 = arith.cmpi slt, %add3A_225, %lt3A_226 : i32
      %convert_element_type3A_228 = arith.extui %lt3A_227 : i1 to i32
      %cond3A_229 = arith.constant 0 : i32
      %cond3A_230 = arith.cmpi ne, %convert_element_type3A_228, %cond3A_229 : i32
      scf.if %cond3A_230 {
        %dma_start3A_238 = arith.constant 2 : i32
        %dma_start3A_239 = arith.constant 0 : i32
        %dma_start3A_240 = tpu.memref_slice %arg6[%dma_start3A_238, %dma_start3A_239] : memref<8x128xi32, #tpu.memory_space<vmem>> -> memref<1x128xi32, #tpu.memory_space<vmem>>
        %dma_start3A_241 = tpu.memref_squeeze %dma_start3A_240 : memref<1x128xi32, #tpu.memory_space<vmem>> -> memref<128xi32, #tpu.memory_space<vmem>>
        %dma_start3A_242 = arith.constant 0 : i32
        %dma_start3A_243 = arith.constant 0 : i32
        %dma_start3A_244 = tpu.memref_slice %arg2[%dma_start3A_242, %dma_start3A_243] : memref<10240x128xf32, #tpu.memory_space<hbm>> -> memref<10240x128xf32, #tpu.memory_space<hbm>>
        tpu.enqueue_indirect_dma source(%dma_start3A_244 : memref<10240x128xf32, #tpu.memory_space<hbm>>) target(%arg9 : memref<128x128xf32, #tpu.memory_space<vmem>>) offsets(%dma_start3A_241 : memref<128xi32, #tpu.memory_space<vmem>>) semaphore(%arg14 : memref<!tpu.dma_semaphore, #tpu.memory_space<semaphore_mem>>)
      } else {
      }
      %add3A_231 = arith.constant 2 : i32
      %add3A_232 = arith.addi %add3A_154, %add3A_231 : i32
      %lt3A_233 = arith.constant 20 : i32
      %lt3A_234 = arith.cmpi slt, %add3A_232, %lt3A_233 : i32
      %convert_element_type3A_235 = arith.extui %lt3A_234 : i1 to i32
      %cond3A_236 = arith.constant 0 : i32
      %cond3A_237 = arith.cmpi ne, %convert_element_type3A_235, %cond3A_236 : i32
      scf.if %cond3A_237 {
        %add3A_238 = arith.constant 2 : i32
        %add3A_239 = arith.addi %add3A_154, %add3A_238 : i32
        %mul3A_240 = arith.constant 8 : i32
        %mul3A_241 = arith.muli %mul3A_240, %add3A_239 : i32
        %dma_start3A_242 = arith.constant 0 : i32
        %dma_start3A_243 = tpu.memref_slice %arg3[%add3A, %mul3A_241, %dma_start3A_242] : memref<32x160x128xi32, #tpu.memory_space<hbm>> -> memref<1x8x128xi32, #tpu.memory_space<hbm>>
        %dma_start3A_244 = tpu.memref_squeeze %dma_start3A_243 : memref<1x8x128xi32, #tpu.memory_space<hbm>> -> memref<8x128xi32, #tpu.memory_space<hbm>>
        %dma_start3A_245 = arith.constant 0 : i32
        %dma_start3A_246 = tpu.memref_slice %arg3[%add3A, %mul3A_241, %dma_start3A_245] : memref<32x160x128xi32, #tpu.memory_space<hbm>> -> memref<1x8x128xi32, #tpu.memory_space<hbm>>
        %dma_start3A_247 = tpu.memref_squeeze %dma_start3A_246 : memref<1x8x128xi32, #tpu.memory_space<hbm>> -> memref<8x128xi32, #tpu.memory_space<hbm>>
        tpu.enqueue_dma source(%dma_start3A_247 : memref<8x128xi32, #tpu.memory_space<hbm>>) target(%arg7 : memref<8x128xi32, #tpu.memory_space<vmem>>) target_semaphore(%arg12 : memref<!tpu.dma_semaphore, #tpu.memory_space<semaphore_mem>>)
      } else {
      }
    }
    %scan3A_46 = arith.constant 10 : i32
    %barrier3A_47 = arith.constant 0 : index
    tpu.barrier barrier_id(%barrier3A_47)
    %mul3A_48 = arith.constant 640 : i32
    %mul3A_49 = arith.muli %arg1, %mul3A_48 : i32
    %add3A_50 = arith.constant 0 : i32
    %add3A_51 = arith.addi %mul3A_49, %add3A_50 : i32
    "tpu.region"() ({
      %run_scoped3A = tpu.sem_alloc : memref<!tpu.dma_semaphore, #tpu.memory_space<semaphore_mem>>
      %dma_start3A_68 = arith.constant 0 : i32
      %dma_start3A_69 = tpu.memref_slice %arg10[%add3A_51, %dma_start3A_68] : memref<10240x128xf32, #tpu.memory_space<vmem_shared>> -> memref<128x128xf32, #tpu.memory_space<vmem_shared>>
      %dma_start3A_70 = arith.constant 0 : i32
      %dma_start3A_71 = tpu.memref_slice %arg10[%add3A_51, %dma_start3A_70] : memref<10240x128xf32, #tpu.memory_space<vmem_shared>> -> memref<128x128xf32, #tpu.memory_space<vmem_shared>>
      tpu.enqueue_dma source(%dma_start3A_71 : memref<128x128xf32, #tpu.memory_space<vmem_shared>>) target(%arg8 : memref<128x128xf32, #tpu.memory_space<vmem>>) target_semaphore(%run_scoped3A : memref<!tpu.dma_semaphore, #tpu.memory_space<semaphore_mem>>)
      %dma_wait3A = arith.constant 0 : i32
      %dma_wait3A_72 = tpu.memref_slice %arg10[%add3A_51, %dma_wait3A] : memref<10240x128xf32, #tpu.memory_space<vmem_shared>> -> memref<128x128xf32, #tpu.memory_space<vmem_shared>>
      %dma_wait3A_73 = arith.constant 0 : i32
      %dma_wait3A_74 = tpu.memref_slice %arg10[%add3A_51, %dma_wait3A_73] : memref<10240x128xf32, #tpu.memory_space<vmem_shared>> -> memref<128x128xf32, #tpu.memory_space<vmem_shared>>
      tpu.wait_dma2 semaphore(%run_scoped3A : memref<!tpu.dma_semaphore, #tpu.memory_space<semaphore_mem>>) src(%dma_wait3A_74 : memref<128x128xf32, #tpu.memory_space<vmem_shared>>) dst(%arg8 : memref<128x128xf32, #tpu.memory_space<vmem>>)
      tpu.yield
    }) : () -> ()
    "tpu.region"() ({
      %run_scoped3A = tpu.sem_alloc : memref<!tpu.dma_semaphore, #tpu.memory_space<semaphore_mem>>
      %dma_start3A_68 = arith.constant 0 : i32
      %dma_start3A_69 = tpu.memref_slice %arg5[%arg0, %add3A_51, %dma_start3A_68] : memref<2x10240x128xf32, #tpu.memory_space<hbm>> -> memref<1x128x128xf32, #tpu.memory_space<hbm>>
      %dma_start3A_70 = tpu.memref_squeeze %dma_start3A_69 : memref<1x128x128xf32, #tpu.memory_space<hbm>> -> memref<128x128xf32, #tpu.memory_space<hbm>>
      %dma_start3A_71 = arith.constant 0 : i32
      %dma_start3A_72 = tpu.memref_slice %arg5[%arg0, %add3A_51, %dma_start3A_71] : memref<2x10240x128xf32, #tpu.memory_space<hbm>> -> memref<1x128x128xf32, #tpu.memory_space<hbm>>
      %dma_start3A_73 = tpu.memref_squeeze %dma_start3A_72 : memref<1x128x128xf32, #tpu.memory_space<hbm>> -> memref<128x128xf32, #tpu.memory_space<hbm>>
      tpu.enqueue_dma source(%arg8 : memref<128x128xf32, #tpu.memory_space<vmem>>) target(%dma_start3A_73 : memref<128x128xf32, #tpu.memory_space<hbm>>) target_semaphore(%run_scoped3A : memref<!tpu.dma_semaphore, #tpu.memory_space<semaphore_mem>>)
      %dma_wait3A = arith.constant 0 : i32
      %dma_wait3A_74 = tpu.memref_slice %arg5[%arg0, %add3A_51, %dma_wait3A] : memref<2x10240x128xf32, #tpu.memory_space<hbm>> -> memref<1x128x128xf32, #tpu.memory_space<hbm>>
      %dma_wait3A_75 = tpu.memref_squeeze %dma_wait3A_74 : memref<1x128x128xf32, #tpu.memory_space<hbm>> -> memref<128x128xf32, #tpu.memory_space<hbm>>
      %dma_wait3A_76 = arith.constant 0 : i32
      %dma_wait3A_77 = tpu.memref_slice %arg5[%arg0, %add3A_51, %dma_wait3A_76] : memref<2x10240x128xf32, #tpu.memory_space<hbm>> -> memref<1x128x128xf32, #tpu.memory_space<hbm>>
      %dma_wait3A_78 = tpu.memref_squeeze %dma_wait3A_77 : memref<1x128x128xf32, #tpu.memory_space<hbm>> -> memref<128x128xf32, #tpu.memory_space<hbm>>
      tpu.wait_dma2 semaphore(%run_scoped3A : memref<!tpu.dma_semaphore, #tpu.memory_space<semaphore_mem>>) src(%arg8 : memref<128x128xf32, #tpu.memory_space<vmem>>) dst(%dma_wait3A_78 : memref<128x128xf32, #tpu.memory_space<hbm>>)
      tpu.yield
    }) : () -> ()
    %mul3A_52 = arith.constant 640 : i32
    %mul3A_53 = arith.muli %arg1, %mul3A_52 : i32
    %add3A_54 = arith.constant 128 : i32
    %add3A_55 = arith.addi %mul3A_53, %add3A_54 : i32
    "tpu.region"() ({
      %run_scoped3A = tpu.sem_alloc : memref<!tpu.dma_semaphore, #tpu.memory_space<semaphore_mem>>
      %dma_start3A_68 = arith.constant 0 : i32
      %dma_start3A_69 = tpu.memref_slice %arg10[%add3A_55, %dma_start3A_68] : memref<10240x128xf32, #tpu.memory_space<vmem_shared>> -> memref<128x128xf32, #tpu.memory_space<vmem_shared>>
      %dma_start3A_70 = arith.constant 0 : i32
      %dma_start3A_71 = tpu.memref_slice %arg10[%add3A_55, %dma_start3A_70] : memref<10240x128xf32, #tpu.memory_space<vmem_shared>> -> memref<128x128xf32, #tpu.memory_space<vmem_shared>>
      tpu.enqueue_dma source(%dma_start3A_71 : memref<128x128xf32, #tpu.memory_space<vmem_shared>>) target(%arg8 : memref<128x128xf32, #tpu.memory_space<vmem>>) target_semaphore(%run_scoped3A : memref<!tpu.dma_semaphore, #tpu.memory_space<semaphore_mem>>)
      %dma_wait3A = arith.constant 0 : i32
      %dma_wait3A_72 = tpu.memref_slice %arg10[%add3A_55, %dma_wait3A] : memref<10240x128xf32, #tpu.memory_space<vmem_shared>> -> memref<128x128xf32, #tpu.memory_space<vmem_shared>>
      %dma_wait3A_73 = arith.constant 0 : i32
      %dma_wait3A_74 = tpu.memref_slice %arg10[%add3A_55, %dma_wait3A_73] : memref<10240x128xf32, #tpu.memory_space<vmem_shared>> -> memref<128x128xf32, #tpu.memory_space<vmem_shared>>
      tpu.wait_dma2 semaphore(%run_scoped3A : memref<!tpu.dma_semaphore, #tpu.memory_space<semaphore_mem>>) src(%dma_wait3A_74 : memref<128x128xf32, #tpu.memory_space<vmem_shared>>) dst(%arg8 : memref<128x128xf32, #tpu.memory_space<vmem>>)
      tpu.yield
    }) : () -> ()
    "tpu.region"() ({
      %run_scoped3A = tpu.sem_alloc : memref<!tpu.dma_semaphore, #tpu.memory_space<semaphore_mem>>
      %dma_start3A_68 = arith.constant 0 : i32
      %dma_start3A_69 = tpu.memref_slice %arg5[%arg0, %add3A_55, %dma_start3A_68] : memref<2x10240x128xf32, #tpu.memory_space<hbm>> -> memref<1x128x128xf32, #tpu.memory_space<hbm>>
      %dma_start3A_70 = tpu.memref_squeeze %dma_start3A_69 : memref<1x128x128xf32, #tpu.memory_space<hbm>> -> memref<128x128xf32, #tpu.memory_space<hbm>>
      %dma_start3A_71 = arith.constant 0 : i32
      %dma_start3A_72 = tpu.memref_slice %arg5[%arg0, %add3A_55, %dma_start3A_71] : memref<2x10240x128xf32, #tpu.memory_space<hbm>> -> memref<1x128x128xf32, #tpu.memory_space<hbm>>
      %dma_start3A_73 = tpu.memref_squeeze %dma_start3A_72 : memref<1x128x128xf32, #tpu.memory_space<hbm>> -> memref<128x128xf32, #tpu.memory_space<hbm>>
      tpu.enqueue_dma source(%arg8 : memref<128x128xf32, #tpu.memory_space<vmem>>) target(%dma_start3A_73 : memref<128x128xf32, #tpu.memory_space<hbm>>) target_semaphore(%run_scoped3A : memref<!tpu.dma_semaphore, #tpu.memory_space<semaphore_mem>>)
      %dma_wait3A = arith.constant 0 : i32
      %dma_wait3A_74 = tpu.memref_slice %arg5[%arg0, %add3A_55, %dma_wait3A] : memref<2x10240x128xf32, #tpu.memory_space<hbm>> -> memref<1x128x128xf32, #tpu.memory_space<hbm>>
      %dma_wait3A_75 = tpu.memref_squeeze %dma_wait3A_74 : memref<1x128x128xf32, #tpu.memory_space<hbm>> -> memref<128x128xf32, #tpu.memory_space<hbm>>
      %dma_wait3A_76 = arith.constant 0 : i32
      %dma_wait3A_77 = tpu.memref_slice %arg5[%arg0, %add3A_55, %dma_wait3A_76] : memref<2x10240x128xf32, #tpu.memory_space<hbm>> -> memref<1x128x128xf32, #tpu.memory_space<hbm>>
      %dma_wait3A_78 = tpu.memref_squeeze %dma_wait3A_77 : memref<1x128x128xf32, #tpu.memory_space<hbm>> -> memref<128x128xf32, #tpu.memory_space<hbm>>
      tpu.wait_dma2 semaphore(%run_scoped3A : memref<!tpu.dma_semaphore, #tpu.memory_space<semaphore_mem>>) src(%arg8 : memref<128x128xf32, #tpu.memory_space<vmem>>) dst(%dma_wait3A_78 : memref<128x128xf32, #tpu.memory_space<hbm>>)
      tpu.yield
    }) : () -> ()
    %mul3A_56 = arith.constant 640 : i32
    %mul3A_57 = arith.muli %arg1, %mul3A_56 : i32
    %add3A_58 = arith.constant 256 : i32
    %add3A_59 = arith.addi %mul3A_57, %add3A_58 : i32
    "tpu.region"() ({
      %run_scoped3A = tpu.sem_alloc : memref<!tpu.dma_semaphore, #tpu.memory_space<semaphore_mem>>
      %dma_start3A_68 = arith.constant 0 : i32
      %dma_start3A_69 = tpu.memref_slice %arg10[%add3A_59, %dma_start3A_68] : memref<10240x128xf32, #tpu.memory_space<vmem_shared>> -> memref<128x128xf32, #tpu.memory_space<vmem_shared>>
      %dma_start3A_70 = arith.constant 0 : i32
      %dma_start3A_71 = tpu.memref_slice %arg10[%add3A_59, %dma_start3A_70] : memref<10240x128xf32, #tpu.memory_space<vmem_shared>> -> memref<128x128xf32, #tpu.memory_space<vmem_shared>>
      tpu.enqueue_dma source(%dma_start3A_71 : memref<128x128xf32, #tpu.memory_space<vmem_shared>>) target(%arg8 : memref<128x128xf32, #tpu.memory_space<vmem>>) target_semaphore(%run_scoped3A : memref<!tpu.dma_semaphore, #tpu.memory_space<semaphore_mem>>)
      %dma_wait3A = arith.constant 0 : i32
      %dma_wait3A_72 = tpu.memref_slice %arg10[%add3A_59, %dma_wait3A] : memref<10240x128xf32, #tpu.memory_space<vmem_shared>> -> memref<128x128xf32, #tpu.memory_space<vmem_shared>>
      %dma_wait3A_73 = arith.constant 0 : i32
      %dma_wait3A_74 = tpu.memref_slice %arg10[%add3A_59, %dma_wait3A_73] : memref<10240x128xf32, #tpu.memory_space<vmem_shared>> -> memref<128x128xf32, #tpu.memory_space<vmem_shared>>
      tpu.wait_dma2 semaphore(%run_scoped3A : memref<!tpu.dma_semaphore, #tpu.memory_space<semaphore_mem>>) src(%dma_wait3A_74 : memref<128x128xf32, #tpu.memory_space<vmem_shared>>) dst(%arg8 : memref<128x128xf32, #tpu.memory_space<vmem>>)
      tpu.yield
    }) : () -> ()
    "tpu.region"() ({
      %run_scoped3A = tpu.sem_alloc : memref<!tpu.dma_semaphore, #tpu.memory_space<semaphore_mem>>
      %dma_start3A_68 = arith.constant 0 : i32
      %dma_start3A_69 = tpu.memref_slice %arg5[%arg0, %add3A_59, %dma_start3A_68] : memref<2x10240x128xf32, #tpu.memory_space<hbm>> -> memref<1x128x128xf32, #tpu.memory_space<hbm>>
      %dma_start3A_70 = tpu.memref_squeeze %dma_start3A_69 : memref<1x128x128xf32, #tpu.memory_space<hbm>> -> memref<128x128xf32, #tpu.memory_space<hbm>>
      %dma_start3A_71 = arith.constant 0 : i32
      %dma_start3A_72 = tpu.memref_slice %arg5[%arg0, %add3A_59, %dma_start3A_71] : memref<2x10240x128xf32, #tpu.memory_space<hbm>> -> memref<1x128x128xf32, #tpu.memory_space<hbm>>
      %dma_start3A_73 = tpu.memref_squeeze %dma_start3A_72 : memref<1x128x128xf32, #tpu.memory_space<hbm>> -> memref<128x128xf32, #tpu.memory_space<hbm>>
      tpu.enqueue_dma source(%arg8 : memref<128x128xf32, #tpu.memory_space<vmem>>) target(%dma_start3A_73 : memref<128x128xf32, #tpu.memory_space<hbm>>) target_semaphore(%run_scoped3A : memref<!tpu.dma_semaphore, #tpu.memory_space<semaphore_mem>>)
      %dma_wait3A = arith.constant 0 : i32
      %dma_wait3A_74 = tpu.memref_slice %arg5[%arg0, %add3A_59, %dma_wait3A] : memref<2x10240x128xf32, #tpu.memory_space<hbm>> -> memref<1x128x128xf32, #tpu.memory_space<hbm>>
      %dma_wait3A_75 = tpu.memref_squeeze %dma_wait3A_74 : memref<1x128x128xf32, #tpu.memory_space<hbm>> -> memref<128x128xf32, #tpu.memory_space<hbm>>
      %dma_wait3A_76 = arith.constant 0 : i32
      %dma_wait3A_77 = tpu.memref_slice %arg5[%arg0, %add3A_59, %dma_wait3A_76] : memref<2x10240x128xf32, #tpu.memory_space<hbm>> -> memref<1x128x128xf32, #tpu.memory_space<hbm>>
      %dma_wait3A_78 = tpu.memref_squeeze %dma_wait3A_77 : memref<1x128x128xf32, #tpu.memory_space<hbm>> -> memref<128x128xf32, #tpu.memory_space<hbm>>
      tpu.wait_dma2 semaphore(%run_scoped3A : memref<!tpu.dma_semaphore, #tpu.memory_space<semaphore_mem>>) src(%arg8 : memref<128x128xf32, #tpu.memory_space<vmem>>) dst(%dma_wait3A_78 : memref<128x128xf32, #tpu.memory_space<hbm>>)
      tpu.yield
    }) : () -> ()
    %mul3A_60 = arith.constant 640 : i32
    %mul3A_61 = arith.muli %arg1, %mul3A_60 : i32
    %add3A_62 = arith.constant 384 : i32
    %add3A_63 = arith.addi %mul3A_61, %add3A_62 : i32
    "tpu.region"() ({
      %run_scoped3A = tpu.sem_alloc : memref<!tpu.dma_semaphore, #tpu.memory_space<semaphore_mem>>
      %dma_start3A_68 = arith.constant 0 : i32
      %dma_start3A_69 = tpu.memref_slice %arg10[%add3A_63, %dma_start3A_68] : memref<10240x128xf32, #tpu.memory_space<vmem_shared>> -> memref<128x128xf32, #tpu.memory_space<vmem_shared>>
      %dma_start3A_70 = arith.constant 0 : i32
      %dma_start3A_71 = tpu.memref_slice %arg10[%add3A_63, %dma_start3A_70] : memref<10240x128xf32, #tpu.memory_space<vmem_shared>> -> memref<128x128xf32, #tpu.memory_space<vmem_shared>>
      tpu.enqueue_dma source(%dma_start3A_71 : memref<128x128xf32, #tpu.memory_space<vmem_shared>>) target(%arg8 : memref<128x128xf32, #tpu.memory_space<vmem>>) target_semaphore(%run_scoped3A : memref<!tpu.dma_semaphore, #tpu.memory_space<semaphore_mem>>)
      %dma_wait3A = arith.constant 0 : i32
      %dma_wait3A_72 = tpu.memref_slice %arg10[%add3A_63, %dma_wait3A] : memref<10240x128xf32, #tpu.memory_space<vmem_shared>> -> memref<128x128xf32, #tpu.memory_space<vmem_shared>>
      %dma_wait3A_73 = arith.constant 0 : i32
      %dma_wait3A_74 = tpu.memref_slice %arg10[%add3A_63, %dma_wait3A_73] : memref<10240x128xf32, #tpu.memory_space<vmem_shared>> -> memref<128x128xf32, #tpu.memory_space<vmem_shared>>
      tpu.wait_dma2 semaphore(%run_scoped3A : memref<!tpu.dma_semaphore, #tpu.memory_space<semaphore_mem>>) src(%dma_wait3A_74 : memref<128x128xf32, #tpu.memory_space<vmem_shared>>) dst(%arg8 : memref<128x128xf32, #tpu.memory_space<vmem>>)
      tpu.yield
    }) : () -> ()
    "tpu.region"() ({
      %run_scoped3A = tpu.sem_alloc : memref<!tpu.dma_semaphore, #tpu.memory_space<semaphore_mem>>
      %dma_start3A_68 = arith.constant 0 : i32
      %dma_start3A_69 = tpu.memref_slice %arg5[%arg0, %add3A_63, %dma_start3A_68] : memref<2x10240x128xf32, #tpu.memory_space<hbm>> -> memref<1x128x128xf32, #tpu.memory_space<hbm>>
      %dma_start3A_70 = tpu.memref_squeeze %dma_start3A_69 : memref<1x128x128xf32, #tpu.memory_space<hbm>> -> memref<128x128xf32, #tpu.memory_space<hbm>>
      %dma_start3A_71 = arith.constant 0 : i32
      %dma_start3A_72 = tpu.memref_slice %arg5[%arg0, %add3A_63, %dma_start3A_71] : memref<2x10240x128xf32, #tpu.memory_space<hbm>> -> memref<1x128x128xf32, #tpu.memory_space<hbm>>
      %dma_start3A_73 = tpu.memref_squeeze %dma_start3A_72 : memref<1x128x128xf32, #tpu.memory_space<hbm>> -> memref<128x128xf32, #tpu.memory_space<hbm>>
      tpu.enqueue_dma source(%arg8 : memref<128x128xf32, #tpu.memory_space<vmem>>) target(%dma_start3A_73 : memref<128x128xf32, #tpu.memory_space<hbm>>) target_semaphore(%run_scoped3A : memref<!tpu.dma_semaphore, #tpu.memory_space<semaphore_mem>>)
      %dma_wait3A = arith.constant 0 : i32
      %dma_wait3A_74 = tpu.memref_slice %arg5[%arg0, %add3A_63, %dma_wait3A] : memref<2x10240x128xf32, #tpu.memory_space<hbm>> -> memref<1x128x128xf32, #tpu.memory_space<hbm>>
      %dma_wait3A_75 = tpu.memref_squeeze %dma_wait3A_74 : memref<1x128x128xf32, #tpu.memory_space<hbm>> -> memref<128x128xf32, #tpu.memory_space<hbm>>
      %dma_wait3A_76 = arith.constant 0 : i32
      %dma_wait3A_77 = tpu.memref_slice %arg5[%arg0, %add3A_63, %dma_wait3A_76] : memref<2x10240x128xf32, #tpu.memory_space<hbm>> -> memref<1x128x128xf32, #tpu.memory_space<hbm>>
      %dma_wait3A_78 = tpu.memref_squeeze %dma_wait3A_77 : memref<1x128x128xf32, #tpu.memory_space<hbm>> -> memref<128x128xf32, #tpu.memory_space<hbm>>
      tpu.wait_dma2 semaphore(%run_scoped3A : memref<!tpu.dma_semaphore, #tpu.memory_space<semaphore_mem>>) src(%arg8 : memref<128x128xf32, #tpu.memory_space<vmem>>) dst(%dma_wait3A_78 : memref<128x128xf32, #tpu.memory_space<hbm>>)
      tpu.yield
    }) : () -> ()
    %mul3A_64 = arith.constant 640 : i32
    %mul3A_65 = arith.muli %arg1, %mul3A_64 : i32
    %add3A_66 = arith.constant 512 : i32
    %add3A_67 = arith.addi %mul3A_65, %add3A_66 : i32
    "tpu.region"() ({
      %run_scoped3A = tpu.sem_alloc : memref<!tpu.dma_semaphore, #tpu.memory_space<semaphore_mem>>
      %dma_start3A_68 = arith.constant 0 : i32
      %dma_start3A_69 = tpu.memref_slice %arg10[%add3A_67, %dma_start3A_68] : memref<10240x128xf32, #tpu.memory_space<vmem_shared>> -> memref<128x128xf32, #tpu.memory_space<vmem_shared>>
      %dma_start3A_70 = arith.constant 0 : i32
      %dma_start3A_71 = tpu.memref_slice %arg10[%add3A_67, %dma_start3A_70] : memref<10240x128xf32, #tpu.memory_space<vmem_shared>> -> memref<128x128xf32, #tpu.memory_space<vmem_shared>>
      tpu.enqueue_dma source(%dma_start3A_71 : memref<128x128xf32, #tpu.memory_space<vmem_shared>>) target(%arg8 : memref<128x128xf32, #tpu.memory_space<vmem>>) target_semaphore(%run_scoped3A : memref<!tpu.dma_semaphore, #tpu.memory_space<semaphore_mem>>)
      %dma_wait3A = arith.constant 0 : i32
      %dma_wait3A_72 = tpu.memref_slice %arg10[%add3A_67, %dma_wait3A] : memref<10240x128xf32, #tpu.memory_space<vmem_shared>> -> memref<128x128xf32, #tpu.memory_space<vmem_shared>>
      %dma_wait3A_73 = arith.constant 0 : i32
      %dma_wait3A_74 = tpu.memref_slice %arg10[%add3A_67, %dma_wait3A_73] : memref<10240x128xf32, #tpu.memory_space<vmem_shared>> -> memref<128x128xf32, #tpu.memory_space<vmem_shared>>
      tpu.wait_dma2 semaphore(%run_scoped3A : memref<!tpu.dma_semaphore, #tpu.memory_space<semaphore_mem>>) src(%dma_wait3A_74 : memref<128x128xf32, #tpu.memory_space<vmem_shared>>) dst(%arg8 : memref<128x128xf32, #tpu.memory_space<vmem>>)
      tpu.yield
    }) : () -> ()
    "tpu.region"() ({
      %run_scoped3A = tpu.sem_alloc : memref<!tpu.dma_semaphore, #tpu.memory_space<semaphore_mem>>
      %dma_start3A_68 = arith.constant 0 : i32
      %dma_start3A_69 = tpu.memref_slice %arg5[%arg0, %add3A_67, %dma_start3A_68] : memref<2x10240x128xf32, #tpu.memory_space<hbm>> -> memref<1x128x128xf32, #tpu.memory_space<hbm>>
      %dma_start3A_70 = tpu.memref_squeeze %dma_start3A_69 : memref<1x128x128xf32, #tpu.memory_space<hbm>> -> memref<128x128xf32, #tpu.memory_space<hbm>>
      %dma_start3A_71 = arith.constant 0 : i32
      %dma_start3A_72 = tpu.memref_slice %arg5[%arg0, %add3A_67, %dma_start3A_71] : memref<2x10240x128xf32, #tpu.memory_space<hbm>> -> memref<1x128x128xf32, #tpu.memory_space<hbm>>
      %dma_start3A_73 = tpu.memref_squeeze %dma_start3A_72 : memref<1x128x128xf32, #tpu.memory_space<hbm>> -> memref<128x128xf32, #tpu.memory_space<hbm>>
      tpu.enqueue_dma source(%arg8 : memref<128x128xf32, #tpu.memory_space<vmem>>) target(%dma_start3A_73 : memref<128x128xf32, #tpu.memory_space<hbm>>) target_semaphore(%run_scoped3A : memref<!tpu.dma_semaphore, #tpu.memory_space<semaphore_mem>>)
      %dma_wait3A = arith.constant 0 : i32
      %dma_wait3A_74 = tpu.memref_slice %arg5[%arg0, %add3A_67, %dma_wait3A] : memref<2x10240x128xf32, #tpu.memory_space<hbm>> -> memref<1x128x128xf32, #tpu.memory_space<hbm>>
      %dma_wait3A_75 = tpu.memref_squeeze %dma_wait3A_74 : memref<1x128x128xf32, #tpu.memory_space<hbm>> -> memref<128x128xf32, #tpu.memory_space<hbm>>
      %dma_wait3A_76 = arith.constant 0 : i32
      %dma_wait3A_77 = tpu.memref_slice %arg5[%arg0, %add3A_67, %dma_wait3A_76] : memref<2x10240x128xf32, #tpu.memory_space<hbm>> -> memref<1x128x128xf32, #tpu.memory_space<hbm>>
      %dma_wait3A_78 = tpu.memref_squeeze %dma_wait3A_77 : memref<1x128x128xf32, #tpu.memory_space<hbm>> -> memref<128x128xf32, #tpu.memory_space<hbm>>
      tpu.wait_dma2 semaphore(%run_scoped3A : memref<!tpu.dma_semaphore, #tpu.memory_space<semaphore_mem>>) src(%arg8 : memref<128x128xf32, #tpu.memory_space<vmem>>) dst(%dma_wait3A_78 : memref<128x128xf32, #tpu.memory_space<hbm>>)
      tpu.yield
    }) : () -> ()
    return
  }
}

#map = affine_map<(d0, d1) -> (0, 0, 0)>
#map1 = affine_map<(d0, d1) -> (0)>
module attributes {stable_mosaic.version = 14 : i64} {
  func.func @deg_kernel(%arg0: i32, %arg1: i32, %arg2: memref<32x80x128xi32, #tpu.memory_space<hbm>>, %arg3: memref<10240xf32, #tpu.memory_space<hbm>>, %arg4: memref<10240xf32, #tpu.memory_space<hbm>>, %arg5: memref<80x128xi32, #tpu.memory_space<vmem>>, %arg6: memref<128xf32, #tpu.memory_space<vmem>>, %arg7: memref<128xf32, #tpu.memory_space<vmem>>, %arg8: memref<10240xf32, #tpu.memory_space<vmem_shared>>) attributes {dimension_semantics = [#tpu.dimension_semantics<core_parallel>, #tpu.dimension_semantics<subcore_parallel>], iteration_bounds = array<i64: 2, 16>, scalar_prefetch = 0 : i64, scratch_operands = 4 : i64, tpu.core_type = #tpu.core_type<sc_vector_subcore>, window_params = [{transform_indices = #map}, {transform_indices = #map1}, {transform_indices = #map1}]} {
    %mul3A = arith.constant 2 : i32
    %mul3A_0 = arith.muli %arg1, %mul3A : i32
    %add3A = arith.addi %mul3A_0, %arg0 : i32
    %broadcast_in_dim3A = arith.constant 1.000000e+00 : f32
    %broadcast_in_dim3A_1 = vector.broadcast %broadcast_in_dim3A : f32 to vector<16xf32>
    %swap3A = arith.constant 0 : index
    %swap3A_2 = tpu.vector_load %arg6[%swap3A] {strides = array<i32>} : memref<128xf32, #tpu.memory_space<vmem>>, vector<16xf32>,
    %swap3A_3 = vector.shape_cast %swap3A_2 : vector<16xf32> to vector<16xf32>
    %swap3A_4 = vector.shape_cast %broadcast_in_dim3A_1 : vector<16xf32> to vector<16xf32>
    tpu.vector_store %arg6[%swap3A], %swap3A_4 {strides = array<i32>} : memref<128xf32, #tpu.memory_space<vmem>>, vector<16xf32>,
    %broadcast_in_dim3A_5 = arith.constant 0.000000e+00 : f32
    %broadcast_in_dim3A_6 = vector.broadcast %broadcast_in_dim3A_5 : f32 to vector<16xf32>
    %swap3A_7 = arith.constant 0 : index
    %swap3A_8 = tpu.vector_load %arg7[%swap3A_7] {strides = array<i32>} : memref<128xf32, #tpu.memory_space<vmem>>, vector<16xf32>,
    %swap3A_9 = vector.shape_cast %swap3A_8 : vector<16xf32> to vector<16xf32>
    %swap3A_10 = vector.shape_cast %broadcast_in_dim3A_6 : vector<16xf32> to vector<16xf32>
    tpu.vector_store %arg7[%swap3A_7], %swap3A_10 {strides = array<i32>} : memref<128xf32, #tpu.memory_space<vmem>>, vector<16xf32>,
    %broadcast_in_dim3A_11 = arith.constant 1.000000e+00 : f32
    %broadcast_in_dim3A_12 = vector.broadcast %broadcast_in_dim3A_11 : f32 to vector<16xf32>
    %swap3A_13 = arith.constant 16 : index
    %swap3A_14 = tpu.vector_load %arg6[%swap3A_13] {strides = array<i32>} : memref<128xf32, #tpu.memory_space<vmem>>, vector<16xf32>,
    %swap3A_15 = vector.shape_cast %swap3A_14 : vector<16xf32> to vector<16xf32>
    %swap3A_16 = vector.shape_cast %broadcast_in_dim3A_12 : vector<16xf32> to vector<16xf32>
    tpu.vector_store %arg6[%swap3A_13], %swap3A_16 {strides = array<i32>} : memref<128xf32, #tpu.memory_space<vmem>>, vector<16xf32>,
    %broadcast_in_dim3A_17 = arith.constant 0.000000e+00 : f32
    %broadcast_in_dim3A_18 = vector.broadcast %broadcast_in_dim3A_17 : f32 to vector<16xf32>
    %swap3A_19 = arith.constant 16 : index
    %swap3A_20 = tpu.vector_load %arg7[%swap3A_19] {strides = array<i32>} : memref<128xf32, #tpu.memory_space<vmem>>, vector<16xf32>,
    %swap3A_21 = vector.shape_cast %swap3A_20 : vector<16xf32> to vector<16xf32>
    %swap3A_22 = vector.shape_cast %broadcast_in_dim3A_18 : vector<16xf32> to vector<16xf32>
    tpu.vector_store %arg7[%swap3A_19], %swap3A_22 {strides = array<i32>} : memref<128xf32, #tpu.memory_space<vmem>>, vector<16xf32>,
    %broadcast_in_dim3A_23 = arith.constant 1.000000e+00 : f32
    %broadcast_in_dim3A_24 = vector.broadcast %broadcast_in_dim3A_23 : f32 to vector<16xf32>
    %swap3A_25 = arith.constant 32 : index
    %swap3A_26 = tpu.vector_load %arg6[%swap3A_25] {strides = array<i32>} : memref<128xf32, #tpu.memory_space<vmem>>, vector<16xf32>,
    %swap3A_27 = vector.shape_cast %swap3A_26 : vector<16xf32> to vector<16xf32>
    %swap3A_28 = vector.shape_cast %broadcast_in_dim3A_24 : vector<16xf32> to vector<16xf32>
    tpu.vector_store %arg6[%swap3A_25], %swap3A_28 {strides = array<i32>} : memref<128xf32, #tpu.memory_space<vmem>>, vector<16xf32>,
    %broadcast_in_dim3A_29 = arith.constant 0.000000e+00 : f32
    %broadcast_in_dim3A_30 = vector.broadcast %broadcast_in_dim3A_29 : f32 to vector<16xf32>
    %swap3A_31 = arith.constant 32 : index
    %swap3A_32 = tpu.vector_load %arg7[%swap3A_31] {strides = array<i32>} : memref<128xf32, #tpu.memory_space<vmem>>, vector<16xf32>,
    %swap3A_33 = vector.shape_cast %swap3A_32 : vector<16xf32> to vector<16xf32>
    %swap3A_34 = vector.shape_cast %broadcast_in_dim3A_30 : vector<16xf32> to vector<16xf32>
    tpu.vector_store %arg7[%swap3A_31], %swap3A_34 {strides = array<i32>} : memref<128xf32, #tpu.memory_space<vmem>>, vector<16xf32>,
    %broadcast_in_dim3A_35 = arith.constant 1.000000e+00 : f32
    %broadcast_in_dim3A_36 = vector.broadcast %broadcast_in_dim3A_35 : f32 to vector<16xf32>
    %swap3A_37 = arith.constant 48 : index
    %swap3A_38 = tpu.vector_load %arg6[%swap3A_37] {strides = array<i32>} : memref<128xf32, #tpu.memory_space<vmem>>, vector<16xf32>,
    %swap3A_39 = vector.shape_cast %swap3A_38 : vector<16xf32> to vector<16xf32>
    %swap3A_40 = vector.shape_cast %broadcast_in_dim3A_36 : vector<16xf32> to vector<16xf32>
    tpu.vector_store %arg6[%swap3A_37], %swap3A_40 {strides = array<i32>} : memref<128xf32, #tpu.memory_space<vmem>>, vector<16xf32>,
    %broadcast_in_dim3A_41 = arith.constant 0.000000e+00 : f32
    %broadcast_in_dim3A_42 = vector.broadcast %broadcast_in_dim3A_41 : f32 to vector<16xf32>
    %swap3A_43 = arith.constant 48 : index
    %swap3A_44 = tpu.vector_load %arg7[%swap3A_43] {strides = array<i32>} : memref<128xf32, #tpu.memory_space<vmem>>, vector<16xf32>,
    %swap3A_45 = vector.shape_cast %swap3A_44 : vector<16xf32> to vector<16xf32>
    %swap3A_46 = vector.shape_cast %broadcast_in_dim3A_42 : vector<16xf32> to vector<16xf32>
    tpu.vector_store %arg7[%swap3A_43], %swap3A_46 {strides = array<i32>} : memref<128xf32, #tpu.memory_space<vmem>>, vector<16xf32>,
    %broadcast_in_dim3A_47 = arith.constant 1.000000e+00 : f32
    %broadcast_in_dim3A_48 = vector.broadcast %broadcast_in_dim3A_47 : f32 to vector<16xf32>
    %swap3A_49 = arith.constant 64 : index
    %swap3A_50 = tpu.vector_load %arg6[%swap3A_49] {strides = array<i32>} : memref<128xf32, #tpu.memory_space<vmem>>, vector<16xf32>,
    %swap3A_51 = vector.shape_cast %swap3A_50 : vector<16xf32> to vector<16xf32>
    %swap3A_52 = vector.shape_cast %broadcast_in_dim3A_48 : vector<16xf32> to vector<16xf32>
    tpu.vector_store %arg6[%swap3A_49], %swap3A_52 {strides = array<i32>} : memref<128xf32, #tpu.memory_space<vmem>>, vector<16xf32>,
    %broadcast_in_dim3A_53 = arith.constant 0.000000e+00 : f32
    %broadcast_in_dim3A_54 = vector.broadcast %broadcast_in_dim3A_53 : f32 to vector<16xf32>
    %swap3A_55 = arith.constant 64 : index
    %swap3A_56 = tpu.vector_load %arg7[%swap3A_55] {strides = array<i32>} : memref<128xf32, #tpu.memory_space<vmem>>, vector<16xf32>,
    %swap3A_57 = vector.shape_cast %swap3A_56 : vector<16xf32> to vector<16xf32>
    %swap3A_58 = vector.shape_cast %broadcast_in_dim3A_54 : vector<16xf32> to vector<16xf32>
    tpu.vector_store %arg7[%swap3A_55], %swap3A_58 {strides = array<i32>} : memref<128xf32, #tpu.memory_space<vmem>>, vector<16xf32>,
    %broadcast_in_dim3A_59 = arith.constant 1.000000e+00 : f32
    %broadcast_in_dim3A_60 = vector.broadcast %broadcast_in_dim3A_59 : f32 to vector<16xf32>
    %swap3A_61 = arith.constant 80 : index
    %swap3A_62 = tpu.vector_load %arg6[%swap3A_61] {strides = array<i32>} : memref<128xf32, #tpu.memory_space<vmem>>, vector<16xf32>,
    %swap3A_63 = vector.shape_cast %swap3A_62 : vector<16xf32> to vector<16xf32>
    %swap3A_64 = vector.shape_cast %broadcast_in_dim3A_60 : vector<16xf32> to vector<16xf32>
    tpu.vector_store %arg6[%swap3A_61], %swap3A_64 {strides = array<i32>} : memref<128xf32, #tpu.memory_space<vmem>>, vector<16xf32>,
    %broadcast_in_dim3A_65 = arith.constant 0.000000e+00 : f32
    %broadcast_in_dim3A_66 = vector.broadcast %broadcast_in_dim3A_65 : f32 to vector<16xf32>
    %swap3A_67 = arith.constant 80 : index
    %swap3A_68 = tpu.vector_load %arg7[%swap3A_67] {strides = array<i32>} : memref<128xf32, #tpu.memory_space<vmem>>, vector<16xf32>,
    %swap3A_69 = vector.shape_cast %swap3A_68 : vector<16xf32> to vector<16xf32>
    %swap3A_70 = vector.shape_cast %broadcast_in_dim3A_66 : vector<16xf32> to vector<16xf32>
    tpu.vector_store %arg7[%swap3A_67], %swap3A_70 {strides = array<i32>} : memref<128xf32, #tpu.memory_space<vmem>>, vector<16xf32>,
    %broadcast_in_dim3A_71 = arith.constant 1.000000e+00 : f32
    %broadcast_in_dim3A_72 = vector.broadcast %broadcast_in_dim3A_71 : f32 to vector<16xf32>
    %swap3A_73 = arith.constant 96 : index
    %swap3A_74 = tpu.vector_load %arg6[%swap3A_73] {strides = array<i32>} : memref<128xf32, #tpu.memory_space<vmem>>, vector<16xf32>,
    %swap3A_75 = vector.shape_cast %swap3A_74 : vector<16xf32> to vector<16xf32>
    %swap3A_76 = vector.shape_cast %broadcast_in_dim3A_72 : vector<16xf32> to vector<16xf32>
    tpu.vector_store %arg6[%swap3A_73], %swap3A_76 {strides = array<i32>} : memref<128xf32, #tpu.memory_space<vmem>>, vector<16xf32>,
    %broadcast_in_dim3A_77 = arith.constant 0.000000e+00 : f32
    %broadcast_in_dim3A_78 = vector.broadcast %broadcast_in_dim3A_77 : f32 to vector<16xf32>
    %swap3A_79 = arith.constant 96 : index
    %swap3A_80 = tpu.vector_load %arg7[%swap3A_79] {strides = array<i32>} : memref<128xf32, #tpu.memory_space<vmem>>, vector<16xf32>,
    %swap3A_81 = vector.shape_cast %swap3A_80 : vector<16xf32> to vector<16xf32>
    %swap3A_82 = vector.shape_cast %broadcast_in_dim3A_78 : vector<16xf32> to vector<16xf32>
    tpu.vector_store %arg7[%swap3A_79], %swap3A_82 {strides = array<i32>} : memref<128xf32, #tpu.memory_space<vmem>>, vector<16xf32>,
    %broadcast_in_dim3A_83 = arith.constant 1.000000e+00 : f32
    %broadcast_in_dim3A_84 = vector.broadcast %broadcast_in_dim3A_83 : f32 to vector<16xf32>
    %swap3A_85 = arith.constant 112 : index
    %swap3A_86 = tpu.vector_load %arg6[%swap3A_85] {strides = array<i32>} : memref<128xf32, #tpu.memory_space<vmem>>, vector<16xf32>,
    %swap3A_87 = vector.shape_cast %swap3A_86 : vector<16xf32> to vector<16xf32>
    %swap3A_88 = vector.shape_cast %broadcast_in_dim3A_84 : vector<16xf32> to vector<16xf32>
    tpu.vector_store %arg6[%swap3A_85], %swap3A_88 {strides = array<i32>} : memref<128xf32, #tpu.memory_space<vmem>>, vector<16xf32>,
    %broadcast_in_dim3A_89 = arith.constant 0.000000e+00 : f32
    %broadcast_in_dim3A_90 = vector.broadcast %broadcast_in_dim3A_89 : f32 to vector<16xf32>
    %swap3A_91 = arith.constant 112 : index
    %swap3A_92 = tpu.vector_load %arg7[%swap3A_91] {strides = array<i32>} : memref<128xf32, #tpu.memory_space<vmem>>, vector<16xf32>,
    %swap3A_93 = vector.shape_cast %swap3A_92 : vector<16xf32> to vector<16xf32>
    %swap3A_94 = vector.shape_cast %broadcast_in_dim3A_90 : vector<16xf32> to vector<16xf32>
    tpu.vector_store %arg7[%swap3A_91], %swap3A_94 {strides = array<i32>} : memref<128xf32, #tpu.memory_space<vmem>>, vector<16xf32>,
    %mul3A_95 = arith.constant 640 : i32
    %mul3A_96 = arith.muli %arg1, %mul3A_95 : i32
    %add3A_97 = arith.constant 0 : i32
    %add3A_98 = arith.addi %mul3A_96, %add3A_97 : i32
    "tpu.region"() ({
      %run_scoped3A = tpu.sem_alloc : memref<!tpu.dma_semaphore, #tpu.memory_space<semaphore_mem>>
      %dma_start3A = tpu.memref_slice %arg8[%add3A_98] : memref<10240xf32, #tpu.memory_space<vmem_shared>> -> memref<128xf32, #tpu.memory_space<vmem_shared>>
      %dma_start3A_188 = tpu.memref_slice %arg8[%add3A_98] : memref<10240xf32, #tpu.memory_space<vmem_shared>> -> memref<128xf32, #tpu.memory_space<vmem_shared>>
      tpu.enqueue_dma source(%arg7 : memref<128xf32, #tpu.memory_space<vmem>>) target(%dma_start3A_188 : memref<128xf32, #tpu.memory_space<vmem_shared>>) target_semaphore(%run_scoped3A : memref<!tpu.dma_semaphore, #tpu.memory_space<semaphore_mem>>)
      %dma_wait3A = tpu.memref_slice %arg8[%add3A_98] : memref<10240xf32, #tpu.memory_space<vmem_shared>> -> memref<128xf32, #tpu.memory_space<vmem_shared>>
      %dma_wait3A_189 = tpu.memref_slice %arg8[%add3A_98] : memref<10240xf32, #tpu.memory_space<vmem_shared>> -> memref<128xf32, #tpu.memory_space<vmem_shared>>
      tpu.wait_dma2 semaphore(%run_scoped3A : memref<!tpu.dma_semaphore, #tpu.memory_space<semaphore_mem>>) src(%arg7 : memref<128xf32, #tpu.memory_space<vmem>>) dst(%dma_wait3A_189 : memref<128xf32, #tpu.memory_space<vmem_shared>>)
      tpu.yield
    }) : () -> ()
    %mul3A_99 = arith.constant 640 : i32
    %mul3A_100 = arith.muli %arg1, %mul3A_99 : i32
    %add3A_101 = arith.constant 128 : i32
    %add3A_102 = arith.addi %mul3A_100, %add3A_101 : i32
    "tpu.region"() ({
      %run_scoped3A = tpu.sem_alloc : memref<!tpu.dma_semaphore, #tpu.memory_space<semaphore_mem>>
      %dma_start3A = tpu.memref_slice %arg8[%add3A_102] : memref<10240xf32, #tpu.memory_space<vmem_shared>> -> memref<128xf32, #tpu.memory_space<vmem_shared>>
      %dma_start3A_188 = tpu.memref_slice %arg8[%add3A_102] : memref<10240xf32, #tpu.memory_space<vmem_shared>> -> memref<128xf32, #tpu.memory_space<vmem_shared>>
      tpu.enqueue_dma source(%arg7 : memref<128xf32, #tpu.memory_space<vmem>>) target(%dma_start3A_188 : memref<128xf32, #tpu.memory_space<vmem_shared>>) target_semaphore(%run_scoped3A : memref<!tpu.dma_semaphore, #tpu.memory_space<semaphore_mem>>)
      %dma_wait3A = tpu.memref_slice %arg8[%add3A_102] : memref<10240xf32, #tpu.memory_space<vmem_shared>> -> memref<128xf32, #tpu.memory_space<vmem_shared>>
      %dma_wait3A_189 = tpu.memref_slice %arg8[%add3A_102] : memref<10240xf32, #tpu.memory_space<vmem_shared>> -> memref<128xf32, #tpu.memory_space<vmem_shared>>
      tpu.wait_dma2 semaphore(%run_scoped3A : memref<!tpu.dma_semaphore, #tpu.memory_space<semaphore_mem>>) src(%arg7 : memref<128xf32, #tpu.memory_space<vmem>>) dst(%dma_wait3A_189 : memref<128xf32, #tpu.memory_space<vmem_shared>>)
      tpu.yield
    }) : () -> ()
    %mul3A_103 = arith.constant 640 : i32
    %mul3A_104 = arith.muli %arg1, %mul3A_103 : i32
    %add3A_105 = arith.constant 256 : i32
    %add3A_106 = arith.addi %mul3A_104, %add3A_105 : i32
    "tpu.region"() ({
      %run_scoped3A = tpu.sem_alloc : memref<!tpu.dma_semaphore, #tpu.memory_space<semaphore_mem>>
      %dma_start3A = tpu.memref_slice %arg8[%add3A_106] : memref<10240xf32, #tpu.memory_space<vmem_shared>> -> memref<128xf32, #tpu.memory_space<vmem_shared>>
      %dma_start3A_188 = tpu.memref_slice %arg8[%add3A_106] : memref<10240xf32, #tpu.memory_space<vmem_shared>> -> memref<128xf32, #tpu.memory_space<vmem_shared>>
      tpu.enqueue_dma source(%arg7 : memref<128xf32, #tpu.memory_space<vmem>>) target(%dma_start3A_188 : memref<128xf32, #tpu.memory_space<vmem_shared>>) target_semaphore(%run_scoped3A : memref<!tpu.dma_semaphore, #tpu.memory_space<semaphore_mem>>)
      %dma_wait3A = tpu.memref_slice %arg8[%add3A_106] : memref<10240xf32, #tpu.memory_space<vmem_shared>> -> memref<128xf32, #tpu.memory_space<vmem_shared>>
      %dma_wait3A_189 = tpu.memref_slice %arg8[%add3A_106] : memref<10240xf32, #tpu.memory_space<vmem_shared>> -> memref<128xf32, #tpu.memory_space<vmem_shared>>
      tpu.wait_dma2 semaphore(%run_scoped3A : memref<!tpu.dma_semaphore, #tpu.memory_space<semaphore_mem>>) src(%arg7 : memref<128xf32, #tpu.memory_space<vmem>>) dst(%dma_wait3A_189 : memref<128xf32, #tpu.memory_space<vmem_shared>>)
      tpu.yield
    }) : () -> ()
    %mul3A_107 = arith.constant 640 : i32
    %mul3A_108 = arith.muli %arg1, %mul3A_107 : i32
    %add3A_109 = arith.constant 384 : i32
    %add3A_110 = arith.addi %mul3A_108, %add3A_109 : i32
    "tpu.region"() ({
      %run_scoped3A = tpu.sem_alloc : memref<!tpu.dma_semaphore, #tpu.memory_space<semaphore_mem>>
      %dma_start3A = tpu.memref_slice %arg8[%add3A_110] : memref<10240xf32, #tpu.memory_space<vmem_shared>> -> memref<128xf32, #tpu.memory_space<vmem_shared>>
      %dma_start3A_188 = tpu.memref_slice %arg8[%add3A_110] : memref<10240xf32, #tpu.memory_space<vmem_shared>> -> memref<128xf32, #tpu.memory_space<vmem_shared>>
      tpu.enqueue_dma source(%arg7 : memref<128xf32, #tpu.memory_space<vmem>>) target(%dma_start3A_188 : memref<128xf32, #tpu.memory_space<vmem_shared>>) target_semaphore(%run_scoped3A : memref<!tpu.dma_semaphore, #tpu.memory_space<semaphore_mem>>)
      %dma_wait3A = tpu.memref_slice %arg8[%add3A_110] : memref<10240xf32, #tpu.memory_space<vmem_shared>> -> memref<128xf32, #tpu.memory_space<vmem_shared>>
      %dma_wait3A_189 = tpu.memref_slice %arg8[%add3A_110] : memref<10240xf32, #tpu.memory_space<vmem_shared>> -> memref<128xf32, #tpu.memory_space<vmem_shared>>
      tpu.wait_dma2 semaphore(%run_scoped3A : memref<!tpu.dma_semaphore, #tpu.memory_space<semaphore_mem>>) src(%arg7 : memref<128xf32, #tpu.memory_space<vmem>>) dst(%dma_wait3A_189 : memref<128xf32, #tpu.memory_space<vmem_shared>>)
      tpu.yield
    }) : () -> ()
    %mul3A_111 = arith.constant 640 : i32
    %mul3A_112 = arith.muli %arg1, %mul3A_111 : i32
    %add3A_113 = arith.constant 512 : i32
    %add3A_114 = arith.addi %mul3A_112, %add3A_113 : i32
    "tpu.region"() ({
      %run_scoped3A = tpu.sem_alloc : memref<!tpu.dma_semaphore, #tpu.memory_space<semaphore_mem>>
      %dma_start3A = tpu.memref_slice %arg8[%add3A_114] : memref<10240xf32, #tpu.memory_space<vmem_shared>> -> memref<128xf32, #tpu.memory_space<vmem_shared>>
      %dma_start3A_188 = tpu.memref_slice %arg8[%add3A_114] : memref<10240xf32, #tpu.memory_space<vmem_shared>> -> memref<128xf32, #tpu.memory_space<vmem_shared>>
      tpu.enqueue_dma source(%arg7 : memref<128xf32, #tpu.memory_space<vmem>>) target(%dma_start3A_188 : memref<128xf32, #tpu.memory_space<vmem_shared>>) target_semaphore(%run_scoped3A : memref<!tpu.dma_semaphore, #tpu.memory_space<semaphore_mem>>)
      %dma_wait3A = tpu.memref_slice %arg8[%add3A_114] : memref<10240xf32, #tpu.memory_space<vmem_shared>> -> memref<128xf32, #tpu.memory_space<vmem_shared>>
      %dma_wait3A_189 = tpu.memref_slice %arg8[%add3A_114] : memref<10240xf32, #tpu.memory_space<vmem_shared>> -> memref<128xf32, #tpu.memory_space<vmem_shared>>
      tpu.wait_dma2 semaphore(%run_scoped3A : memref<!tpu.dma_semaphore, #tpu.memory_space<semaphore_mem>>) src(%arg7 : memref<128xf32, #tpu.memory_space<vmem>>) dst(%dma_wait3A_189 : memref<128xf32, #tpu.memory_space<vmem_shared>>)
      tpu.yield
    }) : () -> ()
    %barrier3A = arith.constant 0 : index
    tpu.barrier barrier_id(%barrier3A)
    "tpu.region"() ({
      %run_scoped3A = tpu.sem_alloc : memref<!tpu.dma_semaphore, #tpu.memory_space<semaphore_mem>>
      %dma_start3A = arith.constant 0 : i32
      %dma_start3A_188 = arith.constant 0 : i32
      %dma_start3A_189 = tpu.memref_slice %arg2[%add3A, %dma_start3A, %dma_start3A_188] : memref<32x80x128xi32, #tpu.memory_space<hbm>> -> memref<1x80x128xi32, #tpu.memory_space<hbm>>
      %dma_start3A_190 = tpu.memref_squeeze %dma_start3A_189 : memref<1x80x128xi32, #tpu.memory_space<hbm>> -> memref<80x128xi32, #tpu.memory_space<hbm>>
      %dma_start3A_191 = arith.constant 0 : i32
      %dma_start3A_192 = arith.constant 0 : i32
      %dma_start3A_193 = tpu.memref_slice %arg2[%add3A, %dma_start3A_191, %dma_start3A_192] : memref<32x80x128xi32, #tpu.memory_space<hbm>> -> memref<1x80x128xi32, #tpu.memory_space<hbm>>
      %dma_start3A_194 = tpu.memref_squeeze %dma_start3A_193 : memref<1x80x128xi32, #tpu.memory_space<hbm>> -> memref<80x128xi32, #tpu.memory_space<hbm>>
      tpu.enqueue_dma source(%dma_start3A_194 : memref<80x128xi32, #tpu.memory_space<hbm>>) target(%arg5 : memref<80x128xi32, #tpu.memory_space<vmem>>) target_semaphore(%run_scoped3A : memref<!tpu.dma_semaphore, #tpu.memory_space<semaphore_mem>>)
      %dma_wait3A = arith.constant 0 : i32
      %dma_wait3A_195 = arith.constant 0 : i32
      %dma_wait3A_196 = tpu.memref_slice %arg2[%add3A, %dma_wait3A, %dma_wait3A_195] : memref<32x80x128xi32, #tpu.memory_space<hbm>> -> memref<1x80x128xi32, #tpu.memory_space<hbm>>
      %dma_wait3A_197 = tpu.memref_squeeze %dma_wait3A_196 : memref<1x80x128xi32, #tpu.memory_space<hbm>> -> memref<80x128xi32, #tpu.memory_space<hbm>>
      %dma_wait3A_198 = arith.constant 0 : i32
      %dma_wait3A_199 = arith.constant 0 : i32
      %dma_wait3A_200 = tpu.memref_slice %arg2[%add3A, %dma_wait3A_198, %dma_wait3A_199] : memref<32x80x128xi32, #tpu.memory_space<hbm>> -> memref<1x80x128xi32, #tpu.memory_space<hbm>>
      %dma_wait3A_201 = tpu.memref_squeeze %dma_wait3A_200 : memref<1x80x128xi32, #tpu.memory_space<hbm>> -> memref<80x128xi32, #tpu.memory_space<hbm>>
      tpu.wait_dma2 semaphore(%run_scoped3A : memref<!tpu.dma_semaphore, #tpu.memory_space<semaphore_mem>>) src(%dma_wait3A_201 : memref<80x128xi32, #tpu.memory_space<hbm>>) dst(%arg5 : memref<80x128xi32, #tpu.memory_space<vmem>>)
      tpu.yield
    }) : () -> ()
    %scan3A = arith.constant 0 : i32
    %scan3A_115 = arith.constant 0 : i32
    %scan3A_116 = arith.constant 80 : i32
    %scan3A_117 = arith.addi %scan3A_115, %scan3A_116 : i32
    %scan3A_118 = arith.constant 1 : i32
    scf.for %scan3A_188 = %scan3A_115 to %scan3A_117 step %scan3A_118  : i32 {
      "tpu.region"() ({
        %run_scoped3A = tpu.sem_alloc : memref<!tpu.dma_semaphore, #tpu.memory_space<semaphore_mem>>
        %dma_start3A = arith.constant 0 : i32
        %dma_start3A_189 = tpu.memref_slice %arg5[%scan3A_188, %dma_start3A] : memref<80x128xi32, #tpu.memory_space<vmem>> -> memref<1x128xi32, #tpu.memory_space<vmem>>
        %dma_start3A_190 = tpu.memref_squeeze %dma_start3A_189 : memref<1x128xi32, #tpu.memory_space<vmem>> -> memref<128xi32, #tpu.memory_space<vmem>>
        %dma_start3A_191 = arith.constant 0 : i32
        %dma_start3A_192 = tpu.memref_slice %arg8[%dma_start3A_191] : memref<10240xf32, #tpu.memory_space<vmem_shared>> -> memref<10240xf32, #tpu.memory_space<vmem_shared>>
        tpu.enqueue_indirect_dma source(%arg6 : memref<128xf32, #tpu.memory_space<vmem>>) target(%dma_start3A_192 : memref<10240xf32, #tpu.memory_space<vmem_shared>>) offsets(%dma_start3A_190 : memref<128xi32, #tpu.memory_space<vmem>>) semaphore(%run_scoped3A : memref<!tpu.dma_semaphore, #tpu.memory_space<semaphore_mem>>) {add = true}
        %dma_wait3A = arith.constant 0 : i32
        %dma_wait3A_193 = tpu.memref_slice %arg5[%scan3A_188, %dma_wait3A] : memref<80x128xi32, #tpu.memory_space<vmem>> -> memref<1x128xi32, #tpu.memory_space<vmem>>
        %dma_wait3A_194 = tpu.memref_squeeze %dma_wait3A_193 : memref<1x128xi32, #tpu.memory_space<vmem>> -> memref<128xi32, #tpu.memory_space<vmem>>
        %dma_wait3A_195 = arith.constant 0 : i32
        %dma_wait3A_196 = tpu.memref_slice %arg8[%dma_wait3A_195] : memref<10240xf32, #tpu.memory_space<vmem_shared>> -> memref<10240xf32, #tpu.memory_space<vmem_shared>>
        tpu.wait_indirect_dma semaphore(%run_scoped3A : memref<!tpu.dma_semaphore, #tpu.memory_space<semaphore_mem>>) src(%arg6 : memref<128xf32, #tpu.memory_space<vmem>>) dst(%dma_wait3A_196 : memref<10240xf32, #tpu.memory_space<vmem_shared>>)
        tpu.yield
      }) : () -> ()
    }
    %scan3A_119 = arith.constant 80 : i32
    %barrier3A_120 = arith.constant 0 : index
    tpu.barrier barrier_id(%barrier3A_120)
    %mul3A_121 = arith.constant 640 : i32
    %mul3A_122 = arith.muli %arg1, %mul3A_121 : i32
    %add3A_123 = arith.constant 0 : i32
    %add3A_124 = arith.addi %mul3A_122, %add3A_123 : i32
    "tpu.region"() ({
      %run_scoped3A = tpu.sem_alloc : memref<!tpu.dma_semaphore, #tpu.memory_space<semaphore_mem>>
      %dma_start3A = tpu.memref_slice %arg8[%add3A_124] : memref<10240xf32, #tpu.memory_space<vmem_shared>> -> memref<128xf32, #tpu.memory_space<vmem_shared>>
      %dma_start3A_188 = tpu.memref_slice %arg8[%add3A_124] : memref<10240xf32, #tpu.memory_space<vmem_shared>> -> memref<128xf32, #tpu.memory_space<vmem_shared>>
      tpu.enqueue_dma source(%dma_start3A_188 : memref<128xf32, #tpu.memory_space<vmem_shared>>) target(%arg7 : memref<128xf32, #tpu.memory_space<vmem>>) target_semaphore(%run_scoped3A : memref<!tpu.dma_semaphore, #tpu.memory_space<semaphore_mem>>)
      %dma_wait3A = tpu.memref_slice %arg8[%add3A_124] : memref<10240xf32, #tpu.memory_space<vmem_shared>> -> memref<128xf32, #tpu.memory_space<vmem_shared>>
      %dma_wait3A_189 = tpu.memref_slice %arg8[%add3A_124] : memref<10240xf32, #tpu.memory_space<vmem_shared>> -> memref<128xf32, #tpu.memory_space<vmem_shared>>
      tpu.wait_dma2 semaphore(%run_scoped3A : memref<!tpu.dma_semaphore, #tpu.memory_space<semaphore_mem>>) src(%dma_wait3A_189 : memref<128xf32, #tpu.memory_space<vmem_shared>>) dst(%arg7 : memref<128xf32, #tpu.memory_space<vmem>>)
      tpu.yield
    }) : () -> ()
    %eq3A = arith.constant 0 : i32
    %eq3A_125 = arith.cmpi eq, %arg0, %eq3A : i32
    %convert_element_type3A = arith.extui %eq3A_125 : i1 to i32
    %cond3A = arith.constant 0 : i32
    %cond3A_126 = arith.cmpi ne, %convert_element_type3A, %cond3A : i32
    scf.if %cond3A_126 {
      "tpu.region"() ({
        %run_scoped3A = tpu.sem_alloc : memref<!tpu.dma_semaphore, #tpu.memory_space<semaphore_mem>>
        %dma_start3A = tpu.memref_slice %arg3[%add3A_124] : memref<10240xf32, #tpu.memory_space<hbm>> -> memref<128xf32, #tpu.memory_space<hbm>>
        %dma_start3A_188 = tpu.memref_slice %arg3[%add3A_124] : memref<10240xf32, #tpu.memory_space<hbm>> -> memref<128xf32, #tpu.memory_space<hbm>>
        tpu.enqueue_dma source(%arg7 : memref<128xf32, #tpu.memory_space<vmem>>) target(%dma_start3A_188 : memref<128xf32, #tpu.memory_space<hbm>>) target_semaphore(%run_scoped3A : memref<!tpu.dma_semaphore, #tpu.memory_space<semaphore_mem>>)
        %dma_wait3A = tpu.memref_slice %arg3[%add3A_124] : memref<10240xf32, #tpu.memory_space<hbm>> -> memref<128xf32, #tpu.memory_space<hbm>>
        %dma_wait3A_189 = tpu.memref_slice %arg3[%add3A_124] : memref<10240xf32, #tpu.memory_space<hbm>> -> memref<128xf32, #tpu.memory_space<hbm>>
        tpu.wait_dma2 semaphore(%run_scoped3A : memref<!tpu.dma_semaphore, #tpu.memory_space<semaphore_mem>>) src(%arg7 : memref<128xf32, #tpu.memory_space<vmem>>) dst(%dma_wait3A_189 : memref<128xf32, #tpu.memory_space<hbm>>)
        tpu.yield
      }) : () -> ()
    } else {
    }
    %eq3A_127 = arith.constant 1 : i32
    %eq3A_128 = arith.cmpi eq, %arg0, %eq3A_127 : i32
    %convert_element_type3A_129 = arith.extui %eq3A_128 : i1 to i32
    %cond3A_130 = arith.constant 0 : i32
    %cond3A_131 = arith.cmpi ne, %convert_element_type3A_129, %cond3A_130 : i32
    scf.if %cond3A_131 {
      "tpu.region"() ({
        %run_scoped3A = tpu.sem_alloc : memref<!tpu.dma_semaphore, #tpu.memory_space<semaphore_mem>>
        %dma_start3A = tpu.memref_slice %arg4[%add3A_124] : memref<10240xf32, #tpu.memory_space<hbm>> -> memref<128xf32, #tpu.memory_space<hbm>>
        %dma_start3A_188 = tpu.memref_slice %arg4[%add3A_124] : memref<10240xf32, #tpu.memory_space<hbm>> -> memref<128xf32, #tpu.memory_space<hbm>>
        tpu.enqueue_dma source(%arg7 : memref<128xf32, #tpu.memory_space<vmem>>) target(%dma_start3A_188 : memref<128xf32, #tpu.memory_space<hbm>>) target_semaphore(%run_scoped3A : memref<!tpu.dma_semaphore, #tpu.memory_space<semaphore_mem>>)
        %dma_wait3A = tpu.memref_slice %arg4[%add3A_124] : memref<10240xf32, #tpu.memory_space<hbm>> -> memref<128xf32, #tpu.memory_space<hbm>>
        %dma_wait3A_189 = tpu.memref_slice %arg4[%add3A_124] : memref<10240xf32, #tpu.memory_space<hbm>> -> memref<128xf32, #tpu.memory_space<hbm>>
        tpu.wait_dma2 semaphore(%run_scoped3A : memref<!tpu.dma_semaphore, #tpu.memory_space<semaphore_mem>>) src(%arg7 : memref<128xf32, #tpu.memory_space<vmem>>) dst(%dma_wait3A_189 : memref<128xf32, #tpu.memory_space<hbm>>)
        tpu.yield
      }) : () -> ()
    } else {
    }
    %mul3A_132 = arith.constant 640 : i32
    %mul3A_133 = arith.muli %arg1, %mul3A_132 : i32
    %add3A_134 = arith.constant 128 : i32
    %add3A_135 = arith.addi %mul3A_133, %add3A_134 : i32
    "tpu.region"() ({
      %run_scoped3A = tpu.sem_alloc : memref<!tpu.dma_semaphore, #tpu.memory_space<semaphore_mem>>
      %dma_start3A = tpu.memref_slice %arg8[%add3A_135] : memref<10240xf32, #tpu.memory_space<vmem_shared>> -> memref<128xf32, #tpu.memory_space<vmem_shared>>
      %dma_start3A_188 = tpu.memref_slice %arg8[%add3A_135] : memref<10240xf32, #tpu.memory_space<vmem_shared>> -> memref<128xf32, #tpu.memory_space<vmem_shared>>
      tpu.enqueue_dma source(%dma_start3A_188 : memref<128xf32, #tpu.memory_space<vmem_shared>>) target(%arg7 : memref<128xf32, #tpu.memory_space<vmem>>) target_semaphore(%run_scoped3A : memref<!tpu.dma_semaphore, #tpu.memory_space<semaphore_mem>>)
      %dma_wait3A = tpu.memref_slice %arg8[%add3A_135] : memref<10240xf32, #tpu.memory_space<vmem_shared>> -> memref<128xf32, #tpu.memory_space<vmem_shared>>
      %dma_wait3A_189 = tpu.memref_slice %arg8[%add3A_135] : memref<10240xf32, #tpu.memory_space<vmem_shared>> -> memref<128xf32, #tpu.memory_space<vmem_shared>>
      tpu.wait_dma2 semaphore(%run_scoped3A : memref<!tpu.dma_semaphore, #tpu.memory_space<semaphore_mem>>) src(%dma_wait3A_189 : memref<128xf32, #tpu.memory_space<vmem_shared>>) dst(%arg7 : memref<128xf32, #tpu.memory_space<vmem>>)
      tpu.yield
    }) : () -> ()
    %eq3A_136 = arith.constant 0 : i32
    %eq3A_137 = arith.cmpi eq, %arg0, %eq3A_136 : i32
    %convert_element_type3A_138 = arith.extui %eq3A_137 : i1 to i32
    %cond3A_139 = arith.constant 0 : i32
    %cond3A_140 = arith.cmpi ne, %convert_element_type3A_138, %cond3A_139 : i32
    scf.if %cond3A_140 {
      "tpu.region"() ({
        %run_scoped3A = tpu.sem_alloc : memref<!tpu.dma_semaphore, #tpu.memory_space<semaphore_mem>>
        %dma_start3A = tpu.memref_slice %arg3[%add3A_135] : memref<10240xf32, #tpu.memory_space<hbm>> -> memref<128xf32, #tpu.memory_space<hbm>>
        %dma_start3A_188 = tpu.memref_slice %arg3[%add3A_135] : memref<10240xf32, #tpu.memory_space<hbm>> -> memref<128xf32, #tpu.memory_space<hbm>>
        tpu.enqueue_dma source(%arg7 : memref<128xf32, #tpu.memory_space<vmem>>) target(%dma_start3A_188 : memref<128xf32, #tpu.memory_space<hbm>>) target_semaphore(%run_scoped3A : memref<!tpu.dma_semaphore, #tpu.memory_space<semaphore_mem>>)
        %dma_wait3A = tpu.memref_slice %arg3[%add3A_135] : memref<10240xf32, #tpu.memory_space<hbm>> -> memref<128xf32, #tpu.memory_space<hbm>>
        %dma_wait3A_189 = tpu.memref_slice %arg3[%add3A_135] : memref<10240xf32, #tpu.memory_space<hbm>> -> memref<128xf32, #tpu.memory_space<hbm>>
        tpu.wait_dma2 semaphore(%run_scoped3A : memref<!tpu.dma_semaphore, #tpu.memory_space<semaphore_mem>>) src(%arg7 : memref<128xf32, #tpu.memory_space<vmem>>) dst(%dma_wait3A_189 : memref<128xf32, #tpu.memory_space<hbm>>)
        tpu.yield
      }) : () -> ()
    } else {
    }
    %eq3A_141 = arith.constant 1 : i32
    %eq3A_142 = arith.cmpi eq, %arg0, %eq3A_141 : i32
    %convert_element_type3A_143 = arith.extui %eq3A_142 : i1 to i32
    %cond3A_144 = arith.constant 0 : i32
    %cond3A_145 = arith.cmpi ne, %convert_element_type3A_143, %cond3A_144 : i32
    scf.if %cond3A_145 {
      "tpu.region"() ({
        %run_scoped3A = tpu.sem_alloc : memref<!tpu.dma_semaphore, #tpu.memory_space<semaphore_mem>>
        %dma_start3A = tpu.memref_slice %arg4[%add3A_135] : memref<10240xf32, #tpu.memory_space<hbm>> -> memref<128xf32, #tpu.memory_space<hbm>>
        %dma_start3A_188 = tpu.memref_slice %arg4[%add3A_135] : memref<10240xf32, #tpu.memory_space<hbm>> -> memref<128xf32, #tpu.memory_space<hbm>>
        tpu.enqueue_dma source(%arg7 : memref<128xf32, #tpu.memory_space<vmem>>) target(%dma_start3A_188 : memref<128xf32, #tpu.memory_space<hbm>>) target_semaphore(%run_scoped3A : memref<!tpu.dma_semaphore, #tpu.memory_space<semaphore_mem>>)
        %dma_wait3A = tpu.memref_slice %arg4[%add3A_135] : memref<10240xf32, #tpu.memory_space<hbm>> -> memref<128xf32, #tpu.memory_space<hbm>>
        %dma_wait3A_189 = tpu.memref_slice %arg4[%add3A_135] : memref<10240xf32, #tpu.memory_space<hbm>> -> memref<128xf32, #tpu.memory_space<hbm>>
        tpu.wait_dma2 semaphore(%run_scoped3A : memref<!tpu.dma_semaphore, #tpu.memory_space<semaphore_mem>>) src(%arg7 : memref<128xf32, #tpu.memory_space<vmem>>) dst(%dma_wait3A_189 : memref<128xf32, #tpu.memory_space<hbm>>)
        tpu.yield
      }) : () -> ()
    } else {
    }
    %mul3A_146 = arith.constant 640 : i32
    %mul3A_147 = arith.muli %arg1, %mul3A_146 : i32
    %add3A_148 = arith.constant 256 : i32
    %add3A_149 = arith.addi %mul3A_147, %add3A_148 : i32
    "tpu.region"() ({
      %run_scoped3A = tpu.sem_alloc : memref<!tpu.dma_semaphore, #tpu.memory_space<semaphore_mem>>
      %dma_start3A = tpu.memref_slice %arg8[%add3A_149] : memref<10240xf32, #tpu.memory_space<vmem_shared>> -> memref<128xf32, #tpu.memory_space<vmem_shared>>
      %dma_start3A_188 = tpu.memref_slice %arg8[%add3A_149] : memref<10240xf32, #tpu.memory_space<vmem_shared>> -> memref<128xf32, #tpu.memory_space<vmem_shared>>
      tpu.enqueue_dma source(%dma_start3A_188 : memref<128xf32, #tpu.memory_space<vmem_shared>>) target(%arg7 : memref<128xf32, #tpu.memory_space<vmem>>) target_semaphore(%run_scoped3A : memref<!tpu.dma_semaphore, #tpu.memory_space<semaphore_mem>>)
      %dma_wait3A = tpu.memref_slice %arg8[%add3A_149] : memref<10240xf32, #tpu.memory_space<vmem_shared>> -> memref<128xf32, #tpu.memory_space<vmem_shared>>
      %dma_wait3A_189 = tpu.memref_slice %arg8[%add3A_149] : memref<10240xf32, #tpu.memory_space<vmem_shared>> -> memref<128xf32, #tpu.memory_space<vmem_shared>>
      tpu.wait_dma2 semaphore(%run_scoped3A : memref<!tpu.dma_semaphore, #tpu.memory_space<semaphore_mem>>) src(%dma_wait3A_189 : memref<128xf32, #tpu.memory_space<vmem_shared>>) dst(%arg7 : memref<128xf32, #tpu.memory_space<vmem>>)
      tpu.yield
    }) : () -> ()
    %eq3A_150 = arith.constant 0 : i32
    %eq3A_151 = arith.cmpi eq, %arg0, %eq3A_150 : i32
    %convert_element_type3A_152 = arith.extui %eq3A_151 : i1 to i32
    %cond3A_153 = arith.constant 0 : i32
    %cond3A_154 = arith.cmpi ne, %convert_element_type3A_152, %cond3A_153 : i32
    scf.if %cond3A_154 {
      "tpu.region"() ({
        %run_scoped3A = tpu.sem_alloc : memref<!tpu.dma_semaphore, #tpu.memory_space<semaphore_mem>>
        %dma_start3A = tpu.memref_slice %arg3[%add3A_149] : memref<10240xf32, #tpu.memory_space<hbm>> -> memref<128xf32, #tpu.memory_space<hbm>>
        %dma_start3A_188 = tpu.memref_slice %arg3[%add3A_149] : memref<10240xf32, #tpu.memory_space<hbm>> -> memref<128xf32, #tpu.memory_space<hbm>>
        tpu.enqueue_dma source(%arg7 : memref<128xf32, #tpu.memory_space<vmem>>) target(%dma_start3A_188 : memref<128xf32, #tpu.memory_space<hbm>>) target_semaphore(%run_scoped3A : memref<!tpu.dma_semaphore, #tpu.memory_space<semaphore_mem>>)
        %dma_wait3A = tpu.memref_slice %arg3[%add3A_149] : memref<10240xf32, #tpu.memory_space<hbm>> -> memref<128xf32, #tpu.memory_space<hbm>>
        %dma_wait3A_189 = tpu.memref_slice %arg3[%add3A_149] : memref<10240xf32, #tpu.memory_space<hbm>> -> memref<128xf32, #tpu.memory_space<hbm>>
        tpu.wait_dma2 semaphore(%run_scoped3A : memref<!tpu.dma_semaphore, #tpu.memory_space<semaphore_mem>>) src(%arg7 : memref<128xf32, #tpu.memory_space<vmem>>) dst(%dma_wait3A_189 : memref<128xf32, #tpu.memory_space<hbm>>)
        tpu.yield
      }) : () -> ()
    } else {
    }
    %eq3A_155 = arith.constant 1 : i32
    %eq3A_156 = arith.cmpi eq, %arg0, %eq3A_155 : i32
    %convert_element_type3A_157 = arith.extui %eq3A_156 : i1 to i32
    %cond3A_158 = arith.constant 0 : i32
    %cond3A_159 = arith.cmpi ne, %convert_element_type3A_157, %cond3A_158 : i32
    scf.if %cond3A_159 {
      "tpu.region"() ({
        %run_scoped3A = tpu.sem_alloc : memref<!tpu.dma_semaphore, #tpu.memory_space<semaphore_mem>>
        %dma_start3A = tpu.memref_slice %arg4[%add3A_149] : memref<10240xf32, #tpu.memory_space<hbm>> -> memref<128xf32, #tpu.memory_space<hbm>>
        %dma_start3A_188 = tpu.memref_slice %arg4[%add3A_149] : memref<10240xf32, #tpu.memory_space<hbm>> -> memref<128xf32, #tpu.memory_space<hbm>>
        tpu.enqueue_dma source(%arg7 : memref<128xf32, #tpu.memory_space<vmem>>) target(%dma_start3A_188 : memref<128xf32, #tpu.memory_space<hbm>>) target_semaphore(%run_scoped3A : memref<!tpu.dma_semaphore, #tpu.memory_space<semaphore_mem>>)
        %dma_wait3A = tpu.memref_slice %arg4[%add3A_149] : memref<10240xf32, #tpu.memory_space<hbm>> -> memref<128xf32, #tpu.memory_space<hbm>>
        %dma_wait3A_189 = tpu.memref_slice %arg4[%add3A_149] : memref<10240xf32, #tpu.memory_space<hbm>> -> memref<128xf32, #tpu.memory_space<hbm>>
        tpu.wait_dma2 semaphore(%run_scoped3A : memref<!tpu.dma_semaphore, #tpu.memory_space<semaphore_mem>>) src(%arg7 : memref<128xf32, #tpu.memory_space<vmem>>) dst(%dma_wait3A_189 : memref<128xf32, #tpu.memory_space<hbm>>)
        tpu.yield
      }) : () -> ()
    } else {
    }
    %mul3A_160 = arith.constant 640 : i32
    %mul3A_161 = arith.muli %arg1, %mul3A_160 : i32
    %add3A_162 = arith.constant 384 : i32
    %add3A_163 = arith.addi %mul3A_161, %add3A_162 : i32
    "tpu.region"() ({
      %run_scoped3A = tpu.sem_alloc : memref<!tpu.dma_semaphore, #tpu.memory_space<semaphore_mem>>
      %dma_start3A = tpu.memref_slice %arg8[%add3A_163] : memref<10240xf32, #tpu.memory_space<vmem_shared>> -> memref<128xf32, #tpu.memory_space<vmem_shared>>
      %dma_start3A_188 = tpu.memref_slice %arg8[%add3A_163] : memref<10240xf32, #tpu.memory_space<vmem_shared>> -> memref<128xf32, #tpu.memory_space<vmem_shared>>
      tpu.enqueue_dma source(%dma_start3A_188 : memref<128xf32, #tpu.memory_space<vmem_shared>>) target(%arg7 : memref<128xf32, #tpu.memory_space<vmem>>) target_semaphore(%run_scoped3A : memref<!tpu.dma_semaphore, #tpu.memory_space<semaphore_mem>>)
      %dma_wait3A = tpu.memref_slice %arg8[%add3A_163] : memref<10240xf32, #tpu.memory_space<vmem_shared>> -> memref<128xf32, #tpu.memory_space<vmem_shared>>
      %dma_wait3A_189 = tpu.memref_slice %arg8[%add3A_163] : memref<10240xf32, #tpu.memory_space<vmem_shared>> -> memref<128xf32, #tpu.memory_space<vmem_shared>>
      tpu.wait_dma2 semaphore(%run_scoped3A : memref<!tpu.dma_semaphore, #tpu.memory_space<semaphore_mem>>) src(%dma_wait3A_189 : memref<128xf32, #tpu.memory_space<vmem_shared>>) dst(%arg7 : memref<128xf32, #tpu.memory_space<vmem>>)
      tpu.yield
    }) : () -> ()
    %eq3A_164 = arith.constant 0 : i32
    %eq3A_165 = arith.cmpi eq, %arg0, %eq3A_164 : i32
    %convert_element_type3A_166 = arith.extui %eq3A_165 : i1 to i32
    %cond3A_167 = arith.constant 0 : i32
    %cond3A_168 = arith.cmpi ne, %convert_element_type3A_166, %cond3A_167 : i32
    scf.if %cond3A_168 {
      "tpu.region"() ({
        %run_scoped3A = tpu.sem_alloc : memref<!tpu.dma_semaphore, #tpu.memory_space<semaphore_mem>>
        %dma_start3A = tpu.memref_slice %arg3[%add3A_163] : memref<10240xf32, #tpu.memory_space<hbm>> -> memref<128xf32, #tpu.memory_space<hbm>>
        %dma_start3A_188 = tpu.memref_slice %arg3[%add3A_163] : memref<10240xf32, #tpu.memory_space<hbm>> -> memref<128xf32, #tpu.memory_space<hbm>>
        tpu.enqueue_dma source(%arg7 : memref<128xf32, #tpu.memory_space<vmem>>) target(%dma_start3A_188 : memref<128xf32, #tpu.memory_space<hbm>>) target_semaphore(%run_scoped3A : memref<!tpu.dma_semaphore, #tpu.memory_space<semaphore_mem>>)
        %dma_wait3A = tpu.memref_slice %arg3[%add3A_163] : memref<10240xf32, #tpu.memory_space<hbm>> -> memref<128xf32, #tpu.memory_space<hbm>>
        %dma_wait3A_189 = tpu.memref_slice %arg3[%add3A_163] : memref<10240xf32, #tpu.memory_space<hbm>> -> memref<128xf32, #tpu.memory_space<hbm>>
        tpu.wait_dma2 semaphore(%run_scoped3A : memref<!tpu.dma_semaphore, #tpu.memory_space<semaphore_mem>>) src(%arg7 : memref<128xf32, #tpu.memory_space<vmem>>) dst(%dma_wait3A_189 : memref<128xf32, #tpu.memory_space<hbm>>)
        tpu.yield
      }) : () -> ()
    } else {
    }
    %eq3A_169 = arith.constant 1 : i32
    %eq3A_170 = arith.cmpi eq, %arg0, %eq3A_169 : i32
    %convert_element_type3A_171 = arith.extui %eq3A_170 : i1 to i32
    %cond3A_172 = arith.constant 0 : i32
    %cond3A_173 = arith.cmpi ne, %convert_element_type3A_171, %cond3A_172 : i32
    scf.if %cond3A_173 {
      "tpu.region"() ({
        %run_scoped3A = tpu.sem_alloc : memref<!tpu.dma_semaphore, #tpu.memory_space<semaphore_mem>>
        %dma_start3A = tpu.memref_slice %arg4[%add3A_163] : memref<10240xf32, #tpu.memory_space<hbm>> -> memref<128xf32, #tpu.memory_space<hbm>>
        %dma_start3A_188 = tpu.memref_slice %arg4[%add3A_163] : memref<10240xf32, #tpu.memory_space<hbm>> -> memref<128xf32, #tpu.memory_space<hbm>>
        tpu.enqueue_dma source(%arg7 : memref<128xf32, #tpu.memory_space<vmem>>) target(%dma_start3A_188 : memref<128xf32, #tpu.memory_space<hbm>>) target_semaphore(%run_scoped3A : memref<!tpu.dma_semaphore, #tpu.memory_space<semaphore_mem>>)
        %dma_wait3A = tpu.memref_slice %arg4[%add3A_163] : memref<10240xf32, #tpu.memory_space<hbm>> -> memref<128xf32, #tpu.memory_space<hbm>>
        %dma_wait3A_189 = tpu.memref_slice %arg4[%add3A_163] : memref<10240xf32, #tpu.memory_space<hbm>> -> memref<128xf32, #tpu.memory_space<hbm>>
        tpu.wait_dma2 semaphore(%run_scoped3A : memref<!tpu.dma_semaphore, #tpu.memory_space<semaphore_mem>>) src(%arg7 : memref<128xf32, #tpu.memory_space<vmem>>) dst(%dma_wait3A_189 : memref<128xf32, #tpu.memory_space<hbm>>)
        tpu.yield
      }) : () -> ()
    } else {
    }
    %mul3A_174 = arith.constant 640 : i32
    %mul3A_175 = arith.muli %arg1, %mul3A_174 : i32
    %add3A_176 = arith.constant 512 : i32
    %add3A_177 = arith.addi %mul3A_175, %add3A_176 : i32
    "tpu.region"() ({
      %run_scoped3A = tpu.sem_alloc : memref<!tpu.dma_semaphore, #tpu.memory_space<semaphore_mem>>
      %dma_start3A = tpu.memref_slice %arg8[%add3A_177] : memref<10240xf32, #tpu.memory_space<vmem_shared>> -> memref<128xf32, #tpu.memory_space<vmem_shared>>
      %dma_start3A_188 = tpu.memref_slice %arg8[%add3A_177] : memref<10240xf32, #tpu.memory_space<vmem_shared>> -> memref<128xf32, #tpu.memory_space<vmem_shared>>
      tpu.enqueue_dma source(%dma_start3A_188 : memref<128xf32, #tpu.memory_space<vmem_shared>>) target(%arg7 : memref<128xf32, #tpu.memory_space<vmem>>) target_semaphore(%run_scoped3A : memref<!tpu.dma_semaphore, #tpu.memory_space<semaphore_mem>>)
      %dma_wait3A = tpu.memref_slice %arg8[%add3A_177] : memref<10240xf32, #tpu.memory_space<vmem_shared>> -> memref<128xf32, #tpu.memory_space<vmem_shared>>
      %dma_wait3A_189 = tpu.memref_slice %arg8[%add3A_177] : memref<10240xf32, #tpu.memory_space<vmem_shared>> -> memref<128xf32, #tpu.memory_space<vmem_shared>>
      tpu.wait_dma2 semaphore(%run_scoped3A : memref<!tpu.dma_semaphore, #tpu.memory_space<semaphore_mem>>) src(%dma_wait3A_189 : memref<128xf32, #tpu.memory_space<vmem_shared>>) dst(%arg7 : memref<128xf32, #tpu.memory_space<vmem>>)
      tpu.yield
    }) : () -> ()
    %eq3A_178 = arith.constant 0 : i32
    %eq3A_179 = arith.cmpi eq, %arg0, %eq3A_178 : i32
    %convert_element_type3A_180 = arith.extui %eq3A_179 : i1 to i32
    %cond3A_181 = arith.constant 0 : i32
    %cond3A_182 = arith.cmpi ne, %convert_element_type3A_180, %cond3A_181 : i32
    scf.if %cond3A_182 {
      "tpu.region"() ({
        %run_scoped3A = tpu.sem_alloc : memref<!tpu.dma_semaphore, #tpu.memory_space<semaphore_mem>>
        %dma_start3A = tpu.memref_slice %arg3[%add3A_177] : memref<10240xf32, #tpu.memory_space<hbm>> -> memref<128xf32, #tpu.memory_space<hbm>>
        %dma_start3A_188 = tpu.memref_slice %arg3[%add3A_177] : memref<10240xf32, #tpu.memory_space<hbm>> -> memref<128xf32, #tpu.memory_space<hbm>>
        tpu.enqueue_dma source(%arg7 : memref<128xf32, #tpu.memory_space<vmem>>) target(%dma_start3A_188 : memref<128xf32, #tpu.memory_space<hbm>>) target_semaphore(%run_scoped3A : memref<!tpu.dma_semaphore, #tpu.memory_space<semaphore_mem>>)
        %dma_wait3A = tpu.memref_slice %arg3[%add3A_177] : memref<10240xf32, #tpu.memory_space<hbm>> -> memref<128xf32, #tpu.memory_space<hbm>>
        %dma_wait3A_189 = tpu.memref_slice %arg3[%add3A_177] : memref<10240xf32, #tpu.memory_space<hbm>> -> memref<128xf32, #tpu.memory_space<hbm>>
        tpu.wait_dma2 semaphore(%run_scoped3A : memref<!tpu.dma_semaphore, #tpu.memory_space<semaphore_mem>>) src(%arg7 : memref<128xf32, #tpu.memory_space<vmem>>) dst(%dma_wait3A_189 : memref<128xf32, #tpu.memory_space<hbm>>)
        tpu.yield
      }) : () -> ()
    } else {
    }
    %eq3A_183 = arith.constant 1 : i32
    %eq3A_184 = arith.cmpi eq, %arg0, %eq3A_183 : i32
    %convert_element_type3A_185 = arith.extui %eq3A_184 : i1 to i32
    %cond3A_186 = arith.constant 0 : i32
    %cond3A_187 = arith.cmpi ne, %convert_element_type3A_185, %cond3A_186 : i32
    scf.if %cond3A_187 {
      "tpu.region"() ({
        %run_scoped3A = tpu.sem_alloc : memref<!tpu.dma_semaphore, #tpu.memory_space<semaphore_mem>>
        %dma_start3A = tpu.memref_slice %arg4[%add3A_177] : memref<10240xf32, #tpu.memory_space<hbm>> -> memref<128xf32, #tpu.memory_space<hbm>>
        %dma_start3A_188 = tpu.memref_slice %arg4[%add3A_177] : memref<10240xf32, #tpu.memory_space<hbm>> -> memref<128xf32, #tpu.memory_space<hbm>>
        tpu.enqueue_dma source(%arg7 : memref<128xf32, #tpu.memory_space<vmem>>) target(%dma_start3A_188 : memref<128xf32, #tpu.memory_space<hbm>>) target_semaphore(%run_scoped3A : memref<!tpu.dma_semaphore, #tpu.memory_space<semaphore_mem>>)
        %dma_wait3A = tpu.memref_slice %arg4[%add3A_177] : memref<10240xf32, #tpu.memory_space<hbm>> -> memref<128xf32, #tpu.memory_space<hbm>>
        %dma_wait3A_189 = tpu.memref_slice %arg4[%add3A_177] : memref<10240xf32, #tpu.memory_space<hbm>> -> memref<128xf32, #tpu.memory_space<hbm>>
        tpu.wait_dma2 semaphore(%run_scoped3A : memref<!tpu.dma_semaphore, #tpu.memory_space<semaphore_mem>>) src(%arg7 : memref<128xf32, #tpu.memory_space<vmem>>) dst(%dma_wait3A_189 : memref<128xf32, #tpu.memory_space<hbm>>)
        tpu.yield
      }) : () -> ()
    } else {
    }
    return
  }
}

#map = affine_map<(d0, d1) -> (0)>
#map1 = affine_map<(d0, d1) -> (0, 0, 0)>
module attributes {stable_mosaic.version = 14 : i64} {
  func.func @scalf_kernel(%arg0: i32, %arg1: i32, %arg2: memref<10240xf32, #tpu.memory_space<hbm>>, %arg3: memref<16x160x128xi32, #tpu.memory_space<hbm>>, %arg4: memref<16x160x128xi32, #tpu.memory_space<hbm>>, %arg5: memref<10240xf32, #tpu.memory_space<hbm>>, %arg6: memref<16xf32, #tpu.memory_space<hbm>>, %arg7: memref<10240xf32, #tpu.memory_space<hbm>>, %arg8: memref<160x128xi32, #tpu.memory_space<vmem>>, %arg9: memref<160x128xi32, #tpu.memory_space<vmem>>, %arg10: memref<128xf32, #tpu.memory_space<vmem>>, %arg11: memref<128xf32, #tpu.memory_space<vmem>>, %arg12: memref<128xf32, #tpu.memory_space<vmem>>, %arg13: memref<128xf32, #tpu.memory_space<vmem>>, %arg14: memref<128xf32, #tpu.memory_space<vmem>>, %arg15: memref<128xf32, #tpu.memory_space<vmem>>, %arg16: memref<128xf32, #tpu.memory_space<vmem>>, %arg17: memref<128xf32, #tpu.memory_space<vmem>>, %arg18: memref<10240xf32, #tpu.memory_space<vmem_shared>>, %arg19: memref<640xf32, #tpu.memory_space<vmem>>, %arg20: memref<640xf32, #tpu.memory_space<vmem>>, %arg21: memref<640xf32, #tpu.memory_space<vmem>>, %arg22: memref<16xf32, #tpu.memory_space<vmem>>, %arg23: memref<!tpu.dma_semaphore, #tpu.memory_space<semaphore_mem>>, %arg24: memref<!tpu.dma_semaphore, #tpu.memory_space<semaphore_mem>>, %arg25: memref<!tpu.dma_semaphore, #tpu.memory_space<semaphore_mem>>, %arg26: memref<!tpu.dma_semaphore, #tpu.memory_space<semaphore_mem>>, %arg27: memref<!tpu.dma_semaphore, #tpu.memory_space<semaphore_mem>>, %arg28: memref<!tpu.dma_semaphore, #tpu.memory_space<semaphore_mem>>, %arg29: memref<!tpu.dma_semaphore, #tpu.memory_space<semaphore_mem>>, %arg30: memref<!tpu.dma_semaphore, #tpu.memory_space<semaphore_mem>>) attributes {dimension_semantics = [#tpu.dimension_semantics<core_parallel>, #tpu.dimension_semantics<subcore_parallel>], iteration_bounds = array<i64: 2, 16>, scalar_prefetch = 0 : i64, scratch_operands = 23 : i64, tpu.core_type = #tpu.core_type<sc_vector_subcore>, window_params = [{transform_indices = #map}, {transform_indices = #map1}, {transform_indices = #map1}, {transform_indices = #map}, {transform_indices = #map}, {transform_indices = #map}]} {
    %eq3A = arith.constant 0 : i32
    %eq3A_0 = arith.cmpi eq, %arg0, %eq3A : i32
    %convert_element_type3A = arith.extui %eq3A_0 : i1 to i32
    %cond3A = arith.constant 0 : i32
    %cond3A_1 = arith.cmpi ne, %convert_element_type3A, %cond3A : i32
    scf.if %cond3A_1 {
      %broadcast_in_dim3A = arith.constant 0.000000e+00 : f32
      %broadcast_in_dim3A_2 = vector.broadcast %broadcast_in_dim3A : f32 to vector<16xf32>
      %swap3A = arith.constant 0 : index
      %swap3A_3 = tpu.vector_load %arg10[%swap3A] {strides = array<i32>} : memref<128xf32, #tpu.memory_space<vmem>>, vector<16xf32>,
      %swap3A_4 = vector.shape_cast %swap3A_3 : vector<16xf32> to vector<16xf32>
      %swap3A_5 = vector.shape_cast %broadcast_in_dim3A_2 : vector<16xf32> to vector<16xf32>
      tpu.vector_store %arg10[%swap3A], %swap3A_5 {strides = array<i32>} : memref<128xf32, #tpu.memory_space<vmem>>, vector<16xf32>,
      %broadcast_in_dim3A_6 = arith.constant 0.000000e+00 : f32
      %broadcast_in_dim3A_7 = vector.broadcast %broadcast_in_dim3A_6 : f32 to vector<16xf32>
      %swap3A_8 = arith.constant 16 : index
      %swap3A_9 = tpu.vector_load %arg10[%swap3A_8] {strides = array<i32>} : memref<128xf32, #tpu.memory_space<vmem>>, vector<16xf32>,
      %swap3A_10 = vector.shape_cast %swap3A_9 : vector<16xf32> to vector<16xf32>
      %swap3A_11 = vector.shape_cast %broadcast_in_dim3A_7 : vector<16xf32> to vector<16xf32>
      tpu.vector_store %arg10[%swap3A_8], %swap3A_11 {strides = array<i32>} : memref<128xf32, #tpu.memory_space<vmem>>, vector<16xf32>,
      %broadcast_in_dim3A_12 = arith.constant 0.000000e+00 : f32
      %broadcast_in_dim3A_13 = vector.broadcast %broadcast_in_dim3A_12 : f32 to vector<16xf32>
      %swap3A_14 = arith.constant 32 : index
      %swap3A_15 = tpu.vector_load %arg10[%swap3A_14] {strides = array<i32>} : memref<128xf32, #tpu.memory_space<vmem>>, vector<16xf32>,
      %swap3A_16 = vector.shape_cast %swap3A_15 : vector<16xf32> to vector<16xf32>
      %swap3A_17 = vector.shape_cast %broadcast_in_dim3A_13 : vector<16xf32> to vector<16xf32>
      tpu.vector_store %arg10[%swap3A_14], %swap3A_17 {strides = array<i32>} : memref<128xf32, #tpu.memory_space<vmem>>, vector<16xf32>,
      %broadcast_in_dim3A_18 = arith.constant 0.000000e+00 : f32
      %broadcast_in_dim3A_19 = vector.broadcast %broadcast_in_dim3A_18 : f32 to vector<16xf32>
      %swap3A_20 = arith.constant 48 : index
      %swap3A_21 = tpu.vector_load %arg10[%swap3A_20] {strides = array<i32>} : memref<128xf32, #tpu.memory_space<vmem>>, vector<16xf32>,
      %swap3A_22 = vector.shape_cast %swap3A_21 : vector<16xf32> to vector<16xf32>
      %swap3A_23 = vector.shape_cast %broadcast_in_dim3A_19 : vector<16xf32> to vector<16xf32>
      tpu.vector_store %arg10[%swap3A_20], %swap3A_23 {strides = array<i32>} : memref<128xf32, #tpu.memory_space<vmem>>, vector<16xf32>,
      %broadcast_in_dim3A_24 = arith.constant 0.000000e+00 : f32
      %broadcast_in_dim3A_25 = vector.broadcast %broadcast_in_dim3A_24 : f32 to vector<16xf32>
      %swap3A_26 = arith.constant 64 : index
      %swap3A_27 = tpu.vector_load %arg10[%swap3A_26] {strides = array<i32>} : memref<128xf32, #tpu.memory_space<vmem>>, vector<16xf32>,
      %swap3A_28 = vector.shape_cast %swap3A_27 : vector<16xf32> to vector<16xf32>
      %swap3A_29 = vector.shape_cast %broadcast_in_dim3A_25 : vector<16xf32> to vector<16xf32>
      tpu.vector_store %arg10[%swap3A_26], %swap3A_29 {strides = array<i32>} : memref<128xf32, #tpu.memory_space<vmem>>, vector<16xf32>,
      %broadcast_in_dim3A_30 = arith.constant 0.000000e+00 : f32
      %broadcast_in_dim3A_31 = vector.broadcast %broadcast_in_dim3A_30 : f32 to vector<16xf32>
      %swap3A_32 = arith.constant 80 : index
      %swap3A_33 = tpu.vector_load %arg10[%swap3A_32] {strides = array<i32>} : memref<128xf32, #tpu.memory_space<vmem>>, vector<16xf32>,
      %swap3A_34 = vector.shape_cast %swap3A_33 : vector<16xf32> to vector<16xf32>
      %swap3A_35 = vector.shape_cast %broadcast_in_dim3A_31 : vector<16xf32> to vector<16xf32>
      tpu.vector_store %arg10[%swap3A_32], %swap3A_35 {strides = array<i32>} : memref<128xf32, #tpu.memory_space<vmem>>, vector<16xf32>,
      %broadcast_in_dim3A_36 = arith.constant 0.000000e+00 : f32
      %broadcast_in_dim3A_37 = vector.broadcast %broadcast_in_dim3A_36 : f32 to vector<16xf32>
      %swap3A_38 = arith.constant 96 : index
      %swap3A_39 = tpu.vector_load %arg10[%swap3A_38] {strides = array<i32>} : memref<128xf32, #tpu.memory_space<vmem>>, vector<16xf32>,
      %swap3A_40 = vector.shape_cast %swap3A_39 : vector<16xf32> to vector<16xf32>
      %swap3A_41 = vector.shape_cast %broadcast_in_dim3A_37 : vector<16xf32> to vector<16xf32>
      tpu.vector_store %arg10[%swap3A_38], %swap3A_41 {strides = array<i32>} : memref<128xf32, #tpu.memory_space<vmem>>, vector<16xf32>,
      %broadcast_in_dim3A_42 = arith.constant 0.000000e+00 : f32
      %broadcast_in_dim3A_43 = vector.broadcast %broadcast_in_dim3A_42 : f32 to vector<16xf32>
      %swap3A_44 = arith.constant 112 : index
      %swap3A_45 = tpu.vector_load %arg10[%swap3A_44] {strides = array<i32>} : memref<128xf32, #tpu.memory_space<vmem>>, vector<16xf32>,
      %swap3A_46 = vector.shape_cast %swap3A_45 : vector<16xf32> to vector<16xf32>
      %swap3A_47 = vector.shape_cast %broadcast_in_dim3A_43 : vector<16xf32> to vector<16xf32>
      tpu.vector_store %arg10[%swap3A_44], %swap3A_47 {strides = array<i32>} : memref<128xf32, #tpu.memory_space<vmem>>, vector<16xf32>,
      %mul3A = arith.constant 640 : i32
      %mul3A_48 = arith.muli %arg1, %mul3A : i32
      %add3A = arith.constant 0 : i32
      %add3A_49 = arith.addi %mul3A_48, %add3A : i32
      "tpu.region"() ({
        %run_scoped3A = tpu.sem_alloc : memref<!tpu.dma_semaphore, #tpu.memory_space<semaphore_mem>>
        %dma_start3A_1043 = tpu.memref_slice %arg18[%add3A_49] : memref<10240xf32, #tpu.memory_space<vmem_shared>> -> memref<128xf32, #tpu.memory_space<vmem_shared>>
        %dma_start3A_1044 = tpu.memref_slice %arg18[%add3A_49] : memref<10240xf32, #tpu.memory_space<vmem_shared>> -> memref<128xf32, #tpu.memory_space<vmem_shared>>
        tpu.enqueue_dma source(%arg10 : memref<128xf32, #tpu.memory_space<vmem>>) target(%dma_start3A_1044 : memref<128xf32, #tpu.memory_space<vmem_shared>>) target_semaphore(%run_scoped3A : memref<!tpu.dma_semaphore, #tpu.memory_space<semaphore_mem>>)
        %dma_wait3A = tpu.memref_slice %arg18[%add3A_49] : memref<10240xf32, #tpu.memory_space<vmem_shared>> -> memref<128xf32, #tpu.memory_space<vmem_shared>>
        %dma_wait3A_1045 = tpu.memref_slice %arg18[%add3A_49] : memref<10240xf32, #tpu.memory_space<vmem_shared>> -> memref<128xf32, #tpu.memory_space<vmem_shared>>
        tpu.wait_dma2 semaphore(%run_scoped3A : memref<!tpu.dma_semaphore, #tpu.memory_space<semaphore_mem>>) src(%arg10 : memref<128xf32, #tpu.memory_space<vmem>>) dst(%dma_wait3A_1045 : memref<128xf32, #tpu.memory_space<vmem_shared>>)
        tpu.yield
      }) : () -> ()
      %mul3A_50 = arith.constant 640 : i32
      %mul3A_51 = arith.muli %arg1, %mul3A_50 : i32
      %add3A_52 = arith.constant 128 : i32
      %add3A_53 = arith.addi %mul3A_51, %add3A_52 : i32
      "tpu.region"() ({
        %run_scoped3A = tpu.sem_alloc : memref<!tpu.dma_semaphore, #tpu.memory_space<semaphore_mem>>
        %dma_start3A_1043 = tpu.memref_slice %arg18[%add3A_53] : memref<10240xf32, #tpu.memory_space<vmem_shared>> -> memref<128xf32, #tpu.memory_space<vmem_shared>>
        %dma_start3A_1044 = tpu.memref_slice %arg18[%add3A_53] : memref<10240xf32, #tpu.memory_space<vmem_shared>> -> memref<128xf32, #tpu.memory_space<vmem_shared>>
        tpu.enqueue_dma source(%arg10 : memref<128xf32, #tpu.memory_space<vmem>>) target(%dma_start3A_1044 : memref<128xf32, #tpu.memory_space<vmem_shared>>) target_semaphore(%run_scoped3A : memref<!tpu.dma_semaphore, #tpu.memory_space<semaphore_mem>>)
        %dma_wait3A = tpu.memref_slice %arg18[%add3A_53] : memref<10240xf32, #tpu.memory_space<vmem_shared>> -> memref<128xf32, #tpu.memory_space<vmem_shared>>
        %dma_wait3A_1045 = tpu.memref_slice %arg18[%add3A_53] : memref<10240xf32, #tpu.memory_space<vmem_shared>> -> memref<128xf32, #tpu.memory_space<vmem_shared>>
        tpu.wait_dma2 semaphore(%run_scoped3A : memref<!tpu.dma_semaphore, #tpu.memory_space<semaphore_mem>>) src(%arg10 : memref<128xf32, #tpu.memory_space<vmem>>) dst(%dma_wait3A_1045 : memref<128xf32, #tpu.memory_space<vmem_shared>>)
        tpu.yield
      }) : () -> ()
      %mul3A_54 = arith.constant 640 : i32
      %mul3A_55 = arith.muli %arg1, %mul3A_54 : i32
      %add3A_56 = arith.constant 256 : i32
      %add3A_57 = arith.addi %mul3A_55, %add3A_56 : i32
      "tpu.region"() ({
        %run_scoped3A = tpu.sem_alloc : memref<!tpu.dma_semaphore, #tpu.memory_space<semaphore_mem>>
        %dma_start3A_1043 = tpu.memref_slice %arg18[%add3A_57] : memref<10240xf32, #tpu.memory_space<vmem_shared>> -> memref<128xf32, #tpu.memory_space<vmem_shared>>
        %dma_start3A_1044 = tpu.memref_slice %arg18[%add3A_57] : memref<10240xf32, #tpu.memory_space<vmem_shared>> -> memref<128xf32, #tpu.memory_space<vmem_shared>>
        tpu.enqueue_dma source(%arg10 : memref<128xf32, #tpu.memory_space<vmem>>) target(%dma_start3A_1044 : memref<128xf32, #tpu.memory_space<vmem_shared>>) target_semaphore(%run_scoped3A : memref<!tpu.dma_semaphore, #tpu.memory_space<semaphore_mem>>)
        %dma_wait3A = tpu.memref_slice %arg18[%add3A_57] : memref<10240xf32, #tpu.memory_space<vmem_shared>> -> memref<128xf32, #tpu.memory_space<vmem_shared>>
        %dma_wait3A_1045 = tpu.memref_slice %arg18[%add3A_57] : memref<10240xf32, #tpu.memory_space<vmem_shared>> -> memref<128xf32, #tpu.memory_space<vmem_shared>>
        tpu.wait_dma2 semaphore(%run_scoped3A : memref<!tpu.dma_semaphore, #tpu.memory_space<semaphore_mem>>) src(%arg10 : memref<128xf32, #tpu.memory_space<vmem>>) dst(%dma_wait3A_1045 : memref<128xf32, #tpu.memory_space<vmem_shared>>)
        tpu.yield
      }) : () -> ()
      %mul3A_58 = arith.constant 640 : i32
      %mul3A_59 = arith.muli %arg1, %mul3A_58 : i32
      %add3A_60 = arith.constant 384 : i32
      %add3A_61 = arith.addi %mul3A_59, %add3A_60 : i32
      "tpu.region"() ({
        %run_scoped3A = tpu.sem_alloc : memref<!tpu.dma_semaphore, #tpu.memory_space<semaphore_mem>>
        %dma_start3A_1043 = tpu.memref_slice %arg18[%add3A_61] : memref<10240xf32, #tpu.memory_space<vmem_shared>> -> memref<128xf32, #tpu.memory_space<vmem_shared>>
        %dma_start3A_1044 = tpu.memref_slice %arg18[%add3A_61] : memref<10240xf32, #tpu.memory_space<vmem_shared>> -> memref<128xf32, #tpu.memory_space<vmem_shared>>
        tpu.enqueue_dma source(%arg10 : memref<128xf32, #tpu.memory_space<vmem>>) target(%dma_start3A_1044 : memref<128xf32, #tpu.memory_space<vmem_shared>>) target_semaphore(%run_scoped3A : memref<!tpu.dma_semaphore, #tpu.memory_space<semaphore_mem>>)
        %dma_wait3A = tpu.memref_slice %arg18[%add3A_61] : memref<10240xf32, #tpu.memory_space<vmem_shared>> -> memref<128xf32, #tpu.memory_space<vmem_shared>>
        %dma_wait3A_1045 = tpu.memref_slice %arg18[%add3A_61] : memref<10240xf32, #tpu.memory_space<vmem_shared>> -> memref<128xf32, #tpu.memory_space<vmem_shared>>
        tpu.wait_dma2 semaphore(%run_scoped3A : memref<!tpu.dma_semaphore, #tpu.memory_space<semaphore_mem>>) src(%arg10 : memref<128xf32, #tpu.memory_space<vmem>>) dst(%dma_wait3A_1045 : memref<128xf32, #tpu.memory_space<vmem_shared>>)
        tpu.yield
      }) : () -> ()
      %mul3A_62 = arith.constant 640 : i32
      %mul3A_63 = arith.muli %arg1, %mul3A_62 : i32
      %add3A_64 = arith.constant 512 : i32
      %add3A_65 = arith.addi %mul3A_63, %add3A_64 : i32
      "tpu.region"() ({
        %run_scoped3A = tpu.sem_alloc : memref<!tpu.dma_semaphore, #tpu.memory_space<semaphore_mem>>
        %dma_start3A_1043 = tpu.memref_slice %arg18[%add3A_65] : memref<10240xf32, #tpu.memory_space<vmem_shared>> -> memref<128xf32, #tpu.memory_space<vmem_shared>>
        %dma_start3A_1044 = tpu.memref_slice %arg18[%add3A_65] : memref<10240xf32, #tpu.memory_space<vmem_shared>> -> memref<128xf32, #tpu.memory_space<vmem_shared>>
        tpu.enqueue_dma source(%arg10 : memref<128xf32, #tpu.memory_space<vmem>>) target(%dma_start3A_1044 : memref<128xf32, #tpu.memory_space<vmem_shared>>) target_semaphore(%run_scoped3A : memref<!tpu.dma_semaphore, #tpu.memory_space<semaphore_mem>>)
        %dma_wait3A = tpu.memref_slice %arg18[%add3A_65] : memref<10240xf32, #tpu.memory_space<vmem_shared>> -> memref<128xf32, #tpu.memory_space<vmem_shared>>
        %dma_wait3A_1045 = tpu.memref_slice %arg18[%add3A_65] : memref<10240xf32, #tpu.memory_space<vmem_shared>> -> memref<128xf32, #tpu.memory_space<vmem_shared>>
        tpu.wait_dma2 semaphore(%run_scoped3A : memref<!tpu.dma_semaphore, #tpu.memory_space<semaphore_mem>>) src(%arg10 : memref<128xf32, #tpu.memory_space<vmem>>) dst(%dma_wait3A_1045 : memref<128xf32, #tpu.memory_space<vmem_shared>>)
        tpu.yield
      }) : () -> ()
      %barrier3A = arith.constant 0 : index
      tpu.barrier barrier_id(%barrier3A)
      "tpu.region"() ({
        %run_scoped3A = tpu.sem_alloc : memref<!tpu.dma_semaphore, #tpu.memory_space<semaphore_mem>>
        %dma_start3A_1043 = arith.constant 0 : i32
        %dma_start3A_1044 = arith.constant 0 : i32
        %dma_start3A_1045 = tpu.memref_slice %arg3[%arg1, %dma_start3A_1043, %dma_start3A_1044] : memref<16x160x128xi32, #tpu.memory_space<hbm>> -> memref<1x160x128xi32, #tpu.memory_space<hbm>>
        %dma_start3A_1046 = tpu.memref_squeeze %dma_start3A_1045 : memref<1x160x128xi32, #tpu.memory_space<hbm>> -> memref<160x128xi32, #tpu.memory_space<hbm>>
        %dma_start3A_1047 = arith.constant 0 : i32
        %dma_start3A_1048 = arith.constant 0 : i32
        %dma_start3A_1049 = tpu.memref_slice %arg3[%arg1, %dma_start3A_1047, %dma_start3A_1048] : memref<16x160x128xi32, #tpu.memory_space<hbm>> -> memref<1x160x128xi32, #tpu.memory_space<hbm>>
        %dma_start3A_1050 = tpu.memref_squeeze %dma_start3A_1049 : memref<1x160x128xi32, #tpu.memory_space<hbm>> -> memref<160x128xi32, #tpu.memory_space<hbm>>
        tpu.enqueue_dma source(%dma_start3A_1050 : memref<160x128xi32, #tpu.memory_space<hbm>>) target(%arg8 : memref<160x128xi32, #tpu.memory_space<vmem>>) target_semaphore(%run_scoped3A : memref<!tpu.dma_semaphore, #tpu.memory_space<semaphore_mem>>)
        %dma_wait3A = arith.constant 0 : i32
        %dma_wait3A_1051 = arith.constant 0 : i32
        %dma_wait3A_1052 = tpu.memref_slice %arg3[%arg1, %dma_wait3A, %dma_wait3A_1051] : memref<16x160x128xi32, #tpu.memory_space<hbm>> -> memref<1x160x128xi32, #tpu.memory_space<hbm>>
        %dma_wait3A_1053 = tpu.memref_squeeze %dma_wait3A_1052 : memref<1x160x128xi32, #tpu.memory_space<hbm>> -> memref<160x128xi32, #tpu.memory_space<hbm>>
        %dma_wait3A_1054 = arith.constant 0 : i32
        %dma_wait3A_1055 = arith.constant 0 : i32
        %dma_wait3A_1056 = tpu.memref_slice %arg3[%arg1, %dma_wait3A_1054, %dma_wait3A_1055] : memref<16x160x128xi32, #tpu.memory_space<hbm>> -> memref<1x160x128xi32, #tpu.memory_space<hbm>>
        %dma_wait3A_1057 = tpu.memref_squeeze %dma_wait3A_1056 : memref<1x160x128xi32, #tpu.memory_space<hbm>> -> memref<160x128xi32, #tpu.memory_space<hbm>>
        tpu.wait_dma2 semaphore(%run_scoped3A : memref<!tpu.dma_semaphore, #tpu.memory_space<semaphore_mem>>) src(%dma_wait3A_1057 : memref<160x128xi32, #tpu.memory_space<hbm>>) dst(%arg8 : memref<160x128xi32, #tpu.memory_space<vmem>>)
        tpu.yield
      }) : () -> ()
      "tpu.region"() ({
        %run_scoped3A = tpu.sem_alloc : memref<!tpu.dma_semaphore, #tpu.memory_space<semaphore_mem>>
        %dma_start3A_1043 = arith.constant 0 : i32
        %dma_start3A_1044 = arith.constant 0 : i32
        %dma_start3A_1045 = tpu.memref_slice %arg4[%arg1, %dma_start3A_1043, %dma_start3A_1044] : memref<16x160x128xi32, #tpu.memory_space<hbm>> -> memref<1x160x128xi32, #tpu.memory_space<hbm>>
        %dma_start3A_1046 = tpu.memref_squeeze %dma_start3A_1045 : memref<1x160x128xi32, #tpu.memory_space<hbm>> -> memref<160x128xi32, #tpu.memory_space<hbm>>
        %dma_start3A_1047 = arith.constant 0 : i32
        %dma_start3A_1048 = arith.constant 0 : i32
        %dma_start3A_1049 = tpu.memref_slice %arg4[%arg1, %dma_start3A_1047, %dma_start3A_1048] : memref<16x160x128xi32, #tpu.memory_space<hbm>> -> memref<1x160x128xi32, #tpu.memory_space<hbm>>
        %dma_start3A_1050 = tpu.memref_squeeze %dma_start3A_1049 : memref<1x160x128xi32, #tpu.memory_space<hbm>> -> memref<160x128xi32, #tpu.memory_space<hbm>>
        tpu.enqueue_dma source(%dma_start3A_1050 : memref<160x128xi32, #tpu.memory_space<hbm>>) target(%arg9 : memref<160x128xi32, #tpu.memory_space<vmem>>) target_semaphore(%run_scoped3A : memref<!tpu.dma_semaphore, #tpu.memory_space<semaphore_mem>>)
        %dma_wait3A = arith.constant 0 : i32
        %dma_wait3A_1051 = arith.constant 0 : i32
        %dma_wait3A_1052 = tpu.memref_slice %arg4[%arg1, %dma_wait3A, %dma_wait3A_1051] : memref<16x160x128xi32, #tpu.memory_space<hbm>> -> memref<1x160x128xi32, #tpu.memory_space<hbm>>
        %dma_wait3A_1053 = tpu.memref_squeeze %dma_wait3A_1052 : memref<1x160x128xi32, #tpu.memory_space<hbm>> -> memref<160x128xi32, #tpu.memory_space<hbm>>
        %dma_wait3A_1054 = arith.constant 0 : i32
        %dma_wait3A_1055 = arith.constant 0 : i32
        %dma_wait3A_1056 = tpu.memref_slice %arg4[%arg1, %dma_wait3A_1054, %dma_wait3A_1055] : memref<16x160x128xi32, #tpu.memory_space<hbm>> -> memref<1x160x128xi32, #tpu.memory_space<hbm>>
        %dma_wait3A_1057 = tpu.memref_squeeze %dma_wait3A_1056 : memref<1x160x128xi32, #tpu.memory_space<hbm>> -> memref<160x128xi32, #tpu.memory_space<hbm>>
        tpu.wait_dma2 semaphore(%run_scoped3A : memref<!tpu.dma_semaphore, #tpu.memory_space<semaphore_mem>>) src(%dma_wait3A_1057 : memref<160x128xi32, #tpu.memory_space<hbm>>) dst(%arg9 : memref<160x128xi32, #tpu.memory_space<vmem>>)
        tpu.yield
      }) : () -> ()
      %dma_start3A = arith.constant 0 : i32
      %dma_start3A_66 = arith.constant 0 : i32
      %dma_start3A_67 = tpu.memref_slice %arg8[%dma_start3A, %dma_start3A_66] : memref<160x128xi32, #tpu.memory_space<vmem>> -> memref<1x128xi32, #tpu.memory_space<vmem>>
      %dma_start3A_68 = tpu.memref_squeeze %dma_start3A_67 : memref<1x128xi32, #tpu.memory_space<vmem>> -> memref<128xi32, #tpu.memory_space<vmem>>
      %dma_start3A_69 = arith.constant 0 : i32
      %dma_start3A_70 = tpu.memref_slice %arg2[%dma_start3A_69] : memref<10240xf32, #tpu.memory_space<hbm>> -> memref<10240xf32, #tpu.memory_space<hbm>>
      tpu.enqueue_indirect_dma source(%dma_start3A_70 : memref<10240xf32, #tpu.memory_space<hbm>>) target(%arg10 : memref<128xf32, #tpu.memory_space<vmem>>) offsets(%dma_start3A_68 : memref<128xi32, #tpu.memory_space<vmem>>) semaphore(%arg23 : memref<!tpu.dma_semaphore, #tpu.memory_space<semaphore_mem>>)
      %dma_start3A_71 = arith.constant 1 : i32
      %dma_start3A_72 = arith.constant 0 : i32
      %dma_start3A_73 = tpu.memref_slice %arg8[%dma_start3A_71, %dma_start3A_72] : memref<160x128xi32, #tpu.memory_space<vmem>> -> memref<1x128xi32, #tpu.memory_space<vmem>>
      %dma_start3A_74 = tpu.memref_squeeze %dma_start3A_73 : memref<1x128xi32, #tpu.memory_space<vmem>> -> memref<128xi32, #tpu.memory_space<vmem>>
      %dma_start3A_75 = arith.constant 0 : i32
      %dma_start3A_76 = tpu.memref_slice %arg2[%dma_start3A_75] : memref<10240xf32, #tpu.memory_space<hbm>> -> memref<10240xf32, #tpu.memory_space<hbm>>
      tpu.enqueue_indirect_dma source(%dma_start3A_76 : memref<10240xf32, #tpu.memory_space<hbm>>) target(%arg11 : memref<128xf32, #tpu.memory_space<vmem>>) offsets(%dma_start3A_74 : memref<128xi32, #tpu.memory_space<vmem>>) semaphore(%arg24 : memref<!tpu.dma_semaphore, #tpu.memory_space<semaphore_mem>>)
      %dma_start3A_77 = arith.constant 2 : i32
      %dma_start3A_78 = arith.constant 0 : i32
      %dma_start3A_79 = tpu.memref_slice %arg8[%dma_start3A_77, %dma_start3A_78] : memref<160x128xi32, #tpu.memory_space<vmem>> -> memref<1x128xi32, #tpu.memory_space<vmem>>
      %dma_start3A_80 = tpu.memref_squeeze %dma_start3A_79 : memref<1x128xi32, #tpu.memory_space<vmem>> -> memref<128xi32, #tpu.memory_space<vmem>>
      %dma_start3A_81 = arith.constant 0 : i32
      %dma_start3A_82 = tpu.memref_slice %arg2[%dma_start3A_81] : memref<10240xf32, #tpu.memory_space<hbm>> -> memref<10240xf32, #tpu.memory_space<hbm>>
      tpu.enqueue_indirect_dma source(%dma_start3A_82 : memref<10240xf32, #tpu.memory_space<hbm>>) target(%arg12 : memref<128xf32, #tpu.memory_space<vmem>>) offsets(%dma_start3A_80 : memref<128xi32, #tpu.memory_space<vmem>>) semaphore(%arg25 : memref<!tpu.dma_semaphore, #tpu.memory_space<semaphore_mem>>)
      %dma_start3A_83 = arith.constant 3 : i32
      %dma_start3A_84 = arith.constant 0 : i32
      %dma_start3A_85 = tpu.memref_slice %arg8[%dma_start3A_83, %dma_start3A_84] : memref<160x128xi32, #tpu.memory_space<vmem>> -> memref<1x128xi32, #tpu.memory_space<vmem>>
      %dma_start3A_86 = tpu.memref_squeeze %dma_start3A_85 : memref<1x128xi32, #tpu.memory_space<vmem>> -> memref<128xi32, #tpu.memory_space<vmem>>
      %dma_start3A_87 = arith.constant 0 : i32
      %dma_start3A_88 = tpu.memref_slice %arg2[%dma_start3A_87] : memref<10240xf32, #tpu.memory_space<hbm>> -> memref<10240xf32, #tpu.memory_space<hbm>>
      tpu.enqueue_indirect_dma source(%dma_start3A_88 : memref<10240xf32, #tpu.memory_space<hbm>>) target(%arg13 : memref<128xf32, #tpu.memory_space<vmem>>) offsets(%dma_start3A_86 : memref<128xi32, #tpu.memory_space<vmem>>) semaphore(%arg26 : memref<!tpu.dma_semaphore, #tpu.memory_space<semaphore_mem>>)
      %dma_start3A_89 = arith.constant 4 : i32
      %dma_start3A_90 = arith.constant 0 : i32
      %dma_start3A_91 = tpu.memref_slice %arg8[%dma_start3A_89, %dma_start3A_90] : memref<160x128xi32, #tpu.memory_space<vmem>> -> memref<1x128xi32, #tpu.memory_space<vmem>>
      %dma_start3A_92 = tpu.memref_squeeze %dma_start3A_91 : memref<1x128xi32, #tpu.memory_space<vmem>> -> memref<128xi32, #tpu.memory_space<vmem>>
      %dma_start3A_93 = arith.constant 0 : i32
      %dma_start3A_94 = tpu.memref_slice %arg2[%dma_start3A_93] : memref<10240xf32, #tpu.memory_space<hbm>> -> memref<10240xf32, #tpu.memory_space<hbm>>
      tpu.enqueue_indirect_dma source(%dma_start3A_94 : memref<10240xf32, #tpu.memory_space<hbm>>) target(%arg14 : memref<128xf32, #tpu.memory_space<vmem>>) offsets(%dma_start3A_92 : memref<128xi32, #tpu.memory_space<vmem>>) semaphore(%arg27 : memref<!tpu.dma_semaphore, #tpu.memory_space<semaphore_mem>>)
      %dma_start3A_95 = arith.constant 5 : i32
      %dma_start3A_96 = arith.constant 0 : i32
      %dma_start3A_97 = tpu.memref_slice %arg8[%dma_start3A_95, %dma_start3A_96] : memref<160x128xi32, #tpu.memory_space<vmem>> -> memref<1x128xi32, #tpu.memory_space<vmem>>
      %dma_start3A_98 = tpu.memref_squeeze %dma_start3A_97 : memref<1x128xi32, #tpu.memory_space<vmem>> -> memref<128xi32, #tpu.memory_space<vmem>>
      %dma_start3A_99 = arith.constant 0 : i32
      %dma_start3A_100 = tpu.memref_slice %arg2[%dma_start3A_99] : memref<10240xf32, #tpu.memory_space<hbm>> -> memref<10240xf32, #tpu.memory_space<hbm>>
      tpu.enqueue_indirect_dma source(%dma_start3A_100 : memref<10240xf32, #tpu.memory_space<hbm>>) target(%arg15 : memref<128xf32, #tpu.memory_space<vmem>>) offsets(%dma_start3A_98 : memref<128xi32, #tpu.memory_space<vmem>>) semaphore(%arg28 : memref<!tpu.dma_semaphore, #tpu.memory_space<semaphore_mem>>)
      %dma_start3A_101 = arith.constant 6 : i32
      %dma_start3A_102 = arith.constant 0 : i32
      %dma_start3A_103 = tpu.memref_slice %arg8[%dma_start3A_101, %dma_start3A_102] : memref<160x128xi32, #tpu.memory_space<vmem>> -> memref<1x128xi32, #tpu.memory_space<vmem>>
      %dma_start3A_104 = tpu.memref_squeeze %dma_start3A_103 : memref<1x128xi32, #tpu.memory_space<vmem>> -> memref<128xi32, #tpu.memory_space<vmem>>
      %dma_start3A_105 = arith.constant 0 : i32
      %dma_start3A_106 = tpu.memref_slice %arg2[%dma_start3A_105] : memref<10240xf32, #tpu.memory_space<hbm>> -> memref<10240xf32, #tpu.memory_space<hbm>>
      tpu.enqueue_indirect_dma source(%dma_start3A_106 : memref<10240xf32, #tpu.memory_space<hbm>>) target(%arg16 : memref<128xf32, #tpu.memory_space<vmem>>) offsets(%dma_start3A_104 : memref<128xi32, #tpu.memory_space<vmem>>) semaphore(%arg29 : memref<!tpu.dma_semaphore, #tpu.memory_space<semaphore_mem>>)
      %dma_start3A_107 = arith.constant 7 : i32
      %dma_start3A_108 = arith.constant 0 : i32
      %dma_start3A_109 = tpu.memref_slice %arg8[%dma_start3A_107, %dma_start3A_108] : memref<160x128xi32, #tpu.memory_space<vmem>> -> memref<1x128xi32, #tpu.memory_space<vmem>>
      %dma_start3A_110 = tpu.memref_squeeze %dma_start3A_109 : memref<1x128xi32, #tpu.memory_space<vmem>> -> memref<128xi32, #tpu.memory_space<vmem>>
      %dma_start3A_111 = arith.constant 0 : i32
      %dma_start3A_112 = tpu.memref_slice %arg2[%dma_start3A_111] : memref<10240xf32, #tpu.memory_space<hbm>> -> memref<10240xf32, #tpu.memory_space<hbm>>
      tpu.enqueue_indirect_dma source(%dma_start3A_112 : memref<10240xf32, #tpu.memory_space<hbm>>) target(%arg17 : memref<128xf32, #tpu.memory_space<vmem>>) offsets(%dma_start3A_110 : memref<128xi32, #tpu.memory_space<vmem>>) semaphore(%arg30 : memref<!tpu.dma_semaphore, #tpu.memory_space<semaphore_mem>>)
      %scan3A = arith.constant 0 : i32
      %scan3A_113 = arith.constant 0 : i32
      %scan3A_114 = arith.constant 20 : i32
      %scan3A_115 = arith.addi %scan3A_113, %scan3A_114 : i32
      %scan3A_116 = arith.constant 1 : i32
      scf.for %scan3A_1043 = %scan3A_113 to %scan3A_115 step %scan3A_116  : i32 {
        %mul3A_1044 = arith.constant 8 : i32
        %mul3A_1045 = arith.muli %scan3A_1043, %mul3A_1044 : i32
        %add3A_1046 = arith.constant 0 : i32
        %add3A_1047 = arith.addi %mul3A_1045, %add3A_1046 : i32
        %dma_wait3A = arith.constant 0 : i32
        %dma_wait3A_1048 = tpu.memref_slice %arg8[%add3A_1047, %dma_wait3A] : memref<160x128xi32, #tpu.memory_space<vmem>> -> memref<1x128xi32, #tpu.memory_space<vmem>>
        %dma_wait3A_1049 = tpu.memref_squeeze %dma_wait3A_1048 : memref<1x128xi32, #tpu.memory_space<vmem>> -> memref<128xi32, #tpu.memory_space<vmem>>
        %dma_wait3A_1050 = arith.constant 0 : i32
        %dma_wait3A_1051 = tpu.memref_slice %arg2[%dma_wait3A_1050] : memref<10240xf32, #tpu.memory_space<hbm>> -> memref<10240xf32, #tpu.memory_space<hbm>>
        tpu.wait_indirect_dma semaphore(%arg23 : memref<!tpu.dma_semaphore, #tpu.memory_space<semaphore_mem>>) src(%dma_wait3A_1051 : memref<10240xf32, #tpu.memory_space<hbm>>) dst(%arg10 : memref<128xf32, #tpu.memory_space<vmem>>)
        "tpu.region"() ({
          %run_scoped3A = tpu.sem_alloc : memref<!tpu.dma_semaphore, #tpu.memory_space<semaphore_mem>>
          %dma_start3A_1154 = arith.constant 0 : i32
          %dma_start3A_1155 = tpu.memref_slice %arg9[%add3A_1047, %dma_start3A_1154] : memref<160x128xi32, #tpu.memory_space<vmem>> -> memref<1x128xi32, #tpu.memory_space<vmem>>
          %dma_start3A_1156 = tpu.memref_squeeze %dma_start3A_1155 : memref<1x128xi32, #tpu.memory_space<vmem>> -> memref<128xi32, #tpu.memory_space<vmem>>
          %dma_start3A_1157 = arith.constant 0 : i32
          %dma_start3A_1158 = tpu.memref_slice %arg18[%dma_start3A_1157] : memref<10240xf32, #tpu.memory_space<vmem_shared>> -> memref<10240xf32, #tpu.memory_space<vmem_shared>>
          tpu.enqueue_indirect_dma source(%arg10 : memref<128xf32, #tpu.memory_space<vmem>>) target(%dma_start3A_1158 : memref<10240xf32, #tpu.memory_space<vmem_shared>>) offsets(%dma_start3A_1156 : memref<128xi32, #tpu.memory_space<vmem>>) semaphore(%run_scoped3A : memref<!tpu.dma_semaphore, #tpu.memory_space<semaphore_mem>>) {add = true}
          %dma_wait3A_1159 = arith.constant 0 : i32
          %dma_wait3A_1160 = tpu.memref_slice %arg9[%add3A_1047, %dma_wait3A_1159] : memref<160x128xi32, #tpu.memory_space<vmem>> -> memref<1x128xi32, #tpu.memory_space<vmem>>
          %dma_wait3A_1161 = tpu.memref_squeeze %dma_wait3A_1160 : memref<1x128xi32, #tpu.memory_space<vmem>> -> memref<128xi32, #tpu.memory_space<vmem>>
          %dma_wait3A_1162 = arith.constant 0 : i32
          %dma_wait3A_1163 = tpu.memref_slice %arg18[%dma_wait3A_1162] : memref<10240xf32, #tpu.memory_space<vmem_shared>> -> memref<10240xf32, #tpu.memory_space<vmem_shared>>
          tpu.wait_indirect_dma semaphore(%run_scoped3A : memref<!tpu.dma_semaphore, #tpu.memory_space<semaphore_mem>>) src(%arg10 : memref<128xf32, #tpu.memory_space<vmem>>) dst(%dma_wait3A_1163 : memref<10240xf32, #tpu.memory_space<vmem_shared>>)
          tpu.yield
        }) : () -> ()
        %lt3A = arith.constant 19 : i32
        %lt3A_1052 = arith.cmpi slt, %scan3A_1043, %lt3A : i32
        %convert_element_type3A_1053 = arith.extui %lt3A_1052 : i1 to i32
        %cond3A_1054 = arith.constant 0 : i32
        %cond3A_1055 = arith.cmpi ne, %convert_element_type3A_1053, %cond3A_1054 : i32
        scf.if %cond3A_1055 {
          %add3A_1154 = arith.constant 8 : i32
          %add3A_1155 = arith.addi %add3A_1047, %add3A_1154 : i32
          %dma_start3A_1156 = arith.constant 0 : i32
          %dma_start3A_1157 = tpu.memref_slice %arg8[%add3A_1155, %dma_start3A_1156] : memref<160x128xi32, #tpu.memory_space<vmem>> -> memref<1x128xi32, #tpu.memory_space<vmem>>
          %dma_start3A_1158 = tpu.memref_squeeze %dma_start3A_1157 : memref<1x128xi32, #tpu.memory_space<vmem>> -> memref<128xi32, #tpu.memory_space<vmem>>
          %dma_start3A_1159 = arith.constant 0 : i32
          %dma_start3A_1160 = tpu.memref_slice %arg2[%dma_start3A_1159] : memref<10240xf32, #tpu.memory_space<hbm>> -> memref<10240xf32, #tpu.memory_space<hbm>>
          tpu.enqueue_indirect_dma source(%dma_start3A_1160 : memref<10240xf32, #tpu.memory_space<hbm>>) target(%arg10 : memref<128xf32, #tpu.memory_space<vmem>>) offsets(%dma_start3A_1158 : memref<128xi32, #tpu.memory_space<vmem>>) semaphore(%arg23 : memref<!tpu.dma_semaphore, #tpu.memory_space<semaphore_mem>>)
        } else {
        }
        %mul3A_1056 = arith.constant 8 : i32
        %mul3A_1057 = arith.muli %scan3A_1043, %mul3A_1056 : i32
        %add3A_1058 = arith.constant 1 : i32
        %add3A_1059 = arith.addi %mul3A_1057, %add3A_1058 : i32
        %dma_wait3A_1060 = arith.constant 0 : i32
        %dma_wait3A_1061 = tpu.memref_slice %arg8[%add3A_1059, %dma_wait3A_1060] : memref<160x128xi32, #tpu.memory_space<vmem>> -> memref<1x128xi32, #tpu.memory_space<vmem>>
        %dma_wait3A_1062 = tpu.memref_squeeze %dma_wait3A_1061 : memref<1x128xi32, #tpu.memory_space<vmem>> -> memref<128xi32, #tpu.memory_space<vmem>>
        %dma_wait3A_1063 = arith.constant 0 : i32
        %dma_wait3A_1064 = tpu.memref_slice %arg2[%dma_wait3A_1063] : memref<10240xf32, #tpu.memory_space<hbm>> -> memref<10240xf32, #tpu.memory_space<hbm>>
        tpu.wait_indirect_dma semaphore(%arg24 : memref<!tpu.dma_semaphore, #tpu.memory_space<semaphore_mem>>) src(%dma_wait3A_1064 : memref<10240xf32, #tpu.memory_space<hbm>>) dst(%arg11 : memref<128xf32, #tpu.memory_space<vmem>>)
        "tpu.region"() ({
          %run_scoped3A = tpu.sem_alloc : memref<!tpu.dma_semaphore, #tpu.memory_space<semaphore_mem>>
          %dma_start3A_1154 = arith.constant 0 : i32
          %dma_start3A_1155 = tpu.memref_slice %arg9[%add3A_1059, %dma_start3A_1154] : memref<160x128xi32, #tpu.memory_space<vmem>> -> memref<1x128xi32, #tpu.memory_space<vmem>>
          %dma_start3A_1156 = tpu.memref_squeeze %dma_start3A_1155 : memref<1x128xi32, #tpu.memory_space<vmem>> -> memref<128xi32, #tpu.memory_space<vmem>>
          %dma_start3A_1157 = arith.constant 0 : i32
          %dma_start3A_1158 = tpu.memref_slice %arg18[%dma_start3A_1157] : memref<10240xf32, #tpu.memory_space<vmem_shared>> -> memref<10240xf32, #tpu.memory_space<vmem_shared>>
          tpu.enqueue_indirect_dma source(%arg11 : memref<128xf32, #tpu.memory_space<vmem>>) target(%dma_start3A_1158 : memref<10240xf32, #tpu.memory_space<vmem_shared>>) offsets(%dma_start3A_1156 : memref<128xi32, #tpu.memory_space<vmem>>) semaphore(%run_scoped3A : memref<!tpu.dma_semaphore, #tpu.memory_space<semaphore_mem>>) {add = true}
          %dma_wait3A_1159 = arith.constant 0 : i32
          %dma_wait3A_1160 = tpu.memref_slice %arg9[%add3A_1059, %dma_wait3A_1159] : memref<160x128xi32, #tpu.memory_space<vmem>> -> memref<1x128xi32, #tpu.memory_space<vmem>>
          %dma_wait3A_1161 = tpu.memref_squeeze %dma_wait3A_1160 : memref<1x128xi32, #tpu.memory_space<vmem>> -> memref<128xi32, #tpu.memory_space<vmem>>
          %dma_wait3A_1162 = arith.constant 0 : i32
          %dma_wait3A_1163 = tpu.memref_slice %arg18[%dma_wait3A_1162] : memref<10240xf32, #tpu.memory_space<vmem_shared>> -> memref<10240xf32, #tpu.memory_space<vmem_shared>>
          tpu.wait_indirect_dma semaphore(%run_scoped3A : memref<!tpu.dma_semaphore, #tpu.memory_space<semaphore_mem>>) src(%arg11 : memref<128xf32, #tpu.memory_space<vmem>>) dst(%dma_wait3A_1163 : memref<10240xf32, #tpu.memory_space<vmem_shared>>)
          tpu.yield
        }) : () -> ()
        %lt3A_1065 = arith.constant 19 : i32
        %lt3A_1066 = arith.cmpi slt, %scan3A_1043, %lt3A_1065 : i32
        %convert_element_type3A_1067 = arith.extui %lt3A_1066 : i1 to i32
        %cond3A_1068 = arith.constant 0 : i32
        %cond3A_1069 = arith.cmpi ne, %convert_element_type3A_1067, %cond3A_1068 : i32
        scf.if %cond3A_1069 {
          %add3A_1154 = arith.constant 8 : i32
          %add3A_1155 = arith.addi %add3A_1059, %add3A_1154 : i32
          %dma_start3A_1156 = arith.constant 0 : i32
          %dma_start3A_1157 = tpu.memref_slice %arg8[%add3A_1155, %dma_start3A_1156] : memref<160x128xi32, #tpu.memory_space<vmem>> -> memref<1x128xi32, #tpu.memory_space<vmem>>
          %dma_start3A_1158 = tpu.memref_squeeze %dma_start3A_1157 : memref<1x128xi32, #tpu.memory_space<vmem>> -> memref<128xi32, #tpu.memory_space<vmem>>
          %dma_start3A_1159 = arith.constant 0 : i32
          %dma_start3A_1160 = tpu.memref_slice %arg2[%dma_start3A_1159] : memref<10240xf32, #tpu.memory_space<hbm>> -> memref<10240xf32, #tpu.memory_space<hbm>>
          tpu.enqueue_indirect_dma source(%dma_start3A_1160 : memref<10240xf32, #tpu.memory_space<hbm>>) target(%arg11 : memref<128xf32, #tpu.memory_space<vmem>>) offsets(%dma_start3A_1158 : memref<128xi32, #tpu.memory_space<vmem>>) semaphore(%arg24 : memref<!tpu.dma_semaphore, #tpu.memory_space<semaphore_mem>>)
        } else {
        }
        %mul3A_1070 = arith.constant 8 : i32
        %mul3A_1071 = arith.muli %scan3A_1043, %mul3A_1070 : i32
        %add3A_1072 = arith.constant 2 : i32
        %add3A_1073 = arith.addi %mul3A_1071, %add3A_1072 : i32
        %dma_wait3A_1074 = arith.constant 0 : i32
        %dma_wait3A_1075 = tpu.memref_slice %arg8[%add3A_1073, %dma_wait3A_1074] : memref<160x128xi32, #tpu.memory_space<vmem>> -> memref<1x128xi32, #tpu.memory_space<vmem>>
        %dma_wait3A_1076 = tpu.memref_squeeze %dma_wait3A_1075 : memref<1x128xi32, #tpu.memory_space<vmem>> -> memref<128xi32, #tpu.memory_space<vmem>>
        %dma_wait3A_1077 = arith.constant 0 : i32
        %dma_wait3A_1078 = tpu.memref_slice %arg2[%dma_wait3A_1077] : memref<10240xf32, #tpu.memory_space<hbm>> -> memref<10240xf32, #tpu.memory_space<hbm>>
        tpu.wait_indirect_dma semaphore(%arg25 : memref<!tpu.dma_semaphore, #tpu.memory_space<semaphore_mem>>) src(%dma_wait3A_1078 : memref<10240xf32, #tpu.memory_space<hbm>>) dst(%arg12 : memref<128xf32, #tpu.memory_space<vmem>>)
        "tpu.region"() ({
          %run_scoped3A = tpu.sem_alloc : memref<!tpu.dma_semaphore, #tpu.memory_space<semaphore_mem>>
          %dma_start3A_1154 = arith.constant 0 : i32
          %dma_start3A_1155 = tpu.memref_slice %arg9[%add3A_1073, %dma_start3A_1154] : memref<160x128xi32, #tpu.memory_space<vmem>> -> memref<1x128xi32, #tpu.memory_space<vmem>>
          %dma_start3A_1156 = tpu.memref_squeeze %dma_start3A_1155 : memref<1x128xi32, #tpu.memory_space<vmem>> -> memref<128xi32, #tpu.memory_space<vmem>>
          %dma_start3A_1157 = arith.constant 0 : i32
          %dma_start3A_1158 = tpu.memref_slice %arg18[%dma_start3A_1157] : memref<10240xf32, #tpu.memory_space<vmem_shared>> -> memref<10240xf32, #tpu.memory_space<vmem_shared>>
          tpu.enqueue_indirect_dma source(%arg12 : memref<128xf32, #tpu.memory_space<vmem>>) target(%dma_start3A_1158 : memref<10240xf32, #tpu.memory_space<vmem_shared>>) offsets(%dma_start3A_1156 : memref<128xi32, #tpu.memory_space<vmem>>) semaphore(%run_scoped3A : memref<!tpu.dma_semaphore, #tpu.memory_space<semaphore_mem>>) {add = true}
          %dma_wait3A_1159 = arith.constant 0 : i32
          %dma_wait3A_1160 = tpu.memref_slice %arg9[%add3A_1073, %dma_wait3A_1159] : memref<160x128xi32, #tpu.memory_space<vmem>> -> memref<1x128xi32, #tpu.memory_space<vmem>>
          %dma_wait3A_1161 = tpu.memref_squeeze %dma_wait3A_1160 : memref<1x128xi32, #tpu.memory_space<vmem>> -> memref<128xi32, #tpu.memory_space<vmem>>
          %dma_wait3A_1162 = arith.constant 0 : i32
          %dma_wait3A_1163 = tpu.memref_slice %arg18[%dma_wait3A_1162] : memref<10240xf32, #tpu.memory_space<vmem_shared>> -> memref<10240xf32, #tpu.memory_space<vmem_shared>>
          tpu.wait_indirect_dma semaphore(%run_scoped3A : memref<!tpu.dma_semaphore, #tpu.memory_space<semaphore_mem>>) src(%arg12 : memref<128xf32, #tpu.memory_space<vmem>>) dst(%dma_wait3A_1163 : memref<10240xf32, #tpu.memory_space<vmem_shared>>)
          tpu.yield
        }) : () -> ()
        %lt3A_1079 = arith.constant 19 : i32
        %lt3A_1080 = arith.cmpi slt, %scan3A_1043, %lt3A_1079 : i32
        %convert_element_type3A_1081 = arith.extui %lt3A_1080 : i1 to i32
        %cond3A_1082 = arith.constant 0 : i32
        %cond3A_1083 = arith.cmpi ne, %convert_element_type3A_1081, %cond3A_1082 : i32
        scf.if %cond3A_1083 {
          %add3A_1154 = arith.constant 8 : i32
          %add3A_1155 = arith.addi %add3A_1073, %add3A_1154 : i32
          %dma_start3A_1156 = arith.constant 0 : i32
          %dma_start3A_1157 = tpu.memref_slice %arg8[%add3A_1155, %dma_start3A_1156] : memref<160x128xi32, #tpu.memory_space<vmem>> -> memref<1x128xi32, #tpu.memory_space<vmem>>
          %dma_start3A_1158 = tpu.memref_squeeze %dma_start3A_1157 : memref<1x128xi32, #tpu.memory_space<vmem>> -> memref<128xi32, #tpu.memory_space<vmem>>
          %dma_start3A_1159 = arith.constant 0 : i32
          %dma_start3A_1160 = tpu.memref_slice %arg2[%dma_start3A_1159] : memref<10240xf32, #tpu.memory_space<hbm>> -> memref<10240xf32, #tpu.memory_space<hbm>>
          tpu.enqueue_indirect_dma source(%dma_start3A_1160 : memref<10240xf32, #tpu.memory_space<hbm>>) target(%arg12 : memref<128xf32, #tpu.memory_space<vmem>>) offsets(%dma_start3A_1158 : memref<128xi32, #tpu.memory_space<vmem>>) semaphore(%arg25 : memref<!tpu.dma_semaphore, #tpu.memory_space<semaphore_mem>>)
        } else {
        }
        %mul3A_1084 = arith.constant 8 : i32
        %mul3A_1085 = arith.muli %scan3A_1043, %mul3A_1084 : i32
        %add3A_1086 = arith.constant 3 : i32
        %add3A_1087 = arith.addi %mul3A_1085, %add3A_1086 : i32
        %dma_wait3A_1088 = arith.constant 0 : i32
        %dma_wait3A_1089 = tpu.memref_slice %arg8[%add3A_1087, %dma_wait3A_1088] : memref<160x128xi32, #tpu.memory_space<vmem>> -> memref<1x128xi32, #tpu.memory_space<vmem>>
        %dma_wait3A_1090 = tpu.memref_squeeze %dma_wait3A_1089 : memref<1x128xi32, #tpu.memory_space<vmem>> -> memref<128xi32, #tpu.memory_space<vmem>>
        %dma_wait3A_1091 = arith.constant 0 : i32
        %dma_wait3A_1092 = tpu.memref_slice %arg2[%dma_wait3A_1091] : memref<10240xf32, #tpu.memory_space<hbm>> -> memref<10240xf32, #tpu.memory_space<hbm>>
        tpu.wait_indirect_dma semaphore(%arg26 : memref<!tpu.dma_semaphore, #tpu.memory_space<semaphore_mem>>) src(%dma_wait3A_1092 : memref<10240xf32, #tpu.memory_space<hbm>>) dst(%arg13 : memref<128xf32, #tpu.memory_space<vmem>>)
        "tpu.region"() ({
          %run_scoped3A = tpu.sem_alloc : memref<!tpu.dma_semaphore, #tpu.memory_space<semaphore_mem>>
          %dma_start3A_1154 = arith.constant 0 : i32
          %dma_start3A_1155 = tpu.memref_slice %arg9[%add3A_1087, %dma_start3A_1154] : memref<160x128xi32, #tpu.memory_space<vmem>> -> memref<1x128xi32, #tpu.memory_space<vmem>>
          %dma_start3A_1156 = tpu.memref_squeeze %dma_start3A_1155 : memref<1x128xi32, #tpu.memory_space<vmem>> -> memref<128xi32, #tpu.memory_space<vmem>>
          %dma_start3A_1157 = arith.constant 0 : i32
          %dma_start3A_1158 = tpu.memref_slice %arg18[%dma_start3A_1157] : memref<10240xf32, #tpu.memory_space<vmem_shared>> -> memref<10240xf32, #tpu.memory_space<vmem_shared>>
          tpu.enqueue_indirect_dma source(%arg13 : memref<128xf32, #tpu.memory_space<vmem>>) target(%dma_start3A_1158 : memref<10240xf32, #tpu.memory_space<vmem_shared>>) offsets(%dma_start3A_1156 : memref<128xi32, #tpu.memory_space<vmem>>) semaphore(%run_scoped3A : memref<!tpu.dma_semaphore, #tpu.memory_space<semaphore_mem>>) {add = true}
          %dma_wait3A_1159 = arith.constant 0 : i32
          %dma_wait3A_1160 = tpu.memref_slice %arg9[%add3A_1087, %dma_wait3A_1159] : memref<160x128xi32, #tpu.memory_space<vmem>> -> memref<1x128xi32, #tpu.memory_space<vmem>>
          %dma_wait3A_1161 = tpu.memref_squeeze %dma_wait3A_1160 : memref<1x128xi32, #tpu.memory_space<vmem>> -> memref<128xi32, #tpu.memory_space<vmem>>
          %dma_wait3A_1162 = arith.constant 0 : i32
          %dma_wait3A_1163 = tpu.memref_slice %arg18[%dma_wait3A_1162] : memref<10240xf32, #tpu.memory_space<vmem_shared>> -> memref<10240xf32, #tpu.memory_space<vmem_shared>>
          tpu.wait_indirect_dma semaphore(%run_scoped3A : memref<!tpu.dma_semaphore, #tpu.memory_space<semaphore_mem>>) src(%arg13 : memref<128xf32, #tpu.memory_space<vmem>>) dst(%dma_wait3A_1163 : memref<10240xf32, #tpu.memory_space<vmem_shared>>)
          tpu.yield
        }) : () -> ()
        %lt3A_1093 = arith.constant 19 : i32
        %lt3A_1094 = arith.cmpi slt, %scan3A_1043, %lt3A_1093 : i32
        %convert_element_type3A_1095 = arith.extui %lt3A_1094 : i1 to i32
        %cond3A_1096 = arith.constant 0 : i32
        %cond3A_1097 = arith.cmpi ne, %convert_element_type3A_1095, %cond3A_1096 : i32
        scf.if %cond3A_1097 {
          %add3A_1154 = arith.constant 8 : i32
          %add3A_1155 = arith.addi %add3A_1087, %add3A_1154 : i32
          %dma_start3A_1156 = arith.constant 0 : i32
          %dma_start3A_1157 = tpu.memref_slice %arg8[%add3A_1155, %dma_start3A_1156] : memref<160x128xi32, #tpu.memory_space<vmem>> -> memref<1x128xi32, #tpu.memory_space<vmem>>
          %dma_start3A_1158 = tpu.memref_squeeze %dma_start3A_1157 : memref<1x128xi32, #tpu.memory_space<vmem>> -> memref<128xi32, #tpu.memory_space<vmem>>
          %dma_start3A_1159 = arith.constant 0 : i32
          %dma_start3A_1160 = tpu.memref_slice %arg2[%dma_start3A_1159] : memref<10240xf32, #tpu.memory_space<hbm>> -> memref<10240xf32, #tpu.memory_space<hbm>>
          tpu.enqueue_indirect_dma source(%dma_start3A_1160 : memref<10240xf32, #tpu.memory_space<hbm>>) target(%arg13 : memref<128xf32, #tpu.memory_space<vmem>>) offsets(%dma_start3A_1158 : memref<128xi32, #tpu.memory_space<vmem>>) semaphore(%arg26 : memref<!tpu.dma_semaphore, #tpu.memory_space<semaphore_mem>>)
        } else {
        }
        %mul3A_1098 = arith.constant 8 : i32
        %mul3A_1099 = arith.muli %scan3A_1043, %mul3A_1098 : i32
        %add3A_1100 = arith.constant 4 : i32
        %add3A_1101 = arith.addi %mul3A_1099, %add3A_1100 : i32
        %dma_wait3A_1102 = arith.constant 0 : i32
        %dma_wait3A_1103 = tpu.memref_slice %arg8[%add3A_1101, %dma_wait3A_1102] : memref<160x128xi32, #tpu.memory_space<vmem>> -> memref<1x128xi32, #tpu.memory_space<vmem>>
        %dma_wait3A_1104 = tpu.memref_squeeze %dma_wait3A_1103 : memref<1x128xi32, #tpu.memory_space<vmem>> -> memref<128xi32, #tpu.memory_space<vmem>>
        %dma_wait3A_1105 = arith.constant 0 : i32
        %dma_wait3A_1106 = tpu.memref_slice %arg2[%dma_wait3A_1105] : memref<10240xf32, #tpu.memory_space<hbm>> -> memref<10240xf32, #tpu.memory_space<hbm>>
        tpu.wait_indirect_dma semaphore(%arg27 : memref<!tpu.dma_semaphore, #tpu.memory_space<semaphore_mem>>) src(%dma_wait3A_1106 : memref<10240xf32, #tpu.memory_space<hbm>>) dst(%arg14 : memref<128xf32, #tpu.memory_space<vmem>>)
        "tpu.region"() ({
          %run_scoped3A = tpu.sem_alloc : memref<!tpu.dma_semaphore, #tpu.memory_space<semaphore_mem>>
          %dma_start3A_1154 = arith.constant 0 : i32
          %dma_start3A_1155 = tpu.memref_slice %arg9[%add3A_1101, %dma_start3A_1154] : memref<160x128xi32, #tpu.memory_space<vmem>> -> memref<1x128xi32, #tpu.memory_space<vmem>>
          %dma_start3A_1156 = tpu.memref_squeeze %dma_start3A_1155 : memref<1x128xi32, #tpu.memory_space<vmem>> -> memref<128xi32, #tpu.memory_space<vmem>>
          %dma_start3A_1157 = arith.constant 0 : i32
          %dma_start3A_1158 = tpu.memref_slice %arg18[%dma_start3A_1157] : memref<10240xf32, #tpu.memory_space<vmem_shared>> -> memref<10240xf32, #tpu.memory_space<vmem_shared>>
          tpu.enqueue_indirect_dma source(%arg14 : memref<128xf32, #tpu.memory_space<vmem>>) target(%dma_start3A_1158 : memref<10240xf32, #tpu.memory_space<vmem_shared>>) offsets(%dma_start3A_1156 : memref<128xi32, #tpu.memory_space<vmem>>) semaphore(%run_scoped3A : memref<!tpu.dma_semaphore, #tpu.memory_space<semaphore_mem>>) {add = true}
          %dma_wait3A_1159 = arith.constant 0 : i32
          %dma_wait3A_1160 = tpu.memref_slice %arg9[%add3A_1101, %dma_wait3A_1159] : memref<160x128xi32, #tpu.memory_space<vmem>> -> memref<1x128xi32, #tpu.memory_space<vmem>>
          %dma_wait3A_1161 = tpu.memref_squeeze %dma_wait3A_1160 : memref<1x128xi32, #tpu.memory_space<vmem>> -> memref<128xi32, #tpu.memory_space<vmem>>
          %dma_wait3A_1162 = arith.constant 0 : i32
          %dma_wait3A_1163 = tpu.memref_slice %arg18[%dma_wait3A_1162] : memref<10240xf32, #tpu.memory_space<vmem_shared>> -> memref<10240xf32, #tpu.memory_space<vmem_shared>>
          tpu.wait_indirect_dma semaphore(%run_scoped3A : memref<!tpu.dma_semaphore, #tpu.memory_space<semaphore_mem>>) src(%arg14 : memref<128xf32, #tpu.memory_space<vmem>>) dst(%dma_wait3A_1163 : memref<10240xf32, #tpu.memory_space<vmem_shared>>)
          tpu.yield
        }) : () -> ()
        %lt3A_1107 = arith.constant 19 : i32
        %lt3A_1108 = arith.cmpi slt, %scan3A_1043, %lt3A_1107 : i32
        %convert_element_type3A_1109 = arith.extui %lt3A_1108 : i1 to i32
        %cond3A_1110 = arith.constant 0 : i32
        %cond3A_1111 = arith.cmpi ne, %convert_element_type3A_1109, %cond3A_1110 : i32
        scf.if %cond3A_1111 {
          %add3A_1154 = arith.constant 8 : i32
          %add3A_1155 = arith.addi %add3A_1101, %add3A_1154 : i32
          %dma_start3A_1156 = arith.constant 0 : i32
          %dma_start3A_1157 = tpu.memref_slice %arg8[%add3A_1155, %dma_start3A_1156] : memref<160x128xi32, #tpu.memory_space<vmem>> -> memref<1x128xi32, #tpu.memory_space<vmem>>
          %dma_start3A_1158 = tpu.memref_squeeze %dma_start3A_1157 : memref<1x128xi32, #tpu.memory_space<vmem>> -> memref<128xi32, #tpu.memory_space<vmem>>
          %dma_start3A_1159 = arith.constant 0 : i32
          %dma_start3A_1160 = tpu.memref_slice %arg2[%dma_start3A_1159] : memref<10240xf32, #tpu.memory_space<hbm>> -> memref<10240xf32, #tpu.memory_space<hbm>>
          tpu.enqueue_indirect_dma source(%dma_start3A_1160 : memref<10240xf32, #tpu.memory_space<hbm>>) target(%arg14 : memref<128xf32, #tpu.memory_space<vmem>>) offsets(%dma_start3A_1158 : memref<128xi32, #tpu.memory_space<vmem>>) semaphore(%arg27 : memref<!tpu.dma_semaphore, #tpu.memory_space<semaphore_mem>>)
        } else {
        }
        %mul3A_1112 = arith.constant 8 : i32
        %mul3A_1113 = arith.muli %scan3A_1043, %mul3A_1112 : i32
        %add3A_1114 = arith.constant 5 : i32
        %add3A_1115 = arith.addi %mul3A_1113, %add3A_1114 : i32
        %dma_wait3A_1116 = arith.constant 0 : i32
        %dma_wait3A_1117 = tpu.memref_slice %arg8[%add3A_1115, %dma_wait3A_1116] : memref<160x128xi32, #tpu.memory_space<vmem>> -> memref<1x128xi32, #tpu.memory_space<vmem>>
        %dma_wait3A_1118 = tpu.memref_squeeze %dma_wait3A_1117 : memref<1x128xi32, #tpu.memory_space<vmem>> -> memref<128xi32, #tpu.memory_space<vmem>>
        %dma_wait3A_1119 = arith.constant 0 : i32
        %dma_wait3A_1120 = tpu.memref_slice %arg2[%dma_wait3A_1119] : memref<10240xf32, #tpu.memory_space<hbm>> -> memref<10240xf32, #tpu.memory_space<hbm>>
        tpu.wait_indirect_dma semaphore(%arg28 : memref<!tpu.dma_semaphore, #tpu.memory_space<semaphore_mem>>) src(%dma_wait3A_1120 : memref<10240xf32, #tpu.memory_space<hbm>>) dst(%arg15 : memref<128xf32, #tpu.memory_space<vmem>>)
        "tpu.region"() ({
          %run_scoped3A = tpu.sem_alloc : memref<!tpu.dma_semaphore, #tpu.memory_space<semaphore_mem>>
          %dma_start3A_1154 = arith.constant 0 : i32
          %dma_start3A_1155 = tpu.memref_slice %arg9[%add3A_1115, %dma_start3A_1154] : memref<160x128xi32, #tpu.memory_space<vmem>> -> memref<1x128xi32, #tpu.memory_space<vmem>>
          %dma_start3A_1156 = tpu.memref_squeeze %dma_start3A_1155 : memref<1x128xi32, #tpu.memory_space<vmem>> -> memref<128xi32, #tpu.memory_space<vmem>>
          %dma_start3A_1157 = arith.constant 0 : i32
          %dma_start3A_1158 = tpu.memref_slice %arg18[%dma_start3A_1157] : memref<10240xf32, #tpu.memory_space<vmem_shared>> -> memref<10240xf32, #tpu.memory_space<vmem_shared>>
          tpu.enqueue_indirect_dma source(%arg15 : memref<128xf32, #tpu.memory_space<vmem>>) target(%dma_start3A_1158 : memref<10240xf32, #tpu.memory_space<vmem_shared>>) offsets(%dma_start3A_1156 : memref<128xi32, #tpu.memory_space<vmem>>) semaphore(%run_scoped3A : memref<!tpu.dma_semaphore, #tpu.memory_space<semaphore_mem>>) {add = true}
          %dma_wait3A_1159 = arith.constant 0 : i32
          %dma_wait3A_1160 = tpu.memref_slice %arg9[%add3A_1115, %dma_wait3A_1159] : memref<160x128xi32, #tpu.memory_space<vmem>> -> memref<1x128xi32, #tpu.memory_space<vmem>>
          %dma_wait3A_1161 = tpu.memref_squeeze %dma_wait3A_1160 : memref<1x128xi32, #tpu.memory_space<vmem>> -> memref<128xi32, #tpu.memory_space<vmem>>
          %dma_wait3A_1162 = arith.constant 0 : i32
          %dma_wait3A_1163 = tpu.memref_slice %arg18[%dma_wait3A_1162] : memref<10240xf32, #tpu.memory_space<vmem_shared>> -> memref<10240xf32, #tpu.memory_space<vmem_shared>>
          tpu.wait_indirect_dma semaphore(%run_scoped3A : memref<!tpu.dma_semaphore, #tpu.memory_space<semaphore_mem>>) src(%arg15 : memref<128xf32, #tpu.memory_space<vmem>>) dst(%dma_wait3A_1163 : memref<10240xf32, #tpu.memory_space<vmem_shared>>)
          tpu.yield
        }) : () -> ()
        %lt3A_1121 = arith.constant 19 : i32
        %lt3A_1122 = arith.cmpi slt, %scan3A_1043, %lt3A_1121 : i32
        %convert_element_type3A_1123 = arith.extui %lt3A_1122 : i1 to i32
        %cond3A_1124 = arith.constant 0 : i32
        %cond3A_1125 = arith.cmpi ne, %convert_element_type3A_1123, %cond3A_1124 : i32
        scf.if %cond3A_1125 {
          %add3A_1154 = arith.constant 8 : i32
          %add3A_1155 = arith.addi %add3A_1115, %add3A_1154 : i32
          %dma_start3A_1156 = arith.constant 0 : i32
          %dma_start3A_1157 = tpu.memref_slice %arg8[%add3A_1155, %dma_start3A_1156] : memref<160x128xi32, #tpu.memory_space<vmem>> -> memref<1x128xi32, #tpu.memory_space<vmem>>
          %dma_start3A_1158 = tpu.memref_squeeze %dma_start3A_1157 : memref<1x128xi32, #tpu.memory_space<vmem>> -> memref<128xi32, #tpu.memory_space<vmem>>
          %dma_start3A_1159 = arith.constant 0 : i32
          %dma_start3A_1160 = tpu.memref_slice %arg2[%dma_start3A_1159] : memref<10240xf32, #tpu.memory_space<hbm>> -> memref<10240xf32, #tpu.memory_space<hbm>>
          tpu.enqueue_indirect_dma source(%dma_start3A_1160 : memref<10240xf32, #tpu.memory_space<hbm>>) target(%arg15 : memref<128xf32, #tpu.memory_space<vmem>>) offsets(%dma_start3A_1158 : memref<128xi32, #tpu.memory_space<vmem>>) semaphore(%arg28 : memref<!tpu.dma_semaphore, #tpu.memory_space<semaphore_mem>>)
        } else {
        }
        %mul3A_1126 = arith.constant 8 : i32
        %mul3A_1127 = arith.muli %scan3A_1043, %mul3A_1126 : i32
        %add3A_1128 = arith.constant 6 : i32
        %add3A_1129 = arith.addi %mul3A_1127, %add3A_1128 : i32
        %dma_wait3A_1130 = arith.constant 0 : i32
        %dma_wait3A_1131 = tpu.memref_slice %arg8[%add3A_1129, %dma_wait3A_1130] : memref<160x128xi32, #tpu.memory_space<vmem>> -> memref<1x128xi32, #tpu.memory_space<vmem>>
        %dma_wait3A_1132 = tpu.memref_squeeze %dma_wait3A_1131 : memref<1x128xi32, #tpu.memory_space<vmem>> -> memref<128xi32, #tpu.memory_space<vmem>>
        %dma_wait3A_1133 = arith.constant 0 : i32
        %dma_wait3A_1134 = tpu.memref_slice %arg2[%dma_wait3A_1133] : memref<10240xf32, #tpu.memory_space<hbm>> -> memref<10240xf32, #tpu.memory_space<hbm>>
        tpu.wait_indirect_dma semaphore(%arg29 : memref<!tpu.dma_semaphore, #tpu.memory_space<semaphore_mem>>) src(%dma_wait3A_1134 : memref<10240xf32, #tpu.memory_space<hbm>>) dst(%arg16 : memref<128xf32, #tpu.memory_space<vmem>>)
        "tpu.region"() ({
          %run_scoped3A = tpu.sem_alloc : memref<!tpu.dma_semaphore, #tpu.memory_space<semaphore_mem>>
          %dma_start3A_1154 = arith.constant 0 : i32
          %dma_start3A_1155 = tpu.memref_slice %arg9[%add3A_1129, %dma_start3A_1154] : memref<160x128xi32, #tpu.memory_space<vmem>> -> memref<1x128xi32, #tpu.memory_space<vmem>>
          %dma_start3A_1156 = tpu.memref_squeeze %dma_start3A_1155 : memref<1x128xi32, #tpu.memory_space<vmem>> -> memref<128xi32, #tpu.memory_space<vmem>>
          %dma_start3A_1157 = arith.constant 0 : i32
          %dma_start3A_1158 = tpu.memref_slice %arg18[%dma_start3A_1157] : memref<10240xf32, #tpu.memory_space<vmem_shared>> -> memref<10240xf32, #tpu.memory_space<vmem_shared>>
          tpu.enqueue_indirect_dma source(%arg16 : memref<128xf32, #tpu.memory_space<vmem>>) target(%dma_start3A_1158 : memref<10240xf32, #tpu.memory_space<vmem_shared>>) offsets(%dma_start3A_1156 : memref<128xi32, #tpu.memory_space<vmem>>) semaphore(%run_scoped3A : memref<!tpu.dma_semaphore, #tpu.memory_space<semaphore_mem>>) {add = true}
          %dma_wait3A_1159 = arith.constant 0 : i32
          %dma_wait3A_1160 = tpu.memref_slice %arg9[%add3A_1129, %dma_wait3A_1159] : memref<160x128xi32, #tpu.memory_space<vmem>> -> memref<1x128xi32, #tpu.memory_space<vmem>>
          %dma_wait3A_1161 = tpu.memref_squeeze %dma_wait3A_1160 : memref<1x128xi32, #tpu.memory_space<vmem>> -> memref<128xi32, #tpu.memory_space<vmem>>
          %dma_wait3A_1162 = arith.constant 0 : i32
          %dma_wait3A_1163 = tpu.memref_slice %arg18[%dma_wait3A_1162] : memref<10240xf32, #tpu.memory_space<vmem_shared>> -> memref<10240xf32, #tpu.memory_space<vmem_shared>>
          tpu.wait_indirect_dma semaphore(%run_scoped3A : memref<!tpu.dma_semaphore, #tpu.memory_space<semaphore_mem>>) src(%arg16 : memref<128xf32, #tpu.memory_space<vmem>>) dst(%dma_wait3A_1163 : memref<10240xf32, #tpu.memory_space<vmem_shared>>)
          tpu.yield
        }) : () -> ()
        %lt3A_1135 = arith.constant 19 : i32
        %lt3A_1136 = arith.cmpi slt, %scan3A_1043, %lt3A_1135 : i32
        %convert_element_type3A_1137 = arith.extui %lt3A_1136 : i1 to i32
        %cond3A_1138 = arith.constant 0 : i32
        %cond3A_1139 = arith.cmpi ne, %convert_element_type3A_1137, %cond3A_1138 : i32
        scf.if %cond3A_1139 {
          %add3A_1154 = arith.constant 8 : i32
          %add3A_1155 = arith.addi %add3A_1129, %add3A_1154 : i32
          %dma_start3A_1156 = arith.constant 0 : i32
          %dma_start3A_1157 = tpu.memref_slice %arg8[%add3A_1155, %dma_start3A_1156] : memref<160x128xi32, #tpu.memory_space<vmem>> -> memref<1x128xi32, #tpu.memory_space<vmem>>
          %dma_start3A_1158 = tpu.memref_squeeze %dma_start3A_1157 : memref<1x128xi32, #tpu.memory_space<vmem>> -> memref<128xi32, #tpu.memory_space<vmem>>
          %dma_start3A_1159 = arith.constant 0 : i32
          %dma_start3A_1160 = tpu.memref_slice %arg2[%dma_start3A_1159] : memref<10240xf32, #tpu.memory_space<hbm>> -> memref<10240xf32, #tpu.memory_space<hbm>>
          tpu.enqueue_indirect_dma source(%dma_start3A_1160 : memref<10240xf32, #tpu.memory_space<hbm>>) target(%arg16 : memref<128xf32, #tpu.memory_space<vmem>>) offsets(%dma_start3A_1158 : memref<128xi32, #tpu.memory_space<vmem>>) semaphore(%arg29 : memref<!tpu.dma_semaphore, #tpu.memory_space<semaphore_mem>>)
        } else {
        }
        %mul3A_1140 = arith.constant 8 : i32
        %mul3A_1141 = arith.muli %scan3A_1043, %mul3A_1140 : i32
        %add3A_1142 = arith.constant 7 : i32
        %add3A_1143 = arith.addi %mul3A_1141, %add3A_1142 : i32
        %dma_wait3A_1144 = arith.constant 0 : i32
        %dma_wait3A_1145 = tpu.memref_slice %arg8[%add3A_1143, %dma_wait3A_1144] : memref<160x128xi32, #tpu.memory_space<vmem>> -> memref<1x128xi32, #tpu.memory_space<vmem>>
        %dma_wait3A_1146 = tpu.memref_squeeze %dma_wait3A_1145 : memref<1x128xi32, #tpu.memory_space<vmem>> -> memref<128xi32, #tpu.memory_space<vmem>>
        %dma_wait3A_1147 = arith.constant 0 : i32
        %dma_wait3A_1148 = tpu.memref_slice %arg2[%dma_wait3A_1147] : memref<10240xf32, #tpu.memory_space<hbm>> -> memref<10240xf32, #tpu.memory_space<hbm>>
        tpu.wait_indirect_dma semaphore(%arg30 : memref<!tpu.dma_semaphore, #tpu.memory_space<semaphore_mem>>) src(%dma_wait3A_1148 : memref<10240xf32, #tpu.memory_space<hbm>>) dst(%arg17 : memref<128xf32, #tpu.memory_space<vmem>>)
        "tpu.region"() ({
          %run_scoped3A = tpu.sem_alloc : memref<!tpu.dma_semaphore, #tpu.memory_space<semaphore_mem>>
          %dma_start3A_1154 = arith.constant 0 : i32
          %dma_start3A_1155 = tpu.memref_slice %arg9[%add3A_1143, %dma_start3A_1154] : memref<160x128xi32, #tpu.memory_space<vmem>> -> memref<1x128xi32, #tpu.memory_space<vmem>>
          %dma_start3A_1156 = tpu.memref_squeeze %dma_start3A_1155 : memref<1x128xi32, #tpu.memory_space<vmem>> -> memref<128xi32, #tpu.memory_space<vmem>>
          %dma_start3A_1157 = arith.constant 0 : i32
          %dma_start3A_1158 = tpu.memref_slice %arg18[%dma_start3A_1157] : memref<10240xf32, #tpu.memory_space<vmem_shared>> -> memref<10240xf32, #tpu.memory_space<vmem_shared>>
          tpu.enqueue_indirect_dma source(%arg17 : memref<128xf32, #tpu.memory_space<vmem>>) target(%dma_start3A_1158 : memref<10240xf32, #tpu.memory_space<vmem_shared>>) offsets(%dma_start3A_1156 : memref<128xi32, #tpu.memory_space<vmem>>) semaphore(%run_scoped3A : memref<!tpu.dma_semaphore, #tpu.memory_space<semaphore_mem>>) {add = true}
          %dma_wait3A_1159 = arith.constant 0 : i32
          %dma_wait3A_1160 = tpu.memref_slice %arg9[%add3A_1143, %dma_wait3A_1159] : memref<160x128xi32, #tpu.memory_space<vmem>> -> memref<1x128xi32, #tpu.memory_space<vmem>>
          %dma_wait3A_1161 = tpu.memref_squeeze %dma_wait3A_1160 : memref<1x128xi32, #tpu.memory_space<vmem>> -> memref<128xi32, #tpu.memory_space<vmem>>
          %dma_wait3A_1162 = arith.constant 0 : i32
          %dma_wait3A_1163 = tpu.memref_slice %arg18[%dma_wait3A_1162] : memref<10240xf32, #tpu.memory_space<vmem_shared>> -> memref<10240xf32, #tpu.memory_space<vmem_shared>>
          tpu.wait_indirect_dma semaphore(%run_scoped3A : memref<!tpu.dma_semaphore, #tpu.memory_space<semaphore_mem>>) src(%arg17 : memref<128xf32, #tpu.memory_space<vmem>>) dst(%dma_wait3A_1163 : memref<10240xf32, #tpu.memory_space<vmem_shared>>)
          tpu.yield
        }) : () -> ()
        %lt3A_1149 = arith.constant 19 : i32
        %lt3A_1150 = arith.cmpi slt, %scan3A_1043, %lt3A_1149 : i32
        %convert_element_type3A_1151 = arith.extui %lt3A_1150 : i1 to i32
        %cond3A_1152 = arith.constant 0 : i32
        %cond3A_1153 = arith.cmpi ne, %convert_element_type3A_1151, %cond3A_1152 : i32
        scf.if %cond3A_1153 {
          %add3A_1154 = arith.constant 8 : i32
          %add3A_1155 = arith.addi %add3A_1143, %add3A_1154 : i32
          %dma_start3A_1156 = arith.constant 0 : i32
          %dma_start3A_1157 = tpu.memref_slice %arg8[%add3A_1155, %dma_start3A_1156] : memref<160x128xi32, #tpu.memory_space<vmem>> -> memref<1x128xi32, #tpu.memory_space<vmem>>
          %dma_start3A_1158 = tpu.memref_squeeze %dma_start3A_1157 : memref<1x128xi32, #tpu.memory_space<vmem>> -> memref<128xi32, #tpu.memory_space<vmem>>
          %dma_start3A_1159 = arith.constant 0 : i32
          %dma_start3A_1160 = tpu.memref_slice %arg2[%dma_start3A_1159] : memref<10240xf32, #tpu.memory_space<hbm>> -> memref<10240xf32, #tpu.memory_space<hbm>>
          tpu.enqueue_indirect_dma source(%dma_start3A_1160 : memref<10240xf32, #tpu.memory_space<hbm>>) target(%arg17 : memref<128xf32, #tpu.memory_space<vmem>>) offsets(%dma_start3A_1158 : memref<128xi32, #tpu.memory_space<vmem>>) semaphore(%arg30 : memref<!tpu.dma_semaphore, #tpu.memory_space<semaphore_mem>>)
        } else {
        }
      }
      %scan3A_117 = arith.constant 20 : i32
      %barrier3A_118 = arith.constant 0 : index
      tpu.barrier barrier_id(%barrier3A_118)
      %mul3A_119 = arith.constant 640 : i32
      %mul3A_120 = arith.muli %arg1, %mul3A_119 : i32
      "tpu.region"() ({
        %run_scoped3A = tpu.sem_alloc : memref<!tpu.dma_semaphore, #tpu.memory_space<semaphore_mem>>
        %dma_start3A_1043 = tpu.memref_slice %arg18[%mul3A_120] : memref<10240xf32, #tpu.memory_space<vmem_shared>> -> memref<640xf32, #tpu.memory_space<vmem_shared>>
        %dma_start3A_1044 = tpu.memref_slice %arg18[%mul3A_120] : memref<10240xf32, #tpu.memory_space<vmem_shared>> -> memref<640xf32, #tpu.memory_space<vmem_shared>>
        tpu.enqueue_dma source(%dma_start3A_1044 : memref<640xf32, #tpu.memory_space<vmem_shared>>) target(%arg19 : memref<640xf32, #tpu.memory_space<vmem>>) target_semaphore(%run_scoped3A : memref<!tpu.dma_semaphore, #tpu.memory_space<semaphore_mem>>)
        %dma_wait3A = tpu.memref_slice %arg18[%mul3A_120] : memref<10240xf32, #tpu.memory_space<vmem_shared>> -> memref<640xf32, #tpu.memory_space<vmem_shared>>
        %dma_wait3A_1045 = tpu.memref_slice %arg18[%mul3A_120] : memref<10240xf32, #tpu.memory_space<vmem_shared>> -> memref<640xf32, #tpu.memory_space<vmem_shared>>
        tpu.wait_dma2 semaphore(%run_scoped3A : memref<!tpu.dma_semaphore, #tpu.memory_space<semaphore_mem>>) src(%dma_wait3A_1045 : memref<640xf32, #tpu.memory_space<vmem_shared>>) dst(%arg19 : memref<640xf32, #tpu.memory_space<vmem>>)
        tpu.yield
      }) : () -> ()
      "tpu.region"() ({
        %run_scoped3A = tpu.sem_alloc : memref<!tpu.dma_semaphore, #tpu.memory_space<semaphore_mem>>
        %dma_start3A_1043 = tpu.memref_slice %arg2[%mul3A_120] : memref<10240xf32, #tpu.memory_space<hbm>> -> memref<640xf32, #tpu.memory_space<hbm>>
        %dma_start3A_1044 = tpu.memref_slice %arg2[%mul3A_120] : memref<10240xf32, #tpu.memory_space<hbm>> -> memref<640xf32, #tpu.memory_space<hbm>>
        tpu.enqueue_dma source(%dma_start3A_1044 : memref<640xf32, #tpu.memory_space<hbm>>) target(%arg20 : memref<640xf32, #tpu.memory_space<vmem>>) target_semaphore(%run_scoped3A : memref<!tpu.dma_semaphore, #tpu.memory_space<semaphore_mem>>)
        %dma_wait3A = tpu.memref_slice %arg2[%mul3A_120] : memref<10240xf32, #tpu.memory_space<hbm>> -> memref<640xf32, #tpu.memory_space<hbm>>
        %dma_wait3A_1045 = tpu.memref_slice %arg2[%mul3A_120] : memref<10240xf32, #tpu.memory_space<hbm>> -> memref<640xf32, #tpu.memory_space<hbm>>
        tpu.wait_dma2 semaphore(%run_scoped3A : memref<!tpu.dma_semaphore, #tpu.memory_space<semaphore_mem>>) src(%dma_wait3A_1045 : memref<640xf32, #tpu.memory_space<hbm>>) dst(%arg20 : memref<640xf32, #tpu.memory_space<vmem>>)
        tpu.yield
      }) : () -> ()
      "tpu.region"() ({
        %run_scoped3A = tpu.sem_alloc : memref<!tpu.dma_semaphore, #tpu.memory_space<semaphore_mem>>
        tpu.enqueue_dma source(%arg6 : memref<16xf32, #tpu.memory_space<hbm>>) target(%arg22 : memref<16xf32, #tpu.memory_space<vmem>>) target_semaphore(%run_scoped3A : memref<!tpu.dma_semaphore, #tpu.memory_space<semaphore_mem>>)
        tpu.wait_dma2 semaphore(%run_scoped3A : memref<!tpu.dma_semaphore, #tpu.memory_space<semaphore_mem>>) src(%arg6 : memref<16xf32, #tpu.memory_space<hbm>>) dst(%arg22 : memref<16xf32, #tpu.memory_space<vmem>>)
        tpu.yield
      }) : () -> ()
      %get3A = arith.constant 0 : index
      %get3A_121 = tpu.vector_load %arg22[%get3A] {strides = array<i32>} : memref<16xf32, #tpu.memory_space<vmem>>, vector<16xf32>,
      %get3A_122 = vector.shape_cast %get3A_121 : vector<16xf32> to vector<16xf32>
      %get3A_123 = arith.constant 0 : index
      %get3A_124 = tpu.vector_load %arg19[%get3A_123] {strides = array<i32>} : memref<640xf32, #tpu.memory_space<vmem>>, vector<16xf32>,
      %get3A_125 = vector.shape_cast %get3A_124 : vector<16xf32> to vector<16xf32>
      %get3A_126 = arith.constant 0 : index
      %get3A_127 = tpu.vector_load %arg20[%get3A_126] {strides = array<i32>} : memref<640xf32, #tpu.memory_space<vmem>>, vector<16xf32>,
      %get3A_128 = vector.shape_cast %get3A_127 : vector<16xf32> to vector<16xf32>
      %add3A_129 = arith.addf %get3A_125, %get3A_128 : vector<16xf32>
      %swap3A_130 = arith.constant 0 : index
      %swap3A_131 = tpu.vector_load %arg21[%swap3A_130] {strides = array<i32>} : memref<640xf32, #tpu.memory_space<vmem>>, vector<16xf32>,
      %swap3A_132 = vector.shape_cast %swap3A_131 : vector<16xf32> to vector<16xf32>
      %swap3A_133 = vector.shape_cast %add3A_129 : vector<16xf32> to vector<16xf32>
      tpu.vector_store %arg21[%swap3A_130], %swap3A_133 {strides = array<i32>} : memref<640xf32, #tpu.memory_space<vmem>>, vector<16xf32>,
      %get3A_134 = arith.constant 16 : index
      %get3A_135 = tpu.vector_load %arg19[%get3A_134] {strides = array<i32>} : memref<640xf32, #tpu.memory_space<vmem>>, vector<16xf32>,
      %get3A_136 = vector.shape_cast %get3A_135 : vector<16xf32> to vector<16xf32>
      %get3A_137 = arith.constant 16 : index
      %get3A_138 = tpu.vector_load %arg20[%get3A_137] {strides = array<i32>} : memref<640xf32, #tpu.memory_space<vmem>>, vector<16xf32>,
      %get3A_139 = vector.shape_cast %get3A_138 : vector<16xf32> to vector<16xf32>
      %add3A_140 = arith.addf %get3A_136, %get3A_139 : vector<16xf32>
      %swap3A_141 = arith.constant 16 : index
      %swap3A_142 = tpu.vector_load %arg21[%swap3A_141] {strides = array<i32>} : memref<640xf32, #tpu.memory_space<vmem>>, vector<16xf32>,
      %swap3A_143 = vector.shape_cast %swap3A_142 : vector<16xf32> to vector<16xf32>
      %swap3A_144 = vector.shape_cast %add3A_140 : vector<16xf32> to vector<16xf32>
      tpu.vector_store %arg21[%swap3A_141], %swap3A_144 {strides = array<i32>} : memref<640xf32, #tpu.memory_space<vmem>>, vector<16xf32>,
      %get3A_145 = arith.constant 32 : index
      %get3A_146 = tpu.vector_load %arg19[%get3A_145] {strides = array<i32>} : memref<640xf32, #tpu.memory_space<vmem>>, vector<16xf32>,
      %get3A_147 = vector.shape_cast %get3A_146 : vector<16xf32> to vector<16xf32>
      %get3A_148 = arith.constant 32 : index
      %get3A_149 = tpu.vector_load %arg20[%get3A_148] {strides = array<i32>} : memref<640xf32, #tpu.memory_space<vmem>>, vector<16xf32>,
      %get3A_150 = vector.shape_cast %get3A_149 : vector<16xf32> to vector<16xf32>
      %add3A_151 = arith.addf %get3A_147, %get3A_150 : vector<16xf32>
      %swap3A_152 = arith.constant 32 : index
      %swap3A_153 = tpu.vector_load %arg21[%swap3A_152] {strides = array<i32>} : memref<640xf32, #tpu.memory_space<vmem>>, vector<16xf32>,
      %swap3A_154 = vector.shape_cast %swap3A_153 : vector<16xf32> to vector<16xf32>
      %swap3A_155 = vector.shape_cast %add3A_151 : vector<16xf32> to vector<16xf32>
      tpu.vector_store %arg21[%swap3A_152], %swap3A_155 {strides = array<i32>} : memref<640xf32, #tpu.memory_space<vmem>>, vector<16xf32>,
      %get3A_156 = arith.constant 48 : index
      %get3A_157 = tpu.vector_load %arg19[%get3A_156] {strides = array<i32>} : memref<640xf32, #tpu.memory_space<vmem>>, vector<16xf32>,
      %get3A_158 = vector.shape_cast %get3A_157 : vector<16xf32> to vector<16xf32>
      %get3A_159 = arith.constant 48 : index
      %get3A_160 = tpu.vector_load %arg20[%get3A_159] {strides = array<i32>} : memref<640xf32, #tpu.memory_space<vmem>>, vector<16xf32>,
      %get3A_161 = vector.shape_cast %get3A_160 : vector<16xf32> to vector<16xf32>
      %add3A_162 = arith.addf %get3A_158, %get3A_161 : vector<16xf32>
      %swap3A_163 = arith.constant 48 : index
      %swap3A_164 = tpu.vector_load %arg21[%swap3A_163] {strides = array<i32>} : memref<640xf32, #tpu.memory_space<vmem>>, vector<16xf32>,
      %swap3A_165 = vector.shape_cast %swap3A_164 : vector<16xf32> to vector<16xf32>
      %swap3A_166 = vector.shape_cast %add3A_162 : vector<16xf32> to vector<16xf32>
      tpu.vector_store %arg21[%swap3A_163], %swap3A_166 {strides = array<i32>} : memref<640xf32, #tpu.memory_space<vmem>>, vector<16xf32>,
      %get3A_167 = arith.constant 64 : index
      %get3A_168 = tpu.vector_load %arg19[%get3A_167] {strides = array<i32>} : memref<640xf32, #tpu.memory_space<vmem>>, vector<16xf32>,
      %get3A_169 = vector.shape_cast %get3A_168 : vector<16xf32> to vector<16xf32>
      %get3A_170 = arith.constant 64 : index
      %get3A_171 = tpu.vector_load %arg20[%get3A_170] {strides = array<i32>} : memref<640xf32, #tpu.memory_space<vmem>>, vector<16xf32>,
      %get3A_172 = vector.shape_cast %get3A_171 : vector<16xf32> to vector<16xf32>
      %add3A_173 = arith.addf %get3A_169, %get3A_172 : vector<16xf32>
      %swap3A_174 = arith.constant 64 : index
      %swap3A_175 = tpu.vector_load %arg21[%swap3A_174] {strides = array<i32>} : memref<640xf32, #tpu.memory_space<vmem>>, vector<16xf32>,
      %swap3A_176 = vector.shape_cast %swap3A_175 : vector<16xf32> to vector<16xf32>
      %swap3A_177 = vector.shape_cast %add3A_173 : vector<16xf32> to vector<16xf32>
      tpu.vector_store %arg21[%swap3A_174], %swap3A_177 {strides = array<i32>} : memref<640xf32, #tpu.memory_space<vmem>>, vector<16xf32>,
      %get3A_178 = arith.constant 80 : index
      %get3A_179 = tpu.vector_load %arg19[%get3A_178] {strides = array<i32>} : memref<640xf32, #tpu.memory_space<vmem>>, vector<16xf32>,
      %get3A_180 = vector.shape_cast %get3A_179 : vector<16xf32> to vector<16xf32>
      %get3A_181 = arith.constant 80 : index
      %get3A_182 = tpu.vector_load %arg20[%get3A_181] {strides = array<i32>} : memref<640xf32, #tpu.memory_space<vmem>>, vector<16xf32>,
      %get3A_183 = vector.shape_cast %get3A_182 : vector<16xf32> to vector<16xf32>
      %add3A_184 = arith.addf %get3A_180, %get3A_183 : vector<16xf32>
      %swap3A_185 = arith.constant 80 : index
      %swap3A_186 = tpu.vector_load %arg21[%swap3A_185] {strides = array<i32>} : memref<640xf32, #tpu.memory_space<vmem>>, vector<16xf32>,
      %swap3A_187 = vector.shape_cast %swap3A_186 : vector<16xf32> to vector<16xf32>
      %swap3A_188 = vector.shape_cast %add3A_184 : vector<16xf32> to vector<16xf32>
      tpu.vector_store %arg21[%swap3A_185], %swap3A_188 {strides = array<i32>} : memref<640xf32, #tpu.memory_space<vmem>>, vector<16xf32>,
      %get3A_189 = arith.constant 96 : index
      %get3A_190 = tpu.vector_load %arg19[%get3A_189] {strides = array<i32>} : memref<640xf32, #tpu.memory_space<vmem>>, vector<16xf32>,
      %get3A_191 = vector.shape_cast %get3A_190 : vector<16xf32> to vector<16xf32>
      %get3A_192 = arith.constant 96 : index
      %get3A_193 = tpu.vector_load %arg20[%get3A_192] {strides = array<i32>} : memref<640xf32, #tpu.memory_space<vmem>>, vector<16xf32>,
      %get3A_194 = vector.shape_cast %get3A_193 : vector<16xf32> to vector<16xf32>
      %add3A_195 = arith.addf %get3A_191, %get3A_194 : vector<16xf32>
      %swap3A_196 = arith.constant 96 : index
      %swap3A_197 = tpu.vector_load %arg21[%swap3A_196] {strides = array<i32>} : memref<640xf32, #tpu.memory_space<vmem>>, vector<16xf32>,
      %swap3A_198 = vector.shape_cast %swap3A_197 : vector<16xf32> to vector<16xf32>
      %swap3A_199 = vector.shape_cast %add3A_195 : vector<16xf32> to vector<16xf32>
      tpu.vector_store %arg21[%swap3A_196], %swap3A_199 {strides = array<i32>} : memref<640xf32, #tpu.memory_space<vmem>>, vector<16xf32>,
      %get3A_200 = arith.constant 112 : index
      %get3A_201 = tpu.vector_load %arg19[%get3A_200] {strides = array<i32>} : memref<640xf32, #tpu.memory_space<vmem>>, vector<16xf32>,
      %get3A_202 = vector.shape_cast %get3A_201 : vector<16xf32> to vector<16xf32>
      %get3A_203 = arith.constant 112 : index
      %get3A_204 = tpu.vector_load %arg20[%get3A_203] {strides = array<i32>} : memref<640xf32, #tpu.memory_space<vmem>>, vector<16xf32>,
      %get3A_205 = vector.shape_cast %get3A_204 : vector<16xf32> to vector<16xf32>
      %add3A_206 = arith.addf %get3A_202, %get3A_205 : vector<16xf32>
      %swap3A_207 = arith.constant 112 : index
      %swap3A_208 = tpu.vector_load %arg21[%swap3A_207] {strides = array<i32>} : memref<640xf32, #tpu.memory_space<vmem>>, vector<16xf32>,
      %swap3A_209 = vector.shape_cast %swap3A_208 : vector<16xf32> to vector<16xf32>
      %swap3A_210 = vector.shape_cast %add3A_206 : vector<16xf32> to vector<16xf32>
      tpu.vector_store %arg21[%swap3A_207], %swap3A_210 {strides = array<i32>} : memref<640xf32, #tpu.memory_space<vmem>>, vector<16xf32>,
      %get3A_211 = arith.constant 128 : index
      %get3A_212 = tpu.vector_load %arg19[%get3A_211] {strides = array<i32>} : memref<640xf32, #tpu.memory_space<vmem>>, vector<16xf32>,
      %get3A_213 = vector.shape_cast %get3A_212 : vector<16xf32> to vector<16xf32>
      %get3A_214 = arith.constant 128 : index
      %get3A_215 = tpu.vector_load %arg20[%get3A_214] {strides = array<i32>} : memref<640xf32, #tpu.memory_space<vmem>>, vector<16xf32>,
      %get3A_216 = vector.shape_cast %get3A_215 : vector<16xf32> to vector<16xf32>
      %add3A_217 = arith.addf %get3A_213, %get3A_216 : vector<16xf32>
      %swap3A_218 = arith.constant 128 : index
      %swap3A_219 = tpu.vector_load %arg21[%swap3A_218] {strides = array<i32>} : memref<640xf32, #tpu.memory_space<vmem>>, vector<16xf32>,
      %swap3A_220 = vector.shape_cast %swap3A_219 : vector<16xf32> to vector<16xf32>
      %swap3A_221 = vector.shape_cast %add3A_217 : vector<16xf32> to vector<16xf32>
      tpu.vector_store %arg21[%swap3A_218], %swap3A_221 {strides = array<i32>} : memref<640xf32, #tpu.memory_space<vmem>>, vector<16xf32>,
      %get3A_222 = arith.constant 144 : index
      %get3A_223 = tpu.vector_load %arg19[%get3A_222] {strides = array<i32>} : memref<640xf32, #tpu.memory_space<vmem>>, vector<16xf32>,
      %get3A_224 = vector.shape_cast %get3A_223 : vector<16xf32> to vector<16xf32>
      %get3A_225 = arith.constant 144 : index
      %get3A_226 = tpu.vector_load %arg20[%get3A_225] {strides = array<i32>} : memref<640xf32, #tpu.memory_space<vmem>>, vector<16xf32>,
      %get3A_227 = vector.shape_cast %get3A_226 : vector<16xf32> to vector<16xf32>
      %add3A_228 = arith.addf %get3A_224, %get3A_227 : vector<16xf32>
      %swap3A_229 = arith.constant 144 : index
      %swap3A_230 = tpu.vector_load %arg21[%swap3A_229] {strides = array<i32>} : memref<640xf32, #tpu.memory_space<vmem>>, vector<16xf32>,
      %swap3A_231 = vector.shape_cast %swap3A_230 : vector<16xf32> to vector<16xf32>
      %swap3A_232 = vector.shape_cast %add3A_228 : vector<16xf32> to vector<16xf32>
      tpu.vector_store %arg21[%swap3A_229], %swap3A_232 {strides = array<i32>} : memref<640xf32, #tpu.memory_space<vmem>>, vector<16xf32>,
      %get3A_233 = arith.constant 160 : index
      %get3A_234 = tpu.vector_load %arg19[%get3A_233] {strides = array<i32>} : memref<640xf32, #tpu.memory_space<vmem>>, vector<16xf32>,
      %get3A_235 = vector.shape_cast %get3A_234 : vector<16xf32> to vector<16xf32>
      %get3A_236 = arith.constant 160 : index
      %get3A_237 = tpu.vector_load %arg20[%get3A_236] {strides = array<i32>} : memref<640xf32, #tpu.memory_space<vmem>>, vector<16xf32>,
      %get3A_238 = vector.shape_cast %get3A_237 : vector<16xf32> to vector<16xf32>
      %add3A_239 = arith.addf %get3A_235, %get3A_238 : vector<16xf32>
      %swap3A_240 = arith.constant 160 : index
      %swap3A_241 = tpu.vector_load %arg21[%swap3A_240] {strides = array<i32>} : memref<640xf32, #tpu.memory_space<vmem>>, vector<16xf32>,
      %swap3A_242 = vector.shape_cast %swap3A_241 : vector<16xf32> to vector<16xf32>
      %swap3A_243 = vector.shape_cast %add3A_239 : vector<16xf32> to vector<16xf32>
      tpu.vector_store %arg21[%swap3A_240], %swap3A_243 {strides = array<i32>} : memref<640xf32, #tpu.memory_space<vmem>>, vector<16xf32>,
      %get3A_244 = arith.constant 176 : index
      %get3A_245 = tpu.vector_load %arg19[%get3A_244] {strides = array<i32>} : memref<640xf32, #tpu.memory_space<vmem>>, vector<16xf32>,
      %get3A_246 = vector.shape_cast %get3A_245 : vector<16xf32> to vector<16xf32>
      %get3A_247 = arith.constant 176 : index
      %get3A_248 = tpu.vector_load %arg20[%get3A_247] {strides = array<i32>} : memref<640xf32, #tpu.memory_space<vmem>>, vector<16xf32>,
      %get3A_249 = vector.shape_cast %get3A_248 : vector<16xf32> to vector<16xf32>
      %add3A_250 = arith.addf %get3A_246, %get3A_249 : vector<16xf32>
      %swap3A_251 = arith.constant 176 : index
      %swap3A_252 = tpu.vector_load %arg21[%swap3A_251] {strides = array<i32>} : memref<640xf32, #tpu.memory_space<vmem>>, vector<16xf32>,
      %swap3A_253 = vector.shape_cast %swap3A_252 : vector<16xf32> to vector<16xf32>
      %swap3A_254 = vector.shape_cast %add3A_250 : vector<16xf32> to vector<16xf32>
      tpu.vector_store %arg21[%swap3A_251], %swap3A_254 {strides = array<i32>} : memref<640xf32, #tpu.memory_space<vmem>>, vector<16xf32>,
      %get3A_255 = arith.constant 192 : index
      %get3A_256 = tpu.vector_load %arg19[%get3A_255] {strides = array<i32>} : memref<640xf32, #tpu.memory_space<vmem>>, vector<16xf32>,
      %get3A_257 = vector.shape_cast %get3A_256 : vector<16xf32> to vector<16xf32>
      %get3A_258 = arith.constant 192 : index
      %get3A_259 = tpu.vector_load %arg20[%get3A_258] {strides = array<i32>} : memref<640xf32, #tpu.memory_space<vmem>>, vector<16xf32>,
      %get3A_260 = vector.shape_cast %get3A_259 : vector<16xf32> to vector<16xf32>
      %add3A_261 = arith.addf %get3A_257, %get3A_260 : vector<16xf32>
      %swap3A_262 = arith.constant 192 : index
      %swap3A_263 = tpu.vector_load %arg21[%swap3A_262] {strides = array<i32>} : memref<640xf32, #tpu.memory_space<vmem>>, vector<16xf32>,
      %swap3A_264 = vector.shape_cast %swap3A_263 : vector<16xf32> to vector<16xf32>
      %swap3A_265 = vector.shape_cast %add3A_261 : vector<16xf32> to vector<16xf32>
      tpu.vector_store %arg21[%swap3A_262], %swap3A_265 {strides = array<i32>} : memref<640xf32, #tpu.memory_space<vmem>>, vector<16xf32>,
      %get3A_266 = arith.constant 208 : index
      %get3A_267 = tpu.vector_load %arg19[%get3A_266] {strides = array<i32>} : memref<640xf32, #tpu.memory_space<vmem>>, vector<16xf32>,
      %get3A_268 = vector.shape_cast %get3A_267 : vector<16xf32> to vector<16xf32>
      %get3A_269 = arith.constant 208 : index
      %get3A_270 = tpu.vector_load %arg20[%get3A_269] {strides = array<i32>} : memref<640xf32, #tpu.memory_space<vmem>>, vector<16xf32>,
      %get3A_271 = vector.shape_cast %get3A_270 : vector<16xf32> to vector<16xf32>
      %add3A_272 = arith.addf %get3A_268, %get3A_271 : vector<16xf32>
      %swap3A_273 = arith.constant 208 : index
      %swap3A_274 = tpu.vector_load %arg21[%swap3A_273] {strides = array<i32>} : memref<640xf32, #tpu.memory_space<vmem>>, vector<16xf32>,
      %swap3A_275 = vector.shape_cast %swap3A_274 : vector<16xf32> to vector<16xf32>
      %swap3A_276 = vector.shape_cast %add3A_272 : vector<16xf32> to vector<16xf32>
      tpu.vector_store %arg21[%swap3A_273], %swap3A_276 {strides = array<i32>} : memref<640xf32, #tpu.memory_space<vmem>>, vector<16xf32>,
      %get3A_277 = arith.constant 224 : index
      %get3A_278 = tpu.vector_load %arg19[%get3A_277] {strides = array<i32>} : memref<640xf32, #tpu.memory_space<vmem>>, vector<16xf32>,
      %get3A_279 = vector.shape_cast %get3A_278 : vector<16xf32> to vector<16xf32>
      %get3A_280 = arith.constant 224 : index
      %get3A_281 = tpu.vector_load %arg20[%get3A_280] {strides = array<i32>} : memref<640xf32, #tpu.memory_space<vmem>>, vector<16xf32>,
      %get3A_282 = vector.shape_cast %get3A_281 : vector<16xf32> to vector<16xf32>
      %add3A_283 = arith.addf %get3A_279, %get3A_282 : vector<16xf32>
      %swap3A_284 = arith.constant 224 : index
      %swap3A_285 = tpu.vector_load %arg21[%swap3A_284] {strides = array<i32>} : memref<640xf32, #tpu.memory_space<vmem>>, vector<16xf32>,
      %swap3A_286 = vector.shape_cast %swap3A_285 : vector<16xf32> to vector<16xf32>
      %swap3A_287 = vector.shape_cast %add3A_283 : vector<16xf32> to vector<16xf32>
      tpu.vector_store %arg21[%swap3A_284], %swap3A_287 {strides = array<i32>} : memref<640xf32, #tpu.memory_space<vmem>>, vector<16xf32>,
      %get3A_288 = arith.constant 240 : index
      %get3A_289 = tpu.vector_load %arg19[%get3A_288] {strides = array<i32>} : memref<640xf32, #tpu.memory_space<vmem>>, vector<16xf32>,
      %get3A_290 = vector.shape_cast %get3A_289 : vector<16xf32> to vector<16xf32>
      %get3A_291 = arith.constant 240 : index
      %get3A_292 = tpu.vector_load %arg20[%get3A_291] {strides = array<i32>} : memref<640xf32, #tpu.memory_space<vmem>>, vector<16xf32>,
      %get3A_293 = vector.shape_cast %get3A_292 : vector<16xf32> to vector<16xf32>
      %add3A_294 = arith.addf %get3A_290, %get3A_293 : vector<16xf32>
      %swap3A_295 = arith.constant 240 : index
      %swap3A_296 = tpu.vector_load %arg21[%swap3A_295] {strides = array<i32>} : memref<640xf32, #tpu.memory_space<vmem>>, vector<16xf32>,
      %swap3A_297 = vector.shape_cast %swap3A_296 : vector<16xf32> to vector<16xf32>
      %swap3A_298 = vector.shape_cast %add3A_294 : vector<16xf32> to vector<16xf32>
      tpu.vector_store %arg21[%swap3A_295], %swap3A_298 {strides = array<i32>} : memref<640xf32, #tpu.memory_space<vmem>>, vector<16xf32>,
      %get3A_299 = arith.constant 256 : index
      %get3A_300 = tpu.vector_load %arg19[%get3A_299] {strides = array<i32>} : memref<640xf32, #tpu.memory_space<vmem>>, vector<16xf32>,
      %get3A_301 = vector.shape_cast %get3A_300 : vector<16xf32> to vector<16xf32>
      %get3A_302 = arith.constant 256 : index
      %get3A_303 = tpu.vector_load %arg20[%get3A_302] {strides = array<i32>} : memref<640xf32, #tpu.memory_space<vmem>>, vector<16xf32>,
      %get3A_304 = vector.shape_cast %get3A_303 : vector<16xf32> to vector<16xf32>
      %add3A_305 = arith.addf %get3A_301, %get3A_304 : vector<16xf32>
      %swap3A_306 = arith.constant 256 : index
      %swap3A_307 = tpu.vector_load %arg21[%swap3A_306] {strides = array<i32>} : memref<640xf32, #tpu.memory_space<vmem>>, vector<16xf32>,
      %swap3A_308 = vector.shape_cast %swap3A_307 : vector<16xf32> to vector<16xf32>
      %swap3A_309 = vector.shape_cast %add3A_305 : vector<16xf32> to vector<16xf32>
      tpu.vector_store %arg21[%swap3A_306], %swap3A_309 {strides = array<i32>} : memref<640xf32, #tpu.memory_space<vmem>>, vector<16xf32>,
      %get3A_310 = arith.constant 272 : index
      %get3A_311 = tpu.vector_load %arg19[%get3A_310] {strides = array<i32>} : memref<640xf32, #tpu.memory_space<vmem>>, vector<16xf32>,
      %get3A_312 = vector.shape_cast %get3A_311 : vector<16xf32> to vector<16xf32>
      %get3A_313 = arith.constant 272 : index
      %get3A_314 = tpu.vector_load %arg20[%get3A_313] {strides = array<i32>} : memref<640xf32, #tpu.memory_space<vmem>>, vector<16xf32>,
      %get3A_315 = vector.shape_cast %get3A_314 : vector<16xf32> to vector<16xf32>
      %add3A_316 = arith.addf %get3A_312, %get3A_315 : vector<16xf32>
      %swap3A_317 = arith.constant 272 : index
      %swap3A_318 = tpu.vector_load %arg21[%swap3A_317] {strides = array<i32>} : memref<640xf32, #tpu.memory_space<vmem>>, vector<16xf32>,
      %swap3A_319 = vector.shape_cast %swap3A_318 : vector<16xf32> to vector<16xf32>
      %swap3A_320 = vector.shape_cast %add3A_316 : vector<16xf32> to vector<16xf32>
      tpu.vector_store %arg21[%swap3A_317], %swap3A_320 {strides = array<i32>} : memref<640xf32, #tpu.memory_space<vmem>>, vector<16xf32>,
      %get3A_321 = arith.constant 288 : index
      %get3A_322 = tpu.vector_load %arg19[%get3A_321] {strides = array<i32>} : memref<640xf32, #tpu.memory_space<vmem>>, vector<16xf32>,
      %get3A_323 = vector.shape_cast %get3A_322 : vector<16xf32> to vector<16xf32>
      %get3A_324 = arith.constant 288 : index
      %get3A_325 = tpu.vector_load %arg20[%get3A_324] {strides = array<i32>} : memref<640xf32, #tpu.memory_space<vmem>>, vector<16xf32>,
      %get3A_326 = vector.shape_cast %get3A_325 : vector<16xf32> to vector<16xf32>
      %add3A_327 = arith.addf %get3A_323, %get3A_326 : vector<16xf32>
      %swap3A_328 = arith.constant 288 : index
      %swap3A_329 = tpu.vector_load %arg21[%swap3A_328] {strides = array<i32>} : memref<640xf32, #tpu.memory_space<vmem>>, vector<16xf32>,
      %swap3A_330 = vector.shape_cast %swap3A_329 : vector<16xf32> to vector<16xf32>
      %swap3A_331 = vector.shape_cast %add3A_327 : vector<16xf32> to vector<16xf32>
      tpu.vector_store %arg21[%swap3A_328], %swap3A_331 {strides = array<i32>} : memref<640xf32, #tpu.memory_space<vmem>>, vector<16xf32>,
      %get3A_332 = arith.constant 304 : index
      %get3A_333 = tpu.vector_load %arg19[%get3A_332] {strides = array<i32>} : memref<640xf32, #tpu.memory_space<vmem>>, vector<16xf32>,
      %get3A_334 = vector.shape_cast %get3A_333 : vector<16xf32> to vector<16xf32>
      %get3A_335 = arith.constant 304 : index
      %get3A_336 = tpu.vector_load %arg20[%get3A_335] {strides = array<i32>} : memref<640xf32, #tpu.memory_space<vmem>>, vector<16xf32>,
      %get3A_337 = vector.shape_cast %get3A_336 : vector<16xf32> to vector<16xf32>
      %add3A_338 = arith.addf %get3A_334, %get3A_337 : vector<16xf32>
      %swap3A_339 = arith.constant 304 : index
      %swap3A_340 = tpu.vector_load %arg21[%swap3A_339] {strides = array<i32>} : memref<640xf32, #tpu.memory_space<vmem>>, vector<16xf32>,
      %swap3A_341 = vector.shape_cast %swap3A_340 : vector<16xf32> to vector<16xf32>
      %swap3A_342 = vector.shape_cast %add3A_338 : vector<16xf32> to vector<16xf32>
      tpu.vector_store %arg21[%swap3A_339], %swap3A_342 {strides = array<i32>} : memref<640xf32, #tpu.memory_space<vmem>>, vector<16xf32>,
      %get3A_343 = arith.constant 320 : index
      %get3A_344 = tpu.vector_load %arg19[%get3A_343] {strides = array<i32>} : memref<640xf32, #tpu.memory_space<vmem>>, vector<16xf32>,
      %get3A_345 = vector.shape_cast %get3A_344 : vector<16xf32> to vector<16xf32>
      %get3A_346 = arith.constant 320 : index
      %get3A_347 = tpu.vector_load %arg20[%get3A_346] {strides = array<i32>} : memref<640xf32, #tpu.memory_space<vmem>>, vector<16xf32>,
      %get3A_348 = vector.shape_cast %get3A_347 : vector<16xf32> to vector<16xf32>
      %add3A_349 = arith.addf %get3A_345, %get3A_348 : vector<16xf32>
      %swap3A_350 = arith.constant 320 : index
      %swap3A_351 = tpu.vector_load %arg21[%swap3A_350] {strides = array<i32>} : memref<640xf32, #tpu.memory_space<vmem>>, vector<16xf32>,
      %swap3A_352 = vector.shape_cast %swap3A_351 : vector<16xf32> to vector<16xf32>
      %swap3A_353 = vector.shape_cast %add3A_349 : vector<16xf32> to vector<16xf32>
      tpu.vector_store %arg21[%swap3A_350], %swap3A_353 {strides = array<i32>} : memref<640xf32, #tpu.memory_space<vmem>>, vector<16xf32>,
      %get3A_354 = arith.constant 336 : index
      %get3A_355 = tpu.vector_load %arg19[%get3A_354] {strides = array<i32>} : memref<640xf32, #tpu.memory_space<vmem>>, vector<16xf32>,
      %get3A_356 = vector.shape_cast %get3A_355 : vector<16xf32> to vector<16xf32>
      %get3A_357 = arith.constant 336 : index
      %get3A_358 = tpu.vector_load %arg20[%get3A_357] {strides = array<i32>} : memref<640xf32, #tpu.memory_space<vmem>>, vector<16xf32>,
      %get3A_359 = vector.shape_cast %get3A_358 : vector<16xf32> to vector<16xf32>
      %add3A_360 = arith.addf %get3A_356, %get3A_359 : vector<16xf32>
      %swap3A_361 = arith.constant 336 : index
      %swap3A_362 = tpu.vector_load %arg21[%swap3A_361] {strides = array<i32>} : memref<640xf32, #tpu.memory_space<vmem>>, vector<16xf32>,
      %swap3A_363 = vector.shape_cast %swap3A_362 : vector<16xf32> to vector<16xf32>
      %swap3A_364 = vector.shape_cast %add3A_360 : vector<16xf32> to vector<16xf32>
      tpu.vector_store %arg21[%swap3A_361], %swap3A_364 {strides = array<i32>} : memref<640xf32, #tpu.memory_space<vmem>>, vector<16xf32>,
      %get3A_365 = arith.constant 352 : index
      %get3A_366 = tpu.vector_load %arg19[%get3A_365] {strides = array<i32>} : memref<640xf32, #tpu.memory_space<vmem>>, vector<16xf32>,
      %get3A_367 = vector.shape_cast %get3A_366 : vector<16xf32> to vector<16xf32>
      %get3A_368 = arith.constant 352 : index
      %get3A_369 = tpu.vector_load %arg20[%get3A_368] {strides = array<i32>} : memref<640xf32, #tpu.memory_space<vmem>>, vector<16xf32>,
      %get3A_370 = vector.shape_cast %get3A_369 : vector<16xf32> to vector<16xf32>
      %add3A_371 = arith.addf %get3A_367, %get3A_370 : vector<16xf32>
      %swap3A_372 = arith.constant 352 : index
      %swap3A_373 = tpu.vector_load %arg21[%swap3A_372] {strides = array<i32>} : memref<640xf32, #tpu.memory_space<vmem>>, vector<16xf32>,
      %swap3A_374 = vector.shape_cast %swap3A_373 : vector<16xf32> to vector<16xf32>
      %swap3A_375 = vector.shape_cast %add3A_371 : vector<16xf32> to vector<16xf32>
      tpu.vector_store %arg21[%swap3A_372], %swap3A_375 {strides = array<i32>} : memref<640xf32, #tpu.memory_space<vmem>>, vector<16xf32>,
      %get3A_376 = arith.constant 368 : index
      %get3A_377 = tpu.vector_load %arg19[%get3A_376] {strides = array<i32>} : memref<640xf32, #tpu.memory_space<vmem>>, vector<16xf32>,
      %get3A_378 = vector.shape_cast %get3A_377 : vector<16xf32> to vector<16xf32>
      %get3A_379 = arith.constant 368 : index
      %get3A_380 = tpu.vector_load %arg20[%get3A_379] {strides = array<i32>} : memref<640xf32, #tpu.memory_space<vmem>>, vector<16xf32>,
      %get3A_381 = vector.shape_cast %get3A_380 : vector<16xf32> to vector<16xf32>
      %add3A_382 = arith.addf %get3A_378, %get3A_381 : vector<16xf32>
      %swap3A_383 = arith.constant 368 : index
      %swap3A_384 = tpu.vector_load %arg21[%swap3A_383] {strides = array<i32>} : memref<640xf32, #tpu.memory_space<vmem>>, vector<16xf32>,
      %swap3A_385 = vector.shape_cast %swap3A_384 : vector<16xf32> to vector<16xf32>
      %swap3A_386 = vector.shape_cast %add3A_382 : vector<16xf32> to vector<16xf32>
      tpu.vector_store %arg21[%swap3A_383], %swap3A_386 {strides = array<i32>} : memref<640xf32, #tpu.memory_space<vmem>>, vector<16xf32>,
      %get3A_387 = arith.constant 384 : index
      %get3A_388 = tpu.vector_load %arg19[%get3A_387] {strides = array<i32>} : memref<640xf32, #tpu.memory_space<vmem>>, vector<16xf32>,
      %get3A_389 = vector.shape_cast %get3A_388 : vector<16xf32> to vector<16xf32>
      %get3A_390 = arith.constant 384 : index
      %get3A_391 = tpu.vector_load %arg20[%get3A_390] {strides = array<i32>} : memref<640xf32, #tpu.memory_space<vmem>>, vector<16xf32>,
      %get3A_392 = vector.shape_cast %get3A_391 : vector<16xf32> to vector<16xf32>
      %add3A_393 = arith.addf %get3A_389, %get3A_392 : vector<16xf32>
      %swap3A_394 = arith.constant 384 : index
      %swap3A_395 = tpu.vector_load %arg21[%swap3A_394] {strides = array<i32>} : memref<640xf32, #tpu.memory_space<vmem>>, vector<16xf32>,
      %swap3A_396 = vector.shape_cast %swap3A_395 : vector<16xf32> to vector<16xf32>
      %swap3A_397 = vector.shape_cast %add3A_393 : vector<16xf32> to vector<16xf32>
      tpu.vector_store %arg21[%swap3A_394], %swap3A_397 {strides = array<i32>} : memref<640xf32, #tpu.memory_space<vmem>>, vector<16xf32>,
      %get3A_398 = arith.constant 400 : index
      %get3A_399 = tpu.vector_load %arg19[%get3A_398] {strides = array<i32>} : memref<640xf32, #tpu.memory_space<vmem>>, vector<16xf32>,
      %get3A_400 = vector.shape_cast %get3A_399 : vector<16xf32> to vector<16xf32>
      %get3A_401 = arith.constant 400 : index
      %get3A_402 = tpu.vector_load %arg20[%get3A_401] {strides = array<i32>} : memref<640xf32, #tpu.memory_space<vmem>>, vector<16xf32>,
      %get3A_403 = vector.shape_cast %get3A_402 : vector<16xf32> to vector<16xf32>
      %add3A_404 = arith.addf %get3A_400, %get3A_403 : vector<16xf32>
      %swap3A_405 = arith.constant 400 : index
      %swap3A_406 = tpu.vector_load %arg21[%swap3A_405] {strides = array<i32>} : memref<640xf32, #tpu.memory_space<vmem>>, vector<16xf32>,
      %swap3A_407 = vector.shape_cast %swap3A_406 : vector<16xf32> to vector<16xf32>
      %swap3A_408 = vector.shape_cast %add3A_404 : vector<16xf32> to vector<16xf32>
      tpu.vector_store %arg21[%swap3A_405], %swap3A_408 {strides = array<i32>} : memref<640xf32, #tpu.memory_space<vmem>>, vector<16xf32>,
      %get3A_409 = arith.constant 416 : index
      %get3A_410 = tpu.vector_load %arg19[%get3A_409] {strides = array<i32>} : memref<640xf32, #tpu.memory_space<vmem>>, vector<16xf32>,
      %get3A_411 = vector.shape_cast %get3A_410 : vector<16xf32> to vector<16xf32>
      %get3A_412 = arith.constant 416 : index
      %get3A_413 = tpu.vector_load %arg20[%get3A_412] {strides = array<i32>} : memref<640xf32, #tpu.memory_space<vmem>>, vector<16xf32>,
      %get3A_414 = vector.shape_cast %get3A_413 : vector<16xf32> to vector<16xf32>
      %add3A_415 = arith.addf %get3A_411, %get3A_414 : vector<16xf32>
      %swap3A_416 = arith.constant 416 : index
      %swap3A_417 = tpu.vector_load %arg21[%swap3A_416] {strides = array<i32>} : memref<640xf32, #tpu.memory_space<vmem>>, vector<16xf32>,
      %swap3A_418 = vector.shape_cast %swap3A_417 : vector<16xf32> to vector<16xf32>
      %swap3A_419 = vector.shape_cast %add3A_415 : vector<16xf32> to vector<16xf32>
      tpu.vector_store %arg21[%swap3A_416], %swap3A_419 {strides = array<i32>} : memref<640xf32, #tpu.memory_space<vmem>>, vector<16xf32>,
      %get3A_420 = arith.constant 432 : index
      %get3A_421 = tpu.vector_load %arg19[%get3A_420] {strides = array<i32>} : memref<640xf32, #tpu.memory_space<vmem>>, vector<16xf32>,
      %get3A_422 = vector.shape_cast %get3A_421 : vector<16xf32> to vector<16xf32>
      %get3A_423 = arith.constant 432 : index
      %get3A_424 = tpu.vector_load %arg20[%get3A_423] {strides = array<i32>} : memref<640xf32, #tpu.memory_space<vmem>>, vector<16xf32>,
      %get3A_425 = vector.shape_cast %get3A_424 : vector<16xf32> to vector<16xf32>
      %add3A_426 = arith.addf %get3A_422, %get3A_425 : vector<16xf32>
      %swap3A_427 = arith.constant 432 : index
      %swap3A_428 = tpu.vector_load %arg21[%swap3A_427] {strides = array<i32>} : memref<640xf32, #tpu.memory_space<vmem>>, vector<16xf32>,
      %swap3A_429 = vector.shape_cast %swap3A_428 : vector<16xf32> to vector<16xf32>
      %swap3A_430 = vector.shape_cast %add3A_426 : vector<16xf32> to vector<16xf32>
      tpu.vector_store %arg21[%swap3A_427], %swap3A_430 {strides = array<i32>} : memref<640xf32, #tpu.memory_space<vmem>>, vector<16xf32>,
      %get3A_431 = arith.constant 448 : index
      %get3A_432 = tpu.vector_load %arg19[%get3A_431] {strides = array<i32>} : memref<640xf32, #tpu.memory_space<vmem>>, vector<16xf32>,
      %get3A_433 = vector.shape_cast %get3A_432 : vector<16xf32> to vector<16xf32>
      %get3A_434 = arith.constant 448 : index
      %get3A_435 = tpu.vector_load %arg20[%get3A_434] {strides = array<i32>} : memref<640xf32, #tpu.memory_space<vmem>>, vector<16xf32>,
      %get3A_436 = vector.shape_cast %get3A_435 : vector<16xf32> to vector<16xf32>
      %add3A_437 = arith.addf %get3A_433, %get3A_436 : vector<16xf32>
      %swap3A_438 = arith.constant 448 : index
      %swap3A_439 = tpu.vector_load %arg21[%swap3A_438] {strides = array<i32>} : memref<640xf32, #tpu.memory_space<vmem>>, vector<16xf32>,
      %swap3A_440 = vector.shape_cast %swap3A_439 : vector<16xf32> to vector<16xf32>
      %swap3A_441 = vector.shape_cast %add3A_437 : vector<16xf32> to vector<16xf32>
      tpu.vector_store %arg21[%swap3A_438], %swap3A_441 {strides = array<i32>} : memref<640xf32, #tpu.memory_space<vmem>>, vector<16xf32>,
      %get3A_442 = arith.constant 464 : index
      %get3A_443 = tpu.vector_load %arg19[%get3A_442] {strides = array<i32>} : memref<640xf32, #tpu.memory_space<vmem>>, vector<16xf32>,
      %get3A_444 = vector.shape_cast %get3A_443 : vector<16xf32> to vector<16xf32>
      %get3A_445 = arith.constant 464 : index
      %get3A_446 = tpu.vector_load %arg20[%get3A_445] {strides = array<i32>} : memref<640xf32, #tpu.memory_space<vmem>>, vector<16xf32>,
      %get3A_447 = vector.shape_cast %get3A_446 : vector<16xf32> to vector<16xf32>
      %add3A_448 = arith.addf %get3A_444, %get3A_447 : vector<16xf32>
      %swap3A_449 = arith.constant 464 : index
      %swap3A_450 = tpu.vector_load %arg21[%swap3A_449] {strides = array<i32>} : memref<640xf32, #tpu.memory_space<vmem>>, vector<16xf32>,
      %swap3A_451 = vector.shape_cast %swap3A_450 : vector<16xf32> to vector<16xf32>
      %swap3A_452 = vector.shape_cast %add3A_448 : vector<16xf32> to vector<16xf32>
      tpu.vector_store %arg21[%swap3A_449], %swap3A_452 {strides = array<i32>} : memref<640xf32, #tpu.memory_space<vmem>>, vector<16xf32>,
      %get3A_453 = arith.constant 480 : index
      %get3A_454 = tpu.vector_load %arg19[%get3A_453] {strides = array<i32>} : memref<640xf32, #tpu.memory_space<vmem>>, vector<16xf32>,
      %get3A_455 = vector.shape_cast %get3A_454 : vector<16xf32> to vector<16xf32>
      %get3A_456 = arith.constant 480 : index
      %get3A_457 = tpu.vector_load %arg20[%get3A_456] {strides = array<i32>} : memref<640xf32, #tpu.memory_space<vmem>>, vector<16xf32>,
      %get3A_458 = vector.shape_cast %get3A_457 : vector<16xf32> to vector<16xf32>
      %add3A_459 = arith.addf %get3A_455, %get3A_458 : vector<16xf32>
      %swap3A_460 = arith.constant 480 : index
      %swap3A_461 = tpu.vector_load %arg21[%swap3A_460] {strides = array<i32>} : memref<640xf32, #tpu.memory_space<vmem>>, vector<16xf32>,
      %swap3A_462 = vector.shape_cast %swap3A_461 : vector<16xf32> to vector<16xf32>
      %swap3A_463 = vector.shape_cast %add3A_459 : vector<16xf32> to vector<16xf32>
      tpu.vector_store %arg21[%swap3A_460], %swap3A_463 {strides = array<i32>} : memref<640xf32, #tpu.memory_space<vmem>>, vector<16xf32>,
      %get3A_464 = arith.constant 496 : index
      %get3A_465 = tpu.vector_load %arg19[%get3A_464] {strides = array<i32>} : memref<640xf32, #tpu.memory_space<vmem>>, vector<16xf32>,
      %get3A_466 = vector.shape_cast %get3A_465 : vector<16xf32> to vector<16xf32>
      %get3A_467 = arith.constant 496 : index
      %get3A_468 = tpu.vector_load %arg20[%get3A_467] {strides = array<i32>} : memref<640xf32, #tpu.memory_space<vmem>>, vector<16xf32>,
      %get3A_469 = vector.shape_cast %get3A_468 : vector<16xf32> to vector<16xf32>
      %add3A_470 = arith.addf %get3A_466, %get3A_469 : vector<16xf32>
      %swap3A_471 = arith.constant 496 : index
      %swap3A_472 = tpu.vector_load %arg21[%swap3A_471] {strides = array<i32>} : memref<640xf32, #tpu.memory_space<vmem>>, vector<16xf32>,
      %swap3A_473 = vector.shape_cast %swap3A_472 : vector<16xf32> to vector<16xf32>
      %swap3A_474 = vector.shape_cast %add3A_470 : vector<16xf32> to vector<16xf32>
      tpu.vector_store %arg21[%swap3A_471], %swap3A_474 {strides = array<i32>} : memref<640xf32, #tpu.memory_space<vmem>>, vector<16xf32>,
      %get3A_475 = arith.constant 512 : index
      %get3A_476 = tpu.vector_load %arg19[%get3A_475] {strides = array<i32>} : memref<640xf32, #tpu.memory_space<vmem>>, vector<16xf32>,
      %get3A_477 = vector.shape_cast %get3A_476 : vector<16xf32> to vector<16xf32>
      %get3A_478 = arith.constant 512 : index
      %get3A_479 = tpu.vector_load %arg20[%get3A_478] {strides = array<i32>} : memref<640xf32, #tpu.memory_space<vmem>>, vector<16xf32>,
      %get3A_480 = vector.shape_cast %get3A_479 : vector<16xf32> to vector<16xf32>
      %add3A_481 = arith.addf %get3A_477, %get3A_480 : vector<16xf32>
      %swap3A_482 = arith.constant 512 : index
      %swap3A_483 = tpu.vector_load %arg21[%swap3A_482] {strides = array<i32>} : memref<640xf32, #tpu.memory_space<vmem>>, vector<16xf32>,
      %swap3A_484 = vector.shape_cast %swap3A_483 : vector<16xf32> to vector<16xf32>
      %swap3A_485 = vector.shape_cast %add3A_481 : vector<16xf32> to vector<16xf32>
      tpu.vector_store %arg21[%swap3A_482], %swap3A_485 {strides = array<i32>} : memref<640xf32, #tpu.memory_space<vmem>>, vector<16xf32>,
      %get3A_486 = arith.constant 528 : index
      %get3A_487 = tpu.vector_load %arg19[%get3A_486] {strides = array<i32>} : memref<640xf32, #tpu.memory_space<vmem>>, vector<16xf32>,
      %get3A_488 = vector.shape_cast %get3A_487 : vector<16xf32> to vector<16xf32>
      %get3A_489 = arith.constant 528 : index
      %get3A_490 = tpu.vector_load %arg20[%get3A_489] {strides = array<i32>} : memref<640xf32, #tpu.memory_space<vmem>>, vector<16xf32>,
      %get3A_491 = vector.shape_cast %get3A_490 : vector<16xf32> to vector<16xf32>
      %add3A_492 = arith.addf %get3A_488, %get3A_491 : vector<16xf32>
      %swap3A_493 = arith.constant 528 : index
      %swap3A_494 = tpu.vector_load %arg21[%swap3A_493] {strides = array<i32>} : memref<640xf32, #tpu.memory_space<vmem>>, vector<16xf32>,
      %swap3A_495 = vector.shape_cast %swap3A_494 : vector<16xf32> to vector<16xf32>
      %swap3A_496 = vector.shape_cast %add3A_492 : vector<16xf32> to vector<16xf32>
      tpu.vector_store %arg21[%swap3A_493], %swap3A_496 {strides = array<i32>} : memref<640xf32, #tpu.memory_space<vmem>>, vector<16xf32>,
      %get3A_497 = arith.constant 544 : index
      %get3A_498 = tpu.vector_load %arg19[%get3A_497] {strides = array<i32>} : memref<640xf32, #tpu.memory_space<vmem>>, vector<16xf32>,
      %get3A_499 = vector.shape_cast %get3A_498 : vector<16xf32> to vector<16xf32>
      %get3A_500 = arith.constant 544 : index
      %get3A_501 = tpu.vector_load %arg20[%get3A_500] {strides = array<i32>} : memref<640xf32, #tpu.memory_space<vmem>>, vector<16xf32>,
      %get3A_502 = vector.shape_cast %get3A_501 : vector<16xf32> to vector<16xf32>
      %add3A_503 = arith.addf %get3A_499, %get3A_502 : vector<16xf32>
      %swap3A_504 = arith.constant 544 : index
      %swap3A_505 = tpu.vector_load %arg21[%swap3A_504] {strides = array<i32>} : memref<640xf32, #tpu.memory_space<vmem>>, vector<16xf32>,
      %swap3A_506 = vector.shape_cast %swap3A_505 : vector<16xf32> to vector<16xf32>
      %swap3A_507 = vector.shape_cast %add3A_503 : vector<16xf32> to vector<16xf32>
      tpu.vector_store %arg21[%swap3A_504], %swap3A_507 {strides = array<i32>} : memref<640xf32, #tpu.memory_space<vmem>>, vector<16xf32>,
      %get3A_508 = arith.constant 560 : index
      %get3A_509 = tpu.vector_load %arg19[%get3A_508] {strides = array<i32>} : memref<640xf32, #tpu.memory_space<vmem>>, vector<16xf32>,
      %get3A_510 = vector.shape_cast %get3A_509 : vector<16xf32> to vector<16xf32>
      %get3A_511 = arith.constant 560 : index
      %get3A_512 = tpu.vector_load %arg20[%get3A_511] {strides = array<i32>} : memref<640xf32, #tpu.memory_space<vmem>>, vector<16xf32>,
      %get3A_513 = vector.shape_cast %get3A_512 : vector<16xf32> to vector<16xf32>
      %add3A_514 = arith.addf %get3A_510, %get3A_513 : vector<16xf32>
      %swap3A_515 = arith.constant 560 : index
      %swap3A_516 = tpu.vector_load %arg21[%swap3A_515] {strides = array<i32>} : memref<640xf32, #tpu.memory_space<vmem>>, vector<16xf32>,
      %swap3A_517 = vector.shape_cast %swap3A_516 : vector<16xf32> to vector<16xf32>
      %swap3A_518 = vector.shape_cast %add3A_514 : vector<16xf32> to vector<16xf32>
      tpu.vector_store %arg21[%swap3A_515], %swap3A_518 {strides = array<i32>} : memref<640xf32, #tpu.memory_space<vmem>>, vector<16xf32>,
      %get3A_519 = arith.constant 576 : index
      %get3A_520 = tpu.vector_load %arg19[%get3A_519] {strides = array<i32>} : memref<640xf32, #tpu.memory_space<vmem>>, vector<16xf32>,
      %get3A_521 = vector.shape_cast %get3A_520 : vector<16xf32> to vector<16xf32>
      %get3A_522 = arith.constant 576 : index
      %get3A_523 = tpu.vector_load %arg20[%get3A_522] {strides = array<i32>} : memref<640xf32, #tpu.memory_space<vmem>>, vector<16xf32>,
      %get3A_524 = vector.shape_cast %get3A_523 : vector<16xf32> to vector<16xf32>
      %add3A_525 = arith.addf %get3A_521, %get3A_524 : vector<16xf32>
      %swap3A_526 = arith.constant 576 : index
      %swap3A_527 = tpu.vector_load %arg21[%swap3A_526] {strides = array<i32>} : memref<640xf32, #tpu.memory_space<vmem>>, vector<16xf32>,
      %swap3A_528 = vector.shape_cast %swap3A_527 : vector<16xf32> to vector<16xf32>
      %swap3A_529 = vector.shape_cast %add3A_525 : vector<16xf32> to vector<16xf32>
      tpu.vector_store %arg21[%swap3A_526], %swap3A_529 {strides = array<i32>} : memref<640xf32, #tpu.memory_space<vmem>>, vector<16xf32>,
      %get3A_530 = arith.constant 592 : index
      %get3A_531 = tpu.vector_load %arg19[%get3A_530] {strides = array<i32>} : memref<640xf32, #tpu.memory_space<vmem>>, vector<16xf32>,
      %get3A_532 = vector.shape_cast %get3A_531 : vector<16xf32> to vector<16xf32>
      %get3A_533 = arith.constant 592 : index
      %get3A_534 = tpu.vector_load %arg20[%get3A_533] {strides = array<i32>} : memref<640xf32, #tpu.memory_space<vmem>>, vector<16xf32>,
      %get3A_535 = vector.shape_cast %get3A_534 : vector<16xf32> to vector<16xf32>
      %add3A_536 = arith.addf %get3A_532, %get3A_535 : vector<16xf32>
      %swap3A_537 = arith.constant 592 : index
      %swap3A_538 = tpu.vector_load %arg21[%swap3A_537] {strides = array<i32>} : memref<640xf32, #tpu.memory_space<vmem>>, vector<16xf32>,
      %swap3A_539 = vector.shape_cast %swap3A_538 : vector<16xf32> to vector<16xf32>
      %swap3A_540 = vector.shape_cast %add3A_536 : vector<16xf32> to vector<16xf32>
      tpu.vector_store %arg21[%swap3A_537], %swap3A_540 {strides = array<i32>} : memref<640xf32, #tpu.memory_space<vmem>>, vector<16xf32>,
      %get3A_541 = arith.constant 608 : index
      %get3A_542 = tpu.vector_load %arg19[%get3A_541] {strides = array<i32>} : memref<640xf32, #tpu.memory_space<vmem>>, vector<16xf32>,
      %get3A_543 = vector.shape_cast %get3A_542 : vector<16xf32> to vector<16xf32>
      %get3A_544 = arith.constant 608 : index
      %get3A_545 = tpu.vector_load %arg20[%get3A_544] {strides = array<i32>} : memref<640xf32, #tpu.memory_space<vmem>>, vector<16xf32>,
      %get3A_546 = vector.shape_cast %get3A_545 : vector<16xf32> to vector<16xf32>
      %add3A_547 = arith.addf %get3A_543, %get3A_546 : vector<16xf32>
      %swap3A_548 = arith.constant 608 : index
      %swap3A_549 = tpu.vector_load %arg21[%swap3A_548] {strides = array<i32>} : memref<640xf32, #tpu.memory_space<vmem>>, vector<16xf32>,
      %swap3A_550 = vector.shape_cast %swap3A_549 : vector<16xf32> to vector<16xf32>
      %swap3A_551 = vector.shape_cast %add3A_547 : vector<16xf32> to vector<16xf32>
      tpu.vector_store %arg21[%swap3A_548], %swap3A_551 {strides = array<i32>} : memref<640xf32, #tpu.memory_space<vmem>>, vector<16xf32>,
      %get3A_552 = arith.constant 624 : index
      %get3A_553 = tpu.vector_load %arg19[%get3A_552] {strides = array<i32>} : memref<640xf32, #tpu.memory_space<vmem>>, vector<16xf32>,
      %get3A_554 = vector.shape_cast %get3A_553 : vector<16xf32> to vector<16xf32>
      %get3A_555 = arith.constant 624 : index
      %get3A_556 = tpu.vector_load %arg20[%get3A_555] {strides = array<i32>} : memref<640xf32, #tpu.memory_space<vmem>>, vector<16xf32>,
      %get3A_557 = vector.shape_cast %get3A_556 : vector<16xf32> to vector<16xf32>
      %add3A_558 = arith.addf %get3A_554, %get3A_557 : vector<16xf32>
      %swap3A_559 = arith.constant 624 : index
      %swap3A_560 = tpu.vector_load %arg21[%swap3A_559] {strides = array<i32>} : memref<640xf32, #tpu.memory_space<vmem>>, vector<16xf32>,
      %swap3A_561 = vector.shape_cast %swap3A_560 : vector<16xf32> to vector<16xf32>
      %swap3A_562 = vector.shape_cast %add3A_558 : vector<16xf32> to vector<16xf32>
      tpu.vector_store %arg21[%swap3A_559], %swap3A_562 {strides = array<i32>} : memref<640xf32, #tpu.memory_space<vmem>>, vector<16xf32>,
      "tpu.region"() ({
        %run_scoped3A = tpu.sem_alloc : memref<!tpu.dma_semaphore, #tpu.memory_space<semaphore_mem>>
        %dma_start3A_1043 = tpu.memref_slice %arg5[%mul3A_120] : memref<10240xf32, #tpu.memory_space<hbm>> -> memref<640xf32, #tpu.memory_space<hbm>>
        %dma_start3A_1044 = tpu.memref_slice %arg5[%mul3A_120] : memref<10240xf32, #tpu.memory_space<hbm>> -> memref<640xf32, #tpu.memory_space<hbm>>
        tpu.enqueue_dma source(%dma_start3A_1044 : memref<640xf32, #tpu.memory_space<hbm>>) target(%arg19 : memref<640xf32, #tpu.memory_space<vmem>>) target_semaphore(%run_scoped3A : memref<!tpu.dma_semaphore, #tpu.memory_space<semaphore_mem>>)
        %dma_wait3A = tpu.memref_slice %arg5[%mul3A_120] : memref<10240xf32, #tpu.memory_space<hbm>> -> memref<640xf32, #tpu.memory_space<hbm>>
        %dma_wait3A_1045 = tpu.memref_slice %arg5[%mul3A_120] : memref<10240xf32, #tpu.memory_space<hbm>> -> memref<640xf32, #tpu.memory_space<hbm>>
        tpu.wait_dma2 semaphore(%run_scoped3A : memref<!tpu.dma_semaphore, #tpu.memory_space<semaphore_mem>>) src(%dma_wait3A_1045 : memref<640xf32, #tpu.memory_space<hbm>>) dst(%arg19 : memref<640xf32, #tpu.memory_space<vmem>>)
        tpu.yield
      }) : () -> ()
      %get3A_563 = arith.constant 0 : index
      %get3A_564 = tpu.vector_load %arg19[%get3A_563] {strides = array<i32>} : memref<640xf32, #tpu.memory_space<vmem>>, vector<16xf32>,
      %get3A_565 = vector.shape_cast %get3A_564 : vector<16xf32> to vector<16xf32>
      %get3A_566 = arith.constant 0 : index
      %get3A_567 = tpu.vector_load %arg21[%get3A_566] {strides = array<i32>} : memref<640xf32, #tpu.memory_space<vmem>>, vector<16xf32>,
      %get3A_568 = vector.shape_cast %get3A_567 : vector<16xf32> to vector<16xf32>
      %mul3A_569 = arith.mulf %get3A_565, %get3A_568 : vector<16xf32>
      %add3A_570 = arith.addf %mul3A_569, %get3A_122 : vector<16xf32>
      %swap3A_571 = arith.constant 0 : index
      %swap3A_572 = tpu.vector_load %arg21[%swap3A_571] {strides = array<i32>} : memref<640xf32, #tpu.memory_space<vmem>>, vector<16xf32>,
      %swap3A_573 = vector.shape_cast %swap3A_572 : vector<16xf32> to vector<16xf32>
      %swap3A_574 = vector.shape_cast %add3A_570 : vector<16xf32> to vector<16xf32>
      tpu.vector_store %arg21[%swap3A_571], %swap3A_574 {strides = array<i32>} : memref<640xf32, #tpu.memory_space<vmem>>, vector<16xf32>,
      %get3A_575 = arith.constant 16 : index
      %get3A_576 = tpu.vector_load %arg19[%get3A_575] {strides = array<i32>} : memref<640xf32, #tpu.memory_space<vmem>>, vector<16xf32>,
      %get3A_577 = vector.shape_cast %get3A_576 : vector<16xf32> to vector<16xf32>
      %get3A_578 = arith.constant 16 : index
      %get3A_579 = tpu.vector_load %arg21[%get3A_578] {strides = array<i32>} : memref<640xf32, #tpu.memory_space<vmem>>, vector<16xf32>,
      %get3A_580 = vector.shape_cast %get3A_579 : vector<16xf32> to vector<16xf32>
      %mul3A_581 = arith.mulf %get3A_577, %get3A_580 : vector<16xf32>
      %add3A_582 = arith.addf %mul3A_581, %get3A_122 : vector<16xf32>
      %swap3A_583 = arith.constant 16 : index
      %swap3A_584 = tpu.vector_load %arg21[%swap3A_583] {strides = array<i32>} : memref<640xf32, #tpu.memory_space<vmem>>, vector<16xf32>,
      %swap3A_585 = vector.shape_cast %swap3A_584 : vector<16xf32> to vector<16xf32>
      %swap3A_586 = vector.shape_cast %add3A_582 : vector<16xf32> to vector<16xf32>
      tpu.vector_store %arg21[%swap3A_583], %swap3A_586 {strides = array<i32>} : memref<640xf32, #tpu.memory_space<vmem>>, vector<16xf32>,
      %get3A_587 = arith.constant 32 : index
      %get3A_588 = tpu.vector_load %arg19[%get3A_587] {strides = array<i32>} : memref<640xf32, #tpu.memory_space<vmem>>, vector<16xf32>,
      %get3A_589 = vector.shape_cast %get3A_588 : vector<16xf32> to vector<16xf32>
      %get3A_590 = arith.constant 32 : index
      %get3A_591 = tpu.vector_load %arg21[%get3A_590] {strides = array<i32>} : memref<640xf32, #tpu.memory_space<vmem>>, vector<16xf32>,
      %get3A_592 = vector.shape_cast %get3A_591 : vector<16xf32> to vector<16xf32>
      %mul3A_593 = arith.mulf %get3A_589, %get3A_592 : vector<16xf32>
      %add3A_594 = arith.addf %mul3A_593, %get3A_122 : vector<16xf32>
      %swap3A_595 = arith.constant 32 : index
      %swap3A_596 = tpu.vector_load %arg21[%swap3A_595] {strides = array<i32>} : memref<640xf32, #tpu.memory_space<vmem>>, vector<16xf32>,
      %swap3A_597 = vector.shape_cast %swap3A_596 : vector<16xf32> to vector<16xf32>
      %swap3A_598 = vector.shape_cast %add3A_594 : vector<16xf32> to vector<16xf32>
      tpu.vector_store %arg21[%swap3A_595], %swap3A_598 {strides = array<i32>} : memref<640xf32, #tpu.memory_space<vmem>>, vector<16xf32>,
      %get3A_599 = arith.constant 48 : index
      %get3A_600 = tpu.vector_load %arg19[%get3A_599] {strides = array<i32>} : memref<640xf32, #tpu.memory_space<vmem>>, vector<16xf32>,
      %get3A_601 = vector.shape_cast %get3A_600 : vector<16xf32> to vector<16xf32>
      %get3A_602 = arith.constant 48 : index
      %get3A_603 = tpu.vector_load %arg21[%get3A_602] {strides = array<i32>} : memref<640xf32, #tpu.memory_space<vmem>>, vector<16xf32>,
      %get3A_604 = vector.shape_cast %get3A_603 : vector<16xf32> to vector<16xf32>
      %mul3A_605 = arith.mulf %get3A_601, %get3A_604 : vector<16xf32>
      %add3A_606 = arith.addf %mul3A_605, %get3A_122 : vector<16xf32>
      %swap3A_607 = arith.constant 48 : index
      %swap3A_608 = tpu.vector_load %arg21[%swap3A_607] {strides = array<i32>} : memref<640xf32, #tpu.memory_space<vmem>>, vector<16xf32>,
      %swap3A_609 = vector.shape_cast %swap3A_608 : vector<16xf32> to vector<16xf32>
      %swap3A_610 = vector.shape_cast %add3A_606 : vector<16xf32> to vector<16xf32>
      tpu.vector_store %arg21[%swap3A_607], %swap3A_610 {strides = array<i32>} : memref<640xf32, #tpu.memory_space<vmem>>, vector<16xf32>,
      %get3A_611 = arith.constant 64 : index
      %get3A_612 = tpu.vector_load %arg19[%get3A_611] {strides = array<i32>} : memref<640xf32, #tpu.memory_space<vmem>>, vector<16xf32>,
      %get3A_613 = vector.shape_cast %get3A_612 : vector<16xf32> to vector<16xf32>
      %get3A_614 = arith.constant 64 : index
      %get3A_615 = tpu.vector_load %arg21[%get3A_614] {strides = array<i32>} : memref<640xf32, #tpu.memory_space<vmem>>, vector<16xf32>,
      %get3A_616 = vector.shape_cast %get3A_615 : vector<16xf32> to vector<16xf32>
      %mul3A_617 = arith.mulf %get3A_613, %get3A_616 : vector<16xf32>
      %add3A_618 = arith.addf %mul3A_617, %get3A_122 : vector<16xf32>
      %swap3A_619 = arith.constant 64 : index
      %swap3A_620 = tpu.vector_load %arg21[%swap3A_619] {strides = array<i32>} : memref<640xf32, #tpu.memory_space<vmem>>, vector<16xf32>,
      %swap3A_621 = vector.shape_cast %swap3A_620 : vector<16xf32> to vector<16xf32>
      %swap3A_622 = vector.shape_cast %add3A_618 : vector<16xf32> to vector<16xf32>
      tpu.vector_store %arg21[%swap3A_619], %swap3A_622 {strides = array<i32>} : memref<640xf32, #tpu.memory_space<vmem>>, vector<16xf32>,
      %get3A_623 = arith.constant 80 : index
      %get3A_624 = tpu.vector_load %arg19[%get3A_623] {strides = array<i32>} : memref<640xf32, #tpu.memory_space<vmem>>, vector<16xf32>,
      %get3A_625 = vector.shape_cast %get3A_624 : vector<16xf32> to vector<16xf32>
      %get3A_626 = arith.constant 80 : index
      %get3A_627 = tpu.vector_load %arg21[%get3A_626] {strides = array<i32>} : memref<640xf32, #tpu.memory_space<vmem>>, vector<16xf32>,
      %get3A_628 = vector.shape_cast %get3A_627 : vector<16xf32> to vector<16xf32>
      %mul3A_629 = arith.mulf %get3A_625, %get3A_628 : vector<16xf32>
      %add3A_630 = arith.addf %mul3A_629, %get3A_122 : vector<16xf32>
      %swap3A_631 = arith.constant 80 : index
      %swap3A_632 = tpu.vector_load %arg21[%swap3A_631] {strides = array<i32>} : memref<640xf32, #tpu.memory_space<vmem>>, vector<16xf32>,
      %swap3A_633 = vector.shape_cast %swap3A_632 : vector<16xf32> to vector<16xf32>
      %swap3A_634 = vector.shape_cast %add3A_630 : vector<16xf32> to vector<16xf32>
      tpu.vector_store %arg21[%swap3A_631], %swap3A_634 {strides = array<i32>} : memref<640xf32, #tpu.memory_space<vmem>>, vector<16xf32>,
      %get3A_635 = arith.constant 96 : index
      %get3A_636 = tpu.vector_load %arg19[%get3A_635] {strides = array<i32>} : memref<640xf32, #tpu.memory_space<vmem>>, vector<16xf32>,
      %get3A_637 = vector.shape_cast %get3A_636 : vector<16xf32> to vector<16xf32>
      %get3A_638 = arith.constant 96 : index
      %get3A_639 = tpu.vector_load %arg21[%get3A_638] {strides = array<i32>} : memref<640xf32, #tpu.memory_space<vmem>>, vector<16xf32>,
      %get3A_640 = vector.shape_cast %get3A_639 : vector<16xf32> to vector<16xf32>
      %mul3A_641 = arith.mulf %get3A_637, %get3A_640 : vector<16xf32>
      %add3A_642 = arith.addf %mul3A_641, %get3A_122 : vector<16xf32>
      %swap3A_643 = arith.constant 96 : index
      %swap3A_644 = tpu.vector_load %arg21[%swap3A_643] {strides = array<i32>} : memref<640xf32, #tpu.memory_space<vmem>>, vector<16xf32>,
      %swap3A_645 = vector.shape_cast %swap3A_644 : vector<16xf32> to vector<16xf32>
      %swap3A_646 = vector.shape_cast %add3A_642 : vector<16xf32> to vector<16xf32>
      tpu.vector_store %arg21[%swap3A_643], %swap3A_646 {strides = array<i32>} : memref<640xf32, #tpu.memory_space<vmem>>, vector<16xf32>,
      %get3A_647 = arith.constant 112 : index
      %get3A_648 = tpu.vector_load %arg19[%get3A_647] {strides = array<i32>} : memref<640xf32, #tpu.memory_space<vmem>>, vector<16xf32>,
      %get3A_649 = vector.shape_cast %get3A_648 : vector<16xf32> to vector<16xf32>
      %get3A_650 = arith.constant 112 : index
      %get3A_651 = tpu.vector_load %arg21[%get3A_650] {strides = array<i32>} : memref<640xf32, #tpu.memory_space<vmem>>, vector<16xf32>,
      %get3A_652 = vector.shape_cast %get3A_651 : vector<16xf32> to vector<16xf32>
      %mul3A_653 = arith.mulf %get3A_649, %get3A_652 : vector<16xf32>
      %add3A_654 = arith.addf %mul3A_653, %get3A_122 : vector<16xf32>
      %swap3A_655 = arith.constant 112 : index
      %swap3A_656 = tpu.vector_load %arg21[%swap3A_655] {strides = array<i32>} : memref<640xf32, #tpu.memory_space<vmem>>, vector<16xf32>,
      %swap3A_657 = vector.shape_cast %swap3A_656 : vector<16xf32> to vector<16xf32>
      %swap3A_658 = vector.shape_cast %add3A_654 : vector<16xf32> to vector<16xf32>
      tpu.vector_store %arg21[%swap3A_655], %swap3A_658 {strides = array<i32>} : memref<640xf32, #tpu.memory_space<vmem>>, vector<16xf32>,
      %get3A_659 = arith.constant 128 : index
      %get3A_660 = tpu.vector_load %arg19[%get3A_659] {strides = array<i32>} : memref<640xf32, #tpu.memory_space<vmem>>, vector<16xf32>,
      %get3A_661 = vector.shape_cast %get3A_660 : vector<16xf32> to vector<16xf32>
      %get3A_662 = arith.constant 128 : index
      %get3A_663 = tpu.vector_load %arg21[%get3A_662] {strides = array<i32>} : memref<640xf32, #tpu.memory_space<vmem>>, vector<16xf32>,
      %get3A_664 = vector.shape_cast %get3A_663 : vector<16xf32> to vector<16xf32>
      %mul3A_665 = arith.mulf %get3A_661, %get3A_664 : vector<16xf32>
      %add3A_666 = arith.addf %mul3A_665, %get3A_122 : vector<16xf32>
      %swap3A_667 = arith.constant 128 : index
      %swap3A_668 = tpu.vector_load %arg21[%swap3A_667] {strides = array<i32>} : memref<640xf32, #tpu.memory_space<vmem>>, vector<16xf32>,
      %swap3A_669 = vector.shape_cast %swap3A_668 : vector<16xf32> to vector<16xf32>
      %swap3A_670 = vector.shape_cast %add3A_666 : vector<16xf32> to vector<16xf32>
      tpu.vector_store %arg21[%swap3A_667], %swap3A_670 {strides = array<i32>} : memref<640xf32, #tpu.memory_space<vmem>>, vector<16xf32>,
      %get3A_671 = arith.constant 144 : index
      %get3A_672 = tpu.vector_load %arg19[%get3A_671] {strides = array<i32>} : memref<640xf32, #tpu.memory_space<vmem>>, vector<16xf32>,
      %get3A_673 = vector.shape_cast %get3A_672 : vector<16xf32> to vector<16xf32>
      %get3A_674 = arith.constant 144 : index
      %get3A_675 = tpu.vector_load %arg21[%get3A_674] {strides = array<i32>} : memref<640xf32, #tpu.memory_space<vmem>>, vector<16xf32>,
      %get3A_676 = vector.shape_cast %get3A_675 : vector<16xf32> to vector<16xf32>
      %mul3A_677 = arith.mulf %get3A_673, %get3A_676 : vector<16xf32>
      %add3A_678 = arith.addf %mul3A_677, %get3A_122 : vector<16xf32>
      %swap3A_679 = arith.constant 144 : index
      %swap3A_680 = tpu.vector_load %arg21[%swap3A_679] {strides = array<i32>} : memref<640xf32, #tpu.memory_space<vmem>>, vector<16xf32>,
      %swap3A_681 = vector.shape_cast %swap3A_680 : vector<16xf32> to vector<16xf32>
      %swap3A_682 = vector.shape_cast %add3A_678 : vector<16xf32> to vector<16xf32>
      tpu.vector_store %arg21[%swap3A_679], %swap3A_682 {strides = array<i32>} : memref<640xf32, #tpu.memory_space<vmem>>, vector<16xf32>,
      %get3A_683 = arith.constant 160 : index
      %get3A_684 = tpu.vector_load %arg19[%get3A_683] {strides = array<i32>} : memref<640xf32, #tpu.memory_space<vmem>>, vector<16xf32>,
      %get3A_685 = vector.shape_cast %get3A_684 : vector<16xf32> to vector<16xf32>
      %get3A_686 = arith.constant 160 : index
      %get3A_687 = tpu.vector_load %arg21[%get3A_686] {strides = array<i32>} : memref<640xf32, #tpu.memory_space<vmem>>, vector<16xf32>,
      %get3A_688 = vector.shape_cast %get3A_687 : vector<16xf32> to vector<16xf32>
      %mul3A_689 = arith.mulf %get3A_685, %get3A_688 : vector<16xf32>
      %add3A_690 = arith.addf %mul3A_689, %get3A_122 : vector<16xf32>
      %swap3A_691 = arith.constant 160 : index
      %swap3A_692 = tpu.vector_load %arg21[%swap3A_691] {strides = array<i32>} : memref<640xf32, #tpu.memory_space<vmem>>, vector<16xf32>,
      %swap3A_693 = vector.shape_cast %swap3A_692 : vector<16xf32> to vector<16xf32>
      %swap3A_694 = vector.shape_cast %add3A_690 : vector<16xf32> to vector<16xf32>
      tpu.vector_store %arg21[%swap3A_691], %swap3A_694 {strides = array<i32>} : memref<640xf32, #tpu.memory_space<vmem>>, vector<16xf32>,
      %get3A_695 = arith.constant 176 : index
      %get3A_696 = tpu.vector_load %arg19[%get3A_695] {strides = array<i32>} : memref<640xf32, #tpu.memory_space<vmem>>, vector<16xf32>,
      %get3A_697 = vector.shape_cast %get3A_696 : vector<16xf32> to vector<16xf32>
      %get3A_698 = arith.constant 176 : index
      %get3A_699 = tpu.vector_load %arg21[%get3A_698] {strides = array<i32>} : memref<640xf32, #tpu.memory_space<vmem>>, vector<16xf32>,
      %get3A_700 = vector.shape_cast %get3A_699 : vector<16xf32> to vector<16xf32>
      %mul3A_701 = arith.mulf %get3A_697, %get3A_700 : vector<16xf32>
      %add3A_702 = arith.addf %mul3A_701, %get3A_122 : vector<16xf32>
      %swap3A_703 = arith.constant 176 : index
      %swap3A_704 = tpu.vector_load %arg21[%swap3A_703] {strides = array<i32>} : memref<640xf32, #tpu.memory_space<vmem>>, vector<16xf32>,
      %swap3A_705 = vector.shape_cast %swap3A_704 : vector<16xf32> to vector<16xf32>
      %swap3A_706 = vector.shape_cast %add3A_702 : vector<16xf32> to vector<16xf32>
      tpu.vector_store %arg21[%swap3A_703], %swap3A_706 {strides = array<i32>} : memref<640xf32, #tpu.memory_space<vmem>>, vector<16xf32>,
      %get3A_707 = arith.constant 192 : index
      %get3A_708 = tpu.vector_load %arg19[%get3A_707] {strides = array<i32>} : memref<640xf32, #tpu.memory_space<vmem>>, vector<16xf32>,
      %get3A_709 = vector.shape_cast %get3A_708 : vector<16xf32> to vector<16xf32>
      %get3A_710 = arith.constant 192 : index
      %get3A_711 = tpu.vector_load %arg21[%get3A_710] {strides = array<i32>} : memref<640xf32, #tpu.memory_space<vmem>>, vector<16xf32>,
      %get3A_712 = vector.shape_cast %get3A_711 : vector<16xf32> to vector<16xf32>
      %mul3A_713 = arith.mulf %get3A_709, %get3A_712 : vector<16xf32>
      %add3A_714 = arith.addf %mul3A_713, %get3A_122 : vector<16xf32>
      %swap3A_715 = arith.constant 192 : index
      %swap3A_716 = tpu.vector_load %arg21[%swap3A_715] {strides = array<i32>} : memref<640xf32, #tpu.memory_space<vmem>>, vector<16xf32>,
      %swap3A_717 = vector.shape_cast %swap3A_716 : vector<16xf32> to vector<16xf32>
      %swap3A_718 = vector.shape_cast %add3A_714 : vector<16xf32> to vector<16xf32>
      tpu.vector_store %arg21[%swap3A_715], %swap3A_718 {strides = array<i32>} : memref<640xf32, #tpu.memory_space<vmem>>, vector<16xf32>,
      %get3A_719 = arith.constant 208 : index
      %get3A_720 = tpu.vector_load %arg19[%get3A_719] {strides = array<i32>} : memref<640xf32, #tpu.memory_space<vmem>>, vector<16xf32>,
      %get3A_721 = vector.shape_cast %get3A_720 : vector<16xf32> to vector<16xf32>
      %get3A_722 = arith.constant 208 : index
      %get3A_723 = tpu.vector_load %arg21[%get3A_722] {strides = array<i32>} : memref<640xf32, #tpu.memory_space<vmem>>, vector<16xf32>,
      %get3A_724 = vector.shape_cast %get3A_723 : vector<16xf32> to vector<16xf32>
      %mul3A_725 = arith.mulf %get3A_721, %get3A_724 : vector<16xf32>
      %add3A_726 = arith.addf %mul3A_725, %get3A_122 : vector<16xf32>
      %swap3A_727 = arith.constant 208 : index
      %swap3A_728 = tpu.vector_load %arg21[%swap3A_727] {strides = array<i32>} : memref<640xf32, #tpu.memory_space<vmem>>, vector<16xf32>,
      %swap3A_729 = vector.shape_cast %swap3A_728 : vector<16xf32> to vector<16xf32>
      %swap3A_730 = vector.shape_cast %add3A_726 : vector<16xf32> to vector<16xf32>
      tpu.vector_store %arg21[%swap3A_727], %swap3A_730 {strides = array<i32>} : memref<640xf32, #tpu.memory_space<vmem>>, vector<16xf32>,
      %get3A_731 = arith.constant 224 : index
      %get3A_732 = tpu.vector_load %arg19[%get3A_731] {strides = array<i32>} : memref<640xf32, #tpu.memory_space<vmem>>, vector<16xf32>,
      %get3A_733 = vector.shape_cast %get3A_732 : vector<16xf32> to vector<16xf32>
      %get3A_734 = arith.constant 224 : index
      %get3A_735 = tpu.vector_load %arg21[%get3A_734] {strides = array<i32>} : memref<640xf32, #tpu.memory_space<vmem>>, vector<16xf32>,
      %get3A_736 = vector.shape_cast %get3A_735 : vector<16xf32> to vector<16xf32>
      %mul3A_737 = arith.mulf %get3A_733, %get3A_736 : vector<16xf32>
      %add3A_738 = arith.addf %mul3A_737, %get3A_122 : vector<16xf32>
      %swap3A_739 = arith.constant 224 : index
      %swap3A_740 = tpu.vector_load %arg21[%swap3A_739] {strides = array<i32>} : memref<640xf32, #tpu.memory_space<vmem>>, vector<16xf32>,
      %swap3A_741 = vector.shape_cast %swap3A_740 : vector<16xf32> to vector<16xf32>
      %swap3A_742 = vector.shape_cast %add3A_738 : vector<16xf32> to vector<16xf32>
      tpu.vector_store %arg21[%swap3A_739], %swap3A_742 {strides = array<i32>} : memref<640xf32, #tpu.memory_space<vmem>>, vector<16xf32>,
      %get3A_743 = arith.constant 240 : index
      %get3A_744 = tpu.vector_load %arg19[%get3A_743] {strides = array<i32>} : memref<640xf32, #tpu.memory_space<vmem>>, vector<16xf32>,
      %get3A_745 = vector.shape_cast %get3A_744 : vector<16xf32> to vector<16xf32>
      %get3A_746 = arith.constant 240 : index
      %get3A_747 = tpu.vector_load %arg21[%get3A_746] {strides = array<i32>} : memref<640xf32, #tpu.memory_space<vmem>>, vector<16xf32>,
      %get3A_748 = vector.shape_cast %get3A_747 : vector<16xf32> to vector<16xf32>
      %mul3A_749 = arith.mulf %get3A_745, %get3A_748 : vector<16xf32>
      %add3A_750 = arith.addf %mul3A_749, %get3A_122 : vector<16xf32>
      %swap3A_751 = arith.constant 240 : index
      %swap3A_752 = tpu.vector_load %arg21[%swap3A_751] {strides = array<i32>} : memref<640xf32, #tpu.memory_space<vmem>>, vector<16xf32>,
      %swap3A_753 = vector.shape_cast %swap3A_752 : vector<16xf32> to vector<16xf32>
      %swap3A_754 = vector.shape_cast %add3A_750 : vector<16xf32> to vector<16xf32>
      tpu.vector_store %arg21[%swap3A_751], %swap3A_754 {strides = array<i32>} : memref<640xf32, #tpu.memory_space<vmem>>, vector<16xf32>,
      %get3A_755 = arith.constant 256 : index
      %get3A_756 = tpu.vector_load %arg19[%get3A_755] {strides = array<i32>} : memref<640xf32, #tpu.memory_space<vmem>>, vector<16xf32>,
      %get3A_757 = vector.shape_cast %get3A_756 : vector<16xf32> to vector<16xf32>
      %get3A_758 = arith.constant 256 : index
      %get3A_759 = tpu.vector_load %arg21[%get3A_758] {strides = array<i32>} : memref<640xf32, #tpu.memory_space<vmem>>, vector<16xf32>,
      %get3A_760 = vector.shape_cast %get3A_759 : vector<16xf32> to vector<16xf32>
      %mul3A_761 = arith.mulf %get3A_757, %get3A_760 : vector<16xf32>
      %add3A_762 = arith.addf %mul3A_761, %get3A_122 : vector<16xf32>
      %swap3A_763 = arith.constant 256 : index
      %swap3A_764 = tpu.vector_load %arg21[%swap3A_763] {strides = array<i32>} : memref<640xf32, #tpu.memory_space<vmem>>, vector<16xf32>,
      %swap3A_765 = vector.shape_cast %swap3A_764 : vector<16xf32> to vector<16xf32>
      %swap3A_766 = vector.shape_cast %add3A_762 : vector<16xf32> to vector<16xf32>
      tpu.vector_store %arg21[%swap3A_763], %swap3A_766 {strides = array<i32>} : memref<640xf32, #tpu.memory_space<vmem>>, vector<16xf32>,
      %get3A_767 = arith.constant 272 : index
      %get3A_768 = tpu.vector_load %arg19[%get3A_767] {strides = array<i32>} : memref<640xf32, #tpu.memory_space<vmem>>, vector<16xf32>,
      %get3A_769 = vector.shape_cast %get3A_768 : vector<16xf32> to vector<16xf32>
      %get3A_770 = arith.constant 272 : index
      %get3A_771 = tpu.vector_load %arg21[%get3A_770] {strides = array<i32>} : memref<640xf32, #tpu.memory_space<vmem>>, vector<16xf32>,
      %get3A_772 = vector.shape_cast %get3A_771 : vector<16xf32> to vector<16xf32>
      %mul3A_773 = arith.mulf %get3A_769, %get3A_772 : vector<16xf32>
      %add3A_774 = arith.addf %mul3A_773, %get3A_122 : vector<16xf32>
      %swap3A_775 = arith.constant 272 : index
      %swap3A_776 = tpu.vector_load %arg21[%swap3A_775] {strides = array<i32>} : memref<640xf32, #tpu.memory_space<vmem>>, vector<16xf32>,
      %swap3A_777 = vector.shape_cast %swap3A_776 : vector<16xf32> to vector<16xf32>
      %swap3A_778 = vector.shape_cast %add3A_774 : vector<16xf32> to vector<16xf32>
      tpu.vector_store %arg21[%swap3A_775], %swap3A_778 {strides = array<i32>} : memref<640xf32, #tpu.memory_space<vmem>>, vector<16xf32>,
      %get3A_779 = arith.constant 288 : index
      %get3A_780 = tpu.vector_load %arg19[%get3A_779] {strides = array<i32>} : memref<640xf32, #tpu.memory_space<vmem>>, vector<16xf32>,
      %get3A_781 = vector.shape_cast %get3A_780 : vector<16xf32> to vector<16xf32>
      %get3A_782 = arith.constant 288 : index
      %get3A_783 = tpu.vector_load %arg21[%get3A_782] {strides = array<i32>} : memref<640xf32, #tpu.memory_space<vmem>>, vector<16xf32>,
      %get3A_784 = vector.shape_cast %get3A_783 : vector<16xf32> to vector<16xf32>
      %mul3A_785 = arith.mulf %get3A_781, %get3A_784 : vector<16xf32>
      %add3A_786 = arith.addf %mul3A_785, %get3A_122 : vector<16xf32>
      %swap3A_787 = arith.constant 288 : index
      %swap3A_788 = tpu.vector_load %arg21[%swap3A_787] {strides = array<i32>} : memref<640xf32, #tpu.memory_space<vmem>>, vector<16xf32>,
      %swap3A_789 = vector.shape_cast %swap3A_788 : vector<16xf32> to vector<16xf32>
      %swap3A_790 = vector.shape_cast %add3A_786 : vector<16xf32> to vector<16xf32>
      tpu.vector_store %arg21[%swap3A_787], %swap3A_790 {strides = array<i32>} : memref<640xf32, #tpu.memory_space<vmem>>, vector<16xf32>,
      %get3A_791 = arith.constant 304 : index
      %get3A_792 = tpu.vector_load %arg19[%get3A_791] {strides = array<i32>} : memref<640xf32, #tpu.memory_space<vmem>>, vector<16xf32>,
      %get3A_793 = vector.shape_cast %get3A_792 : vector<16xf32> to vector<16xf32>
      %get3A_794 = arith.constant 304 : index
      %get3A_795 = tpu.vector_load %arg21[%get3A_794] {strides = array<i32>} : memref<640xf32, #tpu.memory_space<vmem>>, vector<16xf32>,
      %get3A_796 = vector.shape_cast %get3A_795 : vector<16xf32> to vector<16xf32>
      %mul3A_797 = arith.mulf %get3A_793, %get3A_796 : vector<16xf32>
      %add3A_798 = arith.addf %mul3A_797, %get3A_122 : vector<16xf32>
      %swap3A_799 = arith.constant 304 : index
      %swap3A_800 = tpu.vector_load %arg21[%swap3A_799] {strides = array<i32>} : memref<640xf32, #tpu.memory_space<vmem>>, vector<16xf32>,
      %swap3A_801 = vector.shape_cast %swap3A_800 : vector<16xf32> to vector<16xf32>
      %swap3A_802 = vector.shape_cast %add3A_798 : vector<16xf32> to vector<16xf32>
      tpu.vector_store %arg21[%swap3A_799], %swap3A_802 {strides = array<i32>} : memref<640xf32, #tpu.memory_space<vmem>>, vector<16xf32>,
      %get3A_803 = arith.constant 320 : index
      %get3A_804 = tpu.vector_load %arg19[%get3A_803] {strides = array<i32>} : memref<640xf32, #tpu.memory_space<vmem>>, vector<16xf32>,
      %get3A_805 = vector.shape_cast %get3A_804 : vector<16xf32> to vector<16xf32>
      %get3A_806 = arith.constant 320 : index
      %get3A_807 = tpu.vector_load %arg21[%get3A_806] {strides = array<i32>} : memref<640xf32, #tpu.memory_space<vmem>>, vector<16xf32>,
      %get3A_808 = vector.shape_cast %get3A_807 : vector<16xf32> to vector<16xf32>
      %mul3A_809 = arith.mulf %get3A_805, %get3A_808 : vector<16xf32>
      %add3A_810 = arith.addf %mul3A_809, %get3A_122 : vector<16xf32>
      %swap3A_811 = arith.constant 320 : index
      %swap3A_812 = tpu.vector_load %arg21[%swap3A_811] {strides = array<i32>} : memref<640xf32, #tpu.memory_space<vmem>>, vector<16xf32>,
      %swap3A_813 = vector.shape_cast %swap3A_812 : vector<16xf32> to vector<16xf32>
      %swap3A_814 = vector.shape_cast %add3A_810 : vector<16xf32> to vector<16xf32>
      tpu.vector_store %arg21[%swap3A_811], %swap3A_814 {strides = array<i32>} : memref<640xf32, #tpu.memory_space<vmem>>, vector<16xf32>,
      %get3A_815 = arith.constant 336 : index
      %get3A_816 = tpu.vector_load %arg19[%get3A_815] {strides = array<i32>} : memref<640xf32, #tpu.memory_space<vmem>>, vector<16xf32>,
      %get3A_817 = vector.shape_cast %get3A_816 : vector<16xf32> to vector<16xf32>
      %get3A_818 = arith.constant 336 : index
      %get3A_819 = tpu.vector_load %arg21[%get3A_818] {strides = array<i32>} : memref<640xf32, #tpu.memory_space<vmem>>, vector<16xf32>,
      %get3A_820 = vector.shape_cast %get3A_819 : vector<16xf32> to vector<16xf32>
      %mul3A_821 = arith.mulf %get3A_817, %get3A_820 : vector<16xf32>
      %add3A_822 = arith.addf %mul3A_821, %get3A_122 : vector<16xf32>
      %swap3A_823 = arith.constant 336 : index
      %swap3A_824 = tpu.vector_load %arg21[%swap3A_823] {strides = array<i32>} : memref<640xf32, #tpu.memory_space<vmem>>, vector<16xf32>,
      %swap3A_825 = vector.shape_cast %swap3A_824 : vector<16xf32> to vector<16xf32>
      %swap3A_826 = vector.shape_cast %add3A_822 : vector<16xf32> to vector<16xf32>
      tpu.vector_store %arg21[%swap3A_823], %swap3A_826 {strides = array<i32>} : memref<640xf32, #tpu.memory_space<vmem>>, vector<16xf32>,
      %get3A_827 = arith.constant 352 : index
      %get3A_828 = tpu.vector_load %arg19[%get3A_827] {strides = array<i32>} : memref<640xf32, #tpu.memory_space<vmem>>, vector<16xf32>,
      %get3A_829 = vector.shape_cast %get3A_828 : vector<16xf32> to vector<16xf32>
      %get3A_830 = arith.constant 352 : index
      %get3A_831 = tpu.vector_load %arg21[%get3A_830] {strides = array<i32>} : memref<640xf32, #tpu.memory_space<vmem>>, vector<16xf32>,
      %get3A_832 = vector.shape_cast %get3A_831 : vector<16xf32> to vector<16xf32>
      %mul3A_833 = arith.mulf %get3A_829, %get3A_832 : vector<16xf32>
      %add3A_834 = arith.addf %mul3A_833, %get3A_122 : vector<16xf32>
      %swap3A_835 = arith.constant 352 : index
      %swap3A_836 = tpu.vector_load %arg21[%swap3A_835] {strides = array<i32>} : memref<640xf32, #tpu.memory_space<vmem>>, vector<16xf32>,
      %swap3A_837 = vector.shape_cast %swap3A_836 : vector<16xf32> to vector<16xf32>
      %swap3A_838 = vector.shape_cast %add3A_834 : vector<16xf32> to vector<16xf32>
      tpu.vector_store %arg21[%swap3A_835], %swap3A_838 {strides = array<i32>} : memref<640xf32, #tpu.memory_space<vmem>>, vector<16xf32>,
      %get3A_839 = arith.constant 368 : index
      %get3A_840 = tpu.vector_load %arg19[%get3A_839] {strides = array<i32>} : memref<640xf32, #tpu.memory_space<vmem>>, vector<16xf32>,
      %get3A_841 = vector.shape_cast %get3A_840 : vector<16xf32> to vector<16xf32>
      %get3A_842 = arith.constant 368 : index
      %get3A_843 = tpu.vector_load %arg21[%get3A_842] {strides = array<i32>} : memref<640xf32, #tpu.memory_space<vmem>>, vector<16xf32>,
      %get3A_844 = vector.shape_cast %get3A_843 : vector<16xf32> to vector<16xf32>
      %mul3A_845 = arith.mulf %get3A_841, %get3A_844 : vector<16xf32>
      %add3A_846 = arith.addf %mul3A_845, %get3A_122 : vector<16xf32>
      %swap3A_847 = arith.constant 368 : index
      %swap3A_848 = tpu.vector_load %arg21[%swap3A_847] {strides = array<i32>} : memref<640xf32, #tpu.memory_space<vmem>>, vector<16xf32>,
      %swap3A_849 = vector.shape_cast %swap3A_848 : vector<16xf32> to vector<16xf32>
      %swap3A_850 = vector.shape_cast %add3A_846 : vector<16xf32> to vector<16xf32>
      tpu.vector_store %arg21[%swap3A_847], %swap3A_850 {strides = array<i32>} : memref<640xf32, #tpu.memory_space<vmem>>, vector<16xf32>,
      %get3A_851 = arith.constant 384 : index
      %get3A_852 = tpu.vector_load %arg19[%get3A_851] {strides = array<i32>} : memref<640xf32, #tpu.memory_space<vmem>>, vector<16xf32>,
      %get3A_853 = vector.shape_cast %get3A_852 : vector<16xf32> to vector<16xf32>
      %get3A_854 = arith.constant 384 : index
      %get3A_855 = tpu.vector_load %arg21[%get3A_854] {strides = array<i32>} : memref<640xf32, #tpu.memory_space<vmem>>, vector<16xf32>,
      %get3A_856 = vector.shape_cast %get3A_855 : vector<16xf32> to vector<16xf32>
      %mul3A_857 = arith.mulf %get3A_853, %get3A_856 : vector<16xf32>
      %add3A_858 = arith.addf %mul3A_857, %get3A_122 : vector<16xf32>
      %swap3A_859 = arith.constant 384 : index
      %swap3A_860 = tpu.vector_load %arg21[%swap3A_859] {strides = array<i32>} : memref<640xf32, #tpu.memory_space<vmem>>, vector<16xf32>,
      %swap3A_861 = vector.shape_cast %swap3A_860 : vector<16xf32> to vector<16xf32>
      %swap3A_862 = vector.shape_cast %add3A_858 : vector<16xf32> to vector<16xf32>
      tpu.vector_store %arg21[%swap3A_859], %swap3A_862 {strides = array<i32>} : memref<640xf32, #tpu.memory_space<vmem>>, vector<16xf32>,
      %get3A_863 = arith.constant 400 : index
      %get3A_864 = tpu.vector_load %arg19[%get3A_863] {strides = array<i32>} : memref<640xf32, #tpu.memory_space<vmem>>, vector<16xf32>,
      %get3A_865 = vector.shape_cast %get3A_864 : vector<16xf32> to vector<16xf32>
      %get3A_866 = arith.constant 400 : index
      %get3A_867 = tpu.vector_load %arg21[%get3A_866] {strides = array<i32>} : memref<640xf32, #tpu.memory_space<vmem>>, vector<16xf32>,
      %get3A_868 = vector.shape_cast %get3A_867 : vector<16xf32> to vector<16xf32>
      %mul3A_869 = arith.mulf %get3A_865, %get3A_868 : vector<16xf32>
      %add3A_870 = arith.addf %mul3A_869, %get3A_122 : vector<16xf32>
      %swap3A_871 = arith.constant 400 : index
      %swap3A_872 = tpu.vector_load %arg21[%swap3A_871] {strides = array<i32>} : memref<640xf32, #tpu.memory_space<vmem>>, vector<16xf32>,
      %swap3A_873 = vector.shape_cast %swap3A_872 : vector<16xf32> to vector<16xf32>
      %swap3A_874 = vector.shape_cast %add3A_870 : vector<16xf32> to vector<16xf32>
      tpu.vector_store %arg21[%swap3A_871], %swap3A_874 {strides = array<i32>} : memref<640xf32, #tpu.memory_space<vmem>>, vector<16xf32>,
      %get3A_875 = arith.constant 416 : index
      %get3A_876 = tpu.vector_load %arg19[%get3A_875] {strides = array<i32>} : memref<640xf32, #tpu.memory_space<vmem>>, vector<16xf32>,
      %get3A_877 = vector.shape_cast %get3A_876 : vector<16xf32> to vector<16xf32>
      %get3A_878 = arith.constant 416 : index
      %get3A_879 = tpu.vector_load %arg21[%get3A_878] {strides = array<i32>} : memref<640xf32, #tpu.memory_space<vmem>>, vector<16xf32>,
      %get3A_880 = vector.shape_cast %get3A_879 : vector<16xf32> to vector<16xf32>
      %mul3A_881 = arith.mulf %get3A_877, %get3A_880 : vector<16xf32>
      %add3A_882 = arith.addf %mul3A_881, %get3A_122 : vector<16xf32>
      %swap3A_883 = arith.constant 416 : index
      %swap3A_884 = tpu.vector_load %arg21[%swap3A_883] {strides = array<i32>} : memref<640xf32, #tpu.memory_space<vmem>>, vector<16xf32>,
      %swap3A_885 = vector.shape_cast %swap3A_884 : vector<16xf32> to vector<16xf32>
      %swap3A_886 = vector.shape_cast %add3A_882 : vector<16xf32> to vector<16xf32>
      tpu.vector_store %arg21[%swap3A_883], %swap3A_886 {strides = array<i32>} : memref<640xf32, #tpu.memory_space<vmem>>, vector<16xf32>,
      %get3A_887 = arith.constant 432 : index
      %get3A_888 = tpu.vector_load %arg19[%get3A_887] {strides = array<i32>} : memref<640xf32, #tpu.memory_space<vmem>>, vector<16xf32>,
      %get3A_889 = vector.shape_cast %get3A_888 : vector<16xf32> to vector<16xf32>
      %get3A_890 = arith.constant 432 : index
      %get3A_891 = tpu.vector_load %arg21[%get3A_890] {strides = array<i32>} : memref<640xf32, #tpu.memory_space<vmem>>, vector<16xf32>,
      %get3A_892 = vector.shape_cast %get3A_891 : vector<16xf32> to vector<16xf32>
      %mul3A_893 = arith.mulf %get3A_889, %get3A_892 : vector<16xf32>
      %add3A_894 = arith.addf %mul3A_893, %get3A_122 : vector<16xf32>
      %swap3A_895 = arith.constant 432 : index
      %swap3A_896 = tpu.vector_load %arg21[%swap3A_895] {strides = array<i32>} : memref<640xf32, #tpu.memory_space<vmem>>, vector<16xf32>,
      %swap3A_897 = vector.shape_cast %swap3A_896 : vector<16xf32> to vector<16xf32>
      %swap3A_898 = vector.shape_cast %add3A_894 : vector<16xf32> to vector<16xf32>
      tpu.vector_store %arg21[%swap3A_895], %swap3A_898 {strides = array<i32>} : memref<640xf32, #tpu.memory_space<vmem>>, vector<16xf32>,
      %get3A_899 = arith.constant 448 : index
      %get3A_900 = tpu.vector_load %arg19[%get3A_899] {strides = array<i32>} : memref<640xf32, #tpu.memory_space<vmem>>, vector<16xf32>,
      %get3A_901 = vector.shape_cast %get3A_900 : vector<16xf32> to vector<16xf32>
      %get3A_902 = arith.constant 448 : index
      %get3A_903 = tpu.vector_load %arg21[%get3A_902] {strides = array<i32>} : memref<640xf32, #tpu.memory_space<vmem>>, vector<16xf32>,
      %get3A_904 = vector.shape_cast %get3A_903 : vector<16xf32> to vector<16xf32>
      %mul3A_905 = arith.mulf %get3A_901, %get3A_904 : vector<16xf32>
      %add3A_906 = arith.addf %mul3A_905, %get3A_122 : vector<16xf32>
      %swap3A_907 = arith.constant 448 : index
      %swap3A_908 = tpu.vector_load %arg21[%swap3A_907] {strides = array<i32>} : memref<640xf32, #tpu.memory_space<vmem>>, vector<16xf32>,
      %swap3A_909 = vector.shape_cast %swap3A_908 : vector<16xf32> to vector<16xf32>
      %swap3A_910 = vector.shape_cast %add3A_906 : vector<16xf32> to vector<16xf32>
      tpu.vector_store %arg21[%swap3A_907], %swap3A_910 {strides = array<i32>} : memref<640xf32, #tpu.memory_space<vmem>>, vector<16xf32>,
      %get3A_911 = arith.constant 464 : index
      %get3A_912 = tpu.vector_load %arg19[%get3A_911] {strides = array<i32>} : memref<640xf32, #tpu.memory_space<vmem>>, vector<16xf32>,
      %get3A_913 = vector.shape_cast %get3A_912 : vector<16xf32> to vector<16xf32>
      %get3A_914 = arith.constant 464 : index
      %get3A_915 = tpu.vector_load %arg21[%get3A_914] {strides = array<i32>} : memref<640xf32, #tpu.memory_space<vmem>>, vector<16xf32>,
      %get3A_916 = vector.shape_cast %get3A_915 : vector<16xf32> to vector<16xf32>
      %mul3A_917 = arith.mulf %get3A_913, %get3A_916 : vector<16xf32>
      %add3A_918 = arith.addf %mul3A_917, %get3A_122 : vector<16xf32>
      %swap3A_919 = arith.constant 464 : index
      %swap3A_920 = tpu.vector_load %arg21[%swap3A_919] {strides = array<i32>} : memref<640xf32, #tpu.memory_space<vmem>>, vector<16xf32>,
      %swap3A_921 = vector.shape_cast %swap3A_920 : vector<16xf32> to vector<16xf32>
      %swap3A_922 = vector.shape_cast %add3A_918 : vector<16xf32> to vector<16xf32>
      tpu.vector_store %arg21[%swap3A_919], %swap3A_922 {strides = array<i32>} : memref<640xf32, #tpu.memory_space<vmem>>, vector<16xf32>,
      %get3A_923 = arith.constant 480 : index
      %get3A_924 = tpu.vector_load %arg19[%get3A_923] {strides = array<i32>} : memref<640xf32, #tpu.memory_space<vmem>>, vector<16xf32>,
      %get3A_925 = vector.shape_cast %get3A_924 : vector<16xf32> to vector<16xf32>
      %get3A_926 = arith.constant 480 : index
      %get3A_927 = tpu.vector_load %arg21[%get3A_926] {strides = array<i32>} : memref<640xf32, #tpu.memory_space<vmem>>, vector<16xf32>,
      %get3A_928 = vector.shape_cast %get3A_927 : vector<16xf32> to vector<16xf32>
      %mul3A_929 = arith.mulf %get3A_925, %get3A_928 : vector<16xf32>
      %add3A_930 = arith.addf %mul3A_929, %get3A_122 : vector<16xf32>
      %swap3A_931 = arith.constant 480 : index
      %swap3A_932 = tpu.vector_load %arg21[%swap3A_931] {strides = array<i32>} : memref<640xf32, #tpu.memory_space<vmem>>, vector<16xf32>,
      %swap3A_933 = vector.shape_cast %swap3A_932 : vector<16xf32> to vector<16xf32>
      %swap3A_934 = vector.shape_cast %add3A_930 : vector<16xf32> to vector<16xf32>
      tpu.vector_store %arg21[%swap3A_931], %swap3A_934 {strides = array<i32>} : memref<640xf32, #tpu.memory_space<vmem>>, vector<16xf32>,
      %get3A_935 = arith.constant 496 : index
      %get3A_936 = tpu.vector_load %arg19[%get3A_935] {strides = array<i32>} : memref<640xf32, #tpu.memory_space<vmem>>, vector<16xf32>,
      %get3A_937 = vector.shape_cast %get3A_936 : vector<16xf32> to vector<16xf32>
      %get3A_938 = arith.constant 496 : index
      %get3A_939 = tpu.vector_load %arg21[%get3A_938] {strides = array<i32>} : memref<640xf32, #tpu.memory_space<vmem>>, vector<16xf32>,
      %get3A_940 = vector.shape_cast %get3A_939 : vector<16xf32> to vector<16xf32>
      %mul3A_941 = arith.mulf %get3A_937, %get3A_940 : vector<16xf32>
      %add3A_942 = arith.addf %mul3A_941, %get3A_122 : vector<16xf32>
      %swap3A_943 = arith.constant 496 : index
      %swap3A_944 = tpu.vector_load %arg21[%swap3A_943] {strides = array<i32>} : memref<640xf32, #tpu.memory_space<vmem>>, vector<16xf32>,
      %swap3A_945 = vector.shape_cast %swap3A_944 : vector<16xf32> to vector<16xf32>
      %swap3A_946 = vector.shape_cast %add3A_942 : vector<16xf32> to vector<16xf32>
      tpu.vector_store %arg21[%swap3A_943], %swap3A_946 {strides = array<i32>} : memref<640xf32, #tpu.memory_space<vmem>>, vector<16xf32>,
      %get3A_947 = arith.constant 512 : index
      %get3A_948 = tpu.vector_load %arg19[%get3A_947] {strides = array<i32>} : memref<640xf32, #tpu.memory_space<vmem>>, vector<16xf32>,
      %get3A_949 = vector.shape_cast %get3A_948 : vector<16xf32> to vector<16xf32>
      %get3A_950 = arith.constant 512 : index
      %get3A_951 = tpu.vector_load %arg21[%get3A_950] {strides = array<i32>} : memref<640xf32, #tpu.memory_space<vmem>>, vector<16xf32>,
      %get3A_952 = vector.shape_cast %get3A_951 : vector<16xf32> to vector<16xf32>
      %mul3A_953 = arith.mulf %get3A_949, %get3A_952 : vector<16xf32>
      %add3A_954 = arith.addf %mul3A_953, %get3A_122 : vector<16xf32>
      %swap3A_955 = arith.constant 512 : index
      %swap3A_956 = tpu.vector_load %arg21[%swap3A_955] {strides = array<i32>} : memref<640xf32, #tpu.memory_space<vmem>>, vector<16xf32>,
      %swap3A_957 = vector.shape_cast %swap3A_956 : vector<16xf32> to vector<16xf32>
      %swap3A_958 = vector.shape_cast %add3A_954 : vector<16xf32> to vector<16xf32>
      tpu.vector_store %arg21[%swap3A_955], %swap3A_958 {strides = array<i32>} : memref<640xf32, #tpu.memory_space<vmem>>, vector<16xf32>,
      %get3A_959 = arith.constant 528 : index
      %get3A_960 = tpu.vector_load %arg19[%get3A_959] {strides = array<i32>} : memref<640xf32, #tpu.memory_space<vmem>>, vector<16xf32>,
      %get3A_961 = vector.shape_cast %get3A_960 : vector<16xf32> to vector<16xf32>
      %get3A_962 = arith.constant 528 : index
      %get3A_963 = tpu.vector_load %arg21[%get3A_962] {strides = array<i32>} : memref<640xf32, #tpu.memory_space<vmem>>, vector<16xf32>,
      %get3A_964 = vector.shape_cast %get3A_963 : vector<16xf32> to vector<16xf32>
      %mul3A_965 = arith.mulf %get3A_961, %get3A_964 : vector<16xf32>
      %add3A_966 = arith.addf %mul3A_965, %get3A_122 : vector<16xf32>
      %swap3A_967 = arith.constant 528 : index
      %swap3A_968 = tpu.vector_load %arg21[%swap3A_967] {strides = array<i32>} : memref<640xf32, #tpu.memory_space<vmem>>, vector<16xf32>,
      %swap3A_969 = vector.shape_cast %swap3A_968 : vector<16xf32> to vector<16xf32>
      %swap3A_970 = vector.shape_cast %add3A_966 : vector<16xf32> to vector<16xf32>
      tpu.vector_store %arg21[%swap3A_967], %swap3A_970 {strides = array<i32>} : memref<640xf32, #tpu.memory_space<vmem>>, vector<16xf32>,
      %get3A_971 = arith.constant 544 : index
      %get3A_972 = tpu.vector_load %arg19[%get3A_971] {strides = array<i32>} : memref<640xf32, #tpu.memory_space<vmem>>, vector<16xf32>,
      %get3A_973 = vector.shape_cast %get3A_972 : vector<16xf32> to vector<16xf32>
      %get3A_974 = arith.constant 544 : index
      %get3A_975 = tpu.vector_load %arg21[%get3A_974] {strides = array<i32>} : memref<640xf32, #tpu.memory_space<vmem>>, vector<16xf32>,
      %get3A_976 = vector.shape_cast %get3A_975 : vector<16xf32> to vector<16xf32>
      %mul3A_977 = arith.mulf %get3A_973, %get3A_976 : vector<16xf32>
      %add3A_978 = arith.addf %mul3A_977, %get3A_122 : vector<16xf32>
      %swap3A_979 = arith.constant 544 : index
      %swap3A_980 = tpu.vector_load %arg21[%swap3A_979] {strides = array<i32>} : memref<640xf32, #tpu.memory_space<vmem>>, vector<16xf32>,
      %swap3A_981 = vector.shape_cast %swap3A_980 : vector<16xf32> to vector<16xf32>
      %swap3A_982 = vector.shape_cast %add3A_978 : vector<16xf32> to vector<16xf32>
      tpu.vector_store %arg21[%swap3A_979], %swap3A_982 {strides = array<i32>} : memref<640xf32, #tpu.memory_space<vmem>>, vector<16xf32>,
      %get3A_983 = arith.constant 560 : index
      %get3A_984 = tpu.vector_load %arg19[%get3A_983] {strides = array<i32>} : memref<640xf32, #tpu.memory_space<vmem>>, vector<16xf32>,
      %get3A_985 = vector.shape_cast %get3A_984 : vector<16xf32> to vector<16xf32>
      %get3A_986 = arith.constant 560 : index
      %get3A_987 = tpu.vector_load %arg21[%get3A_986] {strides = array<i32>} : memref<640xf32, #tpu.memory_space<vmem>>, vector<16xf32>,
      %get3A_988 = vector.shape_cast %get3A_987 : vector<16xf32> to vector<16xf32>
      %mul3A_989 = arith.mulf %get3A_985, %get3A_988 : vector<16xf32>
      %add3A_990 = arith.addf %mul3A_989, %get3A_122 : vector<16xf32>
      %swap3A_991 = arith.constant 560 : index
      %swap3A_992 = tpu.vector_load %arg21[%swap3A_991] {strides = array<i32>} : memref<640xf32, #tpu.memory_space<vmem>>, vector<16xf32>,
      %swap3A_993 = vector.shape_cast %swap3A_992 : vector<16xf32> to vector<16xf32>
      %swap3A_994 = vector.shape_cast %add3A_990 : vector<16xf32> to vector<16xf32>
      tpu.vector_store %arg21[%swap3A_991], %swap3A_994 {strides = array<i32>} : memref<640xf32, #tpu.memory_space<vmem>>, vector<16xf32>,
      %get3A_995 = arith.constant 576 : index
      %get3A_996 = tpu.vector_load %arg19[%get3A_995] {strides = array<i32>} : memref<640xf32, #tpu.memory_space<vmem>>, vector<16xf32>,
      %get3A_997 = vector.shape_cast %get3A_996 : vector<16xf32> to vector<16xf32>
      %get3A_998 = arith.constant 576 : index
      %get3A_999 = tpu.vector_load %arg21[%get3A_998] {strides = array<i32>} : memref<640xf32, #tpu.memory_space<vmem>>, vector<16xf32>,
      %get3A_1000 = vector.shape_cast %get3A_999 : vector<16xf32> to vector<16xf32>
      %mul3A_1001 = arith.mulf %get3A_997, %get3A_1000 : vector<16xf32>
      %add3A_1002 = arith.addf %mul3A_1001, %get3A_122 : vector<16xf32>
      %swap3A_1003 = arith.constant 576 : index
      %swap3A_1004 = tpu.vector_load %arg21[%swap3A_1003] {strides = array<i32>} : memref<640xf32, #tpu.memory_space<vmem>>, vector<16xf32>,
      %swap3A_1005 = vector.shape_cast %swap3A_1004 : vector<16xf32> to vector<16xf32>
      %swap3A_1006 = vector.shape_cast %add3A_1002 : vector<16xf32> to vector<16xf32>
      tpu.vector_store %arg21[%swap3A_1003], %swap3A_1006 {strides = array<i32>} : memref<640xf32, #tpu.memory_space<vmem>>, vector<16xf32>,
      %get3A_1007 = arith.constant 592 : index
      %get3A_1008 = tpu.vector_load %arg19[%get3A_1007] {strides = array<i32>} : memref<640xf32, #tpu.memory_space<vmem>>, vector<16xf32>,
      %get3A_1009 = vector.shape_cast %get3A_1008 : vector<16xf32> to vector<16xf32>
      %get3A_1010 = arith.constant 592 : index
      %get3A_1011 = tpu.vector_load %arg21[%get3A_1010] {strides = array<i32>} : memref<640xf32, #tpu.memory_space<vmem>>, vector<16xf32>,
      %get3A_1012 = vector.shape_cast %get3A_1011 : vector<16xf32> to vector<16xf32>
      %mul3A_1013 = arith.mulf %get3A_1009, %get3A_1012 : vector<16xf32>
      %add3A_1014 = arith.addf %mul3A_1013, %get3A_122 : vector<16xf32>
      %swap3A_1015 = arith.constant 592 : index
      %swap3A_1016 = tpu.vector_load %arg21[%swap3A_1015] {strides = array<i32>} : memref<640xf32, #tpu.memory_space<vmem>>, vector<16xf32>,
      %swap3A_1017 = vector.shape_cast %swap3A_1016 : vector<16xf32> to vector<16xf32>
      %swap3A_1018 = vector.shape_cast %add3A_1014 : vector<16xf32> to vector<16xf32>
      tpu.vector_store %arg21[%swap3A_1015], %swap3A_1018 {strides = array<i32>} : memref<640xf32, #tpu.memory_space<vmem>>, vector<16xf32>,
      %get3A_1019 = arith.constant 608 : index
      %get3A_1020 = tpu.vector_load %arg19[%get3A_1019] {strides = array<i32>} : memref<640xf32, #tpu.memory_space<vmem>>, vector<16xf32>,
      %get3A_1021 = vector.shape_cast %get3A_1020 : vector<16xf32> to vector<16xf32>
      %get3A_1022 = arith.constant 608 : index
      %get3A_1023 = tpu.vector_load %arg21[%get3A_1022] {strides = array<i32>} : memref<640xf32, #tpu.memory_space<vmem>>, vector<16xf32>,
      %get3A_1024 = vector.shape_cast %get3A_1023 : vector<16xf32> to vector<16xf32>
      %mul3A_1025 = arith.mulf %get3A_1021, %get3A_1024 : vector<16xf32>
      %add3A_1026 = arith.addf %mul3A_1025, %get3A_122 : vector<16xf32>
      %swap3A_1027 = arith.constant 608 : index
      %swap3A_1028 = tpu.vector_load %arg21[%swap3A_1027] {strides = array<i32>} : memref<640xf32, #tpu.memory_space<vmem>>, vector<16xf32>,
      %swap3A_1029 = vector.shape_cast %swap3A_1028 : vector<16xf32> to vector<16xf32>
      %swap3A_1030 = vector.shape_cast %add3A_1026 : vector<16xf32> to vector<16xf32>
      tpu.vector_store %arg21[%swap3A_1027], %swap3A_1030 {strides = array<i32>} : memref<640xf32, #tpu.memory_space<vmem>>, vector<16xf32>,
      %get3A_1031 = arith.constant 624 : index
      %get3A_1032 = tpu.vector_load %arg19[%get3A_1031] {strides = array<i32>} : memref<640xf32, #tpu.memory_space<vmem>>, vector<16xf32>,
      %get3A_1033 = vector.shape_cast %get3A_1032 : vector<16xf32> to vector<16xf32>
      %get3A_1034 = arith.constant 624 : index
      %get3A_1035 = tpu.vector_load %arg21[%get3A_1034] {strides = array<i32>} : memref<640xf32, #tpu.memory_space<vmem>>, vector<16xf32>,
      %get3A_1036 = vector.shape_cast %get3A_1035 : vector<16xf32> to vector<16xf32>
      %mul3A_1037 = arith.mulf %get3A_1033, %get3A_1036 : vector<16xf32>
      %add3A_1038 = arith.addf %mul3A_1037, %get3A_122 : vector<16xf32>
      %swap3A_1039 = arith.constant 624 : index
      %swap3A_1040 = tpu.vector_load %arg21[%swap3A_1039] {strides = array<i32>} : memref<640xf32, #tpu.memory_space<vmem>>, vector<16xf32>,
      %swap3A_1041 = vector.shape_cast %swap3A_1040 : vector<16xf32> to vector<16xf32>
      %swap3A_1042 = vector.shape_cast %add3A_1038 : vector<16xf32> to vector<16xf32>
      tpu.vector_store %arg21[%swap3A_1039], %swap3A_1042 {strides = array<i32>} : memref<640xf32, #tpu.memory_space<vmem>>, vector<16xf32>,
      "tpu.region"() ({
        %run_scoped3A = tpu.sem_alloc : memref<!tpu.dma_semaphore, #tpu.memory_space<semaphore_mem>>
        %dma_start3A_1043 = tpu.memref_slice %arg7[%mul3A_120] : memref<10240xf32, #tpu.memory_space<hbm>> -> memref<640xf32, #tpu.memory_space<hbm>>
        %dma_start3A_1044 = tpu.memref_slice %arg7[%mul3A_120] : memref<10240xf32, #tpu.memory_space<hbm>> -> memref<640xf32, #tpu.memory_space<hbm>>
        tpu.enqueue_dma source(%arg21 : memref<640xf32, #tpu.memory_space<vmem>>) target(%dma_start3A_1044 : memref<640xf32, #tpu.memory_space<hbm>>) target_semaphore(%run_scoped3A : memref<!tpu.dma_semaphore, #tpu.memory_space<semaphore_mem>>)
        %dma_wait3A = tpu.memref_slice %arg7[%mul3A_120] : memref<10240xf32, #tpu.memory_space<hbm>> -> memref<640xf32, #tpu.memory_space<hbm>>
        %dma_wait3A_1045 = tpu.memref_slice %arg7[%mul3A_120] : memref<10240xf32, #tpu.memory_space<hbm>> -> memref<640xf32, #tpu.memory_space<hbm>>
        tpu.wait_dma2 semaphore(%run_scoped3A : memref<!tpu.dma_semaphore, #tpu.memory_space<semaphore_mem>>) src(%arg21 : memref<640xf32, #tpu.memory_space<vmem>>) dst(%dma_wait3A_1045 : memref<640xf32, #tpu.memory_space<hbm>>)
        tpu.yield
      }) : () -> ()
    } else {
    }
    return
  }
}

#map = affine_map<(d0, d1) -> (0, 0)>
#map1 = affine_map<(d0, d1) -> (0, 0, 0)>
module attributes {stable_mosaic.version = 14 : i64} {
  func.func @rows_kernel(%arg0: i32, %arg1: i32, %arg2: memref<10240x128xf32, #tpu.memory_space<hbm>>, %arg3: memref<32x160x128xi32, #tpu.memory_space<hbm>>, %arg4: memref<128x128xf32, #tpu.memory_space<hbm>>, %arg5: memref<2x10240x128xf32, #tpu.memory_space<hbm>>, %arg6: memref<8x128xi32, #tpu.memory_space<vmem>>, %arg7: memref<8x128xi32, #tpu.memory_space<vmem>>, %arg8: memref<128x128xf32, #tpu.memory_space<vmem>>, %arg9: memref<128x128xf32, #tpu.memory_space<vmem>>, %arg10: memref<10240x128xf32, #tpu.memory_space<vmem_shared>>, %arg11: memref<!tpu.dma_semaphore, #tpu.memory_space<semaphore_mem>>, %arg12: memref<!tpu.dma_semaphore, #tpu.memory_space<semaphore_mem>>, %arg13: memref<!tpu.dma_semaphore, #tpu.memory_space<semaphore_mem>>, %arg14: memref<!tpu.dma_semaphore, #tpu.memory_space<semaphore_mem>>) attributes {dimension_semantics = [#tpu.dimension_semantics<core_parallel>, #tpu.dimension_semantics<subcore_parallel>], iteration_bounds = array<i64: 2, 16>, scalar_prefetch = 0 : i64, scratch_operands = 9 : i64, tpu.core_type = #tpu.core_type<sc_vector_subcore>, window_params = [{transform_indices = #map}, {transform_indices = #map1}, {transform_indices = #map}, {transform_indices = #map1}]} {
    %mul3A = arith.constant 2 : i32
    %mul3A_0 = arith.muli %arg1, %mul3A : i32
    %add3A = arith.addi %mul3A_0, %arg0 : i32
    "tpu.region"() ({
      %run_scoped3A = tpu.sem_alloc : memref<!tpu.dma_semaphore, #tpu.memory_space<semaphore_mem>>
      tpu.enqueue_dma source(%arg4 : memref<128x128xf32, #tpu.memory_space<hbm>>) target(%arg8 : memref<128x128xf32, #tpu.memory_space<vmem>>) target_semaphore(%run_scoped3A : memref<!tpu.dma_semaphore, #tpu.memory_space<semaphore_mem>>)
      tpu.wait_dma2 semaphore(%run_scoped3A : memref<!tpu.dma_semaphore, #tpu.memory_space<semaphore_mem>>) src(%arg4 : memref<128x128xf32, #tpu.memory_space<hbm>>) dst(%arg8 : memref<128x128xf32, #tpu.memory_space<vmem>>)
      tpu.yield
    }) : () -> ()
    %mul3A_1 = arith.constant 640 : i32
    %mul3A_2 = arith.muli %arg1, %mul3A_1 : i32
    %add3A_3 = arith.constant 0 : i32
    %add3A_4 = arith.addi %mul3A_2, %add3A_3 : i32
    "tpu.region"() ({
      %run_scoped3A = tpu.sem_alloc : memref<!tpu.dma_semaphore, #tpu.memory_space<semaphore_mem>>
      %dma_start3A_68 = arith.constant 0 : i32
      %dma_start3A_69 = tpu.memref_slice %arg10[%add3A_4, %dma_start3A_68] : memref<10240x128xf32, #tpu.memory_space<vmem_shared>> -> memref<128x128xf32, #tpu.memory_space<vmem_shared>>
      %dma_start3A_70 = arith.constant 0 : i32
      %dma_start3A_71 = tpu.memref_slice %arg10[%add3A_4, %dma_start3A_70] : memref<10240x128xf32, #tpu.memory_space<vmem_shared>> -> memref<128x128xf32, #tpu.memory_space<vmem_shared>>
      tpu.enqueue_dma source(%arg8 : memref<128x128xf32, #tpu.memory_space<vmem>>) target(%dma_start3A_71 : memref<128x128xf32, #tpu.memory_space<vmem_shared>>) target_semaphore(%run_scoped3A : memref<!tpu.dma_semaphore, #tpu.memory_space<semaphore_mem>>)
      %dma_wait3A = arith.constant 0 : i32
      %dma_wait3A_72 = tpu.memref_slice %arg10[%add3A_4, %dma_wait3A] : memref<10240x128xf32, #tpu.memory_space<vmem_shared>> -> memref<128x128xf32, #tpu.memory_space<vmem_shared>>
      %dma_wait3A_73 = arith.constant 0 : i32
      %dma_wait3A_74 = tpu.memref_slice %arg10[%add3A_4, %dma_wait3A_73] : memref<10240x128xf32, #tpu.memory_space<vmem_shared>> -> memref<128x128xf32, #tpu.memory_space<vmem_shared>>
      tpu.wait_dma2 semaphore(%run_scoped3A : memref<!tpu.dma_semaphore, #tpu.memory_space<semaphore_mem>>) src(%arg8 : memref<128x128xf32, #tpu.memory_space<vmem>>) dst(%dma_wait3A_74 : memref<128x128xf32, #tpu.memory_space<vmem_shared>>)
      tpu.yield
    }) : () -> ()
    %mul3A_5 = arith.constant 640 : i32
    %mul3A_6 = arith.muli %arg1, %mul3A_5 : i32
    %add3A_7 = arith.constant 128 : i32
    %add3A_8 = arith.addi %mul3A_6, %add3A_7 : i32
    "tpu.region"() ({
      %run_scoped3A = tpu.sem_alloc : memref<!tpu.dma_semaphore, #tpu.memory_space<semaphore_mem>>
      %dma_start3A_68 = arith.constant 0 : i32
      %dma_start3A_69 = tpu.memref_slice %arg10[%add3A_8, %dma_start3A_68] : memref<10240x128xf32, #tpu.memory_space<vmem_shared>> -> memref<128x128xf32, #tpu.memory_space<vmem_shared>>
      %dma_start3A_70 = arith.constant 0 : i32
      %dma_start3A_71 = tpu.memref_slice %arg10[%add3A_8, %dma_start3A_70] : memref<10240x128xf32, #tpu.memory_space<vmem_shared>> -> memref<128x128xf32, #tpu.memory_space<vmem_shared>>
      tpu.enqueue_dma source(%arg8 : memref<128x128xf32, #tpu.memory_space<vmem>>) target(%dma_start3A_71 : memref<128x128xf32, #tpu.memory_space<vmem_shared>>) target_semaphore(%run_scoped3A : memref<!tpu.dma_semaphore, #tpu.memory_space<semaphore_mem>>)
      %dma_wait3A = arith.constant 0 : i32
      %dma_wait3A_72 = tpu.memref_slice %arg10[%add3A_8, %dma_wait3A] : memref<10240x128xf32, #tpu.memory_space<vmem_shared>> -> memref<128x128xf32, #tpu.memory_space<vmem_shared>>
      %dma_wait3A_73 = arith.constant 0 : i32
      %dma_wait3A_74 = tpu.memref_slice %arg10[%add3A_8, %dma_wait3A_73] : memref<10240x128xf32, #tpu.memory_space<vmem_shared>> -> memref<128x128xf32, #tpu.memory_space<vmem_shared>>
      tpu.wait_dma2 semaphore(%run_scoped3A : memref<!tpu.dma_semaphore, #tpu.memory_space<semaphore_mem>>) src(%arg8 : memref<128x128xf32, #tpu.memory_space<vmem>>) dst(%dma_wait3A_74 : memref<128x128xf32, #tpu.memory_space<vmem_shared>>)
      tpu.yield
    }) : () -> ()
    %mul3A_9 = arith.constant 640 : i32
    %mul3A_10 = arith.muli %arg1, %mul3A_9 : i32
    %add3A_11 = arith.constant 256 : i32
    %add3A_12 = arith.addi %mul3A_10, %add3A_11 : i32
    "tpu.region"() ({
      %run_scoped3A = tpu.sem_alloc : memref<!tpu.dma_semaphore, #tpu.memory_space<semaphore_mem>>
      %dma_start3A_68 = arith.constant 0 : i32
      %dma_start3A_69 = tpu.memref_slice %arg10[%add3A_12, %dma_start3A_68] : memref<10240x128xf32, #tpu.memory_space<vmem_shared>> -> memref<128x128xf32, #tpu.memory_space<vmem_shared>>
      %dma_start3A_70 = arith.constant 0 : i32
      %dma_start3A_71 = tpu.memref_slice %arg10[%add3A_12, %dma_start3A_70] : memref<10240x128xf32, #tpu.memory_space<vmem_shared>> -> memref<128x128xf32, #tpu.memory_space<vmem_shared>>
      tpu.enqueue_dma source(%arg8 : memref<128x128xf32, #tpu.memory_space<vmem>>) target(%dma_start3A_71 : memref<128x128xf32, #tpu.memory_space<vmem_shared>>) target_semaphore(%run_scoped3A : memref<!tpu.dma_semaphore, #tpu.memory_space<semaphore_mem>>)
      %dma_wait3A = arith.constant 0 : i32
      %dma_wait3A_72 = tpu.memref_slice %arg10[%add3A_12, %dma_wait3A] : memref<10240x128xf32, #tpu.memory_space<vmem_shared>> -> memref<128x128xf32, #tpu.memory_space<vmem_shared>>
      %dma_wait3A_73 = arith.constant 0 : i32
      %dma_wait3A_74 = tpu.memref_slice %arg10[%add3A_12, %dma_wait3A_73] : memref<10240x128xf32, #tpu.memory_space<vmem_shared>> -> memref<128x128xf32, #tpu.memory_space<vmem_shared>>
      tpu.wait_dma2 semaphore(%run_scoped3A : memref<!tpu.dma_semaphore, #tpu.memory_space<semaphore_mem>>) src(%arg8 : memref<128x128xf32, #tpu.memory_space<vmem>>) dst(%dma_wait3A_74 : memref<128x128xf32, #tpu.memory_space<vmem_shared>>)
      tpu.yield
    }) : () -> ()
    %mul3A_13 = arith.constant 640 : i32
    %mul3A_14 = arith.muli %arg1, %mul3A_13 : i32
    %add3A_15 = arith.constant 384 : i32
    %add3A_16 = arith.addi %mul3A_14, %add3A_15 : i32
    "tpu.region"() ({
      %run_scoped3A = tpu.sem_alloc : memref<!tpu.dma_semaphore, #tpu.memory_space<semaphore_mem>>
      %dma_start3A_68 = arith.constant 0 : i32
      %dma_start3A_69 = tpu.memref_slice %arg10[%add3A_16, %dma_start3A_68] : memref<10240x128xf32, #tpu.memory_space<vmem_shared>> -> memref<128x128xf32, #tpu.memory_space<vmem_shared>>
      %dma_start3A_70 = arith.constant 0 : i32
      %dma_start3A_71 = tpu.memref_slice %arg10[%add3A_16, %dma_start3A_70] : memref<10240x128xf32, #tpu.memory_space<vmem_shared>> -> memref<128x128xf32, #tpu.memory_space<vmem_shared>>
      tpu.enqueue_dma source(%arg8 : memref<128x128xf32, #tpu.memory_space<vmem>>) target(%dma_start3A_71 : memref<128x128xf32, #tpu.memory_space<vmem_shared>>) target_semaphore(%run_scoped3A : memref<!tpu.dma_semaphore, #tpu.memory_space<semaphore_mem>>)
      %dma_wait3A = arith.constant 0 : i32
      %dma_wait3A_72 = tpu.memref_slice %arg10[%add3A_16, %dma_wait3A] : memref<10240x128xf32, #tpu.memory_space<vmem_shared>> -> memref<128x128xf32, #tpu.memory_space<vmem_shared>>
      %dma_wait3A_73 = arith.constant 0 : i32
      %dma_wait3A_74 = tpu.memref_slice %arg10[%add3A_16, %dma_wait3A_73] : memref<10240x128xf32, #tpu.memory_space<vmem_shared>> -> memref<128x128xf32, #tpu.memory_space<vmem_shared>>
      tpu.wait_dma2 semaphore(%run_scoped3A : memref<!tpu.dma_semaphore, #tpu.memory_space<semaphore_mem>>) src(%arg8 : memref<128x128xf32, #tpu.memory_space<vmem>>) dst(%dma_wait3A_74 : memref<128x128xf32, #tpu.memory_space<vmem_shared>>)
      tpu.yield
    }) : () -> ()
    %mul3A_17 = arith.constant 640 : i32
    %mul3A_18 = arith.muli %arg1, %mul3A_17 : i32
    %add3A_19 = arith.constant 512 : i32
    %add3A_20 = arith.addi %mul3A_18, %add3A_19 : i32
    "tpu.region"() ({
      %run_scoped3A = tpu.sem_alloc : memref<!tpu.dma_semaphore, #tpu.memory_space<semaphore_mem>>
      %dma_start3A_68 = arith.constant 0 : i32
      %dma_start3A_69 = tpu.memref_slice %arg10[%add3A_20, %dma_start3A_68] : memref<10240x128xf32, #tpu.memory_space<vmem_shared>> -> memref<128x128xf32, #tpu.memory_space<vmem_shared>>
      %dma_start3A_70 = arith.constant 0 : i32
      %dma_start3A_71 = tpu.memref_slice %arg10[%add3A_20, %dma_start3A_70] : memref<10240x128xf32, #tpu.memory_space<vmem_shared>> -> memref<128x128xf32, #tpu.memory_space<vmem_shared>>
      tpu.enqueue_dma source(%arg8 : memref<128x128xf32, #tpu.memory_space<vmem>>) target(%dma_start3A_71 : memref<128x128xf32, #tpu.memory_space<vmem_shared>>) target_semaphore(%run_scoped3A : memref<!tpu.dma_semaphore, #tpu.memory_space<semaphore_mem>>)
      %dma_wait3A = arith.constant 0 : i32
      %dma_wait3A_72 = tpu.memref_slice %arg10[%add3A_20, %dma_wait3A] : memref<10240x128xf32, #tpu.memory_space<vmem_shared>> -> memref<128x128xf32, #tpu.memory_space<vmem_shared>>
      %dma_wait3A_73 = arith.constant 0 : i32
      %dma_wait3A_74 = tpu.memref_slice %arg10[%add3A_20, %dma_wait3A_73] : memref<10240x128xf32, #tpu.memory_space<vmem_shared>> -> memref<128x128xf32, #tpu.memory_space<vmem_shared>>
      tpu.wait_dma2 semaphore(%run_scoped3A : memref<!tpu.dma_semaphore, #tpu.memory_space<semaphore_mem>>) src(%arg8 : memref<128x128xf32, #tpu.memory_space<vmem>>) dst(%dma_wait3A_74 : memref<128x128xf32, #tpu.memory_space<vmem_shared>>)
      tpu.yield
    }) : () -> ()
    %barrier3A = arith.constant 0 : index
    tpu.barrier barrier_id(%barrier3A)
    "tpu.region"() ({
      %run_scoped3A = tpu.sem_alloc : memref<!tpu.dma_semaphore, #tpu.memory_space<semaphore_mem>>
      %dma_start3A_68 = arith.constant 0 : i32
      %dma_start3A_69 = arith.constant 0 : i32
      %dma_start3A_70 = tpu.memref_slice %arg3[%add3A, %dma_start3A_68, %dma_start3A_69] : memref<32x160x128xi32, #tpu.memory_space<hbm>> -> memref<1x8x128xi32, #tpu.memory_space<hbm>>
      %dma_start3A_71 = tpu.memref_squeeze %dma_start3A_70 : memref<1x8x128xi32, #tpu.memory_space<hbm>> -> memref<8x128xi32, #tpu.memory_space<hbm>>
      %dma_start3A_72 = arith.constant 0 : i32
      %dma_start3A_73 = arith.constant 0 : i32
      %dma_start3A_74 = tpu.memref_slice %arg3[%add3A, %dma_start3A_72, %dma_start3A_73] : memref<32x160x128xi32, #tpu.memory_space<hbm>> -> memref<1x8x128xi32, #tpu.memory_space<hbm>>
      %dma_start3A_75 = tpu.memref_squeeze %dma_start3A_74 : memref<1x8x128xi32, #tpu.memory_space<hbm>> -> memref<8x128xi32, #tpu.memory_space<hbm>>
      tpu.enqueue_dma source(%dma_start3A_75 : memref<8x128xi32, #tpu.memory_space<hbm>>) target(%arg6 : memref<8x128xi32, #tpu.memory_space<vmem>>) target_semaphore(%run_scoped3A : memref<!tpu.dma_semaphore, #tpu.memory_space<semaphore_mem>>)
      %dma_wait3A = arith.constant 0 : i32
      %dma_wait3A_76 = arith.constant 0 : i32
      %dma_wait3A_77 = tpu.memref_slice %arg3[%add3A, %dma_wait3A, %dma_wait3A_76] : memref<32x160x128xi32, #tpu.memory_space<hbm>> -> memref<1x8x128xi32, #tpu.memory_space<hbm>>
      %dma_wait3A_78 = tpu.memref_squeeze %dma_wait3A_77 : memref<1x8x128xi32, #tpu.memory_space<hbm>> -> memref<8x128xi32, #tpu.memory_space<hbm>>
      %dma_wait3A_79 = arith.constant 0 : i32
      %dma_wait3A_80 = arith.constant 0 : i32
      %dma_wait3A_81 = tpu.memref_slice %arg3[%add3A, %dma_wait3A_79, %dma_wait3A_80] : memref<32x160x128xi32, #tpu.memory_space<hbm>> -> memref<1x8x128xi32, #tpu.memory_space<hbm>>
      %dma_wait3A_82 = tpu.memref_squeeze %dma_wait3A_81 : memref<1x8x128xi32, #tpu.memory_space<hbm>> -> memref<8x128xi32, #tpu.memory_space<hbm>>
      tpu.wait_dma2 semaphore(%run_scoped3A : memref<!tpu.dma_semaphore, #tpu.memory_space<semaphore_mem>>) src(%dma_wait3A_82 : memref<8x128xi32, #tpu.memory_space<hbm>>) dst(%arg6 : memref<8x128xi32, #tpu.memory_space<vmem>>)
      tpu.yield
    }) : () -> ()
    %dma_start3A = arith.constant 8 : i32
    %dma_start3A_21 = arith.constant 0 : i32
    %dma_start3A_22 = tpu.memref_slice %arg3[%add3A, %dma_start3A, %dma_start3A_21] : memref<32x160x128xi32, #tpu.memory_space<hbm>> -> memref<1x8x128xi32, #tpu.memory_space<hbm>>
    %dma_start3A_23 = tpu.memref_squeeze %dma_start3A_22 : memref<1x8x128xi32, #tpu.memory_space<hbm>> -> memref<8x128xi32, #tpu.memory_space<hbm>>
    %dma_start3A_24 = arith.constant 8 : i32
    %dma_start3A_25 = arith.constant 0 : i32
    %dma_start3A_26 = tpu.memref_slice %arg3[%add3A, %dma_start3A_24, %dma_start3A_25] : memref<32x160x128xi32, #tpu.memory_space<hbm>> -> memref<1x8x128xi32, #tpu.memory_space<hbm>>
    %dma_start3A_27 = tpu.memref_squeeze %dma_start3A_26 : memref<1x8x128xi32, #tpu.memory_space<hbm>> -> memref<8x128xi32, #tpu.memory_space<hbm>>
    tpu.enqueue_dma source(%dma_start3A_27 : memref<8x128xi32, #tpu.memory_space<hbm>>) target(%arg7 : memref<8x128xi32, #tpu.memory_space<vmem>>) target_semaphore(%arg12 : memref<!tpu.dma_semaphore, #tpu.memory_space<semaphore_mem>>)
    %dma_start3A_28 = arith.constant 0 : i32
    %dma_start3A_29 = arith.constant 0 : i32
    %dma_start3A_30 = tpu.memref_slice %arg6[%dma_start3A_28, %dma_start3A_29] : memref<8x128xi32, #tpu.memory_space<vmem>> -> memref<1x128xi32, #tpu.memory_space<vmem>>
    %dma_start3A_31 = tpu.memref_squeeze %dma_start3A_30 : memref<1x128xi32, #tpu.memory_space<vmem>> -> memref<128xi32, #tpu.memory_space<vmem>>
    %dma_start3A_32 = arith.constant 0 : i32
    %dma_start3A_33 = arith.constant 0 : i32
    %dma_start3A_34 = tpu.memref_slice %arg2[%dma_start3A_32, %dma_start3A_33] : memref<10240x128xf32, #tpu.memory_space<hbm>> -> memref<10240x128xf32, #tpu.memory_space<hbm>>
    tpu.enqueue_indirect_dma source(%dma_start3A_34 : memref<10240x128xf32, #tpu.memory_space<hbm>>) target(%arg8 : memref<128x128xf32, #tpu.memory_space<vmem>>) offsets(%dma_start3A_31 : memref<128xi32, #tpu.memory_space<vmem>>) semaphore(%arg13 : memref<!tpu.dma_semaphore, #tpu.memory_space<semaphore_mem>>)
    %dma_start3A_35 = arith.constant 2 : i32
    %dma_start3A_36 = arith.constant 0 : i32
    %dma_start3A_37 = tpu.memref_slice %arg6[%dma_start3A_35, %dma_start3A_36] : memref<8x128xi32, #tpu.memory_space<vmem>> -> memref<1x128xi32, #tpu.memory_space<vmem>>
    %dma_start3A_38 = tpu.memref_squeeze %dma_start3A_37 : memref<1x128xi32, #tpu.memory_space<vmem>> -> memref<128xi32, #tpu.memory_space<vmem>>
    %dma_start3A_39 = arith.constant 0 : i32
    %dma_start3A_40 = arith.constant 0 : i32
    %dma_start3A_41 = tpu.memref_slice %arg2[%dma_start3A_39, %dma_start3A_40] : memref<10240x128xf32, #tpu.memory_space<hbm>> -> memref<10240x128xf32, #tpu.memory_space<hbm>>
    tpu.enqueue_indirect_dma source(%dma_start3A_41 : memref<10240x128xf32, #tpu.memory_space<hbm>>) target(%arg9 : memref<128x128xf32, #tpu.memory_space<vmem>>) offsets(%dma_start3A_38 : memref<128xi32, #tpu.memory_space<vmem>>) semaphore(%arg14 : memref<!tpu.dma_semaphore, #tpu.memory_space<semaphore_mem>>)
    %scan3A = arith.constant 0 : i32
    %scan3A_42 = arith.constant 0 : i32
    %scan3A_43 = arith.constant 10 : i32
    %scan3A_44 = arith.addi %scan3A_42, %scan3A_43 : i32
    %scan3A_45 = arith.constant 1 : i32
    scf.for %scan3A_68 = %scan3A_42 to %scan3A_44 step %scan3A_45  : i32 {
      %mul3A_69 = arith.constant 2 : i32
      %mul3A_70 = arith.muli %mul3A_69, %scan3A_68 : i32
      %add3A_71 = arith.constant 0 : i32
      %add3A_72 = arith.addi %mul3A_70, %add3A_71 : i32
      %mul3A_73 = arith.constant 4 : i32
      %mul3A_74 = arith.muli %mul3A_73, %add3A_72 : i32
      %add3A_75 = arith.constant 0 : i32
      %add3A_76 = arith.addi %mul3A_74, %add3A_75 : i32
      %dma_wait3A = arith.constant 0 : i32
      %dma_wait3A_77 = arith.constant 0 : i32
      %dma_wait3A_78 = tpu.memref_slice %arg6[%dma_wait3A, %dma_wait3A_77] : memref<8x128xi32, #tpu.memory_space<vmem>> -> memref<1x128xi32, #tpu.memory_space<vmem>>
      %dma_wait3A_79 = tpu.memref_squeeze %dma_wait3A_78 : memref<1x128xi32, #tpu.memory_space<vmem>> -> memref<128xi32, #tpu.memory_space<vmem>>
      %dma_wait3A_80 = arith.constant 0 : i32
      %dma_wait3A_81 = arith.constant 0 : i32
      %dma_wait3A_82 = tpu.memref_slice %arg2[%dma_wait3A_80, %dma_wait3A_81] : memref<10240x128xf32, #tpu.memory_space<hbm>> -> memref<10240x128xf32, #tpu.memory_space<hbm>>
      tpu.wait_indirect_dma semaphore(%arg13 : memref<!tpu.dma_semaphore, #tpu.memory_space<semaphore_mem>>) src(%dma_wait3A_82 : memref<10240x128xf32, #tpu.memory_space<hbm>>) dst(%arg8 : memref<128x128xf32, #tpu.memory_space<vmem>>)
      %run_scoped3A = arith.constant 1 : i32
      "tpu.region"() ({
        %run_scoped3A_238 = tpu.sem_alloc : memref<!tpu.dma_semaphore, #tpu.memory_space<semaphore_mem>>
        %dma_start3A_239 = arith.constant 0 : i32
        %dma_start3A_240 = tpu.memref_slice %arg6[%run_scoped3A, %dma_start3A_239] : memref<8x128xi32, #tpu.memory_space<vmem>> -> memref<1x128xi32, #tpu.memory_space<vmem>>
        %dma_start3A_241 = tpu.memref_squeeze %dma_start3A_240 : memref<1x128xi32, #tpu.memory_space<vmem>> -> memref<128xi32, #tpu.memory_space<vmem>>
        %dma_start3A_242 = arith.constant 0 : i32
        %dma_start3A_243 = arith.constant 0 : i32
        %dma_start3A_244 = tpu.memref_slice %arg10[%dma_start3A_242, %dma_start3A_243] : memref<10240x128xf32, #tpu.memory_space<vmem_shared>> -> memref<10240x128xf32, #tpu.memory_space<vmem_shared>>
        tpu.enqueue_indirect_dma source(%arg8 : memref<128x128xf32, #tpu.memory_space<vmem>>) target(%dma_start3A_244 : memref<10240x128xf32, #tpu.memory_space<vmem_shared>>) offsets(%dma_start3A_241 : memref<128xi32, #tpu.memory_space<vmem>>) semaphore(%run_scoped3A_238 : memref<!tpu.dma_semaphore, #tpu.memory_space<semaphore_mem>>) {add = true}
        %dma_wait3A_245 = arith.constant 0 : i32
        %dma_wait3A_246 = tpu.memref_slice %arg6[%run_scoped3A, %dma_wait3A_245] : memref<8x128xi32, #tpu.memory_space<vmem>> -> memref<1x128xi32, #tpu.memory_space<vmem>>
        %dma_wait3A_247 = tpu.memref_squeeze %dma_wait3A_246 : memref<1x128xi32, #tpu.memory_space<vmem>> -> memref<128xi32, #tpu.memory_space<vmem>>
        %dma_wait3A_248 = arith.constant 0 : i32
        %dma_wait3A_249 = arith.constant 0 : i32
        %dma_wait3A_250 = tpu.memref_slice %arg10[%dma_wait3A_248, %dma_wait3A_249] : memref<10240x128xf32, #tpu.memory_space<vmem_shared>> -> memref<10240x128xf32, #tpu.memory_space<vmem_shared>>
        tpu.wait_indirect_dma semaphore(%run_scoped3A_238 : memref<!tpu.dma_semaphore, #tpu.memory_space<semaphore_mem>>) src(%arg8 : memref<128x128xf32, #tpu.memory_space<vmem>>) dst(%dma_wait3A_250 : memref<10240x128xf32, #tpu.memory_space<vmem_shared>>)
        tpu.yield
      }) : () -> ()
      %add3A_83 = arith.constant 2 : i32
      %add3A_84 = arith.addi %add3A_76, %add3A_83 : i32
      %lt3A = arith.constant 80 : i32
      %lt3A_85 = arith.cmpi slt, %add3A_84, %lt3A : i32
      %convert_element_type3A = arith.extui %lt3A_85 : i1 to i32
      %cond3A = arith.constant 0 : i32
      %cond3A_86 = arith.cmpi ne, %convert_element_type3A, %cond3A : i32
      scf.if %cond3A_86 {
        %dma_start3A_238 = arith.constant 4 : i32
        %dma_start3A_239 = arith.constant 0 : i32
        %dma_start3A_240 = tpu.memref_slice %arg6[%dma_start3A_238, %dma_start3A_239] : memref<8x128xi32, #tpu.memory_space<vmem>> -> memref<1x128xi32, #tpu.memory_space<vmem>>
        %dma_start3A_241 = tpu.memref_squeeze %dma_start3A_240 : memref<1x128xi32, #tpu.memory_space<vmem>> -> memref<128xi32, #tpu.memory_space<vmem>>
        %dma_start3A_242 = arith.constant 0 : i32
        %dma_start3A_243 = arith.constant 0 : i32
        %dma_start3A_244 = tpu.memref_slice %arg2[%dma_start3A_242, %dma_start3A_243] : memref<10240x128xf32, #tpu.memory_space<hbm>> -> memref<10240x128xf32, #tpu.memory_space<hbm>>
        tpu.enqueue_indirect_dma source(%dma_start3A_244 : memref<10240x128xf32, #tpu.memory_space<hbm>>) target(%arg8 : memref<128x128xf32, #tpu.memory_space<vmem>>) offsets(%dma_start3A_241 : memref<128xi32, #tpu.memory_space<vmem>>) semaphore(%arg13 : memref<!tpu.dma_semaphore, #tpu.memory_space<semaphore_mem>>)
      } else {
      }
      %mul3A_87 = arith.constant 4 : i32
      %mul3A_88 = arith.muli %mul3A_87, %add3A_72 : i32
      %add3A_89 = arith.constant 1 : i32
      %add3A_90 = arith.addi %mul3A_88, %add3A_89 : i32
      %dma_wait3A_91 = arith.constant 2 : i32
      %dma_wait3A_92 = arith.constant 0 : i32
      %dma_wait3A_93 = tpu.memref_slice %arg6[%dma_wait3A_91, %dma_wait3A_92] : memref<8x128xi32, #tpu.memory_space<vmem>> -> memref<1x128xi32, #tpu.memory_space<vmem>>
      %dma_wait3A_94 = tpu.memref_squeeze %dma_wait3A_93 : memref<1x128xi32, #tpu.memory_space<vmem>> -> memref<128xi32, #tpu.memory_space<vmem>>
      %dma_wait3A_95 = arith.constant 0 : i32
      %dma_wait3A_96 = arith.constant 0 : i32
      %dma_wait3A_97 = tpu.memref_slice %arg2[%dma_wait3A_95, %dma_wait3A_96] : memref<10240x128xf32, #tpu.memory_space<hbm>> -> memref<10240x128xf32, #tpu.memory_space<hbm>>
      tpu.wait_indirect_dma semaphore(%arg14 : memref<!tpu.dma_semaphore, #tpu.memory_space<semaphore_mem>>) src(%dma_wait3A_97 : memref<10240x128xf32, #tpu.memory_space<hbm>>) dst(%arg9 : memref<128x128xf32, #tpu.memory_space<vmem>>)
      %run_scoped3A_98 = arith.constant 3 : i32
      "tpu.region"() ({
        %run_scoped3A_238 = tpu.sem_alloc : memref<!tpu.dma_semaphore, #tpu.memory_space<semaphore_mem>>
        %dma_start3A_239 = arith.constant 0 : i32
        %dma_start3A_240 = tpu.memref_slice %arg6[%run_scoped3A_98, %dma_start3A_239] : memref<8x128xi32, #tpu.memory_space<vmem>> -> memref<1x128xi32, #tpu.memory_space<vmem>>
        %dma_start3A_241 = tpu.memref_squeeze %dma_start3A_240 : memref<1x128xi32, #tpu.memory_space<vmem>> -> memref<128xi32, #tpu.memory_space<vmem>>
        %dma_start3A_242 = arith.constant 0 : i32
        %dma_start3A_243 = arith.constant 0 : i32
        %dma_start3A_244 = tpu.memref_slice %arg10[%dma_start3A_242, %dma_start3A_243] : memref<10240x128xf32, #tpu.memory_space<vmem_shared>> -> memref<10240x128xf32, #tpu.memory_space<vmem_shared>>
        tpu.enqueue_indirect_dma source(%arg9 : memref<128x128xf32, #tpu.memory_space<vmem>>) target(%dma_start3A_244 : memref<10240x128xf32, #tpu.memory_space<vmem_shared>>) offsets(%dma_start3A_241 : memref<128xi32, #tpu.memory_space<vmem>>) semaphore(%run_scoped3A_238 : memref<!tpu.dma_semaphore, #tpu.memory_space<semaphore_mem>>) {add = true}
        %dma_wait3A_245 = arith.constant 0 : i32
        %dma_wait3A_246 = tpu.memref_slice %arg6[%run_scoped3A_98, %dma_wait3A_245] : memref<8x128xi32, #tpu.memory_space<vmem>> -> memref<1x128xi32, #tpu.memory_space<vmem>>
        %dma_wait3A_247 = tpu.memref_squeeze %dma_wait3A_246 : memref<1x128xi32, #tpu.memory_space<vmem>> -> memref<128xi32, #tpu.memory_space<vmem>>
        %dma_wait3A_248 = arith.constant 0 : i32
        %dma_wait3A_249 = arith.constant 0 : i32
        %dma_wait3A_250 = tpu.memref_slice %arg10[%dma_wait3A_248, %dma_wait3A_249] : memref<10240x128xf32, #tpu.memory_space<vmem_shared>> -> memref<10240x128xf32, #tpu.memory_space<vmem_shared>>
        tpu.wait_indirect_dma semaphore(%run_scoped3A_238 : memref<!tpu.dma_semaphore, #tpu.memory_space<semaphore_mem>>) src(%arg9 : memref<128x128xf32, #tpu.memory_space<vmem>>) dst(%dma_wait3A_250 : memref<10240x128xf32, #tpu.memory_space<vmem_shared>>)
        tpu.yield
      }) : () -> ()
      %add3A_99 = arith.constant 2 : i32
      %add3A_100 = arith.addi %add3A_90, %add3A_99 : i32
      %lt3A_101 = arith.constant 80 : i32
      %lt3A_102 = arith.cmpi slt, %add3A_100, %lt3A_101 : i32
      %convert_element_type3A_103 = arith.extui %lt3A_102 : i1 to i32
      %cond3A_104 = arith.constant 0 : i32
      %cond3A_105 = arith.cmpi ne, %convert_element_type3A_103, %cond3A_104 : i32
      scf.if %cond3A_105 {
        %dma_start3A_238 = arith.constant 6 : i32
        %dma_start3A_239 = arith.constant 0 : i32
        %dma_start3A_240 = tpu.memref_slice %arg6[%dma_start3A_238, %dma_start3A_239] : memref<8x128xi32, #tpu.memory_space<vmem>> -> memref<1x128xi32, #tpu.memory_space<vmem>>
        %dma_start3A_241 = tpu.memref_squeeze %dma_start3A_240 : memref<1x128xi32, #tpu.memory_space<vmem>> -> memref<128xi32, #tpu.memory_space<vmem>>
        %dma_start3A_242 = arith.constant 0 : i32
        %dma_start3A_243 = arith.constant 0 : i32
        %dma_start3A_244 = tpu.memref_slice %arg2[%dma_start3A_242, %dma_start3A_243] : memref<10240x128xf32, #tpu.memory_space<hbm>> -> memref<10240x128xf32, #tpu.memory_space<hbm>>
        tpu.enqueue_indirect_dma source(%dma_start3A_244 : memref<10240x128xf32, #tpu.memory_space<hbm>>) target(%arg9 : memref<128x128xf32, #tpu.memory_space<vmem>>) offsets(%dma_start3A_241 : memref<128xi32, #tpu.memory_space<vmem>>) semaphore(%arg14 : memref<!tpu.dma_semaphore, #tpu.memory_space<semaphore_mem>>)
      } else {
      }
      %mul3A_106 = arith.constant 4 : i32
      %mul3A_107 = arith.muli %mul3A_106, %add3A_72 : i32
      %add3A_108 = arith.constant 2 : i32
      %add3A_109 = arith.addi %mul3A_107, %add3A_108 : i32
      %dma_wait3A_110 = arith.constant 4 : i32
      %dma_wait3A_111 = arith.constant 0 : i32
      %dma_wait3A_112 = tpu.memref_slice %arg6[%dma_wait3A_110, %dma_wait3A_111] : memref<8x128xi32, #tpu.memory_space<vmem>> -> memref<1x128xi32, #tpu.memory_space<vmem>>
      %dma_wait3A_113 = tpu.memref_squeeze %dma_wait3A_112 : memref<1x128xi32, #tpu.memory_space<vmem>> -> memref<128xi32, #tpu.memory_space<vmem>>
      %dma_wait3A_114 = arith.constant 0 : i32
      %dma_wait3A_115 = arith.constant 0 : i32
      %dma_wait3A_116 = tpu.memref_slice %arg2[%dma_wait3A_114, %dma_wait3A_115] : memref<10240x128xf32, #tpu.memory_space<hbm>> -> memref<10240x128xf32, #tpu.memory_space<hbm>>
      tpu.wait_indirect_dma semaphore(%arg13 : memref<!tpu.dma_semaphore, #tpu.memory_space<semaphore_mem>>) src(%dma_wait3A_116 : memref<10240x128xf32, #tpu.memory_space<hbm>>) dst(%arg8 : memref<128x128xf32, #tpu.memory_space<vmem>>)
      %run_scoped3A_117 = arith.constant 5 : i32
      "tpu.region"() ({
        %run_scoped3A_238 = tpu.sem_alloc : memref<!tpu.dma_semaphore, #tpu.memory_space<semaphore_mem>>
        %dma_start3A_239 = arith.constant 0 : i32
        %dma_start3A_240 = tpu.memref_slice %arg6[%run_scoped3A_117, %dma_start3A_239] : memref<8x128xi32, #tpu.memory_space<vmem>> -> memref<1x128xi32, #tpu.memory_space<vmem>>
        %dma_start3A_241 = tpu.memref_squeeze %dma_start3A_240 : memref<1x128xi32, #tpu.memory_space<vmem>> -> memref<128xi32, #tpu.memory_space<vmem>>
        %dma_start3A_242 = arith.constant 0 : i32
        %dma_start3A_243 = arith.constant 0 : i32
        %dma_start3A_244 = tpu.memref_slice %arg10[%dma_start3A_242, %dma_start3A_243] : memref<10240x128xf32, #tpu.memory_space<vmem_shared>> -> memref<10240x128xf32, #tpu.memory_space<vmem_shared>>
        tpu.enqueue_indirect_dma source(%arg8 : memref<128x128xf32, #tpu.memory_space<vmem>>) target(%dma_start3A_244 : memref<10240x128xf32, #tpu.memory_space<vmem_shared>>) offsets(%dma_start3A_241 : memref<128xi32, #tpu.memory_space<vmem>>) semaphore(%run_scoped3A_238 : memref<!tpu.dma_semaphore, #tpu.memory_space<semaphore_mem>>) {add = true}
        %dma_wait3A_245 = arith.constant 0 : i32
        %dma_wait3A_246 = tpu.memref_slice %arg6[%run_scoped3A_117, %dma_wait3A_245] : memref<8x128xi32, #tpu.memory_space<vmem>> -> memref<1x128xi32, #tpu.memory_space<vmem>>
        %dma_wait3A_247 = tpu.memref_squeeze %dma_wait3A_246 : memref<1x128xi32, #tpu.memory_space<vmem>> -> memref<128xi32, #tpu.memory_space<vmem>>
        %dma_wait3A_248 = arith.constant 0 : i32
        %dma_wait3A_249 = arith.constant 0 : i32
        %dma_wait3A_250 = tpu.memref_slice %arg10[%dma_wait3A_248, %dma_wait3A_249] : memref<10240x128xf32, #tpu.memory_space<vmem_shared>> -> memref<10240x128xf32, #tpu.memory_space<vmem_shared>>
        tpu.wait_indirect_dma semaphore(%run_scoped3A_238 : memref<!tpu.dma_semaphore, #tpu.memory_space<semaphore_mem>>) src(%arg8 : memref<128x128xf32, #tpu.memory_space<vmem>>) dst(%dma_wait3A_250 : memref<10240x128xf32, #tpu.memory_space<vmem_shared>>)
        tpu.yield
      }) : () -> ()
      %add3A_118 = arith.constant 2 : i32
      %add3A_119 = arith.addi %add3A_109, %add3A_118 : i32
      %lt3A_120 = arith.constant 80 : i32
      %lt3A_121 = arith.cmpi slt, %add3A_119, %lt3A_120 : i32
      %convert_element_type3A_122 = arith.extui %lt3A_121 : i1 to i32
      %cond3A_123 = arith.constant 0 : i32
      %cond3A_124 = arith.cmpi ne, %convert_element_type3A_122, %cond3A_123 : i32
      scf.if %cond3A_124 {
        %add3A_238 = arith.constant 1 : i32
        %add3A_239 = arith.addi %add3A_72, %add3A_238 : i32
        %mul3A_240 = arith.constant 8 : i32
        %mul3A_241 = arith.muli %mul3A_240, %add3A_239 : i32
        %dma_wait3A_242 = arith.constant 0 : i32
        %dma_wait3A_243 = tpu.memref_slice %arg3[%add3A, %mul3A_241, %dma_wait3A_242] : memref<32x160x128xi32, #tpu.memory_space<hbm>> -> memref<1x8x128xi32, #tpu.memory_space<hbm>>
        %dma_wait3A_244 = tpu.memref_squeeze %dma_wait3A_243 : memref<1x8x128xi32, #tpu.memory_space<hbm>> -> memref<8x128xi32, #tpu.memory_space<hbm>>
        %dma_wait3A_245 = arith.constant 0 : i32
        %dma_wait3A_246 = tpu.memref_slice %arg3[%add3A, %mul3A_241, %dma_wait3A_245] : memref<32x160x128xi32, #tpu.memory_space<hbm>> -> memref<1x8x128xi32, #tpu.memory_space<hbm>>
        %dma_wait3A_247 = tpu.memref_squeeze %dma_wait3A_246 : memref<1x8x128xi32, #tpu.memory_space<hbm>> -> memref<8x128xi32, #tpu.memory_space<hbm>>
        tpu.wait_dma2 semaphore(%arg12 : memref<!tpu.dma_semaphore, #tpu.memory_space<semaphore_mem>>) src(%dma_wait3A_247 : memref<8x128xi32, #tpu.memory_space<hbm>>) dst(%arg7 : memref<8x128xi32, #tpu.memory_space<vmem>>)
        %dma_start3A_248 = arith.constant 0 : i32
        %dma_start3A_249 = arith.constant 0 : i32
        %dma_start3A_250 = tpu.memref_slice %arg7[%dma_start3A_248, %dma_start3A_249] : memref<8x128xi32, #tpu.memory_space<vmem>> -> memref<1x128xi32, #tpu.memory_space<vmem>>
        %dma_start3A_251 = tpu.memref_squeeze %dma_start3A_250 : memref<1x128xi32, #tpu.memory_space<vmem>> -> memref<128xi32, #tpu.memory_space<vmem>>
        %dma_start3A_252 = arith.constant 0 : i32
        %dma_start3A_253 = arith.constant 0 : i32
        %dma_start3A_254 = tpu.memref_slice %arg2[%dma_start3A_252, %dma_start3A_253] : memref<10240x128xf32, #tpu.memory_space<hbm>> -> memref<10240x128xf32, #tpu.memory_space<hbm>>
        tpu.enqueue_indirect_dma source(%dma_start3A_254 : memref<10240x128xf32, #tpu.memory_space<hbm>>) target(%arg8 : memref<128x128xf32, #tpu.memory_space<vmem>>) offsets(%dma_start3A_251 : memref<128xi32, #tpu.memory_space<vmem>>) semaphore(%arg13 : memref<!tpu.dma_semaphore, #tpu.memory_space<semaphore_mem>>)
      } else {
      }
      %mul3A_125 = arith.constant 4 : i32
      %mul3A_126 = arith.muli %mul3A_125, %add3A_72 : i32
      %add3A_127 = arith.constant 3 : i32
      %add3A_128 = arith.addi %mul3A_126, %add3A_127 : i32
      %dma_wait3A_129 = arith.constant 6 : i32
      %dma_wait3A_130 = arith.constant 0 : i32
      %dma_wait3A_131 = tpu.memref_slice %arg6[%dma_wait3A_129, %dma_wait3A_130] : memref<8x128xi32, #tpu.memory_space<vmem>> -> memref<1x128xi32, #tpu.memory_space<vmem>>
      %dma_wait3A_132 = tpu.memref_squeeze %dma_wait3A_131 : memref<1x128xi32, #tpu.memory_space<vmem>> -> memref<128xi32, #tpu.memory_space<vmem>>
      %dma_wait3A_133 = arith.constant 0 : i32
      %dma_wait3A_134 = arith.constant 0 : i32
      %dma_wait3A_135 = tpu.memref_slice %arg2[%dma_wait3A_133, %dma_wait3A_134] : memref<10240x128xf32, #tpu.memory_space<hbm>> -> memref<10240x128xf32, #tpu.memory_space<hbm>>
      tpu.wait_indirect_dma semaphore(%arg14 : memref<!tpu.dma_semaphore, #tpu.memory_space<semaphore_mem>>) src(%dma_wait3A_135 : memref<10240x128xf32, #tpu.memory_space<hbm>>) dst(%arg9 : memref<128x128xf32, #tpu.memory_space<vmem>>)
      %run_scoped3A_136 = arith.constant 7 : i32
      "tpu.region"() ({
        %run_scoped3A_238 = tpu.sem_alloc : memref<!tpu.dma_semaphore, #tpu.memory_space<semaphore_mem>>
        %dma_start3A_239 = arith.constant 0 : i32
        %dma_start3A_240 = tpu.memref_slice %arg6[%run_scoped3A_136, %dma_start3A_239] : memref<8x128xi32, #tpu.memory_space<vmem>> -> memref<1x128xi32, #tpu.memory_space<vmem>>
        %dma_start3A_241 = tpu.memref_squeeze %dma_start3A_240 : memref<1x128xi32, #tpu.memory_space<vmem>> -> memref<128xi32, #tpu.memory_space<vmem>>
        %dma_start3A_242 = arith.constant 0 : i32
        %dma_start3A_243 = arith.constant 0 : i32
        %dma_start3A_244 = tpu.memref_slice %arg10[%dma_start3A_242, %dma_start3A_243] : memref<10240x128xf32, #tpu.memory_space<vmem_shared>> -> memref<10240x128xf32, #tpu.memory_space<vmem_shared>>
        tpu.enqueue_indirect_dma source(%arg9 : memref<128x128xf32, #tpu.memory_space<vmem>>) target(%dma_start3A_244 : memref<10240x128xf32, #tpu.memory_space<vmem_shared>>) offsets(%dma_start3A_241 : memref<128xi32, #tpu.memory_space<vmem>>) semaphore(%run_scoped3A_238 : memref<!tpu.dma_semaphore, #tpu.memory_space<semaphore_mem>>) {add = true}
        %dma_wait3A_245 = arith.constant 0 : i32
        %dma_wait3A_246 = tpu.memref_slice %arg6[%run_scoped3A_136, %dma_wait3A_245] : memref<8x128xi32, #tpu.memory_space<vmem>> -> memref<1x128xi32, #tpu.memory_space<vmem>>
        %dma_wait3A_247 = tpu.memref_squeeze %dma_wait3A_246 : memref<1x128xi32, #tpu.memory_space<vmem>> -> memref<128xi32, #tpu.memory_space<vmem>>
        %dma_wait3A_248 = arith.constant 0 : i32
        %dma_wait3A_249 = arith.constant 0 : i32
        %dma_wait3A_250 = tpu.memref_slice %arg10[%dma_wait3A_248, %dma_wait3A_249] : memref<10240x128xf32, #tpu.memory_space<vmem_shared>> -> memref<10240x128xf32, #tpu.memory_space<vmem_shared>>
        tpu.wait_indirect_dma semaphore(%run_scoped3A_238 : memref<!tpu.dma_semaphore, #tpu.memory_space<semaphore_mem>>) src(%arg9 : memref<128x128xf32, #tpu.memory_space<vmem>>) dst(%dma_wait3A_250 : memref<10240x128xf32, #tpu.memory_space<vmem_shared>>)
        tpu.yield
      }) : () -> ()
      %add3A_137 = arith.constant 2 : i32
      %add3A_138 = arith.addi %add3A_128, %add3A_137 : i32
      %lt3A_139 = arith.constant 80 : i32
      %lt3A_140 = arith.cmpi slt, %add3A_138, %lt3A_139 : i32
      %convert_element_type3A_141 = arith.extui %lt3A_140 : i1 to i32
      %cond3A_142 = arith.constant 0 : i32
      %cond3A_143 = arith.cmpi ne, %convert_element_type3A_141, %cond3A_142 : i32
      scf.if %cond3A_143 {
        %dma_start3A_238 = arith.constant 2 : i32
        %dma_start3A_239 = arith.constant 0 : i32
        %dma_start3A_240 = tpu.memref_slice %arg7[%dma_start3A_238, %dma_start3A_239] : memref<8x128xi32, #tpu.memory_space<vmem>> -> memref<1x128xi32, #tpu.memory_space<vmem>>
        %dma_start3A_241 = tpu.memref_squeeze %dma_start3A_240 : memref<1x128xi32, #tpu.memory_space<vmem>> -> memref<128xi32, #tpu.memory_space<vmem>>
        %dma_start3A_242 = arith.constant 0 : i32
        %dma_start3A_243 = arith.constant 0 : i32
        %dma_start3A_244 = tpu.memref_slice %arg2[%dma_start3A_242, %dma_start3A_243] : memref<10240x128xf32, #tpu.memory_space<hbm>> -> memref<10240x128xf32, #tpu.memory_space<hbm>>
        tpu.enqueue_indirect_dma source(%dma_start3A_244 : memref<10240x128xf32, #tpu.memory_space<hbm>>) target(%arg9 : memref<128x128xf32, #tpu.memory_space<vmem>>) offsets(%dma_start3A_241 : memref<128xi32, #tpu.memory_space<vmem>>) semaphore(%arg14 : memref<!tpu.dma_semaphore, #tpu.memory_space<semaphore_mem>>)
      } else {
      }
      %add3A_144 = arith.constant 2 : i32
      %add3A_145 = arith.addi %add3A_72, %add3A_144 : i32
      %lt3A_146 = arith.constant 20 : i32
      %lt3A_147 = arith.cmpi slt, %add3A_145, %lt3A_146 : i32
      %convert_element_type3A_148 = arith.extui %lt3A_147 : i1 to i32
      %cond3A_149 = arith.constant 0 : i32
      %cond3A_150 = arith.cmpi ne, %convert_element_type3A_148, %cond3A_149 : i32
      scf.if %cond3A_150 {
        %add3A_238 = arith.constant 2 : i32
        %add3A_239 = arith.addi %add3A_72, %add3A_238 : i32
        %mul3A_240 = arith.constant 8 : i32
        %mul3A_241 = arith.muli %mul3A_240, %add3A_239 : i32
        %dma_start3A_242 = arith.constant 0 : i32
        %dma_start3A_243 = tpu.memref_slice %arg3[%add3A, %mul3A_241, %dma_start3A_242] : memref<32x160x128xi32, #tpu.memory_space<hbm>> -> memref<1x8x128xi32, #tpu.memory_space<hbm>>
        %dma_start3A_244 = tpu.memref_squeeze %dma_start3A_243 : memref<1x8x128xi32, #tpu.memory_space<hbm>> -> memref<8x128xi32, #tpu.memory_space<hbm>>
        %dma_start3A_245 = arith.constant 0 : i32
        %dma_start3A_246 = tpu.memref_slice %arg3[%add3A, %mul3A_241, %dma_start3A_245] : memref<32x160x128xi32, #tpu.memory_space<hbm>> -> memref<1x8x128xi32, #tpu.memory_space<hbm>>
        %dma_start3A_247 = tpu.memref_squeeze %dma_start3A_246 : memref<1x8x128xi32, #tpu.memory_space<hbm>> -> memref<8x128xi32, #tpu.memory_space<hbm>>
        tpu.enqueue_dma source(%dma_start3A_247 : memref<8x128xi32, #tpu.memory_space<hbm>>) target(%arg6 : memref<8x128xi32, #tpu.memory_space<vmem>>) target_semaphore(%arg11 : memref<!tpu.dma_semaphore, #tpu.memory_space<semaphore_mem>>)
      } else {
      }
      %mul3A_151 = arith.constant 2 : i32
      %mul3A_152 = arith.muli %mul3A_151, %scan3A_68 : i32
      %add3A_153 = arith.constant 1 : i32
      %add3A_154 = arith.addi %mul3A_152, %add3A_153 : i32
      %mul3A_155 = arith.constant 4 : i32
      %mul3A_156 = arith.muli %mul3A_155, %add3A_154 : i32
      %add3A_157 = arith.constant 0 : i32
      %add3A_158 = arith.addi %mul3A_156, %add3A_157 : i32
      %dma_wait3A_159 = arith.constant 0 : i32
      %dma_wait3A_160 = arith.constant 0 : i32
      %dma_wait3A_161 = tpu.memref_slice %arg7[%dma_wait3A_159, %dma_wait3A_160] : memref<8x128xi32, #tpu.memory_space<vmem>> -> memref<1x128xi32, #tpu.memory_space<vmem>>
      %dma_wait3A_162 = tpu.memref_squeeze %dma_wait3A_161 : memref<1x128xi32, #tpu.memory_space<vmem>> -> memref<128xi32, #tpu.memory_space<vmem>>
      %dma_wait3A_163 = arith.constant 0 : i32
      %dma_wait3A_164 = arith.constant 0 : i32
      %dma_wait3A_165 = tpu.memref_slice %arg2[%dma_wait3A_163, %dma_wait3A_164] : memref<10240x128xf32, #tpu.memory_space<hbm>> -> memref<10240x128xf32, #tpu.memory_space<hbm>>
      tpu.wait_indirect_dma semaphore(%arg13 : memref<!tpu.dma_semaphore, #tpu.memory_space<semaphore_mem>>) src(%dma_wait3A_165 : memref<10240x128xf32, #tpu.memory_space<hbm>>) dst(%arg8 : memref<128x128xf32, #tpu.memory_space<vmem>>)
      %run_scoped3A_166 = arith.constant 1 : i32
      "tpu.region"() ({
        %run_scoped3A_238 = tpu.sem_alloc : memref<!tpu.dma_semaphore, #tpu.memory_space<semaphore_mem>>
        %dma_start3A_239 = arith.constant 0 : i32
        %dma_start3A_240 = tpu.memref_slice %arg7[%run_scoped3A_166, %dma_start3A_239] : memref<8x128xi32, #tpu.memory_space<vmem>> -> memref<1x128xi32, #tpu.memory_space<vmem>>
        %dma_start3A_241 = tpu.memref_squeeze %dma_start3A_240 : memref<1x128xi32, #tpu.memory_space<vmem>> -> memref<128xi32, #tpu.memory_space<vmem>>
        %dma_start3A_242 = arith.constant 0 : i32
        %dma_start3A_243 = arith.constant 0 : i32
        %dma_start3A_244 = tpu.memref_slice %arg10[%dma_start3A_242, %dma_start3A_243] : memref<10240x128xf32, #tpu.memory_space<vmem_shared>> -> memref<10240x128xf32, #tpu.memory_space<vmem_shared>>
        tpu.enqueue_indirect_dma source(%arg8 : memref<128x128xf32, #tpu.memory_space<vmem>>) target(%dma_start3A_244 : memref<10240x128xf32, #tpu.memory_space<vmem_shared>>) offsets(%dma_start3A_241 : memref<128xi32, #tpu.memory_space<vmem>>) semaphore(%run_scoped3A_238 : memref<!tpu.dma_semaphore, #tpu.memory_space<semaphore_mem>>) {add = true}
        %dma_wait3A_245 = arith.constant 0 : i32
        %dma_wait3A_246 = tpu.memref_slice %arg7[%run_scoped3A_166, %dma_wait3A_245] : memref<8x128xi32, #tpu.memory_space<vmem>> -> memref<1x128xi32, #tpu.memory_space<vmem>>
        %dma_wait3A_247 = tpu.memref_squeeze %dma_wait3A_246 : memref<1x128xi32, #tpu.memory_space<vmem>> -> memref<128xi32, #tpu.memory_space<vmem>>
        %dma_wait3A_248 = arith.constant 0 : i32
        %dma_wait3A_249 = arith.constant 0 : i32
        %dma_wait3A_250 = tpu.memref_slice %arg10[%dma_wait3A_248, %dma_wait3A_249] : memref<10240x128xf32, #tpu.memory_space<vmem_shared>> -> memref<10240x128xf32, #tpu.memory_space<vmem_shared>>
        tpu.wait_indirect_dma semaphore(%run_scoped3A_238 : memref<!tpu.dma_semaphore, #tpu.memory_space<semaphore_mem>>) src(%arg8 : memref<128x128xf32, #tpu.memory_space<vmem>>) dst(%dma_wait3A_250 : memref<10240x128xf32, #tpu.memory_space<vmem_shared>>)
        tpu.yield
      }) : () -> ()
      %add3A_167 = arith.constant 2 : i32
      %add3A_168 = arith.addi %add3A_158, %add3A_167 : i32
      %lt3A_169 = arith.constant 80 : i32
      %lt3A_170 = arith.cmpi slt, %add3A_168, %lt3A_169 : i32
      %convert_element_type3A_171 = arith.extui %lt3A_170 : i1 to i32
      %cond3A_172 = arith.constant 0 : i32
      %cond3A_173 = arith.cmpi ne, %convert_element_type3A_171, %cond3A_172 : i32
      scf.if %cond3A_173 {
        %dma_start3A_238 = arith.constant 4 : i32
        %dma_start3A_239 = arith.constant 0 : i32
        %dma_start3A_240 = tpu.memref_slice %arg7[%dma_start3A_238, %dma_start3A_239] : memref<8x128xi32, #tpu.memory_space<vmem>> -> memref<1x128xi32, #tpu.memory_space<vmem>>
        %dma_start3A_241 = tpu.memref_squeeze %dma_start3A_240 : memref<1x128xi32, #tpu.memory_space<vmem>> -> memref<128xi32, #tpu.memory_space<vmem>>
        %dma_start3A_242 = arith.constant 0 : i32
        %dma_start3A_243 = arith.constant 0 : i32
        %dma_start3A_244 = tpu.memref_slice %arg2[%dma_start3A_242, %dma_start3A_243] : memref<10240x128xf32, #tpu.memory_space<hbm>> -> memref<10240x128xf32, #tpu.memory_space<hbm>>
        tpu.enqueue_indirect_dma source(%dma_start3A_244 : memref<10240x128xf32, #tpu.memory_space<hbm>>) target(%arg8 : memref<128x128xf32, #tpu.memory_space<vmem>>) offsets(%dma_start3A_241 : memref<128xi32, #tpu.memory_space<vmem>>) semaphore(%arg13 : memref<!tpu.dma_semaphore, #tpu.memory_space<semaphore_mem>>)
      } else {
      }
      %mul3A_174 = arith.constant 4 : i32
      %mul3A_175 = arith.muli %mul3A_174, %add3A_154 : i32
      %add3A_176 = arith.constant 1 : i32
      %add3A_177 = arith.addi %mul3A_175, %add3A_176 : i32
      %dma_wait3A_178 = arith.constant 2 : i32
      %dma_wait3A_179 = arith.constant 0 : i32
      %dma_wait3A_180 = tpu.memref_slice %arg7[%dma_wait3A_178, %dma_wait3A_179] : memref<8x128xi32, #tpu.memory_space<vmem>> -> memref<1x128xi32, #tpu.memory_space<vmem>>
      %dma_wait3A_181 = tpu.memref_squeeze %dma_wait3A_180 : memref<1x128xi32, #tpu.memory_space<vmem>> -> memref<128xi32, #tpu.memory_space<vmem>>
      %dma_wait3A_182 = arith.constant 0 : i32
      %dma_wait3A_183 = arith.constant 0 : i32
      %dma_wait3A_184 = tpu.memref_slice %arg2[%dma_wait3A_182, %dma_wait3A_183] : memref<10240x128xf32, #tpu.memory_space<hbm>> -> memref<10240x128xf32, #tpu.memory_space<hbm>>
      tpu.wait_indirect_dma semaphore(%arg14 : memref<!tpu.dma_semaphore, #tpu.memory_space<semaphore_mem>>) src(%dma_wait3A_184 : memref<10240x128xf32, #tpu.memory_space<hbm>>) dst(%arg9 : memref<128x128xf32, #tpu.memory_space<vmem>>)
      %run_scoped3A_185 = arith.constant 3 : i32
      "tpu.region"() ({
        %run_scoped3A_238 = tpu.sem_alloc : memref<!tpu.dma_semaphore, #tpu.memory_space<semaphore_mem>>
        %dma_start3A_239 = arith.constant 0 : i32
        %dma_start3A_240 = tpu.memref_slice %arg7[%run_scoped3A_185, %dma_start3A_239] : memref<8x128xi32, #tpu.memory_space<vmem>> -> memref<1x128xi32, #tpu.memory_space<vmem>>
        %dma_start3A_241 = tpu.memref_squeeze %dma_start3A_240 : memref<1x128xi32, #tpu.memory_space<vmem>> -> memref<128xi32, #tpu.memory_space<vmem>>
        %dma_start3A_242 = arith.constant 0 : i32
        %dma_start3A_243 = arith.constant 0 : i32
        %dma_start3A_244 = tpu.memref_slice %arg10[%dma_start3A_242, %dma_start3A_243] : memref<10240x128xf32, #tpu.memory_space<vmem_shared>> -> memref<10240x128xf32, #tpu.memory_space<vmem_shared>>
        tpu.enqueue_indirect_dma source(%arg9 : memref<128x128xf32, #tpu.memory_space<vmem>>) target(%dma_start3A_244 : memref<10240x128xf32, #tpu.memory_space<vmem_shared>>) offsets(%dma_start3A_241 : memref<128xi32, #tpu.memory_space<vmem>>) semaphore(%run_scoped3A_238 : memref<!tpu.dma_semaphore, #tpu.memory_space<semaphore_mem>>) {add = true}
        %dma_wait3A_245 = arith.constant 0 : i32
        %dma_wait3A_246 = tpu.memref_slice %arg7[%run_scoped3A_185, %dma_wait3A_245] : memref<8x128xi32, #tpu.memory_space<vmem>> -> memref<1x128xi32, #tpu.memory_space<vmem>>
        %dma_wait3A_247 = tpu.memref_squeeze %dma_wait3A_246 : memref<1x128xi32, #tpu.memory_space<vmem>> -> memref<128xi32, #tpu.memory_space<vmem>>
        %dma_wait3A_248 = arith.constant 0 : i32
        %dma_wait3A_249 = arith.constant 0 : i32
        %dma_wait3A_250 = tpu.memref_slice %arg10[%dma_wait3A_248, %dma_wait3A_249] : memref<10240x128xf32, #tpu.memory_space<vmem_shared>> -> memref<10240x128xf32, #tpu.memory_space<vmem_shared>>
        tpu.wait_indirect_dma semaphore(%run_scoped3A_238 : memref<!tpu.dma_semaphore, #tpu.memory_space<semaphore_mem>>) src(%arg9 : memref<128x128xf32, #tpu.memory_space<vmem>>) dst(%dma_wait3A_250 : memref<10240x128xf32, #tpu.memory_space<vmem_shared>>)
        tpu.yield
      }) : () -> ()
      %add3A_186 = arith.constant 2 : i32
      %add3A_187 = arith.addi %add3A_177, %add3A_186 : i32
      %lt3A_188 = arith.constant 80 : i32
      %lt3A_189 = arith.cmpi slt, %add3A_187, %lt3A_188 : i32
      %convert_element_type3A_190 = arith.extui %lt3A_189 : i1 to i32
      %cond3A_191 = arith.constant 0 : i32
      %cond3A_192 = arith.cmpi ne, %convert_element_type3A_190, %cond3A_191 : i32
      scf.if %cond3A_192 {
        %dma_start3A_238 = arith.constant 6 : i32
        %dma_start3A_239 = arith.constant 0 : i32
        %dma_start3A_240 = tpu.memref_slice %arg7[%dma_start3A_238, %dma_start3A_239] : memref<8x128xi32, #tpu.memory_space<vmem>> -> memref<1x128xi32, #tpu.memory_space<vmem>>
        %dma_start3A_241 = tpu.memref_squeeze %dma_start3A_240 : memref<1x128xi32, #tpu.memory_space<vmem>> -> memref<128xi32, #tpu.memory_space<vmem>>
        %dma_start3A_242 = arith.constant 0 : i32
        %dma_start3A_243 = arith.constant 0 : i32
        %dma_start3A_244 = tpu.memref_slice %arg2[%dma_start3A_242, %dma_start3A_243] : memref<10240x128xf32, #tpu.memory_space<hbm>> -> memref<10240x128xf32, #tpu.memory_space<hbm>>
        tpu.enqueue_indirect_dma source(%dma_start3A_244 : memref<10240x128xf32, #tpu.memory_space<hbm>>) target(%arg9 : memref<128x128xf32, #tpu.memory_space<vmem>>) offsets(%dma_start3A_241 : memref<128xi32, #tpu.memory_space<vmem>>) semaphore(%arg14 : memref<!tpu.dma_semaphore, #tpu.memory_space<semaphore_mem>>)
      } else {
      }
      %mul3A_193 = arith.constant 4 : i32
      %mul3A_194 = arith.muli %mul3A_193, %add3A_154 : i32
      %add3A_195 = arith.constant 2 : i32
      %add3A_196 = arith.addi %mul3A_194, %add3A_195 : i32
      %dma_wait3A_197 = arith.constant 4 : i32
      %dma_wait3A_198 = arith.constant 0 : i32
      %dma_wait3A_199 = tpu.memref_slice %arg7[%dma_wait3A_197, %dma_wait3A_198] : memref<8x128xi32, #tpu.memory_space<vmem>> -> memref<1x128xi32, #tpu.memory_space<vmem>>
      %dma_wait3A_200 = tpu.memref_squeeze %dma_wait3A_199 : memref<1x128xi32, #tpu.memory_space<vmem>> -> memref<128xi32, #tpu.memory_space<vmem>>
      %dma_wait3A_201 = arith.constant 0 : i32
      %dma_wait3A_202 = arith.constant 0 : i32
      %dma_wait3A_203 = tpu.memref_slice %arg2[%dma_wait3A_201, %dma_wait3A_202] : memref<10240x128xf32, #tpu.memory_space<hbm>> -> memref<10240x128xf32, #tpu.memory_space<hbm>>
      tpu.wait_indirect_dma semaphore(%arg13 : memref<!tpu.dma_semaphore, #tpu.memory_space<semaphore_mem>>) src(%dma_wait3A_203 : memref<10240x128xf32, #tpu.memory_space<hbm>>) dst(%arg8 : memref<128x128xf32, #tpu.memory_space<vmem>>)
      %run_scoped3A_204 = arith.constant 5 : i32
      "tpu.region"() ({
        %run_scoped3A_238 = tpu.sem_alloc : memref<!tpu.dma_semaphore, #tpu.memory_space<semaphore_mem>>
        %dma_start3A_239 = arith.constant 0 : i32
        %dma_start3A_240 = tpu.memref_slice %arg7[%run_scoped3A_204, %dma_start3A_239] : memref<8x128xi32, #tpu.memory_space<vmem>> -> memref<1x128xi32, #tpu.memory_space<vmem>>
        %dma_start3A_241 = tpu.memref_squeeze %dma_start3A_240 : memref<1x128xi32, #tpu.memory_space<vmem>> -> memref<128xi32, #tpu.memory_space<vmem>>
        %dma_start3A_242 = arith.constant 0 : i32
        %dma_start3A_243 = arith.constant 0 : i32
        %dma_start3A_244 = tpu.memref_slice %arg10[%dma_start3A_242, %dma_start3A_243] : memref<10240x128xf32, #tpu.memory_space<vmem_shared>> -> memref<10240x128xf32, #tpu.memory_space<vmem_shared>>
        tpu.enqueue_indirect_dma source(%arg8 : memref<128x128xf32, #tpu.memory_space<vmem>>) target(%dma_start3A_244 : memref<10240x128xf32, #tpu.memory_space<vmem_shared>>) offsets(%dma_start3A_241 : memref<128xi32, #tpu.memory_space<vmem>>) semaphore(%run_scoped3A_238 : memref<!tpu.dma_semaphore, #tpu.memory_space<semaphore_mem>>) {add = true}
        %dma_wait3A_245 = arith.constant 0 : i32
        %dma_wait3A_246 = tpu.memref_slice %arg7[%run_scoped3A_204, %dma_wait3A_245] : memref<8x128xi32, #tpu.memory_space<vmem>> -> memref<1x128xi32, #tpu.memory_space<vmem>>
        %dma_wait3A_247 = tpu.memref_squeeze %dma_wait3A_246 : memref<1x128xi32, #tpu.memory_space<vmem>> -> memref<128xi32, #tpu.memory_space<vmem>>
        %dma_wait3A_248 = arith.constant 0 : i32
        %dma_wait3A_249 = arith.constant 0 : i32
        %dma_wait3A_250 = tpu.memref_slice %arg10[%dma_wait3A_248, %dma_wait3A_249] : memref<10240x128xf32, #tpu.memory_space<vmem_shared>> -> memref<10240x128xf32, #tpu.memory_space<vmem_shared>>
        tpu.wait_indirect_dma semaphore(%run_scoped3A_238 : memref<!tpu.dma_semaphore, #tpu.memory_space<semaphore_mem>>) src(%arg8 : memref<128x128xf32, #tpu.memory_space<vmem>>) dst(%dma_wait3A_250 : memref<10240x128xf32, #tpu.memory_space<vmem_shared>>)
        tpu.yield
      }) : () -> ()
      %add3A_205 = arith.constant 2 : i32
      %add3A_206 = arith.addi %add3A_196, %add3A_205 : i32
      %lt3A_207 = arith.constant 80 : i32
      %lt3A_208 = arith.cmpi slt, %add3A_206, %lt3A_207 : i32
      %convert_element_type3A_209 = arith.extui %lt3A_208 : i1 to i32
      %cond3A_210 = arith.constant 0 : i32
      %cond3A_211 = arith.cmpi ne, %convert_element_type3A_209, %cond3A_210 : i32
      scf.if %cond3A_211 {
        %add3A_238 = arith.constant 1 : i32
        %add3A_239 = arith.addi %add3A_154, %add3A_238 : i32
        %mul3A_240 = arith.constant 8 : i32
        %mul3A_241 = arith.muli %mul3A_240, %add3A_239 : i32
        %dma_wait3A_242 = arith.constant 0 : i32
        %dma_wait3A_243 = tpu.memref_slice %arg3[%add3A, %mul3A_241, %dma_wait3A_242] : memref<32x160x128xi32, #tpu.memory_space<hbm>> -> memref<1x8x128xi32, #tpu.memory_space<hbm>>
        %dma_wait3A_244 = tpu.memref_squeeze %dma_wait3A_243 : memref<1x8x128xi32, #tpu.memory_space<hbm>> -> memref<8x128xi32, #tpu.memory_space<hbm>>
        %dma_wait3A_245 = arith.constant 0 : i32
        %dma_wait3A_246 = tpu.memref_slice %arg3[%add3A, %mul3A_241, %dma_wait3A_245] : memref<32x160x128xi32, #tpu.memory_space<hbm>> -> memref<1x8x128xi32, #tpu.memory_space<hbm>>
        %dma_wait3A_247 = tpu.memref_squeeze %dma_wait3A_246 : memref<1x8x128xi32, #tpu.memory_space<hbm>> -> memref<8x128xi32, #tpu.memory_space<hbm>>
        tpu.wait_dma2 semaphore(%arg11 : memref<!tpu.dma_semaphore, #tpu.memory_space<semaphore_mem>>) src(%dma_wait3A_247 : memref<8x128xi32, #tpu.memory_space<hbm>>) dst(%arg6 : memref<8x128xi32, #tpu.memory_space<vmem>>)
        %dma_start3A_248 = arith.constant 0 : i32
        %dma_start3A_249 = arith.constant 0 : i32
        %dma_start3A_250 = tpu.memref_slice %arg6[%dma_start3A_248, %dma_start3A_249] : memref<8x128xi32, #tpu.memory_space<vmem>> -> memref<1x128xi32, #tpu.memory_space<vmem>>
        %dma_start3A_251 = tpu.memref_squeeze %dma_start3A_250 : memref<1x128xi32, #tpu.memory_space<vmem>> -> memref<128xi32, #tpu.memory_space<vmem>>
        %dma_start3A_252 = arith.constant 0 : i32
        %dma_start3A_253 = arith.constant 0 : i32
        %dma_start3A_254 = tpu.memref_slice %arg2[%dma_start3A_252, %dma_start3A_253] : memref<10240x128xf32, #tpu.memory_space<hbm>> -> memref<10240x128xf32, #tpu.memory_space<hbm>>
        tpu.enqueue_indirect_dma source(%dma_start3A_254 : memref<10240x128xf32, #tpu.memory_space<hbm>>) target(%arg8 : memref<128x128xf32, #tpu.memory_space<vmem>>) offsets(%dma_start3A_251 : memref<128xi32, #tpu.memory_space<vmem>>) semaphore(%arg13 : memref<!tpu.dma_semaphore, #tpu.memory_space<semaphore_mem>>)
      } else {
      }
      %mul3A_212 = arith.constant 4 : i32
      %mul3A_213 = arith.muli %mul3A_212, %add3A_154 : i32
      %add3A_214 = arith.constant 3 : i32
      %add3A_215 = arith.addi %mul3A_213, %add3A_214 : i32
      %dma_wait3A_216 = arith.constant 6 : i32
      %dma_wait3A_217 = arith.constant 0 : i32
      %dma_wait3A_218 = tpu.memref_slice %arg7[%dma_wait3A_216, %dma_wait3A_217] : memref<8x128xi32, #tpu.memory_space<vmem>> -> memref<1x128xi32, #tpu.memory_space<vmem>>
      %dma_wait3A_219 = tpu.memref_squeeze %dma_wait3A_218 : memref<1x128xi32, #tpu.memory_space<vmem>> -> memref<128xi32, #tpu.memory_space<vmem>>
      %dma_wait3A_220 = arith.constant 0 : i32
      %dma_wait3A_221 = arith.constant 0 : i32
      %dma_wait3A_222 = tpu.memref_slice %arg2[%dma_wait3A_220, %dma_wait3A_221] : memref<10240x128xf32, #tpu.memory_space<hbm>> -> memref<10240x128xf32, #tpu.memory_space<hbm>>
      tpu.wait_indirect_dma semaphore(%arg14 : memref<!tpu.dma_semaphore, #tpu.memory_space<semaphore_mem>>) src(%dma_wait3A_222 : memref<10240x128xf32, #tpu.memory_space<hbm>>) dst(%arg9 : memref<128x128xf32, #tpu.memory_space<vmem>>)
      %run_scoped3A_223 = arith.constant 7 : i32
      "tpu.region"() ({
        %run_scoped3A_238 = tpu.sem_alloc : memref<!tpu.dma_semaphore, #tpu.memory_space<semaphore_mem>>
        %dma_start3A_239 = arith.constant 0 : i32
        %dma_start3A_240 = tpu.memref_slice %arg7[%run_scoped3A_223, %dma_start3A_239] : memref<8x128xi32, #tpu.memory_space<vmem>> -> memref<1x128xi32, #tpu.memory_space<vmem>>
        %dma_start3A_241 = tpu.memref_squeeze %dma_start3A_240 : memref<1x128xi32, #tpu.memory_space<vmem>> -> memref<128xi32, #tpu.memory_space<vmem>>
        %dma_start3A_242 = arith.constant 0 : i32
        %dma_start3A_243 = arith.constant 0 : i32
        %dma_start3A_244 = tpu.memref_slice %arg10[%dma_start3A_242, %dma_start3A_243] : memref<10240x128xf32, #tpu.memory_space<vmem_shared>> -> memref<10240x128xf32, #tpu.memory_space<vmem_shared>>
        tpu.enqueue_indirect_dma source(%arg9 : memref<128x128xf32, #tpu.memory_space<vmem>>) target(%dma_start3A_244 : memref<10240x128xf32, #tpu.memory_space<vmem_shared>>) offsets(%dma_start3A_241 : memref<128xi32, #tpu.memory_space<vmem>>) semaphore(%run_scoped3A_238 : memref<!tpu.dma_semaphore, #tpu.memory_space<semaphore_mem>>) {add = true}
        %dma_wait3A_245 = arith.constant 0 : i32
        %dma_wait3A_246 = tpu.memref_slice %arg7[%run_scoped3A_223, %dma_wait3A_245] : memref<8x128xi32, #tpu.memory_space<vmem>> -> memref<1x128xi32, #tpu.memory_space<vmem>>
        %dma_wait3A_247 = tpu.memref_squeeze %dma_wait3A_246 : memref<1x128xi32, #tpu.memory_space<vmem>> -> memref<128xi32, #tpu.memory_space<vmem>>
        %dma_wait3A_248 = arith.constant 0 : i32
        %dma_wait3A_249 = arith.constant 0 : i32
        %dma_wait3A_250 = tpu.memref_slice %arg10[%dma_wait3A_248, %dma_wait3A_249] : memref<10240x128xf32, #tpu.memory_space<vmem_shared>> -> memref<10240x128xf32, #tpu.memory_space<vmem_shared>>
        tpu.wait_indirect_dma semaphore(%run_scoped3A_238 : memref<!tpu.dma_semaphore, #tpu.memory_space<semaphore_mem>>) src(%arg9 : memref<128x128xf32, #tpu.memory_space<vmem>>) dst(%dma_wait3A_250 : memref<10240x128xf32, #tpu.memory_space<vmem_shared>>)
        tpu.yield
      }) : () -> ()
      %add3A_224 = arith.constant 2 : i32
      %add3A_225 = arith.addi %add3A_215, %add3A_224 : i32
      %lt3A_226 = arith.constant 80 : i32
      %lt3A_227 = arith.cmpi slt, %add3A_225, %lt3A_226 : i32
      %convert_element_type3A_228 = arith.extui %lt3A_227 : i1 to i32
      %cond3A_229 = arith.constant 0 : i32
      %cond3A_230 = arith.cmpi ne, %convert_element_type3A_228, %cond3A_229 : i32
      scf.if %cond3A_230 {
        %dma_start3A_238 = arith.constant 2 : i32
        %dma_start3A_239 = arith.constant 0 : i32
        %dma_start3A_240 = tpu.memref_slice %arg6[%dma_start3A_238, %dma_start3A_239] : memref<8x128xi32, #tpu.memory_space<vmem>> -> memref<1x128xi32, #tpu.memory_space<vmem>>
        %dma_start3A_241 = tpu.memref_squeeze %dma_start3A_240 : memref<1x128xi32, #tpu.memory_space<vmem>> -> memref<128xi32, #tpu.memory_space<vmem>>
        %dma_start3A_242 = arith.constant 0 : i32
        %dma_start3A_243 = arith.constant 0 : i32
        %dma_start3A_244 = tpu.memref_slice %arg2[%dma_start3A_242, %dma_start3A_243] : memref<10240x128xf32, #tpu.memory_space<hbm>> -> memref<10240x128xf32, #tpu.memory_space<hbm>>
        tpu.enqueue_indirect_dma source(%dma_start3A_244 : memref<10240x128xf32, #tpu.memory_space<hbm>>) target(%arg9 : memref<128x128xf32, #tpu.memory_space<vmem>>) offsets(%dma_start3A_241 : memref<128xi32, #tpu.memory_space<vmem>>) semaphore(%arg14 : memref<!tpu.dma_semaphore, #tpu.memory_space<semaphore_mem>>)
      } else {
      }
      %add3A_231 = arith.constant 2 : i32
      %add3A_232 = arith.addi %add3A_154, %add3A_231 : i32
      %lt3A_233 = arith.constant 20 : i32
      %lt3A_234 = arith.cmpi slt, %add3A_232, %lt3A_233 : i32
      %convert_element_type3A_235 = arith.extui %lt3A_234 : i1 to i32
      %cond3A_236 = arith.constant 0 : i32
      %cond3A_237 = arith.cmpi ne, %convert_element_type3A_235, %cond3A_236 : i32
      scf.if %cond3A_237 {
        %add3A_238 = arith.constant 2 : i32
        %add3A_239 = arith.addi %add3A_154, %add3A_238 : i32
        %mul3A_240 = arith.constant 8 : i32
        %mul3A_241 = arith.muli %mul3A_240, %add3A_239 : i32
        %dma_start3A_242 = arith.constant 0 : i32
        %dma_start3A_243 = tpu.memref_slice %arg3[%add3A, %mul3A_241, %dma_start3A_242] : memref<32x160x128xi32, #tpu.memory_space<hbm>> -> memref<1x8x128xi32, #tpu.memory_space<hbm>>
        %dma_start3A_244 = tpu.memref_squeeze %dma_start3A_243 : memref<1x8x128xi32, #tpu.memory_space<hbm>> -> memref<8x128xi32, #tpu.memory_space<hbm>>
        %dma_start3A_245 = arith.constant 0 : i32
        %dma_start3A_246 = tpu.memref_slice %arg3[%add3A, %mul3A_241, %dma_start3A_245] : memref<32x160x128xi32, #tpu.memory_space<hbm>> -> memref<1x8x128xi32, #tpu.memory_space<hbm>>
        %dma_start3A_247 = tpu.memref_squeeze %dma_start3A_246 : memref<1x8x128xi32, #tpu.memory_space<hbm>> -> memref<8x128xi32, #tpu.memory_space<hbm>>
        tpu.enqueue_dma source(%dma_start3A_247 : memref<8x128xi32, #tpu.memory_space<hbm>>) target(%arg7 : memref<8x128xi32, #tpu.memory_space<vmem>>) target_semaphore(%arg12 : memref<!tpu.dma_semaphore, #tpu.memory_space<semaphore_mem>>)
      } else {
      }
    }
    %scan3A_46 = arith.constant 10 : i32
    %barrier3A_47 = arith.constant 0 : index
    tpu.barrier barrier_id(%barrier3A_47)
    %mul3A_48 = arith.constant 640 : i32
    %mul3A_49 = arith.muli %arg1, %mul3A_48 : i32
    %add3A_50 = arith.constant 0 : i32
    %add3A_51 = arith.addi %mul3A_49, %add3A_50 : i32
    "tpu.region"() ({
      %run_scoped3A = tpu.sem_alloc : memref<!tpu.dma_semaphore, #tpu.memory_space<semaphore_mem>>
      %dma_start3A_68 = arith.constant 0 : i32
      %dma_start3A_69 = tpu.memref_slice %arg10[%add3A_51, %dma_start3A_68] : memref<10240x128xf32, #tpu.memory_space<vmem_shared>> -> memref<128x128xf32, #tpu.memory_space<vmem_shared>>
      %dma_start3A_70 = arith.constant 0 : i32
      %dma_start3A_71 = tpu.memref_slice %arg10[%add3A_51, %dma_start3A_70] : memref<10240x128xf32, #tpu.memory_space<vmem_shared>> -> memref<128x128xf32, #tpu.memory_space<vmem_shared>>
      tpu.enqueue_dma source(%dma_start3A_71 : memref<128x128xf32, #tpu.memory_space<vmem_shared>>) target(%arg8 : memref<128x128xf32, #tpu.memory_space<vmem>>) target_semaphore(%run_scoped3A : memref<!tpu.dma_semaphore, #tpu.memory_space<semaphore_mem>>)
      %dma_wait3A = arith.constant 0 : i32
      %dma_wait3A_72 = tpu.memref_slice %arg10[%add3A_51, %dma_wait3A] : memref<10240x128xf32, #tpu.memory_space<vmem_shared>> -> memref<128x128xf32, #tpu.memory_space<vmem_shared>>
      %dma_wait3A_73 = arith.constant 0 : i32
      %dma_wait3A_74 = tpu.memref_slice %arg10[%add3A_51, %dma_wait3A_73] : memref<10240x128xf32, #tpu.memory_space<vmem_shared>> -> memref<128x128xf32, #tpu.memory_space<vmem_shared>>
      tpu.wait_dma2 semaphore(%run_scoped3A : memref<!tpu.dma_semaphore, #tpu.memory_space<semaphore_mem>>) src(%dma_wait3A_74 : memref<128x128xf32, #tpu.memory_space<vmem_shared>>) dst(%arg8 : memref<128x128xf32, #tpu.memory_space<vmem>>)
      tpu.yield
    }) : () -> ()
    "tpu.region"() ({
      %run_scoped3A = tpu.sem_alloc : memref<!tpu.dma_semaphore, #tpu.memory_space<semaphore_mem>>
      %dma_start3A_68 = arith.constant 0 : i32
      %dma_start3A_69 = tpu.memref_slice %arg5[%arg0, %add3A_51, %dma_start3A_68] : memref<2x10240x128xf32, #tpu.memory_space<hbm>> -> memref<1x128x128xf32, #tpu.memory_space<hbm>>
      %dma_start3A_70 = tpu.memref_squeeze %dma_start3A_69 : memref<1x128x128xf32, #tpu.memory_space<hbm>> -> memref<128x128xf32, #tpu.memory_space<hbm>>
      %dma_start3A_71 = arith.constant 0 : i32
      %dma_start3A_72 = tpu.memref_slice %arg5[%arg0, %add3A_51, %dma_start3A_71] : memref<2x10240x128xf32, #tpu.memory_space<hbm>> -> memref<1x128x128xf32, #tpu.memory_space<hbm>>
      %dma_start3A_73 = tpu.memref_squeeze %dma_start3A_72 : memref<1x128x128xf32, #tpu.memory_space<hbm>> -> memref<128x128xf32, #tpu.memory_space<hbm>>
      tpu.enqueue_dma source(%arg8 : memref<128x128xf32, #tpu.memory_space<vmem>>) target(%dma_start3A_73 : memref<128x128xf32, #tpu.memory_space<hbm>>) target_semaphore(%run_scoped3A : memref<!tpu.dma_semaphore, #tpu.memory_space<semaphore_mem>>)
      %dma_wait3A = arith.constant 0 : i32
      %dma_wait3A_74 = tpu.memref_slice %arg5[%arg0, %add3A_51, %dma_wait3A] : memref<2x10240x128xf32, #tpu.memory_space<hbm>> -> memref<1x128x128xf32, #tpu.memory_space<hbm>>
      %dma_wait3A_75 = tpu.memref_squeeze %dma_wait3A_74 : memref<1x128x128xf32, #tpu.memory_space<hbm>> -> memref<128x128xf32, #tpu.memory_space<hbm>>
      %dma_wait3A_76 = arith.constant 0 : i32
      %dma_wait3A_77 = tpu.memref_slice %arg5[%arg0, %add3A_51, %dma_wait3A_76] : memref<2x10240x128xf32, #tpu.memory_space<hbm>> -> memref<1x128x128xf32, #tpu.memory_space<hbm>>
      %dma_wait3A_78 = tpu.memref_squeeze %dma_wait3A_77 : memref<1x128x128xf32, #tpu.memory_space<hbm>> -> memref<128x128xf32, #tpu.memory_space<hbm>>
      tpu.wait_dma2 semaphore(%run_scoped3A : memref<!tpu.dma_semaphore, #tpu.memory_space<semaphore_mem>>) src(%arg8 : memref<128x128xf32, #tpu.memory_space<vmem>>) dst(%dma_wait3A_78 : memref<128x128xf32, #tpu.memory_space<hbm>>)
      tpu.yield
    }) : () -> ()
    %mul3A_52 = arith.constant 640 : i32
    %mul3A_53 = arith.muli %arg1, %mul3A_52 : i32
    %add3A_54 = arith.constant 128 : i32
    %add3A_55 = arith.addi %mul3A_53, %add3A_54 : i32
    "tpu.region"() ({
      %run_scoped3A = tpu.sem_alloc : memref<!tpu.dma_semaphore, #tpu.memory_space<semaphore_mem>>
      %dma_start3A_68 = arith.constant 0 : i32
      %dma_start3A_69 = tpu.memref_slice %arg10[%add3A_55, %dma_start3A_68] : memref<10240x128xf32, #tpu.memory_space<vmem_shared>> -> memref<128x128xf32, #tpu.memory_space<vmem_shared>>
      %dma_start3A_70 = arith.constant 0 : i32
      %dma_start3A_71 = tpu.memref_slice %arg10[%add3A_55, %dma_start3A_70] : memref<10240x128xf32, #tpu.memory_space<vmem_shared>> -> memref<128x128xf32, #tpu.memory_space<vmem_shared>>
      tpu.enqueue_dma source(%dma_start3A_71 : memref<128x128xf32, #tpu.memory_space<vmem_shared>>) target(%arg8 : memref<128x128xf32, #tpu.memory_space<vmem>>) target_semaphore(%run_scoped3A : memref<!tpu.dma_semaphore, #tpu.memory_space<semaphore_mem>>)
      %dma_wait3A = arith.constant 0 : i32
      %dma_wait3A_72 = tpu.memref_slice %arg10[%add3A_55, %dma_wait3A] : memref<10240x128xf32, #tpu.memory_space<vmem_shared>> -> memref<128x128xf32, #tpu.memory_space<vmem_shared>>
      %dma_wait3A_73 = arith.constant 0 : i32
      %dma_wait3A_74 = tpu.memref_slice %arg10[%add3A_55, %dma_wait3A_73] : memref<10240x128xf32, #tpu.memory_space<vmem_shared>> -> memref<128x128xf32, #tpu.memory_space<vmem_shared>>
      tpu.wait_dma2 semaphore(%run_scoped3A : memref<!tpu.dma_semaphore, #tpu.memory_space<semaphore_mem>>) src(%dma_wait3A_74 : memref<128x128xf32, #tpu.memory_space<vmem_shared>>) dst(%arg8 : memref<128x128xf32, #tpu.memory_space<vmem>>)
      tpu.yield
    }) : () -> ()
    "tpu.region"() ({
      %run_scoped3A = tpu.sem_alloc : memref<!tpu.dma_semaphore, #tpu.memory_space<semaphore_mem>>
      %dma_start3A_68 = arith.constant 0 : i32
      %dma_start3A_69 = tpu.memref_slice %arg5[%arg0, %add3A_55, %dma_start3A_68] : memref<2x10240x128xf32, #tpu.memory_space<hbm>> -> memref<1x128x128xf32, #tpu.memory_space<hbm>>
      %dma_start3A_70 = tpu.memref_squeeze %dma_start3A_69 : memref<1x128x128xf32, #tpu.memory_space<hbm>> -> memref<128x128xf32, #tpu.memory_space<hbm>>
      %dma_start3A_71 = arith.constant 0 : i32
      %dma_start3A_72 = tpu.memref_slice %arg5[%arg0, %add3A_55, %dma_start3A_71] : memref<2x10240x128xf32, #tpu.memory_space<hbm>> -> memref<1x128x128xf32, #tpu.memory_space<hbm>>
      %dma_start3A_73 = tpu.memref_squeeze %dma_start3A_72 : memref<1x128x128xf32, #tpu.memory_space<hbm>> -> memref<128x128xf32, #tpu.memory_space<hbm>>
      tpu.enqueue_dma source(%arg8 : memref<128x128xf32, #tpu.memory_space<vmem>>) target(%dma_start3A_73 : memref<128x128xf32, #tpu.memory_space<hbm>>) target_semaphore(%run_scoped3A : memref<!tpu.dma_semaphore, #tpu.memory_space<semaphore_mem>>)
      %dma_wait3A = arith.constant 0 : i32
      %dma_wait3A_74 = tpu.memref_slice %arg5[%arg0, %add3A_55, %dma_wait3A] : memref<2x10240x128xf32, #tpu.memory_space<hbm>> -> memref<1x128x128xf32, #tpu.memory_space<hbm>>
      %dma_wait3A_75 = tpu.memref_squeeze %dma_wait3A_74 : memref<1x128x128xf32, #tpu.memory_space<hbm>> -> memref<128x128xf32, #tpu.memory_space<hbm>>
      %dma_wait3A_76 = arith.constant 0 : i32
      %dma_wait3A_77 = tpu.memref_slice %arg5[%arg0, %add3A_55, %dma_wait3A_76] : memref<2x10240x128xf32, #tpu.memory_space<hbm>> -> memref<1x128x128xf32, #tpu.memory_space<hbm>>
      %dma_wait3A_78 = tpu.memref_squeeze %dma_wait3A_77 : memref<1x128x128xf32, #tpu.memory_space<hbm>> -> memref<128x128xf32, #tpu.memory_space<hbm>>
      tpu.wait_dma2 semaphore(%run_scoped3A : memref<!tpu.dma_semaphore, #tpu.memory_space<semaphore_mem>>) src(%arg8 : memref<128x128xf32, #tpu.memory_space<vmem>>) dst(%dma_wait3A_78 : memref<128x128xf32, #tpu.memory_space<hbm>>)
      tpu.yield
    }) : () -> ()
    %mul3A_56 = arith.constant 640 : i32
    %mul3A_57 = arith.muli %arg1, %mul3A_56 : i32
    %add3A_58 = arith.constant 256 : i32
    %add3A_59 = arith.addi %mul3A_57, %add3A_58 : i32
    "tpu.region"() ({
      %run_scoped3A = tpu.sem_alloc : memref<!tpu.dma_semaphore, #tpu.memory_space<semaphore_mem>>
      %dma_start3A_68 = arith.constant 0 : i32
      %dma_start3A_69 = tpu.memref_slice %arg10[%add3A_59, %dma_start3A_68] : memref<10240x128xf32, #tpu.memory_space<vmem_shared>> -> memref<128x128xf32, #tpu.memory_space<vmem_shared>>
      %dma_start3A_70 = arith.constant 0 : i32
      %dma_start3A_71 = tpu.memref_slice %arg10[%add3A_59, %dma_start3A_70] : memref<10240x128xf32, #tpu.memory_space<vmem_shared>> -> memref<128x128xf32, #tpu.memory_space<vmem_shared>>
      tpu.enqueue_dma source(%dma_start3A_71 : memref<128x128xf32, #tpu.memory_space<vmem_shared>>) target(%arg8 : memref<128x128xf32, #tpu.memory_space<vmem>>) target_semaphore(%run_scoped3A : memref<!tpu.dma_semaphore, #tpu.memory_space<semaphore_mem>>)
      %dma_wait3A = arith.constant 0 : i32
      %dma_wait3A_72 = tpu.memref_slice %arg10[%add3A_59, %dma_wait3A] : memref<10240x128xf32, #tpu.memory_space<vmem_shared>> -> memref<128x128xf32, #tpu.memory_space<vmem_shared>>
      %dma_wait3A_73 = arith.constant 0 : i32
      %dma_wait3A_74 = tpu.memref_slice %arg10[%add3A_59, %dma_wait3A_73] : memref<10240x128xf32, #tpu.memory_space<vmem_shared>> -> memref<128x128xf32, #tpu.memory_space<vmem_shared>>
      tpu.wait_dma2 semaphore(%run_scoped3A : memref<!tpu.dma_semaphore, #tpu.memory_space<semaphore_mem>>) src(%dma_wait3A_74 : memref<128x128xf32, #tpu.memory_space<vmem_shared>>) dst(%arg8 : memref<128x128xf32, #tpu.memory_space<vmem>>)
      tpu.yield
    }) : () -> ()
    "tpu.region"() ({
      %run_scoped3A = tpu.sem_alloc : memref<!tpu.dma_semaphore, #tpu.memory_space<semaphore_mem>>
      %dma_start3A_68 = arith.constant 0 : i32
      %dma_start3A_69 = tpu.memref_slice %arg5[%arg0, %add3A_59, %dma_start3A_68] : memref<2x10240x128xf32, #tpu.memory_space<hbm>> -> memref<1x128x128xf32, #tpu.memory_space<hbm>>
      %dma_start3A_70 = tpu.memref_squeeze %dma_start3A_69 : memref<1x128x128xf32, #tpu.memory_space<hbm>> -> memref<128x128xf32, #tpu.memory_space<hbm>>
      %dma_start3A_71 = arith.constant 0 : i32
      %dma_start3A_72 = tpu.memref_slice %arg5[%arg0, %add3A_59, %dma_start3A_71] : memref<2x10240x128xf32, #tpu.memory_space<hbm>> -> memref<1x128x128xf32, #tpu.memory_space<hbm>>
      %dma_start3A_73 = tpu.memref_squeeze %dma_start3A_72 : memref<1x128x128xf32, #tpu.memory_space<hbm>> -> memref<128x128xf32, #tpu.memory_space<hbm>>
      tpu.enqueue_dma source(%arg8 : memref<128x128xf32, #tpu.memory_space<vmem>>) target(%dma_start3A_73 : memref<128x128xf32, #tpu.memory_space<hbm>>) target_semaphore(%run_scoped3A : memref<!tpu.dma_semaphore, #tpu.memory_space<semaphore_mem>>)
      %dma_wait3A = arith.constant 0 : i32
      %dma_wait3A_74 = tpu.memref_slice %arg5[%arg0, %add3A_59, %dma_wait3A] : memref<2x10240x128xf32, #tpu.memory_space<hbm>> -> memref<1x128x128xf32, #tpu.memory_space<hbm>>
      %dma_wait3A_75 = tpu.memref_squeeze %dma_wait3A_74 : memref<1x128x128xf32, #tpu.memory_space<hbm>> -> memref<128x128xf32, #tpu.memory_space<hbm>>
      %dma_wait3A_76 = arith.constant 0 : i32
      %dma_wait3A_77 = tpu.memref_slice %arg5[%arg0, %add3A_59, %dma_wait3A_76] : memref<2x10240x128xf32, #tpu.memory_space<hbm>> -> memref<1x128x128xf32, #tpu.memory_space<hbm>>
      %dma_wait3A_78 = tpu.memref_squeeze %dma_wait3A_77 : memref<1x128x128xf32, #tpu.memory_space<hbm>> -> memref<128x128xf32, #tpu.memory_space<hbm>>
      tpu.wait_dma2 semaphore(%run_scoped3A : memref<!tpu.dma_semaphore, #tpu.memory_space<semaphore_mem>>) src(%arg8 : memref<128x128xf32, #tpu.memory_space<vmem>>) dst(%dma_wait3A_78 : memref<128x128xf32, #tpu.memory_space<hbm>>)
      tpu.yield
    }) : () -> ()
    %mul3A_60 = arith.constant 640 : i32
    %mul3A_61 = arith.muli %arg1, %mul3A_60 : i32
    %add3A_62 = arith.constant 384 : i32
    %add3A_63 = arith.addi %mul3A_61, %add3A_62 : i32
    "tpu.region"() ({
      %run_scoped3A = tpu.sem_alloc : memref<!tpu.dma_semaphore, #tpu.memory_space<semaphore_mem>>
      %dma_start3A_68 = arith.constant 0 : i32
      %dma_start3A_69 = tpu.memref_slice %arg10[%add3A_63, %dma_start3A_68] : memref<10240x128xf32, #tpu.memory_space<vmem_shared>> -> memref<128x128xf32, #tpu.memory_space<vmem_shared>>
      %dma_start3A_70 = arith.constant 0 : i32
      %dma_start3A_71 = tpu.memref_slice %arg10[%add3A_63, %dma_start3A_70] : memref<10240x128xf32, #tpu.memory_space<vmem_shared>> -> memref<128x128xf32, #tpu.memory_space<vmem_shared>>
      tpu.enqueue_dma source(%dma_start3A_71 : memref<128x128xf32, #tpu.memory_space<vmem_shared>>) target(%arg8 : memref<128x128xf32, #tpu.memory_space<vmem>>) target_semaphore(%run_scoped3A : memref<!tpu.dma_semaphore, #tpu.memory_space<semaphore_mem>>)
      %dma_wait3A = arith.constant 0 : i32
      %dma_wait3A_72 = tpu.memref_slice %arg10[%add3A_63, %dma_wait3A] : memref<10240x128xf32, #tpu.memory_space<vmem_shared>> -> memref<128x128xf32, #tpu.memory_space<vmem_shared>>
      %dma_wait3A_73 = arith.constant 0 : i32
      %dma_wait3A_74 = tpu.memref_slice %arg10[%add3A_63, %dma_wait3A_73] : memref<10240x128xf32, #tpu.memory_space<vmem_shared>> -> memref<128x128xf32, #tpu.memory_space<vmem_shared>>
      tpu.wait_dma2 semaphore(%run_scoped3A : memref<!tpu.dma_semaphore, #tpu.memory_space<semaphore_mem>>) src(%dma_wait3A_74 : memref<128x128xf32, #tpu.memory_space<vmem_shared>>) dst(%arg8 : memref<128x128xf32, #tpu.memory_space<vmem>>)
      tpu.yield
    }) : () -> ()
    "tpu.region"() ({
      %run_scoped3A = tpu.sem_alloc : memref<!tpu.dma_semaphore, #tpu.memory_space<semaphore_mem>>
      %dma_start3A_68 = arith.constant 0 : i32
      %dma_start3A_69 = tpu.memref_slice %arg5[%arg0, %add3A_63, %dma_start3A_68] : memref<2x10240x128xf32, #tpu.memory_space<hbm>> -> memref<1x128x128xf32, #tpu.memory_space<hbm>>
      %dma_start3A_70 = tpu.memref_squeeze %dma_start3A_69 : memref<1x128x128xf32, #tpu.memory_space<hbm>> -> memref<128x128xf32, #tpu.memory_space<hbm>>
      %dma_start3A_71 = arith.constant 0 : i32
      %dma_start3A_72 = tpu.memref_slice %arg5[%arg0, %add3A_63, %dma_start3A_71] : memref<2x10240x128xf32, #tpu.memory_space<hbm>> -> memref<1x128x128xf32, #tpu.memory_space<hbm>>
      %dma_start3A_73 = tpu.memref_squeeze %dma_start3A_72 : memref<1x128x128xf32, #tpu.memory_space<hbm>> -> memref<128x128xf32, #tpu.memory_space<hbm>>
      tpu.enqueue_dma source(%arg8 : memref<128x128xf32, #tpu.memory_space<vmem>>) target(%dma_start3A_73 : memref<128x128xf32, #tpu.memory_space<hbm>>) target_semaphore(%run_scoped3A : memref<!tpu.dma_semaphore, #tpu.memory_space<semaphore_mem>>)
      %dma_wait3A = arith.constant 0 : i32
      %dma_wait3A_74 = tpu.memref_slice %arg5[%arg0, %add3A_63, %dma_wait3A] : memref<2x10240x128xf32, #tpu.memory_space<hbm>> -> memref<1x128x128xf32, #tpu.memory_space<hbm>>
      %dma_wait3A_75 = tpu.memref_squeeze %dma_wait3A_74 : memref<1x128x128xf32, #tpu.memory_space<hbm>> -> memref<128x128xf32, #tpu.memory_space<hbm>>
      %dma_wait3A_76 = arith.constant 0 : i32
      %dma_wait3A_77 = tpu.memref_slice %arg5[%arg0, %add3A_63, %dma_wait3A_76] : memref<2x10240x128xf32, #tpu.memory_space<hbm>> -> memref<1x128x128xf32, #tpu.memory_space<hbm>>
      %dma_wait3A_78 = tpu.memref_squeeze %dma_wait3A_77 : memref<1x128x128xf32, #tpu.memory_space<hbm>> -> memref<128x128xf32, #tpu.memory_space<hbm>>
      tpu.wait_dma2 semaphore(%run_scoped3A : memref<!tpu.dma_semaphore, #tpu.memory_space<semaphore_mem>>) src(%arg8 : memref<128x128xf32, #tpu.memory_space<vmem>>) dst(%dma_wait3A_78 : memref<128x128xf32, #tpu.memory_space<hbm>>)
      tpu.yield
    }) : () -> ()
    %mul3A_64 = arith.constant 640 : i32
    %mul3A_65 = arith.muli %arg1, %mul3A_64 : i32
    %add3A_66 = arith.constant 512 : i32
    %add3A_67 = arith.addi %mul3A_65, %add3A_66 : i32
    "tpu.region"() ({
      %run_scoped3A = tpu.sem_alloc : memref<!tpu.dma_semaphore, #tpu.memory_space<semaphore_mem>>
      %dma_start3A_68 = arith.constant 0 : i32
      %dma_start3A_69 = tpu.memref_slice %arg10[%add3A_67, %dma_start3A_68] : memref<10240x128xf32, #tpu.memory_space<vmem_shared>> -> memref<128x128xf32, #tpu.memory_space<vmem_shared>>
      %dma_start3A_70 = arith.constant 0 : i32
      %dma_start3A_71 = tpu.memref_slice %arg10[%add3A_67, %dma_start3A_70] : memref<10240x128xf32, #tpu.memory_space<vmem_shared>> -> memref<128x128xf32, #tpu.memory_space<vmem_shared>>
      tpu.enqueue_dma source(%dma_start3A_71 : memref<128x128xf32, #tpu.memory_space<vmem_shared>>) target(%arg8 : memref<128x128xf32, #tpu.memory_space<vmem>>) target_semaphore(%run_scoped3A : memref<!tpu.dma_semaphore, #tpu.memory_space<semaphore_mem>>)
      %dma_wait3A = arith.constant 0 : i32
      %dma_wait3A_72 = tpu.memref_slice %arg10[%add3A_67, %dma_wait3A] : memref<10240x128xf32, #tpu.memory_space<vmem_shared>> -> memref<128x128xf32, #tpu.memory_space<vmem_shared>>
      %dma_wait3A_73 = arith.constant 0 : i32
      %dma_wait3A_74 = tpu.memref_slice %arg10[%add3A_67, %dma_wait3A_73] : memref<10240x128xf32, #tpu.memory_space<vmem_shared>> -> memref<128x128xf32, #tpu.memory_space<vmem_shared>>
      tpu.wait_dma2 semaphore(%run_scoped3A : memref<!tpu.dma_semaphore, #tpu.memory_space<semaphore_mem>>) src(%dma_wait3A_74 : memref<128x128xf32, #tpu.memory_space<vmem_shared>>) dst(%arg8 : memref<128x128xf32, #tpu.memory_space<vmem>>)
      tpu.yield
    }) : () -> ()
    "tpu.region"() ({
      %run_scoped3A = tpu.sem_alloc : memref<!tpu.dma_semaphore, #tpu.memory_space<semaphore_mem>>
      %dma_start3A_68 = arith.constant 0 : i32
      %dma_start3A_69 = tpu.memref_slice %arg5[%arg0, %add3A_67, %dma_start3A_68] : memref<2x10240x128xf32, #tpu.memory_space<hbm>> -> memref<1x128x128xf32, #tpu.memory_space<hbm>>
      %dma_start3A_70 = tpu.memref_squeeze %dma_start3A_69 : memref<1x128x128xf32, #tpu.memory_space<hbm>> -> memref<128x128xf32, #tpu.memory_space<hbm>>
      %dma_start3A_71 = arith.constant 0 : i32
      %dma_start3A_72 = tpu.memref_slice %arg5[%arg0, %add3A_67, %dma_start3A_71] : memref<2x10240x128xf32, #tpu.memory_space<hbm>> -> memref<1x128x128xf32, #tpu.memory_space<hbm>>
      %dma_start3A_73 = tpu.memref_squeeze %dma_start3A_72 : memref<1x128x128xf32, #tpu.memory_space<hbm>> -> memref<128x128xf32, #tpu.memory_space<hbm>>
      tpu.enqueue_dma source(%arg8 : memref<128x128xf32, #tpu.memory_space<vmem>>) target(%dma_start3A_73 : memref<128x128xf32, #tpu.memory_space<hbm>>) target_semaphore(%run_scoped3A : memref<!tpu.dma_semaphore, #tpu.memory_space<semaphore_mem>>)
      %dma_wait3A = arith.constant 0 : i32
      %dma_wait3A_74 = tpu.memref_slice %arg5[%arg0, %add3A_67, %dma_wait3A] : memref<2x10240x128xf32, #tpu.memory_space<hbm>> -> memref<1x128x128xf32, #tpu.memory_space<hbm>>
      %dma_wait3A_75 = tpu.memref_squeeze %dma_wait3A_74 : memref<1x128x128xf32, #tpu.memory_space<hbm>> -> memref<128x128xf32, #tpu.memory_space<hbm>>
      %dma_wait3A_76 = arith.constant 0 : i32
      %dma_wait3A_77 = tpu.memref_slice %arg5[%arg0, %add3A_67, %dma_wait3A_76] : memref<2x10240x128xf32, #tpu.memory_space<hbm>> -> memref<1x128x128xf32, #tpu.memory_space<hbm>>
      %dma_wait3A_78 = tpu.memref_squeeze %dma_wait3A_77 : memref<1x128x128xf32, #tpu.memory_space<hbm>> -> memref<128x128xf32, #tpu.memory_space<hbm>>
      tpu.wait_dma2 semaphore(%run_scoped3A : memref<!tpu.dma_semaphore, #tpu.memory_space<semaphore_mem>>) src(%arg8 : memref<128x128xf32, #tpu.memory_space<vmem>>) dst(%dma_wait3A_78 : memref<128x128xf32, #tpu.memory_space<hbm>>)
      tpu.yield
    }) : () -> ()
    return
  }
}

module attributes {stable_mosaic.version = 14 : i64} {
  func.func @body(%arg0: memref<10240x1xf32, #tpu.memory_space<vmem>>, %arg1: memref<10240x1xf32, #tpu.memory_space<vmem>>, %arg2: memref<10240x128xf32, #tpu.memory_space<vmem>>, %arg3: memref<128x128xf32, #tpu.memory_space<vmem>>, %arg4: memref<10240x128xf32, #tpu.memory_space<vmem>>, %arg5: memref<10240x1xf32, #tpu.memory_space<vmem>>) attributes {dimension_semantics = [], scalar_prefetch = 0 : i64, scratch_operands = 0 : i64, tpu.core_type = #tpu.core_type<tc>} {
    %get3A = arith.constant 0 : index
    %get3A_0 = arith.constant 0 : index
    %get3A_1 = vector.load %arg0[%get3A, %get3A_0] : memref<10240x1xf32, #tpu.memory_space<vmem>>, vector<10240x1xf32>
    %get3A_2 = arith.constant 0 : index
    %get3A_3 = arith.constant 0 : index
    %get3A_4 = vector.load %arg1[%get3A_2, %get3A_3] : memref<10240x1xf32, #tpu.memory_space<vmem>>, vector<10240x1xf32>
    %add3A = arith.addf %get3A_1, %get3A_4 : vector<10240x1xf32>
    %add3A_5 = arith.constant 1.000000e+00 : f32
    %add3A_6 = vector.broadcast %add3A_5 : f32 to vector<10240x1xf32>
    %add3A_7 = arith.addf %add3A, %add3A_6 : vector<10240x1xf32>
    %rsqrt3A = math.rsqrt %add3A_7 : vector<10240x1xf32>
    %swap3A = arith.constant 0 : index
    %swap3A_8 = arith.constant 0 : index
    %swap3A_9 = vector.load %arg5[%swap3A, %swap3A_8] : memref<10240x1xf32, #tpu.memory_space<vmem>>, vector<10240x1xf32>
    tpu.vector_store %arg5[%swap3A, %swap3A_8], %rsqrt3A {strides = array<i32>} : memref<10240x1xf32, #tpu.memory_space<vmem>>, vector<10240x1xf32>,
    %get3A_10 = arith.constant 0 : index
    %get3A_11 = arith.constant 0 : index
    %get3A_12 = vector.load %arg2[%get3A_10, %get3A_11] : memref<10240x128xf32, #tpu.memory_space<vmem>>, vector<10240x128xf32>
    %get3A_13 = arith.constant 0 : index
    %get3A_14 = arith.constant 0 : index
    %get3A_15 = vector.load %arg3[%get3A_13, %get3A_14] : memref<128x128xf32, #tpu.memory_space<vmem>>, vector<128x128xf32>
    %dot_general3A = arith.constant dense<0.000000e+00> : vector<10240x128xf32>
    %dot_general3A_16 = tpu.matmul %get3A_12, %get3A_15, %dot_general3A {dimension_numbers = #tpu.dot_dimension_numbers<[1], [0], [0], [1], [0, 0, 1, 1], [], []>, transpose_lhs_hint = false} : vector<10240x128xf32>, vector<128x128xf32>, vector<10240x128xf32> -> vector<10240x128xf32>
    %mul3A = vector.broadcast %rsqrt3A : vector<10240x1xf32> to vector<10240x128xf32>
    %mul3A_17 = arith.mulf %dot_general3A_16, %mul3A : vector<10240x128xf32>
    %swap3A_18 = arith.constant 0 : index
    %swap3A_19 = arith.constant 0 : index
    %swap3A_20 = vector.load %arg4[%swap3A_18, %swap3A_19] : memref<10240x128xf32, #tpu.memory_space<vmem>>, vector<10240x128xf32>
    tpu.vector_store %arg4[%swap3A_18, %swap3A_19], %mul3A_17 {strides = array<i32>} : memref<10240x128xf32, #tpu.memory_space<vmem>>, vector<10240x128xf32>,
    return
  }
}

module attributes {stable_mosaic.version = 14 : i64} {
  func.func @body(%arg0: memref<2x10240x128xf32, #tpu.memory_space<vmem>>, %arg1: memref<10240x128xf32, #tpu.memory_space<vmem>>, %arg2: memref<10240x1xf32, #tpu.memory_space<vmem>>, %arg3: memref<1x128xf32, #tpu.memory_space<vmem>>, %arg4: memref<1x128xf32, #tpu.memory_space<vmem>>, %arg5: memref<1x128xf32, #tpu.memory_space<vmem>>, %arg6: memref<128x128xf32, #tpu.memory_space<vmem>>, %arg7: memref<10240x128xf32, #tpu.memory_space<vmem>>) attributes {dimension_semantics = [], scalar_prefetch = 0 : i64, scratch_operands = 0 : i64, tpu.core_type = #tpu.core_type<tc>} {
    %get3A = arith.constant 0 : index
    %get3A_0 = arith.constant 0 : index
    %get3A_1 = vector.load %arg2[%get3A, %get3A_0] : memref<10240x1xf32, #tpu.memory_space<vmem>>, vector<10240x1xf32>
    %get3A_2 = arith.constant 0 : index
    %get3A_3 = arith.constant 0 : index
    %get3A_4 = arith.constant 0 : index
    %get3A_5 = vector.load %arg0[%get3A_2, %get3A_3, %get3A_4] : memref<2x10240x128xf32, #tpu.memory_space<vmem>>, vector<1x10240x128xf32>
    %get3A_6 = vector.shape_cast %get3A_5 : vector<1x10240x128xf32> to vector<10240x128xf32>
    %get3A_7 = arith.constant 1 : index
    %get3A_8 = arith.constant 0 : index
    %get3A_9 = arith.constant 0 : index
    %get3A_10 = vector.load %arg0[%get3A_7, %get3A_8, %get3A_9] : memref<2x10240x128xf32, #tpu.memory_space<vmem>>, vector<1x10240x128xf32>
    %get3A_11 = vector.shape_cast %get3A_10 : vector<1x10240x128xf32> to vector<10240x128xf32>
    %add3A = arith.addf %get3A_6, %get3A_11 : vector<10240x128xf32>
    %get3A_12 = arith.constant 0 : index
    %get3A_13 = arith.constant 0 : index
    %get3A_14 = vector.load %arg1[%get3A_12, %get3A_13] : memref<10240x128xf32, #tpu.memory_space<vmem>>, vector<10240x128xf32>
    %add3A_15 = arith.addf %add3A, %get3A_14 : vector<10240x128xf32>
    %mul3A = vector.broadcast %get3A_1 : vector<10240x1xf32> to vector<10240x128xf32>
    %mul3A_16 = arith.mulf %mul3A, %add3A_15 : vector<10240x128xf32>
    %get3A_17 = arith.constant 0 : index
    %get3A_18 = arith.constant 0 : index
    %get3A_19 = vector.load %arg3[%get3A_17, %get3A_18] : memref<1x128xf32, #tpu.memory_space<vmem>>, vector<1x128xf32>
    %add3A_20 = vector.broadcast %get3A_19 : vector<1x128xf32> to vector<10240x128xf32>
    %add3A_21 = arith.addf %mul3A_16, %add3A_20 : vector<10240x128xf32>
    %iota3A = tpu.iota {dimensions = array<i32: 0>} : vector<10240x1xi32>
    %lt3A = arith.constant 10000 : i32
    %lt3A_22 = vector.broadcast %lt3A : i32 to vector<10240x1xi32>
    %lt3A_23 = arith.cmpi slt, %iota3A, %lt3A_22 : vector<10240x1xi32>
    %jit3A = arith.constant 0.000000e+00 : f32
    %broadcast_in_dim3A = vector.shape_cast %lt3A_23 : vector<10240x1xi1> to vector<10240x1xi1>
    %broadcast_in_dim3A_24 = vector.broadcast %broadcast_in_dim3A : vector<10240x1xi1> to vector<10240x128xi1>
    %broadcast_in_dim3A_25 = vector.broadcast %jit3A : f32 to vector<10240x128xf32>
    %select_n3A = arith.select %broadcast_in_dim3A_24, %add3A_21, %broadcast_in_dim3A_25 : vector<10240x128xi1>, vector<10240x128xf32>
    %reduce_sum3A = arith.constant dense<0.000000e+00> : vector<128xf32>
    %reduce_sum3A_26 = vector.multi_reduction <add>, %select_n3A, %reduce_sum3A [0] : vector<10240x128xf32> to vector<128xf32>
    %broadcast_in_dim3A_27 = vector.shape_cast %reduce_sum3A_26 : vector<128xf32> to vector<1x128xf32>
    %mul3A_28 = arith.constant 9.99999974E-5 : f32
    %mul3A_29 = vector.broadcast %mul3A_28 : f32 to vector<1x128xf32>
    %mul3A_30 = arith.mulf %broadcast_in_dim3A_27, %mul3A_29 : vector<1x128xf32>
    %mul3A_31 = arith.mulf %select_n3A, %add3A_21 : vector<10240x128xf32>
    %reduce_sum3A_32 = arith.constant dense<0.000000e+00> : vector<128xf32>
    %reduce_sum3A_33 = vector.multi_reduction <add>, %mul3A_31, %reduce_sum3A_32 [0] : vector<10240x128xf32> to vector<128xf32>
    %broadcast_in_dim3A_34 = vector.shape_cast %reduce_sum3A_33 : vector<128xf32> to vector<1x128xf32>
    %mul3A_35 = arith.constant 9.99999974E-5 : f32
    %mul3A_36 = vector.broadcast %mul3A_35 : f32 to vector<1x128xf32>
    %mul3A_37 = arith.mulf %broadcast_in_dim3A_34, %mul3A_36 : vector<1x128xf32>
    %mul3A_38 = arith.mulf %mul3A_30, %mul3A_30 : vector<1x128xf32>
    %sub3A = arith.subf %mul3A_37, %mul3A_38 : vector<1x128xf32>
    %sub3A_39 = vector.broadcast %mul3A_30 : vector<1x128xf32> to vector<10240x128xf32>
    %sub3A_40 = arith.subf %add3A_21, %sub3A_39 : vector<10240x128xf32>
    %add3A_41 = arith.constant 9.99999974E-6 : f32
    %add3A_42 = vector.broadcast %add3A_41 : f32 to vector<1x128xf32>
    %add3A_43 = arith.addf %sub3A, %add3A_42 : vector<1x128xf32>
    %rsqrt3A = math.rsqrt %add3A_43 : vector<1x128xf32>
    %mul3A_44 = vector.broadcast %rsqrt3A : vector<1x128xf32> to vector<10240x128xf32>
    %mul3A_45 = arith.mulf %sub3A_40, %mul3A_44 : vector<10240x128xf32>
    %get3A_46 = arith.constant 0 : index
    %get3A_47 = arith.constant 0 : index
    %get3A_48 = vector.load %arg4[%get3A_46, %get3A_47] : memref<1x128xf32, #tpu.memory_space<vmem>>, vector<1x128xf32>
    %mul3A_49 = vector.broadcast %get3A_48 : vector<1x128xf32> to vector<10240x128xf32>
    %mul3A_50 = arith.mulf %mul3A_45, %mul3A_49 : vector<10240x128xf32>
    %get3A_51 = arith.constant 0 : index
    %get3A_52 = arith.constant 0 : index
    %get3A_53 = vector.load %arg5[%get3A_51, %get3A_52] : memref<1x128xf32, #tpu.memory_space<vmem>>, vector<1x128xf32>
    %add3A_54 = vector.broadcast %get3A_53 : vector<1x128xf32> to vector<10240x128xf32>
    %add3A_55 = arith.addf %mul3A_50, %add3A_54 : vector<10240x128xf32>
    %max3A = arith.constant 0.000000e+00 : f32
    %max3A_56 = vector.broadcast %max3A : f32 to vector<10240x128xf32>
    %max3A_57 = arith.maximumf %add3A_55, %max3A_56 : vector<10240x128xf32>
    %jit3A_58 = arith.constant 0.000000e+00 : f32
    %broadcast_in_dim3A_59 = vector.shape_cast %lt3A_23 : vector<10240x1xi1> to vector<10240x1xi1>
    %broadcast_in_dim3A_60 = vector.broadcast %broadcast_in_dim3A_59 : vector<10240x1xi1> to vector<10240x128xi1>
    %broadcast_in_dim3A_61 = vector.broadcast %jit3A_58 : f32 to vector<10240x128xf32>
    %select_n3A_62 = arith.select %broadcast_in_dim3A_60, %max3A_57, %broadcast_in_dim3A_61 : vector<10240x128xi1>, vector<10240x128xf32>
    %get3A_63 = arith.constant 0 : index
    %get3A_64 = arith.constant 0 : index
    %get3A_65 = vector.load %arg6[%get3A_63, %get3A_64] : memref<128x128xf32, #tpu.memory_space<vmem>>, vector<128x128xf32>
    %dot_general3A = arith.constant dense<0.000000e+00> : vector<10240x128xf32>
    %dot_general3A_66 = tpu.matmul %select_n3A_62, %get3A_65, %dot_general3A {dimension_numbers = #tpu.dot_dimension_numbers<[1], [0], [0], [1], [0, 0, 1, 1], [], []>, transpose_lhs_hint = false} : vector<10240x128xf32>, vector<128x128xf32>, vector<10240x128xf32> -> vector<10240x128xf32>
    %mul3A_67 = vector.broadcast %get3A_1 : vector<10240x1xf32> to vector<10240x128xf32>
    %mul3A_68 = arith.mulf %dot_general3A_66, %mul3A_67 : vector<10240x128xf32>
    %swap3A = arith.constant 0 : index
    %swap3A_69 = arith.constant 0 : index
    %swap3A_70 = vector.load %arg7[%swap3A, %swap3A_69] : memref<10240x128xf32, #tpu.memory_space<vmem>>, vector<10240x128xf32>
    tpu.vector_store %arg7[%swap3A, %swap3A_69], %mul3A_68 {strides = array<i32>} : memref<10240x128xf32, #tpu.memory_space<vmem>>, vector<10240x128xf32>,
    return
  }
}

module attributes {stable_mosaic.version = 14 : i64} {
  func.func @body(%arg0: memref<2x10240x128xf32, #tpu.memory_space<vmem>>, %arg1: memref<10240x128xf32, #tpu.memory_space<vmem>>, %arg2: memref<10240x1xf32, #tpu.memory_space<vmem>>, %arg3: memref<1x128xf32, #tpu.memory_space<vmem>>, %arg4: memref<1x128xf32, #tpu.memory_space<vmem>>, %arg5: memref<1x128xf32, #tpu.memory_space<vmem>>, %arg6: memref<128x1xf32, #tpu.memory_space<vmem>>, %arg7: memref<10240x1xf32, #tpu.memory_space<vmem>>) attributes {dimension_semantics = [], scalar_prefetch = 0 : i64, scratch_operands = 0 : i64, tpu.core_type = #tpu.core_type<tc>} {
    %get3A = arith.constant 0 : index
    %get3A_0 = arith.constant 0 : index
    %get3A_1 = vector.load %arg2[%get3A, %get3A_0] : memref<10240x1xf32, #tpu.memory_space<vmem>>, vector<10240x1xf32>
    %get3A_2 = arith.constant 0 : index
    %get3A_3 = arith.constant 0 : index
    %get3A_4 = arith.constant 0 : index
    %get3A_5 = vector.load %arg0[%get3A_2, %get3A_3, %get3A_4] : memref<2x10240x128xf32, #tpu.memory_space<vmem>>, vector<1x10240x128xf32>
    %get3A_6 = vector.shape_cast %get3A_5 : vector<1x10240x128xf32> to vector<10240x128xf32>
    %get3A_7 = arith.constant 1 : index
    %get3A_8 = arith.constant 0 : index
    %get3A_9 = arith.constant 0 : index
    %get3A_10 = vector.load %arg0[%get3A_7, %get3A_8, %get3A_9] : memref<2x10240x128xf32, #tpu.memory_space<vmem>>, vector<1x10240x128xf32>
    %get3A_11 = vector.shape_cast %get3A_10 : vector<1x10240x128xf32> to vector<10240x128xf32>
    %add3A = arith.addf %get3A_6, %get3A_11 : vector<10240x128xf32>
    %get3A_12 = arith.constant 0 : index
    %get3A_13 = arith.constant 0 : index
    %get3A_14 = vector.load %arg1[%get3A_12, %get3A_13] : memref<10240x128xf32, #tpu.memory_space<vmem>>, vector<10240x128xf32>
    %add3A_15 = arith.addf %add3A, %get3A_14 : vector<10240x128xf32>
    %mul3A = vector.broadcast %get3A_1 : vector<10240x1xf32> to vector<10240x128xf32>
    %mul3A_16 = arith.mulf %mul3A, %add3A_15 : vector<10240x128xf32>
    %get3A_17 = arith.constant 0 : index
    %get3A_18 = arith.constant 0 : index
    %get3A_19 = vector.load %arg3[%get3A_17, %get3A_18] : memref<1x128xf32, #tpu.memory_space<vmem>>, vector<1x128xf32>
    %add3A_20 = vector.broadcast %get3A_19 : vector<1x128xf32> to vector<10240x128xf32>
    %add3A_21 = arith.addf %mul3A_16, %add3A_20 : vector<10240x128xf32>
    %iota3A = tpu.iota {dimensions = array<i32: 0>} : vector<10240x1xi32>
    %lt3A = arith.constant 10000 : i32
    %lt3A_22 = vector.broadcast %lt3A : i32 to vector<10240x1xi32>
    %lt3A_23 = arith.cmpi slt, %iota3A, %lt3A_22 : vector<10240x1xi32>
    %jit3A = arith.constant 0.000000e+00 : f32
    %broadcast_in_dim3A = vector.shape_cast %lt3A_23 : vector<10240x1xi1> to vector<10240x1xi1>
    %broadcast_in_dim3A_24 = vector.broadcast %broadcast_in_dim3A : vector<10240x1xi1> to vector<10240x128xi1>
    %broadcast_in_dim3A_25 = vector.broadcast %jit3A : f32 to vector<10240x128xf32>
    %select_n3A = arith.select %broadcast_in_dim3A_24, %add3A_21, %broadcast_in_dim3A_25 : vector<10240x128xi1>, vector<10240x128xf32>
    %reduce_sum3A = arith.constant dense<0.000000e+00> : vector<128xf32>
    %reduce_sum3A_26 = vector.multi_reduction <add>, %select_n3A, %reduce_sum3A [0] : vector<10240x128xf32> to vector<128xf32>
    %broadcast_in_dim3A_27 = vector.shape_cast %reduce_sum3A_26 : vector<128xf32> to vector<1x128xf32>
    %mul3A_28 = arith.constant 9.99999974E-5 : f32
    %mul3A_29 = vector.broadcast %mul3A_28 : f32 to vector<1x128xf32>
    %mul3A_30 = arith.mulf %broadcast_in_dim3A_27, %mul3A_29 : vector<1x128xf32>
    %mul3A_31 = arith.mulf %select_n3A, %add3A_21 : vector<10240x128xf32>
    %reduce_sum3A_32 = arith.constant dense<0.000000e+00> : vector<128xf32>
    %reduce_sum3A_33 = vector.multi_reduction <add>, %mul3A_31, %reduce_sum3A_32 [0] : vector<10240x128xf32> to vector<128xf32>
    %broadcast_in_dim3A_34 = vector.shape_cast %reduce_sum3A_33 : vector<128xf32> to vector<1x128xf32>
    %mul3A_35 = arith.constant 9.99999974E-5 : f32
    %mul3A_36 = vector.broadcast %mul3A_35 : f32 to vector<1x128xf32>
    %mul3A_37 = arith.mulf %broadcast_in_dim3A_34, %mul3A_36 : vector<1x128xf32>
    %mul3A_38 = arith.mulf %mul3A_30, %mul3A_30 : vector<1x128xf32>
    %sub3A = arith.subf %mul3A_37, %mul3A_38 : vector<1x128xf32>
    %sub3A_39 = vector.broadcast %mul3A_30 : vector<1x128xf32> to vector<10240x128xf32>
    %sub3A_40 = arith.subf %add3A_21, %sub3A_39 : vector<10240x128xf32>
    %add3A_41 = arith.constant 9.99999974E-6 : f32
    %add3A_42 = vector.broadcast %add3A_41 : f32 to vector<1x128xf32>
    %add3A_43 = arith.addf %sub3A, %add3A_42 : vector<1x128xf32>
    %rsqrt3A = math.rsqrt %add3A_43 : vector<1x128xf32>
    %mul3A_44 = vector.broadcast %rsqrt3A : vector<1x128xf32> to vector<10240x128xf32>
    %mul3A_45 = arith.mulf %sub3A_40, %mul3A_44 : vector<10240x128xf32>
    %get3A_46 = arith.constant 0 : index
    %get3A_47 = arith.constant 0 : index
    %get3A_48 = vector.load %arg4[%get3A_46, %get3A_47] : memref<1x128xf32, #tpu.memory_space<vmem>>, vector<1x128xf32>
    %mul3A_49 = vector.broadcast %get3A_48 : vector<1x128xf32> to vector<10240x128xf32>
    %mul3A_50 = arith.mulf %mul3A_45, %mul3A_49 : vector<10240x128xf32>
    %get3A_51 = arith.constant 0 : index
    %get3A_52 = arith.constant 0 : index
    %get3A_53 = vector.load %arg5[%get3A_51, %get3A_52] : memref<1x128xf32, #tpu.memory_space<vmem>>, vector<1x128xf32>
    %add3A_54 = vector.broadcast %get3A_53 : vector<1x128xf32> to vector<10240x128xf32>
    %add3A_55 = arith.addf %mul3A_50, %add3A_54 : vector<10240x128xf32>
    %max3A = arith.constant 0.000000e+00 : f32
    %max3A_56 = vector.broadcast %max3A : f32 to vector<10240x128xf32>
    %max3A_57 = arith.maximumf %add3A_55, %max3A_56 : vector<10240x128xf32>
    %jit3A_58 = arith.constant 0.000000e+00 : f32
    %broadcast_in_dim3A_59 = vector.shape_cast %lt3A_23 : vector<10240x1xi1> to vector<10240x1xi1>
    %broadcast_in_dim3A_60 = vector.broadcast %broadcast_in_dim3A_59 : vector<10240x1xi1> to vector<10240x128xi1>
    %broadcast_in_dim3A_61 = vector.broadcast %jit3A_58 : f32 to vector<10240x128xf32>
    %select_n3A_62 = arith.select %broadcast_in_dim3A_60, %max3A_57, %broadcast_in_dim3A_61 : vector<10240x128xi1>, vector<10240x128xf32>
    %get3A_63 = arith.constant 0 : index
    %get3A_64 = arith.constant 0 : index
    %get3A_65 = vector.load %arg6[%get3A_63, %get3A_64] : memref<128x1xf32, #tpu.memory_space<vmem>>, vector<128x1xf32>
    %dot_general3A = arith.constant dense<0.000000e+00> : vector<10240x1xf32>
    %dot_general3A_66 = tpu.matmul %select_n3A_62, %get3A_65, %dot_general3A {dimension_numbers = #tpu.dot_dimension_numbers<[1], [0], [0], [1], [0, 0, 1, 1], [], []>, transpose_lhs_hint = false} : vector<10240x128xf32>, vector<128x1xf32>, vector<10240x1xf32> -> vector<10240x1xf32>
    %mul3A_67 = arith.mulf %dot_general3A_66, %get3A_1 : vector<10240x1xf32>
    %swap3A = arith.constant 0 : index
    %swap3A_68 = arith.constant 0 : index
    %swap3A_69 = vector.load %arg7[%swap3A, %swap3A_68] : memref<10240x1xf32, #tpu.memory_space<vmem>>, vector<10240x1xf32>
    tpu.vector_store %arg7[%swap3A, %swap3A_68], %mul3A_67 {strides = array<i32>} : memref<10240x1xf32, #tpu.memory_space<vmem>>, vector<10240x1xf32>,
    return
  }
}

</mosaic_0001>

<sc_bundles>
// kernel: kernel.12.cloned.1.call-start
scs
__scs_entry_jumppad:
0x0: {  	(pc) =	sbr.rel $0x88, $3  }
0x1: {  	(tag) =	ssettag $0x0;
	lr =	simm.s32 $0x1  }
0x2: {  	[smem:$0x3F95] =	sst lr;
	_ =	strace $0xD0000000  }
0x3: {  	_ = 	snop  }
0x4: {  	_ = 	snop  }
0x5: {  	_ = 	snop  }
0x6: {  	_ = 	snop  }
0x7: {  	_ = 	snop  }
__scs_overlays_trampoline_lowered:
0x8: {  	[smem:$0x3FA4] =	sst s0  }
0x9: {  	[smem:$0x3FA5] =	sst s1  }
0xa: {  	[smem:$0x3FA6] =	sst s2  }
0xb: {  	[smem:$0x3FA7] =	sst s3  }
0xc: {  	[smem:$0x3FA8] =	sst s4  }
0xd: {  	[smem:$0x3FA9] =	sst s5  }
0xe: {  	[smem:$0x3FAA] =	sst s6  }
0xf: {  	[smem:$0x3FAB] =	sst s7  }
0x10: {  	[smem:$0x3FAC] =	sst s8  }
0x11: {  	[smem:$0x3FAD] =	sst s9;
	s0 =	simm.s32 @!p0 $0x0  }
0x12: {  	s1 =	sld [smem:$0x3F93];
	s0 =	simm.s32 @p0 $0x1  }
0x13: {  	[smem:$0x3FAE] =	sst s0;
	s0 =	simm.s32 @!p1 $0x0  }
0x14: {  	s2 =	sld [smem:$0x3F92];
	s0 =	simm.s32 @p1 $0x1  }
0x15: {  	[smem:$0x3FAF] =	sst s0;
	s0 =	simm.s32 @!p2 $0x0  }
0x16: {  	s3 =	sld [smem:$0x3FDB];
	s0 =	simm.s32 @p2 $0x1  }
0x17: {  	s4 =	simm.s32 $0x1BF5;
	[smem:$0x3FB1] =	sst s0  }
0x18: {  	s0 =	sld [smem:$0x3F94];
	_ =	swait.ge [sflag:s4], $0x0  }
0x19: {  	s7 =	sld [smem:$0x3F95]  }
0x1a: {  	s8 =	sadd.s32 $0xFFFFE003, lr  }
0x1b: {  	s9 =	sadd.s32 $0xFFFFFEF7, lr;
	s5 =	simm.s32 $0xFFFFFFFF;
	p2 =	slt.u32 s8, $0xFFFFF086  }
0x1c: {  	p1 =	slt.u32 s9, $0xF7A;
	s5 =	simm.s32 @!p2 $0x0  }
0x1d: {  	s5 =	simm.s32 @p1 $0x1;
	p0 =	seq.s32 s7, s2  }
0x1e: {  	s7 =	smul.u32 @!p0 $0xF7A, s2;
	p2 =	seq.s32 @!p0 s5, $0x0  }
0x1f: {  	s9 =	smul.u32 $0xF7A, s1;
	s8 =	simm.s32 @!p0 $0x1BF5;
	p2 =	por !p2, p0  }
0x20: {  	[sflag:s8] =	ssyncset.s32 @!p0 $0xFFFFF086;
	s6 =	sadd.s32 @!p0 s3, s7;
	s7 =	simm.s32 @!p0 $0x108  }
0x21: {  	s3 =	sadd.s32 s3, s9;
	s6 =	sadd.s32 @!p0 $0x88, s6;
	s7 =	simm.s32 @p2 $0x1082  }
0x22: {  	[simem:s7], [sflag:s8] =	dma.local @!p0 [hbm:s6], $0xF7A  }
0x23: {  	s9 =	sor.u32 $0xD0000000, s2;
	s6 =	simm.s32 $0x108;
	_ =	swait.ge @!p0 [sflag:s8], $0x0  }
0x24: {  	s3 =	sadd.s32 $0x88, s3;
	s6 =	simm.s32 @!p1 $0x1082;
	[sflag:s4] =	ssyncset.s32 $0xFFFFF086  }
0x25: {  	[simem:s6], [sflag:s4] =	dma.local [hbm:s3], $0xF7A  }
0x26: {  	[smem:$0x3F95] =	sst s1;
	(tag) =	ssettag s2;
	_ =	strace s9  }
0x27: {  	s1 =	sld [smem:$0x3FA5]  }
0x28: {  	s2 =	sld [smem:$0x3FA6]  }
0x29: {  	s4 =	sld [smem:$0x3FA8]  }
0x2a: {  	p0 =	seq.s32 s5, $0x0;
	s5 =	sld [smem:$0x3FA9]  }
0x2b: {  	s6 =	sld [smem:$0x3FAA]  }
0x2c: {  	s7 =	sld [smem:$0x3FAB]  }
0x2d: {  	s3 =	simm.s32 $0x108;
	s8 =	sld [smem:$0x3FAC]  }
0x2e: {  	s3 =	simm.s32 @!p0 $0x1082;
	s9 =	sld [smem:$0x3FAD]  }
0x2f: {  	lr =	sadd.s32 s0, s3;
	s0 =	sld [smem:$0x3FA4]  }
0x30: {  	s3 =	sld [smem:$0x3FA7]  }
0x31: {  	[smem:$0x3FB0] =	sst s10  }
0x32: {  	s10 =	sld [smem:$0x3FAE];
	_ =	sdelay $0x3  }
0x33: {  	p0 =	seq.s32 s10, $0x1;
	s10 =	sld [smem:$0x3FB0];
	_ =	sdelay $0x3  }
0x34: {  	[smem:$0x3FB0] =	sst s10  }
0x35: {  	s10 =	sld [smem:$0x3FAF];
	_ =	sdelay $0x3  }
0x36: {  	p1 =	seq.s32 s10, $0x1;
	s10 =	sld [smem:$0x3FB0];
	_ =	sdelay $0x3  }
0x37: {  	[smem:$0x3FB0] =	sst s10  }
0x38: {  	s10 =	sld [smem:$0x3FB1]  }
0x39: {  	_ = 	snop;
	(pc) =	sbr.ind lr, $3  }
0x3a: {  	_ = 	snop  }
0x3b: {  	_ = 	snop  }
0x3c: {  	p2 =	seq.s32 s10, $0x1;
	s10 =	sld [smem:$0x3FB0]  }
0x3d: {  	_ =	shalt  }
0x3e: {  	_ =	shalt  }
0x3f: {  	_ =	shalt  }
0x40: {  	_ =	shalt  }
0x41: {  	_ =	shalt  }
0x42: {  	_ =	shalt  }
0x43: {  	_ =	shalt  }
0x44: {  	_ =	shalt  }
0x45: {  	_ =	shalt  }
0x46: {  	_ =	shalt  }
0x47: {  	_ =	shalt  }
0x48: {  	_ =	shalt  }
0x49: {  	_ =	shalt  }
0x4a: {  	_ =	shalt  }
0x4b: {  	_ =	shalt  }
0x4c: {  	_ =	shalt  }
0x4d: {  	_ =	shalt  }
0x4e: {  	_ =	shalt  }
0x4f: {  	_ =	shalt  }
0x50: {  	_ =	shalt  }
0x51: {  	_ =	shalt  }
0x52: {  	_ =	shalt  }
0x53: {  	_ =	shalt  }
0x54: {  	_ =	shalt  }
0x55: {  	_ =	shalt  }
0x56: {  	_ =	shalt  }
0x57: {  	_ =	shalt  }
0x58: {  	_ =	shalt  }
0x59: {  	_ =	shalt  }
0x5a: {  	_ =	shalt  }
0x5b: {  	_ =	shalt  }
0x5c: {  	_ =	shalt  }
0x5d: {  	_ =	shalt  }
0x5e: {  	_ =	shalt  }
0x5f: {  	_ =	shalt  }
0x60: {  	_ =	shalt  }
0x61: {  	_ =	shalt  }
0x62: {  	_ =	shalt  }
0x63: {  	_ =	shalt  }
0x64: {  	_ =	shalt  }
0x65: {  	_ =	shalt  }
0x66: {  	_ =	shalt  }
0x67: {  	_ =	shalt  }
0x68: {  	_ =	shalt  }
0x69: {  	_ =	shalt  }
0x6a: {  	_ =	shalt  }
0x6b: {  	_ =	shalt  }
0x6c: {  	_ =	shalt  }
0x6d: {  	_ =	shalt  }
0x6e: {  	_ =	shalt  }
0x6f: {  	_ =	shalt  }
0x70: {  	_ =	shalt  }
0x71: {  	_ =	shalt  }
0x72: {  	_ =	shalt  }
0x73: {  	_ =	shalt  }
0x74: {  	_ =	shalt  }
0x75: {  	_ =	shalt  }
0x76: {  	_ =	shalt  }
0x77: {  	_ =	shalt  }
0x78: {  	_ =	shalt  }
0x79: {  	_ =	shalt  }
0x7a: {  	_ =	shalt  }
0x7b: {  	_ =	shalt  }
0x7c: {  	_ =	shalt  }
0x7d: {  	_ =	shalt  }
0x7e: {  	_ =	shalt  }
0x7f: {  	_ =	shalt  }
0x80: {  	_ =	shalt  }
0x81: {  	_ =	shalt  }
0x82: {  	_ =	shalt  }
0x83: {  	_ =	shalt  }
0x84: {  	_ =	shalt  }
0x85: {  	_ =	shalt  }
0x86: {  	_ =	shalt  }
0x87: {  	_ =	shalt  }
.Lfunc_end0:
.L_simem_size_0:
called_computation.1_lowered:
.L_overlay_start_0:
0x88: {  	s2 =	sld [smem:$0x3FD9]  }
0x89: {  	s3 =	sld [smem:$0x3FFE];
	_ =	sdelay $0x1  }
0x8a: {  	s1 =	srdreg.scid  }
0x8b: {  	s0 =	sand.u32 $0x1, s1  }
0x8c: {  	s16 =	sshll.u32 s0, $0xA;
	s2 =	sadd.s32 s3, s2  }
0x8d: {  	s2 =	sadd.s32 s2, s16  }
0x8e: {  	[smem:$0x3FBC] =	sst s2  }
0x8f: {  	_ = 	snop  }
0x90: {  	(tm) =	ssettm $0x1  }
0x91: {  	s17 =	sld [smem:$0x3FFB];
	_ =	sdelay $0x3  }
0x92: {  	_ =	strace s17  }
0x93: {  	s2 =	sld [smem:$0x3FFC];
	_ =	sdelay $0x3  }
0x94: {  	_ =	strace s2  }
0x95: {  	s2 =	sld [smem:$0x3FFD];
	_ =	sdelay $0x3  }
0x96: {  	_ =	strace s2  }
0x97: {  	_ =	strace $0x8FFFFFFF  }
0x98: {  	s18 =	sld [smem:$0x3FDB];
	_ =	sdelay $0x1  }
0x99: {  	s19 =	simm.s32 $_scs_section_size  }
0x9a: {  	s4 =	simm.s32 $_size__tile_overlayer_lowered;
	s5 =	simm.s32 $_tile_overlayer_lowered  }
0x9b: {  	s22 =	simm.s32 $0x1BFF;
	s21 =	sshll.u32 s5, $0x1;
	s2 =	sadd.s32 s19, s18  }
0x9c: {  	s6 =	simm.s32 $0x0;
	s20 =	sshll.u32 s4, $0x1;
	s4 =	sadd.s32 s21, s2  }
0x9d: {  	[timem:s6], [sflag:s22] =	dma.local [hbm:s4], s20  }
0x9e: {  	_ =	swait.ge [sflag:s22], s20  }
0x9f: {  	s3 =	ssub.s32 $0x0, s20;
	[sflag:s22] =	ssyncset.done $0x0  }
0xa0: {  	[sflag:s22] =	ssyncadd.s32 s3;
	_ =	sdelay $0x1  }
0xa1: {  	s23 =	simm.s32 $0x1B8B  }
0xa2: {  	_ =	swait.ge [sflag:s23], $0x1  }
0xa3: {  	[sflag:s23] =	ssyncset.done $0x0  }
0xa4: {  	s25 =	simm.s32 $0x1B8E;
	s24 =	sld [smem:$0x3FFE];
	[sflag:s23] =	ssyncadd.s32 $0xFFFFFFFF  }
0xa5: {  	s26 =	simm.s32 $execute0_lowered;
	[smem:$0x3FD2] =	sst s25  }
0xa6: {  	s4 =	sshll.u32 s26, $0x1;
	_ =	strace $0x80000049;
	[dreg:$0x1] =	wrdreg $0xFFFFFFFF  }
0xa7: {  	s28 =	simm.s32 $_size_execute0_lowered;
	s2 =	sadd.s32 s2, s4;
	[dreg:$0x0] =	wrdreg $0x0  }
0xa8: {  	s4 =	sshll.u32 s28, $0x1;
	[dreg:$0x2] =	wrdreg s2  }
0xa9: {  	[dreg:$0x3] =	wrdreg s4  }
0xaa: {  	[dreg:$0x4] =	wrdreg $0xC0  }
0xab: {  	_ =	task [dreg:s6], $0x5FFFF  }
0xac: {  	[dreg:$0x1] =	wrdreg $0xFFFFFFFF  }
0xad: {  	[dreg:$0x0] =	wrdreg $0x60  }
0xae: {  	[dreg:$0x2] =	wrdreg s24  }
0xaf: {  	[dreg:$0x3] =	wrdreg $0x88000  }
0xb0: {  	[dreg:$0x4] =	wrdreg $0x9  }
0xb1: {  	_ =	task.clear_ibuf [dreg:s6], $0x5FFFF;
	_ =	strace $0x90000049  }
0xb2: {  	s29 =	simm.s32 $0x9;
	_ =	strace $0x8000004B  }
0xb3: {  	_ =	swait.ge [sflag:s29], $0x1  }
0xb4: {  	[sflag:s29] =	ssyncadd.s32 $0xFFFFFFFF  }
0xb5: {  	_ =	strace $0x9000004B  }
0xb6: {  	_ =	sfence  }
0xb7: {  	s30 =	sld [smem:$0x0];
	_ =	sdelay $0x2  }
0xb8: {  	s31 =	sshll.u32 s1, $0xD;
	s1 =	sshrl.u32 s1, $0x2  }
0xb9: {  	s3 =	sand.u32 $0x4000, s31;
	s1 =	sadd.s32 s1, s30  }
0xba: {  	s0 =	sor.u32 s3, s0;
	s1 =	sshll.u32 s1, $0x11  }
0xbb: {  	s0 =	sor.u32 s1, s0  }
0xbc: {  	s0 =	sadd.s32 $0x8F2B, s0  }
0xbd: {  	[sflag:s0] =	ssyncadd.remote.s32 $0x1  }
0xbe: {  	_ =	sfence.sel $0xFFFF  }
0xbf: {  	[dreg:$0x0] =	wrdreg $0xFFFFFFFF;
	(pc) =	sbr.abs _section_cstart, $3  }
0xc0: {  	[dreg:$0x1] =	wrdreg $0xFFFFFFFF  }
0xc1: {  	_ =	task.clear_ibuf [dreg:s6], $0x2FFFF;
	_ =	strace $0x9FFFFFFF  }
0xc2: {  	(tm) =	ssettm $0x7FFFFFFF  }
0xc3: {  	_ =	shalt  }
tec
execute0_lowered:
.L_overlay_start_1:
0x0: {  	(tag) =	ssettag $0x1  }
0x1: {  	s0 =	rddreg [dreg:$0x0]  }
0x2: {  	s1 =	rddreg [dreg:$0x1];
	s2 =	simm.s32 $0x0;
	s3 =	srdreg.scid  }
0x3: {  	s15 =	stileid.u32;
	s28 =	simm.s32 $0x3;
	s29 =	simm.s32 $0x200  }
0x4: {  	s30 =	simm.s32 $0x4;
	s31 =	simm.s32 $0x180;
	[smem:$0x7FF] =	sst s2  }
0x5: {  	s4 =	sadd.s32 $0x17200, s0;
	s5 =	sadd.s32 $0x3FE00, s0;
	s7 =	smul.u32 $0x50000, s15  }
0x6: {  	s3 =	sand.u32 $0x1, s3;
	s6 =	sadd.s32 $0x3F200, s0;
	s10 =	smul.u32 $0x14000, s15  }
0x7: {  	s0 =	sadd.s32 $0x53E00, s0;
	s9 =	sshll.u32 s15, $0x1;
	s19 =	smul.u32 $0xA000, s15  }
0x8: {  	s15 =	simm.s32 $0x580;
	_ =	strace $0x8000004A;
	[dreg:$0x3] =	wrdreg s6  }
0x9: {  	s21 =	ssub.s32 $0x2, s3;
	s9 =	sor.u32 s3, s9;
	s13 =	smul.u32 $0x140000, s3  }
0xa: {  	s3 =	smul.u32 $0x5000, s3;
	s8 =	sshrl.u32 s21, $0x1;
	s7 =	sshrl.u32 s7, $0x2  }
0xb: {  	s22 =	smul.u32 $0x5000, s9;
	s23 =	sadd.s32 $0x4000, s10;
	s12 =	sadd.s32 $0x8000, s10  }
0xc: {  	s14 =	sadd.s32 $0xC000, s10;
	s6 =	ssub.s32 s21, s8;
	s7 =	sadd.s32 s7, s1  }
0xd: {  	s24 =	sadd.s32 s23, s1;
	s25 =	sadd.s32 s12, s1;
	s9 =	sadd.s32 s14, s1  }
0xe: {  	s11 =	sadd.s32 s10, s13;
	s10 =	sadd.s32 $0x10000, s10;
	s18 =	sadd.s32 s13, s12  }
0xf: {  	s21 =	sadd.s32 s13, s14;
	s3 =	sadd.s32 s3, s19;
	[dreg:$0x4] =	wrdreg s7  }
0x10: {  	s12 =	simm.s32 $0x380;
	s14 =	simm.s32 $0x600;
	[dreg:$0x5] =	wrdreg s24  }
0x11: {  	[dreg:$0x6] =	wrdreg s25;
	s7 =	sshrl.u32 s22, $0x3;
	s26 =	sshrl.u32 s11, $0x3  }
0x12: {  	s11 =	sadd.s32 s10, s1;
	s8 =	sshrl.u32 s18, $0x3;
	s22 =	sadd.s32 s13, s10  }
0x13: {  	s24 =	sor.u32 $0xC00, s3;
	s3 =	sor.u32 $0x800, s3;
	s6 =	smax.u32 s6, $0x1  }
0x14: {  	s10 =	simm.s32 $0x480;
	s18 =	simm.s32 $0x780;
	[dreg:$0x7] =	wrdreg s9  }
0x15: {  	s17 =	sadd.s32 s5, s7;
	s7 =	sadd.s32 s0, s26;
	[dreg:$0x10] =	wrdreg s6  }
0x16: {  	s20 =	sadd.s32 s0, s8;
	s25 =	sshrl.u32 s24, $0x3;
	[dreg:$0x9] =	wrdreg s11  }
0x17: {  	s26 =	sshrl.u32 s3, $0x3;
	s24 =	simm.s32 $0x80;
	[dreg:$0x8] =	wrdreg s17  }
0x18: {  	s3 =	simm.s32 $0x280;
	s6 =	simm.s32 $0x1;
	[dreg:$0xb] =	wrdreg s7  }
0x19: {  	s16 =	sadd.s32 $0x80, s17;
	s17 =	sadd.s32 s13, s23;
	[dreg:$0xd] =	wrdreg s20  }
0x1a: {  	s23 =	sshrl.u32 s22, $0x3;
	s19 =	sadd.s32 s25, s5;
	s20 =	sadd.s32 s26, s5  }
0x1b: {  	s22 =	simm.s32 $0x5;
	s25 =	simm.s32 $0x100;
	s26 =	simm.s32 $0x4800  }
0x1c: {  	s5 =	simm.s32 $0x2;
	s13 =	simm.s32 $0x500;
	s7 =	sshrl.u32 s17, $0x3  }
.Ltmp0:
0x1d: {  	[dreg:$0xa] =	wrdreg s16;
	s7 =	sadd.s32 s0, s7;
	(pc) =	sbr.rel .LBB2_1-.Ltmp0, $4  }
0x1e: {  	s16 =	simm.s32 $0x700;
	[dreg:$0xc] =	wrdreg s7;
	s7 =	sshrl.u32 s21, $0x3  }
0x1f: {  	s17 =	simm.s32 $0x680;
	s21 =	simm.s32 $0x800;
	s7 =	sadd.s32 s0, s7  }
0x20: {  	s0 =	sadd.s32 s0, s23;
	s23 =	simm.s32 $0x400;
	[dreg:$0xe] =	wrdreg s7  }
0x21: {  	[dreg:$0xf] =	wrdreg s0;
	s0 =	simm.s32 $0x300;
	s7 =	simm.s32 $0x0  }
.LBB2_4:
0x22: {  	_ =	swait.ge [sflag:s30], $0x4000  }
0x23: {  	[sflag:s30] =	ssyncset.done $0x0  }
0x24: {  	[sflag:s30] =	ssyncadd.s32 $0xFFFFC000  }
0x25: {  	[spmem:s1] =	stream.indirect.scatter.add.f32 [tilespmem:s26], [sflag:$0x5], $0x80, s18, s24, $0xb8;
	[tilespmem:$0x1C800] =	vst v63  }
0x26: {  	_ =	swait.ge [sflag:s22], $0x4000  }
0x27: {  	[sflag:s22] =	ssyncset.done $0x0  }
0x28: {  	[sflag:s22] =	ssyncadd.s32 $0xFFFFC000  }
0x29: {  	[bflag:$0x0] =	sbarrier.arrive $0xFFFF  }
0x2a: {  	s8 =	rddreg [dreg:$0x4]  }
0x2b: {  	[tilespmem:s21], [sflag:$0x5] =	stream.linear.gather [spmem:s8], $0x4000, $0x38;
	[tilespmem:$0x1C800] =	vst v63  }
0x2c: {  	_ =	swait.ge [sflag:s22], $0x4000  }
0x2d: {  	[sflag:s22] =	ssyncset.done $0x0  }
0x2e: {  	s9 =	rddreg [dreg:$0xb];
	[sflag:s22] =	ssyncadd.s32 $0xFFFFC000  }
0x2f: {  	[hbm4b:s9+s2] =	stream.linear.scatter [tilespmem:s21], [sflag:$0x5], $0x4000, $0x38;
	[tilespmem:$0x1C800] =	vst v63  }
0x30: {  	_ =	swait.ge [sflag:s22], $0x4000  }
0x31: {  	[sflag:s22] =	ssyncset.done $0x0  }
0x32: {  	s11 =	rddreg [dreg:$0x5];
	[sflag:s22] =	ssyncadd.s32 $0xFFFFC000  }
0x33: {  	[tilespmem:s21], [sflag:$0x5] =	stream.linear.gather [spmem:s11], $0x4000, $0x38;
	[tilespmem:$0x1C800] =	vst v63  }
0x34: {  	_ =	swait.ge [sflag:s22], $0x4000  }
0x35: {  	[sflag:s22] =	ssyncset.done $0x0  }
0x36: {  	s9 =	rddreg [dreg:$0xc];
	[sflag:s22] =	ssyncadd.s32 $0xFFFFC000  }
0x37: {  	[hbm4b:s9+s2] =	stream.linear.scatter [tilespmem:s21], [sflag:$0x5], $0x4000, $0x38;
	[tilespmem:$0x1C800] =	vst v63  }
0x38: {  	_ =	swait.ge [sflag:s22], $0x4000  }
0x39: {  	[sflag:s22] =	ssyncset.done $0x0  }
0x3a: {  	s11 =	rddreg [dreg:$0x6];
	[sflag:s22] =	ssyncadd.s32 $0xFFFFC000  }
0x3b: {  	[tilespmem:s21], [sflag:$0x5] =	stream.linear.gather [spmem:s11], $0x4000, $0x38;
	[tilespmem:$0x1C800] =	vst v63  }
0x3c: {  	_ =	swait.ge [sflag:s22], $0x4000  }
0x3d: {  	[sflag:s22] =	ssyncset.done $0x0  }
0x3e: {  	s9 =	rddreg [dreg:$0xd];
	[sflag:s22] =	ssyncadd.s32 $0xFFFFC000  }
0x3f: {  	[hbm4b:s9+s2] =	stream.linear.scatter [tilespmem:s21], [sflag:$0x5], $0x4000, $0x38;
	[tilespmem:$0x1C800] =	vst v63  }
0x40: {  	_ =	swait.ge [sflag:s22], $0x4000  }
0x41: {  	[sflag:s22] =	ssyncset.done $0x0  }
0x42: {  	s9 =	rddreg [dreg:$0x7];
	[sflag:s22] =	ssyncadd.s32 $0xFFFFC000  }
0x43: {  	[tilespmem:s21], [sflag:$0x5] =	stream.linear.gather [spmem:s9], $0x4000, $0x38;
	[tilespmem:$0x1C800] =	vst v63  }
0x44: {  	_ =	swait.ge [sflag:s22], $0x4000  }
0x45: {  	[sflag:s22] =	ssyncset.done $0x0  }
0x46: {  	s11 =	rddreg [dreg:$0xe];
	[sflag:s22] =	ssyncadd.s32 $0xFFFFC000  }
0x47: {  	[hbm4b:s11+s2] =	stream.linear.scatter [tilespmem:s21], [sflag:$0x5], $0x4000, $0x38;
	[tilespmem:$0x1C800] =	vst v63  }
0x48: {  	_ =	swait.ge [sflag:s22], $0x4000  }
0x49: {  	[sflag:s22] =	ssyncset.done $0x0  }
0x4a: {  	s11 =	rddreg [dreg:$0x9];
	[sflag:s22] =	ssyncadd.s32 $0xFFFFC000  }
0x4b: {  	[tilespmem:s21], [sflag:$0x5] =	stream.linear.gather [spmem:s11], $0x4000, $0x38;
	[tilespmem:$0x1C800] =	vst v63  }
0x4c: {  	_ =	swait.ge [sflag:s22], $0x4000  }
0x4d: {  	[sflag:s22] =	ssyncset.done $0x0  }
0x4e: {  	s8 =	rddreg [dreg:$0xf];
	[sflag:s22] =	ssyncadd.s32 $0xFFFFC000  }
0x4f: {  	[hbm4b:s8+s2] =	stream.linear.scatter [tilespmem:s21], [sflag:$0x5], $0x4000, $0x38;
	[tilespmem:$0x1C800] =	vst v63  }
0x50: {  	_ =	swait.ge [sflag:s22], $0x4000  }
0x51: {  	s7 =	sadd.s32 $0x1, s7;
	s8 =	rddreg [dreg:$0x10]  }
0x52: {  	p0 =	sne.s32 s7, s8  }
.Ltmp1:
0x53: {  	_ = 	snop;
	(pc) =	sbr.rel @!p0 .LBB2_5-.Ltmp1, $3  }
0x54: {  	_ =	sdelay $0x1  }
0x55: {  	[sflag:s22] =	ssyncset.done $0x0  }
0x56: {  	[sflag:s22] =	ssyncadd.s32 $0xFFFFC000  }
.LBB2_1:
0x57: {  	s8 =	rddreg [dreg:$0x3]  }
0x58: {  	[tilespmem:s21], [sflag:$0x5] =	stream.linear.gather [hbm4b:s8+s2], $0x4000, $0x38;
	[tilespmem:$0x1C800] =	vst v63  }
0x59: {  	_ =	swait.ge [sflag:s22], $0x4000  }
0x5a: {  	[sflag:s22] =	ssyncset.done $0x0  }
0x5b: {  	s8 =	rddreg [dreg:$0x4];
	[sflag:s22] =	ssyncadd.s32 $0xFFFFC000  }
0x5c: {  	[spmem:s8] =	stream.linear.scatter [tilespmem:s21], [sflag:$0x5], $0x4000, $0x38;
	[tilespmem:$0x1C800] =	vst v63  }
0x5d: {  	_ =	swait.ge [sflag:s22], $0x4000  }
0x5e: {  	[sflag:s22] =	ssyncset.done $0x0  }
0x5f: {  	s8 =	rddreg [dreg:$0x5];
	[sflag:s22] =	ssyncadd.s32 $0xFFFFC000  }
0x60: {  	[spmem:s8] =	stream.linear.scatter [tilespmem:s21], [sflag:$0x5], $0x4000, $0x38;
	[tilespmem:$0x1C800] =	vst v63  }
0x61: {  	_ =	swait.ge [sflag:s22], $0x4000  }
0x62: {  	[sflag:s22] =	ssyncset.done $0x0  }
0x63: {  	s8 =	rddreg [dreg:$0x6];
	[sflag:s22] =	ssyncadd.s32 $0xFFFFC000  }
0x64: {  	[spmem:s8] =	stream.linear.scatter [tilespmem:s21], [sflag:$0x5], $0x4000, $0x38;
	[tilespmem:$0x1C800] =	vst v63  }
0x65: {  	_ =	swait.ge [sflag:s22], $0x4000  }
0x66: {  	[sflag:s22] =	ssyncset.done $0x0  }
0x67: {  	[sflag:s22] =	ssyncadd.s32 $0xFFFFC000  }
0x68: {  	[spmem:s9] =	stream.linear.scatter [tilespmem:s21], [sflag:$0x5], $0x4000, $0x38;
	[tilespmem:$0x1C800] =	vst v63  }
0x69: {  	_ =	swait.ge [sflag:s22], $0x4000  }
0x6a: {  	[sflag:s22] =	ssyncset.done $0x0  }
0x6b: {  	[sflag:s22] =	ssyncadd.s32 $0xFFFFC000  }
0x6c: {  	[spmem:s11] =	stream.linear.scatter [tilespmem:s21], [sflag:$0x5], $0x4000, $0x38;
	[tilespmem:$0x1C800] =	vst v63  }
0x6d: {  	_ =	swait.ge [sflag:s22], $0x4000  }
0x6e: {  	[sflag:s22] =	ssyncset.done $0x0  }
0x6f: {  	[sflag:s22] =	ssyncadd.s32 $0xFFFFC000  }
0x70: {  	[bflag:$0x0] =	sbarrier.arrive $0xFFFF  }
0x71: {  	s9 =	rddreg [dreg:$0x8]  }
0x72: {  	[tilespmem:s2], [sflag:$0x5] =	stream.linear.gather [hbm4b:s9+s2], $0x400, $0x38;
	[tilespmem:$0x1C800] =	vst v63  }
0x73: {  	_ =	swait.ge [sflag:s22], $0x400  }
0x74: {  	[sflag:s22] =	ssyncset.done $0x0  }
0x75: {  	s11 =	rddreg [dreg:$0xa];
	[sflag:s22] =	ssyncadd.s32 $0xFFFFFC00  }
0x76: {  	[tilespmem:s23], [sflag:$0x2] =	stream.linear.gather [hbm4b:s11+s2], $0x400, $0x38;
	[tilespmem:$0x1C800] =	vst v63  }
0x77: {  	_ = 	snop  }
0x78: {  	[tilespmem:s21], [sflag:$0x3] =	stream.indirect.gather [hbm4b:s4+s24], $0x80, s2, s24, $0xb8;
	[tilespmem:$0x1C800] =	vst v63  }
0x79: {  	s8 =	simm.s32 $0x0  }
0x7a: {  	[tilespmem:s26], [sflag:$0x4] =	stream.indirect.gather [hbm4b:s4+s24], $0x80, s25, s24, $0xb8;
	[tilespmem:$0x1C800] =	vst v63  }
.LBB2_2:
0x7b: {  	_ =	swait.ge [sflag:s28], $0x4000  }
0x7c: {  	[sflag:s28] =	ssyncset.done $0x0  }
0x7d: {  	[sflag:s28] =	ssyncadd.s32 $0xFFFFC000  }
0x7e: {  	[spmem:s1] =	stream.indirect.scatter.add.f32 [tilespmem:s21], [sflag:$0x5], $0x80, s24, s24, $0xb8;
	[tilespmem:$0x1C800] =	vst v63  }
0x7f: {  	_ =	swait.ge [sflag:s22], $0x4000  }
0x80: {  	[sflag:s22] =	ssyncset.done $0x0  }
0x81: {  	[sflag:s22] =	ssyncadd.s32 $0xFFFFC000  }
0x82: {  	[tilespmem:s21], [sflag:$0x3] =	stream.indirect.gather [hbm4b:s4+s24], $0x80, s29, s24, $0xb8;
	[tilespmem:$0x1C800] =	vst v63  }
0x83: {  	_ =	swait.ge [sflag:s30], $0x4000  }
0x84: {  	[sflag:s30] =	ssyncset.done $0x0  }
0x85: {  	[sflag:s30] =	ssyncadd.s32 $0xFFFFC000  }
0x86: {  	[spmem:s1] =	stream.indirect.scatter.add.f32 [tilespmem:s26], [sflag:$0x5], $0x80, s31, s24, $0xb8;
	[tilespmem:$0x1C800] =	vst v63  }
0x87: {  	_ =	swait.ge [sflag:s22], $0x4000  }
0x88: {  	[sflag:s22] =	ssyncset.done $0x0  }
0x89: {  	[sflag:s22] =	ssyncadd.s32 $0xFFFFC000  }
0x8a: {  	[tilespmem:s26], [sflag:$0x4] =	stream.indirect.gather [hbm4b:s4+s24], $0x80, s0, s24, $0xb8;
	[tilespmem:$0x1C800] =	vst v63  }
0x8b: {  	_ =	swait.ge [sflag:s28], $0x4000  }
0x8c: {  	[sflag:s28] =	ssyncset.done $0x0  }
0x8d: {  	[sflag:s28] =	ssyncadd.s32 $0xFFFFC000  }
0x8e: {  	[spmem:s1] =	stream.indirect.scatter.add.f32 [tilespmem:s21], [sflag:$0x5], $0x80, s3, s24, $0xb8;
	[tilespmem:$0x1C800] =	vst v63  }
0x8f: {  	_ =	swait.ge [sflag:s22], $0x4000  }
0x90: {  	[sflag:s22] =	ssyncset.done $0x0  }
0x91: {  	[sflag:s22] =	ssyncadd.s32 $0xFFFFC000  }
0x92: {  	_ =	swait.ge [sflag:s5], $0x400  }
0x93: {  	[sflag:s5] =	ssyncset.done $0x0  }
0x94: {  	[sflag:s5] =	ssyncadd.s32 $0xFFFFFC00  }
0x95: {  	[tilespmem:s21], [sflag:$0x3] =	stream.indirect.gather [hbm4b:s4+s24], $0x80, s23, s24, $0xb8;
	[tilespmem:$0x1C800] =	vst v63  }
0x96: {  	_ =	swait.ge [sflag:s30], $0x4000  }
0x97: {  	[sflag:s30] =	ssyncset.done $0x0  }
0x98: {  	[sflag:s30] =	ssyncadd.s32 $0xFFFFC000  }
0x99: {  	[spmem:s1] =	stream.indirect.scatter.add.f32 [tilespmem:s26], [sflag:$0x5], $0x80, s12, s24, $0xb8;
	[tilespmem:$0x1C800] =	vst v63  }
0x9a: {  	_ =	swait.ge [sflag:s22], $0x4000  }
0x9b: {  	[sflag:s22] =	ssyncset.done $0x0  }
0x9c: {  	p0 =	seq.s32 s8, $0x900;
	[sflag:s22] =	ssyncadd.s32 $0xFFFFC000  }
0x9d: {  	[tilespmem:s26], [sflag:$0x4] =	stream.indirect.gather [hbm4b:s4+s24], $0x80, s13, s24, $0xb8;
	[tilespmem:$0x1C800] =	vst v63  }
0x9e: {  	s9 =	sadd.s32 @!p0 s8, s20;
	s11 =	simm.s32 @!p0 $0x0  }
0x9f: {  	[tilespmem:s11], [sflag:$0x1] =	stream.linear.gather @!p0 [hbm4b:s9+s11], $0x400, $0x38;
	[tilespmem:$0x1C800] =	vst v63  }
0xa0: {  	_ =	swait.ge [sflag:s28], $0x4000  }
0xa1: {  	[sflag:s28] =	ssyncset.done $0x0  }
0xa2: {  	[sflag:s28] =	ssyncadd.s32 $0xFFFFC000  }
0xa3: {  	[spmem:s1] =	stream.indirect.scatter.add.f32 [tilespmem:s21], [sflag:$0x5], $0x80, s10, s24, $0xb8;
	[tilespmem:$0x1C800] =	vst v63  }
0xa4: {  	_ =	swait.ge [sflag:s22], $0x4000  }
0xa5: {  	[sflag:s22] =	ssyncset.done $0x0  }
0xa6: {  	[sflag:s22] =	ssyncadd.s32 $0xFFFFC000  }
0xa7: {  	[tilespmem:s21], [sflag:$0x3] =	stream.indirect.gather [hbm4b:s4+s24], $0x80, s14, s24, $0xb8;
	[tilespmem:$0x1C800] =	vst v63  }
0xa8: {  	_ =	swait.ge [sflag:s30], $0x4000  }
0xa9: {  	[sflag:s30] =	ssyncset.done $0x0  }
0xaa: {  	[sflag:s30] =	ssyncadd.s32 $0xFFFFC000  }
0xab: {  	[spmem:s1] =	stream.indirect.scatter.add.f32 [tilespmem:s26], [sflag:$0x5], $0x80, s15, s24, $0xb8;
	[tilespmem:$0x1C800] =	vst v63  }
0xac: {  	_ =	swait.ge [sflag:s22], $0x4000  }
0xad: {  	[sflag:s22] =	ssyncset.done $0x0  }
0xae: {  	[sflag:s22] =	ssyncadd.s32 $0xFFFFC000  }
0xaf: {  	[tilespmem:s26], [sflag:$0x4] =	stream.indirect.gather [hbm4b:s4+s24], $0x80, s16, s24, $0xb8;
	[tilespmem:$0x1C800] =	vst v63  }
0xb0: {  	_ =	swait.ge [sflag:s28], $0x4000  }
0xb1: {  	[sflag:s28] =	ssyncset.done $0x0  }
.Ltmp2:
0xb2: {  	[sflag:s28] =	ssyncadd.s32 $0xFFFFC000;
	(pc) =	sbr.rel @p0 .LBB2_4-.Ltmp2, $4  }
0xb3: {  	[spmem:s1] =	stream.indirect.scatter.add.f32 [tilespmem:s21], [sflag:$0x5], $0x80, s17, s24, $0xb8;
	[tilespmem:$0x1C800] =	vst v63  }
0xb4: {  	_ =	swait.ge [sflag:s22], $0x4000  }
0xb5: {  	[sflag:s22] =	ssyncset.done $0x0  }
0xb6: {  	[sflag:s22] =	ssyncadd.s32 $0xFFFFC000  }
0xb7: {  	_ =	swait.ge [sflag:s6], $0x400  }
0xb8: {  	[sflag:s6] =	ssyncset.done $0x0  }
0xb9: {  	[sflag:s6] =	ssyncadd.s32 $0xFFFFFC00  }
0xba: {  	[tilespmem:s21], [sflag:$0x3] =	stream.indirect.gather [hbm4b:s4+s24], $0x80, s2, s24, $0xb8;
	[tilespmem:$0x1C800] =	vst v63  }
0xbb: {  	_ =	swait.ge [sflag:s30], $0x4000  }
0xbc: {  	[sflag:s30] =	ssyncset.done $0x0  }
0xbd: {  	[sflag:s30] =	ssyncadd.s32 $0xFFFFC000  }
0xbe: {  	[spmem:s1] =	stream.indirect.scatter.add.f32 [tilespmem:s26], [sflag:$0x5], $0x80, s18, s24, $0xb8;
	[tilespmem:$0x1C800] =	vst v63  }
0xbf: {  	_ =	swait.ge [sflag:s22], $0x4000  }
.Ltmp3:
0xc0: {  	[sflag:s22] =	ssyncset.done $0x0;
	(pc) =	sbr.rel .LBB2_2-.Ltmp3, $4  }
0xc1: {  	[sflag:s22] =	ssyncadd.s32 $0xFFFFC000  }
0xc2: {  	[tilespmem:s26], [sflag:$0x4] =	stream.indirect.gather [hbm4b:s4+s24], $0x80, s25, s24, $0xb8;
	[tilespmem:$0x1C800] =	vst v63  }
0xc3: {  	s9 =	sadd.s32 s8, s19;
	s8 =	sadd.s32 $0x100, s8  }
0xc4: {  	[tilespmem:s23], [sflag:$0x2] =	stream.linear.gather [hbm4b:s9+s2], $0x400, $0x38;
	[tilespmem:$0x1C800] =	vst v63  }
.LBB2_5:
0xc5: {  	_ =	sfence.sel $0x180000  }
0xc6: {  	[bflag:$0x0] =	sbarrier.arrive $0xFFFF  }
0xc7: {  	_ =	strace $0x9000004A  }
0xc8: {  	s0 =	stileid.u32;
	[bflag:$0x2] =	sbarrier.arrive $0xFFFF  }
0xc9: {  	p0 =	sne.s32 s0, $0x0;
	s0 =	rddreg [dreg:$0x2]  }
0xca: {  	s0 =	sadd.s32 @!p0 $0x100000, s0  }
0xcb: {  	[sflag:s0] =	ssyncadd.tile.s32 @!p0 $0x1;
	_ =	shalt  }
.Lfunc_end2:
_tile_overlayer_lowered:
.L_overlay_start_2:
0xcc: {  	(tag) =	ssettag $0x2  }
0xcd: {  	s0 =	rddreg [dreg:$0x0];
	s2 =	stileid.u32  }
0xce: {  	s1 =	rddreg [dreg:$0x1];
	p0 =	sne.s32 s2, $0x0  }
0xcf: {  	s3 =	rddreg [dreg:$0x2];
	[bflag:$0x3] =	sbarrier.arrive $0xFFFF;
	s2 =	simm.s32 @!p0 $0x1C05  }
0xd0: {  	[timem:s3], [sflag:s2] =	dma.local @!p0 [hbm:s0], s1  }
0xd1: {  	s0 =	simm.s32 @!p0 $0x5  }
0xd2: {  	_ =	swait.ge @!p0 [sflag:s0], s1  }
0xd3: {  	s1 =	ssub.s32 @!p0 $0x0, s1;
	[sflag:s0] =	ssyncset.done @!p0 $0x0  }
0xd4: {  	[sflag:s0] =	ssyncadd.s32 @!p0 s1  }
0xd5: {  	[bflag:$0x3] =	sbarrier.arrive $0xFFFF  }
0xd6: {  	_ =	shalt  }

// kernel: kernel.15.cloned.1.call-start
scs
__scs_entry_jumppad:
0x0: {  	(pc) =	sbr.rel $0x88, $3  }
0x1: {  	(tag) =	ssettag $0x0;
	lr =	simm.s32 $0x1  }
0x2: {  	[smem:$0x3F95] =	sst lr;
	_ =	strace $0xD0000000  }
0x3: {  	_ = 	snop  }
0x4: {  	_ = 	snop  }
0x5: {  	_ = 	snop  }
0x6: {  	_ = 	snop  }
0x7: {  	_ = 	snop  }
__scs_overlays_trampoline_lowered:
0x8: {  	[smem:$0x3FA4] =	sst s0  }
0x9: {  	[smem:$0x3FA5] =	sst s1  }
0xa: {  	[smem:$0x3FA6] =	sst s2  }
0xb: {  	[smem:$0x3FA7] =	sst s3  }
0xc: {  	[smem:$0x3FA8] =	sst s4  }
0xd: {  	[smem:$0x3FA9] =	sst s5  }
0xe: {  	[smem:$0x3FAA] =	sst s6  }
0xf: {  	[smem:$0x3FAB] =	sst s7  }
0x10: {  	[smem:$0x3FAC] =	sst s8  }
0x11: {  	[smem:$0x3FAD] =	sst s9;
	s0 =	simm.s32 @!p0 $0x0  }
0x12: {  	s1 =	sld [smem:$0x3F93];
	s0 =	simm.s32 @p0 $0x1  }
0x13: {  	[smem:$0x3FAE] =	sst s0;
	s0 =	simm.s32 @!p1 $0x0  }
0x14: {  	s2 =	sld [smem:$0x3F92];
	s0 =	simm.s32 @p1 $0x1  }
0x15: {  	[smem:$0x3FAF] =	sst s0;
	s0 =	simm.s32 @!p2 $0x0  }
0x16: {  	s3 =	sld [smem:$0x3FDB];
	s0 =	simm.s32 @p2 $0x1  }
0x17: {  	s4 =	simm.s32 $0x1BF5;
	[smem:$0x3FB1] =	sst s0  }
0x18: {  	s0 =	sld [smem:$0x3F94];
	_ =	swait.ge [sflag:s4], $0x0  }
0x19: {  	s7 =	sld [smem:$0x3F95]  }
0x1a: {  	s8 =	sadd.s32 $0xFFFFE003, lr  }
0x1b: {  	s9 =	sadd.s32 $0xFFFFFEF7, lr;
	s5 =	simm.s32 $0xFFFFFFFF;
	p2 =	slt.u32 s8, $0xFFFFF086  }
0x1c: {  	p1 =	slt.u32 s9, $0xF7A;
	s5 =	simm.s32 @!p2 $0x0  }
0x1d: {  	s5 =	simm.s32 @p1 $0x1;
	p0 =	seq.s32 s7, s2  }
0x1e: {  	s7 =	smul.u32 @!p0 $0xF7A, s2;
	p2 =	seq.s32 @!p0 s5, $0x0  }
0x1f: {  	s9 =	smul.u32 $0xF7A, s1;
	s8 =	simm.s32 @!p0 $0x1BF5;
	p2 =	por !p2, p0  }
0x20: {  	[sflag:s8] =	ssyncset.s32 @!p0 $0xFFFFF086;
	s6 =	sadd.s32 @!p0 s3, s7;
	s7 =	simm.s32 @!p0 $0x108  }
0x21: {  	s3 =	sadd.s32 s3, s9;
	s6 =	sadd.s32 @!p0 $0x88, s6;
	s7 =	simm.s32 @p2 $0x1082  }
0x22: {  	[simem:s7], [sflag:s8] =	dma.local @!p0 [hbm:s6], $0xF7A  }
0x23: {  	s9 =	sor.u32 $0xD0000000, s2;
	s6 =	simm.s32 $0x108;
	_ =	swait.ge @!p0 [sflag:s8], $0x0  }
0x24: {  	s3 =	sadd.s32 $0x88, s3;
	s6 =	simm.s32 @!p1 $0x1082;
	[sflag:s4] =	ssyncset.s32 $0xFFFFF086  }
0x25: {  	[simem:s6], [sflag:s4] =	dma.local [hbm:s3], $0xF7A  }
0x26: {  	[smem:$0x3F95] =	sst s1;
	(tag) =	ssettag s2;
	_ =	strace s9  }
0x27: {  	s1 =	sld [smem:$0x3FA5]  }
0x28: {  	s2 =	sld [smem:$0x3FA6]  }
0x29: {  	s4 =	sld [smem:$0x3FA8]  }
0x2a: {  	p0 =	seq.s32 s5, $0x0;
	s5 =	sld [smem:$0x3FA9]  }
0x2b: {  	s6 =	sld [smem:$0x3FAA]  }
0x2c: {  	s7 =	sld [smem:$0x3FAB]  }
0x2d: {  	s3 =	simm.s32 $0x108;
	s8 =	sld [smem:$0x3FAC]  }
0x2e: {  	s3 =	simm.s32 @!p0 $0x1082;
	s9 =	sld [smem:$0x3FAD]  }
0x2f: {  	lr =	sadd.s32 s0, s3;
	s0 =	sld [smem:$0x3FA4]  }
0x30: {  	s3 =	sld [smem:$0x3FA7]  }
0x31: {  	[smem:$0x3FB0] =	sst s10  }
0x32: {  	s10 =	sld [smem:$0x3FAE];
	_ =	sdelay $0x3  }
0x33: {  	p0 =	seq.s32 s10, $0x1;
	s10 =	sld [smem:$0x3FB0];
	_ =	sdelay $0x3  }
0x34: {  	[smem:$0x3FB0] =	sst s10  }
0x35: {  	s10 =	sld [smem:$0x3FAF];
	_ =	sdelay $0x3  }
0x36: {  	p1 =	seq.s32 s10, $0x1;
	s10 =	sld [smem:$0x3FB0];
	_ =	sdelay $0x3  }
0x37: {  	[smem:$0x3FB0] =	sst s10  }
0x38: {  	s10 =	sld [smem:$0x3FB1]  }
0x39: {  	_ = 	snop;
	(pc) =	sbr.ind lr, $3  }
0x3a: {  	_ = 	snop  }
0x3b: {  	_ = 	snop  }
0x3c: {  	p2 =	seq.s32 s10, $0x1;
	s10 =	sld [smem:$0x3FB0]  }
0x3d: {  	_ =	shalt  }
0x3e: {  	_ =	shalt  }
0x3f: {  	_ =	shalt  }
0x40: {  	_ =	shalt  }
0x41: {  	_ =	shalt  }
0x42: {  	_ =	shalt  }
0x43: {  	_ =	shalt  }
0x44: {  	_ =	shalt  }
0x45: {  	_ =	shalt  }
0x46: {  	_ =	shalt  }
0x47: {  	_ =	shalt  }
0x48: {  	_ =	shalt  }
0x49: {  	_ =	shalt  }
0x4a: {  	_ =	shalt  }
0x4b: {  	_ =	shalt  }
0x4c: {  	_ =	shalt  }
0x4d: {  	_ =	shalt  }
0x4e: {  	_ =	shalt  }
0x4f: {  	_ =	shalt  }
0x50: {  	_ =	shalt  }
0x51: {  	_ =	shalt  }
0x52: {  	_ =	shalt  }
0x53: {  	_ =	shalt  }
0x54: {  	_ =	shalt  }
0x55: {  	_ =	shalt  }
0x56: {  	_ =	shalt  }
0x57: {  	_ =	shalt  }
0x58: {  	_ =	shalt  }
0x59: {  	_ =	shalt  }
0x5a: {  	_ =	shalt  }
0x5b: {  	_ =	shalt  }
0x5c: {  	_ =	shalt  }
0x5d: {  	_ =	shalt  }
0x5e: {  	_ =	shalt  }
0x5f: {  	_ =	shalt  }
0x60: {  	_ =	shalt  }
0x61: {  	_ =	shalt  }
0x62: {  	_ =	shalt  }
0x63: {  	_ =	shalt  }
0x64: {  	_ =	shalt  }
0x65: {  	_ =	shalt  }
0x66: {  	_ =	shalt  }
0x67: {  	_ =	shalt  }
0x68: {  	_ =	shalt  }
0x69: {  	_ =	shalt  }
0x6a: {  	_ =	shalt  }
0x6b: {  	_ =	shalt  }
0x6c: {  	_ =	shalt  }
0x6d: {  	_ =	shalt  }
0x6e: {  	_ =	shalt  }
0x6f: {  	_ =	shalt  }
0x70: {  	_ =	shalt  }
0x71: {  	_ =	shalt  }
0x72: {  	_ =	shalt  }
0x73: {  	_ =	shalt  }
0x74: {  	_ =	shalt  }
0x75: {  	_ =	shalt  }
0x76: {  	_ =	shalt  }
0x77: {  	_ =	shalt  }
0x78: {  	_ =	shalt  }
0x79: {  	_ =	shalt  }
0x7a: {  	_ =	shalt  }
0x7b: {  	_ =	shalt  }
0x7c: {  	_ =	shalt  }
0x7d: {  	_ =	shalt  }
0x7e: {  	_ =	shalt  }
0x7f: {  	_ =	shalt  }
0x80: {  	_ =	shalt  }
0x81: {  	_ =	shalt  }
0x82: {  	_ =	shalt  }
0x83: {  	_ =	shalt  }
0x84: {  	_ =	shalt  }
0x85: {  	_ =	shalt  }
0x86: {  	_ =	shalt  }
0x87: {  	_ =	shalt  }
.Lfunc_end0:
.L_simem_size_0:
called_computation.2_lowered:
.L_overlay_start_0:
0x88: {  	s2 =	sld [smem:$0x3FD9]  }
0x89: {  	s3 =	sld [smem:$0x3FFE];
	_ =	sdelay $0x1  }
0x8a: {  	s1 =	srdreg.scid  }
0x8b: {  	s0 =	sand.u32 $0x1, s1  }
0x8c: {  	s16 =	sshll.u32 s0, $0xA;
	s2 =	sadd.s32 s3, s2  }
0x8d: {  	s2 =	sadd.s32 s2, s16  }
0x8e: {  	[smem:$0x3FBC] =	sst s2  }
0x8f: {  	_ = 	snop  }
0x90: {  	(tm) =	ssettm $0x1  }
0x91: {  	s17 =	sld [smem:$0x3FFB];
	_ =	sdelay $0x3  }
0x92: {  	_ =	strace s17  }
0x93: {  	s2 =	sld [smem:$0x3FFC];
	_ =	sdelay $0x3  }
0x94: {  	_ =	strace s2  }
0x95: {  	s2 =	sld [smem:$0x3FFD];
	_ =	sdelay $0x3  }
0x96: {  	_ =	strace s2  }
0x97: {  	_ =	strace $0x8FFFFFFF  }
0x98: {  	s18 =	sld [smem:$0x3FDB];
	_ =	sdelay $0x1  }
0x99: {  	s19 =	simm.s32 $_scs_section_size  }
0x9a: {  	s4 =	simm.s32 $_size__tile_overlayer_lowered;
	s5 =	simm.s32 $_tile_overlayer_lowered  }
0x9b: {  	s22 =	simm.s32 $0x1BFF;
	s21 =	sshll.u32 s5, $0x1;
	s2 =	sadd.s32 s19, s18  }
0x9c: {  	s6 =	simm.s32 $0x0;
	s20 =	sshll.u32 s4, $0x1;
	s4 =	sadd.s32 s21, s2  }
0x9d: {  	[timem:s6], [sflag:s22] =	dma.local [hbm:s4], s20  }
0x9e: {  	_ =	swait.ge [sflag:s22], s20  }
0x9f: {  	s3 =	ssub.s32 $0x0, s20;
	[sflag:s22] =	ssyncset.done $0x0  }
0xa0: {  	[sflag:s22] =	ssyncadd.s32 s3;
	_ =	sdelay $0x1  }
0xa1: {  	s23 =	simm.s32 $0x1B8B  }
0xa2: {  	_ =	swait.ge [sflag:s23], $0x1  }
0xa3: {  	[sflag:s23] =	ssyncset.done $0x0  }
0xa4: {  	s25 =	simm.s32 $0x1B8E;
	s24 =	sld [smem:$0x3FFE];
	[sflag:s23] =	ssyncadd.s32 $0xFFFFFFFF  }
0xa5: {  	s26 =	simm.s32 $execute0_lowered;
	[smem:$0x3FD2] =	sst s25  }
0xa6: {  	s4 =	sshll.u32 s26, $0x1;
	_ =	strace $0x8000004C;
	[dreg:$0x1] =	wrdreg $0xFFFFFFFF  }
0xa7: {  	s28 =	simm.s32 $_size_execute0_lowered;
	s2 =	sadd.s32 s2, s4;
	[dreg:$0x0] =	wrdreg $0x0  }
0xa8: {  	s4 =	sshll.u32 s28, $0x1;
	[dreg:$0x2] =	wrdreg s2  }
0xa9: {  	[dreg:$0x3] =	wrdreg s4  }
0xaa: {  	[dreg:$0x4] =	wrdreg $0xC0  }
0xab: {  	_ =	task [dreg:s6], $0x5FFFF  }
0xac: {  	[dreg:$0x1] =	wrdreg $0xFFFFFFFF  }
0xad: {  	[dreg:$0x0] =	wrdreg $0x60  }
0xae: {  	[dreg:$0x2] =	wrdreg s24  }
0xaf: {  	[dreg:$0x3] =	wrdreg $0x88000  }
0xb0: {  	[dreg:$0x4] =	wrdreg $0x9  }
0xb1: {  	_ =	task.clear_ibuf [dreg:s6], $0x5FFFF;
	_ =	strace $0x9000004C  }
0xb2: {  	s29 =	simm.s32 $0x9;
	_ =	strace $0x8000004E  }
0xb3: {  	_ =	swait.ge [sflag:s29], $0x1  }
0xb4: {  	[sflag:s29] =	ssyncadd.s32 $0xFFFFFFFF  }
0xb5: {  	_ =	strace $0x9000004E  }
0xb6: {  	_ =	sfence  }
0xb7: {  	s30 =	sld [smem:$0x0];
	_ =	sdelay $0x2  }
0xb8: {  	s31 =	sshll.u32 s1, $0xD;
	s1 =	sshrl.u32 s1, $0x2  }
0xb9: {  	s3 =	sand.u32 $0x4000, s31;
	s1 =	sadd.s32 s1, s30  }
0xba: {  	s0 =	sor.u32 s3, s0;
	s1 =	sshll.u32 s1, $0x11  }
0xbb: {  	s0 =	sor.u32 s1, s0  }
0xbc: {  	s0 =	sadd.s32 $0x8F2B, s0  }
0xbd: {  	[sflag:s0] =	ssyncadd.remote.s32 $0x1  }
0xbe: {  	_ =	sfence.sel $0xFFFF  }
0xbf: {  	[dreg:$0x0] =	wrdreg $0xFFFFFFFF;
	(pc) =	sbr.abs _section_cstart, $3  }
0xc0: {  	[dreg:$0x1] =	wrdreg $0xFFFFFFFF  }
0xc1: {  	_ =	task.clear_ibuf [dreg:s6], $0x2FFFF;
	_ =	strace $0x9FFFFFFF  }
0xc2: {  	(tm) =	ssettm $0x7FFFFFFF  }
0xc3: {  	_ =	shalt  }
tec
execute0_lowered:
.L_overlay_start_1:
0x0: {  	(tag) =	ssettag $0x1  }
0x1: {  	s0 =	rddreg [dreg:$0x0]  }
0x2: {  	s1 =	rddreg [dreg:$0x1];
	s2 =	simm.s32 $0x0;
	s3 =	srdreg.scid  }
0x3: {  	s15 =	stileid.u32;
	s28 =	simm.s32 $0x3;
	s29 =	simm.s32 $0x200  }
0x4: {  	s30 =	simm.s32 $0x4;
	s31 =	simm.s32 $0x180;
	[smem:$0x7FF] =	sst s2  }
0x5: {  	s4 =	sadd.s32 $0x17200, s0;
	s5 =	sadd.s32 $0x3FE00, s0;
	s7 =	smul.u32 $0x50000, s15  }
0x6: {  	s3 =	sand.u32 $0x1, s3;
	s6 =	sadd.s32 $0x3F200, s0;
	s10 =	smul.u32 $0x14000, s15  }
0x7: {  	s0 =	sadd.s32 $0x53E00, s0;
	s9 =	sshll.u32 s15, $0x1;
	s19 =	smul.u32 $0xA000, s15  }
0x8: {  	s15 =	simm.s32 $0x580;
	_ =	strace $0x8000004D;
	[dreg:$0x3] =	wrdreg s6  }
0x9: {  	s21 =	ssub.s32 $0x2, s3;
	s9 =	sor.u32 s3, s9;
	s13 =	smul.u32 $0x140000, s3  }
0xa: {  	s3 =	smul.u32 $0x5000, s3;
	s8 =	sshrl.u32 s21, $0x1;
	s7 =	sshrl.u32 s7, $0x2  }
0xb: {  	s22 =	smul.u32 $0x5000, s9;
	s23 =	sadd.s32 $0x4000, s10;
	s12 =	sadd.s32 $0x8000, s10  }
0xc: {  	s14 =	sadd.s32 $0xC000, s10;
	s6 =	ssub.s32 s21, s8;
	s7 =	sadd.s32 s7, s1  }
0xd: {  	s24 =	sadd.s32 s23, s1;
	s25 =	sadd.s32 s12, s1;
	s9 =	sadd.s32 s14, s1  }
0xe: {  	s11 =	sadd.s32 s10, s13;
	s10 =	sadd.s32 $0x10000, s10;
	s18 =	sadd.s32 s13, s12  }
0xf: {  	s21 =	sadd.s32 s13, s14;
	s3 =	sadd.s32 s3, s19;
	[dreg:$0x4] =	wrdreg s7  }
0x10: {  	s12 =	simm.s32 $0x380;
	s14 =	simm.s32 $0x600;
	[dreg:$0x5] =	wrdreg s24  }
0x11: {  	[dreg:$0x6] =	wrdreg s25;
	s7 =	sshrl.u32 s22, $0x3;
	s26 =	sshrl.u32 s11, $0x3  }
0x12: {  	s11 =	sadd.s32 s10, s1;
	s8 =	sshrl.u32 s18, $0x3;
	s22 =	sadd.s32 s13, s10  }
0x13: {  	s24 =	sor.u32 $0xC00, s3;
	s3 =	sor.u32 $0x800, s3;
	s6 =	smax.u32 s6, $0x1  }
0x14: {  	s10 =	simm.s32 $0x480;
	s18 =	simm.s32 $0x780;
	[dreg:$0x7] =	wrdreg s9  }
0x15: {  	s17 =	sadd.s32 s5, s7;
	s7 =	sadd.s32 s0, s26;
	[dreg:$0x10] =	wrdreg s6  }
0x16: {  	s20 =	sadd.s32 s0, s8;
	s25 =	sshrl.u32 s24, $0x3;
	[dreg:$0x9] =	wrdreg s11  }
0x17: {  	s26 =	sshrl.u32 s3, $0x3;
	s24 =	simm.s32 $0x80;
	[dreg:$0x8] =	wrdreg s17  }
0x18: {  	s3 =	simm.s32 $0x280;
	s6 =	simm.s32 $0x1;
	[dreg:$0xb] =	wrdreg s7  }
0x19: {  	s16 =	sadd.s32 $0x80, s17;
	s17 =	sadd.s32 s13, s23;
	[dreg:$0xd] =	wrdreg s20  }
0x1a: {  	s23 =	sshrl.u32 s22, $0x3;
	s19 =	sadd.s32 s25, s5;
	s20 =	sadd.s32 s26, s5  }
0x1b: {  	s22 =	simm.s32 $0x5;
	s25 =	simm.s32 $0x100;
	s26 =	simm.s32 $0x4800  }
0x1c: {  	s5 =	simm.s32 $0x2;
	s13 =	simm.s32 $0x500;
	s7 =	sshrl.u32 s17, $0x3  }
.Ltmp0:
0x1d: {  	[dreg:$0xa] =	wrdreg s16;
	s7 =	sadd.s32 s0, s7;
	(pc) =	sbr.rel .LBB2_1-.Ltmp0, $4  }
0x1e: {  	s16 =	simm.s32 $0x700;
	[dreg:$0xc] =	wrdreg s7;
	s7 =	sshrl.u32 s21, $0x3  }
0x1f: {  	s17 =	simm.s32 $0x680;
	s21 =	simm.s32 $0x800;
	s7 =	sadd.s32 s0, s7  }
0x20: {  	s0 =	sadd.s32 s0, s23;
	s23 =	simm.s32 $0x400;
	[dreg:$0xe] =	wrdreg s7  }
0x21: {  	[dreg:$0xf] =	wrdreg s0;
	s0 =	simm.s32 $0x300;
	s7 =	simm.s32 $0x0  }
.LBB2_4:
0x22: {  	_ =	swait.ge [sflag:s30], $0x4000  }
0x23: {  	[sflag:s30] =	ssyncset.done $0x0  }
0x24: {  	[sflag:s30] =	ssyncadd.s32 $0xFFFFC000  }
0x25: {  	[spmem:s1] =	stream.indirect.scatter.add.f32 [tilespmem:s26], [sflag:$0x5], $0x80, s18, s24, $0xb8;
	[tilespmem:$0x1C800] =	vst v63  }
0x26: {  	_ =	swait.ge [sflag:s22], $0x4000  }
0x27: {  	[sflag:s22] =	ssyncset.done $0x0  }
0x28: {  	[sflag:s22] =	ssyncadd.s32 $0xFFFFC000  }
0x29: {  	[bflag:$0x0] =	sbarrier.arrive $0xFFFF  }
0x2a: {  	s8 =	rddreg [dreg:$0x4]  }
0x2b: {  	[tilespmem:s21], [sflag:$0x5] =	stream.linear.gather [spmem:s8], $0x4000, $0x38;
	[tilespmem:$0x1C800] =	vst v63  }
0x2c: {  	_ =	swait.ge [sflag:s22], $0x4000  }
0x2d: {  	[sflag:s22] =	ssyncset.done $0x0  }
0x2e: {  	s9 =	rddreg [dreg:$0xb];
	[sflag:s22] =	ssyncadd.s32 $0xFFFFC000  }
0x2f: {  	[hbm4b:s9+s2] =	stream.linear.scatter [tilespmem:s21], [sflag:$0x5], $0x4000, $0x38;
	[tilespmem:$0x1C800] =	vst v63  }
0x30: {  	_ =	swait.ge [sflag:s22], $0x4000  }
0x31: {  	[sflag:s22] =	ssyncset.done $0x0  }
0x32: {  	s11 =	rddreg [dreg:$0x5];
	[sflag:s22] =	ssyncadd.s32 $0xFFFFC000  }
0x33: {  	[tilespmem:s21], [sflag:$0x5] =	stream.linear.gather [spmem:s11], $0x4000, $0x38;
	[tilespmem:$0x1C800] =	vst v63  }
0x34: {  	_ =	swait.ge [sflag:s22], $0x4000  }
0x35: {  	[sflag:s22] =	ssyncset.done $0x0  }
0x36: {  	s9 =	rddreg [dreg:$0xc];
	[sflag:s22] =	ssyncadd.s32 $0xFFFFC000  }
0x37: {  	[hbm4b:s9+s2] =	stream.linear.scatter [tilespmem:s21], [sflag:$0x5], $0x4000, $0x38;
	[tilespmem:$0x1C800] =	vst v63  }
0x38: {  	_ =	swait.ge [sflag:s22], $0x4000  }
0x39: {  	[sflag:s22] =	ssyncset.done $0x0  }
0x3a: {  	s11 =	rddreg [dreg:$0x6];
	[sflag:s22] =	ssyncadd.s32 $0xFFFFC000  }
0x3b: {  	[tilespmem:s21], [sflag:$0x5] =	stream.linear.gather [spmem:s11], $0x4000, $0x38;
	[tilespmem:$0x1C800] =	vst v63  }
0x3c: {  	_ =	swait.ge [sflag:s22], $0x4000  }
0x3d: {  	[sflag:s22] =	ssyncset.done $0x0  }
0x3e: {  	s9 =	rddreg [dreg:$0xd];
	[sflag:s22] =	ssyncadd.s32 $0xFFFFC000  }
0x3f: {  	[hbm4b:s9+s2] =	stream.linear.scatter [tilespmem:s21], [sflag:$0x5], $0x4000, $0x38;
	[tilespmem:$0x1C800] =	vst v63  }
0x40: {  	_ =	swait.ge [sflag:s22], $0x4000  }
0x41: {  	[sflag:s22] =	ssyncset.done $0x0  }
0x42: {  	s9 =	rddreg [dreg:$0x7];
	[sflag:s22] =	ssyncadd.s32 $0xFFFFC000  }
0x43: {  	[tilespmem:s21], [sflag:$0x5] =	stream.linear.gather [spmem:s9], $0x4000, $0x38;
	[tilespmem:$0x1C800] =	vst v63  }
0x44: {  	_ =	swait.ge [sflag:s22], $0x4000  }
0x45: {  	[sflag:s22] =	ssyncset.done $0x0  }
0x46: {  	s11 =	rddreg [dreg:$0xe];
	[sflag:s22] =	ssyncadd.s32 $0xFFFFC000  }
0x47: {  	[hbm4b:s11+s2] =	stream.linear.scatter [tilespmem:s21], [sflag:$0x5], $0x4000, $0x38;
	[tilespmem:$0x1C800] =	vst v63  }
0x48: {  	_ =	swait.ge [sflag:s22], $0x4000  }
0x49: {  	[sflag:s22] =	ssyncset.done $0x0  }
0x4a: {  	s11 =	rddreg [dreg:$0x9];
	[sflag:s22] =	ssyncadd.s32 $0xFFFFC000  }
0x4b: {  	[tilespmem:s21], [sflag:$0x5] =	stream.linear.gather [spmem:s11], $0x4000, $0x38;
	[tilespmem:$0x1C800] =	vst v63  }
0x4c: {  	_ =	swait.ge [sflag:s22], $0x4000  }
0x4d: {  	[sflag:s22] =	ssyncset.done $0x0  }
0x4e: {  	s8 =	rddreg [dreg:$0xf];
	[sflag:s22] =	ssyncadd.s32 $0xFFFFC000  }
0x4f: {  	[hbm4b:s8+s2] =	stream.linear.scatter [tilespmem:s21], [sflag:$0x5], $0x4000, $0x38;
	[tilespmem:$0x1C800] =	vst v63  }
0x50: {  	_ =	swait.ge [sflag:s22], $0x4000  }
0x51: {  	s7 =	sadd.s32 $0x1, s7;
	s8 =	rddreg [dreg:$0x10]  }
0x52: {  	p0 =	sne.s32 s7, s8  }
.Ltmp1:
0x53: {  	_ = 	snop;
	(pc) =	sbr.rel @!p0 .LBB2_5-.Ltmp1, $3  }
0x54: {  	_ =	sdelay $0x1  }
0x55: {  	[sflag:s22] =	ssyncset.done $0x0  }
0x56: {  	[sflag:s22] =	ssyncadd.s32 $0xFFFFC000  }
.LBB2_1:
0x57: {  	s8 =	rddreg [dreg:$0x3]  }
0x58: {  	[tilespmem:s21], [sflag:$0x5] =	stream.linear.gather [hbm4b:s8+s2], $0x4000, $0x38;
	[tilespmem:$0x1C800] =	vst v63  }
0x59: {  	_ =	swait.ge [sflag:s22], $0x4000  }
0x5a: {  	[sflag:s22] =	ssyncset.done $0x0  }
0x5b: {  	s8 =	rddreg [dreg:$0x4];
	[sflag:s22] =	ssyncadd.s32 $0xFFFFC000  }
0x5c: {  	[spmem:s8] =	stream.linear.scatter [tilespmem:s21], [sflag:$0x5], $0x4000, $0x38;
	[tilespmem:$0x1C800] =	vst v63  }
0x5d: {  	_ =	swait.ge [sflag:s22], $0x4000  }
0x5e: {  	[sflag:s22] =	ssyncset.done $0x0  }
0x5f: {  	s8 =	rddreg [dreg:$0x5];
	[sflag:s22] =	ssyncadd.s32 $0xFFFFC000  }
0x60: {  	[spmem:s8] =	stream.linear.scatter [tilespmem:s21], [sflag:$0x5], $0x4000, $0x38;
	[tilespmem:$0x1C800] =	vst v63  }
0x61: {  	_ =	swait.ge [sflag:s22], $0x4000  }
0x62: {  	[sflag:s22] =	ssyncset.done $0x0  }
0x63: {  	s8 =	rddreg [dreg:$0x6];
	[sflag:s22] =	ssyncadd.s32 $0xFFFFC000  }
0x64: {  	[spmem:s8] =	stream.linear.scatter [tilespmem:s21], [sflag:$0x5], $0x4000, $0x38;
	[tilespmem:$0x1C800] =	vst v63  }
0x65: {  	_ =	swait.ge [sflag:s22], $0x4000  }
0x66: {  	[sflag:s22] =	ssyncset.done $0x0  }
0x67: {  	[sflag:s22] =	ssyncadd.s32 $0xFFFFC000  }
0x68: {  	[spmem:s9] =	stream.linear.scatter [tilespmem:s21], [sflag:$0x5], $0x4000, $0x38;
	[tilespmem:$0x1C800] =	vst v63  }
0x69: {  	_ =	swait.ge [sflag:s22], $0x4000  }
0x6a: {  	[sflag:s22] =	ssyncset.done $0x0  }
0x6b: {  	[sflag:s22] =	ssyncadd.s32 $0xFFFFC000  }
0x6c: {  	[spmem:s11] =	stream.linear.scatter [tilespmem:s21], [sflag:$0x5], $0x4000, $0x38;
	[tilespmem:$0x1C800] =	vst v63  }
0x6d: {  	_ =	swait.ge [sflag:s22], $0x4000  }
0x6e: {  	[sflag:s22] =	ssyncset.done $0x0  }
0x6f: {  	[sflag:s22] =	ssyncadd.s32 $0xFFFFC000  }
0x70: {  	[bflag:$0x0] =	sbarrier.arrive $0xFFFF  }
0x71: {  	s9 =	rddreg [dreg:$0x8]  }
0x72: {  	[tilespmem:s2], [sflag:$0x5] =	stream.linear.gather [hbm4b:s9+s2], $0x400, $0x38;
	[tilespmem:$0x1C800] =	vst v63  }
0x73: {  	_ =	swait.ge [sflag:s22], $0x400  }
0x74: {  	[sflag:s22] =	ssyncset.done $0x0  }
0x75: {  	s11 =	rddreg [dreg:$0xa];
	[sflag:s22] =	ssyncadd.s32 $0xFFFFFC00  }
0x76: {  	[tilespmem:s23], [sflag:$0x2] =	stream.linear.gather [hbm4b:s11+s2], $0x400, $0x38;
	[tilespmem:$0x1C800] =	vst v63  }
0x77: {  	_ = 	snop  }
0x78: {  	[tilespmem:s21], [sflag:$0x3] =	stream.indirect.gather [hbm4b:s4+s24], $0x80, s2, s24, $0xb8;
	[tilespmem:$0x1C800] =	vst v63  }
0x79: {  	s8 =	simm.s32 $0x0  }
0x7a: {  	[tilespmem:s26], [sflag:$0x4] =	stream.indirect.gather [hbm4b:s4+s24], $0x80, s25, s24, $0xb8;
	[tilespmem:$0x1C800] =	vst v63  }
.LBB2_2:
0x7b: {  	_ =	swait.ge [sflag:s28], $0x4000  }
0x7c: {  	[sflag:s28] =	ssyncset.done $0x0  }
0x7d: {  	[sflag:s28] =	ssyncadd.s32 $0xFFFFC000  }
0x7e: {  	[spmem:s1] =	stream.indirect.scatter.add.f32 [tilespmem:s21], [sflag:$0x5], $0x80, s24, s24, $0xb8;
	[tilespmem:$0x1C800] =	vst v63  }
0x7f: {  	_ =	swait.ge [sflag:s22], $0x4000  }
0x80: {  	[sflag:s22] =	ssyncset.done $0x0  }
0x81: {  	[sflag:s22] =	ssyncadd.s32 $0xFFFFC000  }
0x82: {  	[tilespmem:s21], [sflag:$0x3] =	stream.indirect.gather [hbm4b:s4+s24], $0x80, s29, s24, $0xb8;
	[tilespmem:$0x1C800] =	vst v63  }
0x83: {  	_ =	swait.ge [sflag:s30], $0x4000  }
0x84: {  	[sflag:s30] =	ssyncset.done $0x0  }
0x85: {  	[sflag:s30] =	ssyncadd.s32 $0xFFFFC000  }
0x86: {  	[spmem:s1] =	stream.indirect.scatter.add.f32 [tilespmem:s26], [sflag:$0x5], $0x80, s31, s24, $0xb8;
	[tilespmem:$0x1C800] =	vst v63  }
0x87: {  	_ =	swait.ge [sflag:s22], $0x4000  }
0x88: {  	[sflag:s22] =	ssyncset.done $0x0  }
0x89: {  	[sflag:s22] =	ssyncadd.s32 $0xFFFFC000  }
0x8a: {  	[tilespmem:s26], [sflag:$0x4] =	stream.indirect.gather [hbm4b:s4+s24], $0x80, s0, s24, $0xb8;
	[tilespmem:$0x1C800] =	vst v63  }
0x8b: {  	_ =	swait.ge [sflag:s28], $0x4000  }
0x8c: {  	[sflag:s28] =	ssyncset.done $0x0  }
0x8d: {  	[sflag:s28] =	ssyncadd.s32 $0xFFFFC000  }
0x8e: {  	[spmem:s1] =	stream.indirect.scatter.add.f32 [tilespmem:s21], [sflag:$0x5], $0x80, s3, s24, $0xb8;
	[tilespmem:$0x1C800] =	vst v63  }
0x8f: {  	_ =	swait.ge [sflag:s22], $0x4000  }
0x90: {  	[sflag:s22] =	ssyncset.done $0x0  }
0x91: {  	[sflag:s22] =	ssyncadd.s32 $0xFFFFC000  }
0x92: {  	_ =	swait.ge [sflag:s5], $0x400  }
0x93: {  	[sflag:s5] =	ssyncset.done $0x0  }
0x94: {  	[sflag:s5] =	ssyncadd.s32 $0xFFFFFC00  }
0x95: {  	[tilespmem:s21], [sflag:$0x3] =	stream.indirect.gather [hbm4b:s4+s24], $0x80, s23, s24, $0xb8;
	[tilespmem:$0x1C800] =	vst v63  }
0x96: {  	_ =	swait.ge [sflag:s30], $0x4000  }
0x97: {  	[sflag:s30] =	ssyncset.done $0x0  }
0x98: {  	[sflag:s30] =	ssyncadd.s32 $0xFFFFC000  }
0x99: {  	[spmem:s1] =	stream.indirect.scatter.add.f32 [tilespmem:s26], [sflag:$0x5], $0x80, s12, s24, $0xb8;
	[tilespmem:$0x1C800] =	vst v63  }
0x9a: {  	_ =	swait.ge [sflag:s22], $0x4000  }
0x9b: {  	[sflag:s22] =	ssyncset.done $0x0  }
0x9c: {  	p0 =	seq.s32 s8, $0x900;
	[sflag:s22] =	ssyncadd.s32 $0xFFFFC000  }
0x9d: {  	[tilespmem:s26], [sflag:$0x4] =	stream.indirect.gather [hbm4b:s4+s24], $0x80, s13, s24, $0xb8;
	[tilespmem:$0x1C800] =	vst v63  }
0x9e: {  	s9 =	sadd.s32 @!p0 s8, s20;
	s11 =	simm.s32 @!p0 $0x0  }
0x9f: {  	[tilespmem:s11], [sflag:$0x1] =	stream.linear.gather @!p0 [hbm4b:s9+s11], $0x400, $0x38;
	[tilespmem:$0x1C800] =	vst v63  }
0xa0: {  	_ =	swait.ge [sflag:s28], $0x4000  }
0xa1: {  	[sflag:s28] =	ssyncset.done $0x0  }
0xa2: {  	[sflag:s28] =	ssyncadd.s32 $0xFFFFC000  }
0xa3: {  	[spmem:s1] =	stream.indirect.scatter.add.f32 [tilespmem:s21], [sflag:$0x5], $0x80, s10, s24, $0xb8;
	[tilespmem:$0x1C800] =	vst v63  }
0xa4: {  	_ =	swait.ge [sflag:s22], $0x4000  }
0xa5: {  	[sflag:s22] =	ssyncset.done $0x0  }
0xa6: {  	[sflag:s22] =	ssyncadd.s32 $0xFFFFC000  }
0xa7: {  	[tilespmem:s21], [sflag:$0x3] =	stream.indirect.gather [hbm4b:s4+s24], $0x80, s14, s24, $0xb8;
	[tilespmem:$0x1C800] =	vst v63  }
0xa8: {  	_ =	swait.ge [sflag:s30], $0x4000  }
0xa9: {  	[sflag:s30] =	ssyncset.done $0x0  }
0xaa: {  	[sflag:s30] =	ssyncadd.s32 $0xFFFFC000  }
0xab: {  	[spmem:s1] =	stream.indirect.scatter.add.f32 [tilespmem:s26], [sflag:$0x5], $0x80, s15, s24, $0xb8;
	[tilespmem:$0x1C800] =	vst v63  }
0xac: {  	_ =	swait.ge [sflag:s22], $0x4000  }
0xad: {  	[sflag:s22] =	ssyncset.done $0x0  }
0xae: {  	[sflag:s22] =	ssyncadd.s32 $0xFFFFC000  }
0xaf: {  	[tilespmem:s26], [sflag:$0x4] =	stream.indirect.gather [hbm4b:s4+s24], $0x80, s16, s24, $0xb8;
	[tilespmem:$0x1C800] =	vst v63  }
0xb0: {  	_ =	swait.ge [sflag:s28], $0x4000  }
0xb1: {  	[sflag:s28] =	ssyncset.done $0x0  }
.Ltmp2:
0xb2: {  	[sflag:s28] =	ssyncadd.s32 $0xFFFFC000;
	(pc) =	sbr.rel @p0 .LBB2_4-.Ltmp2, $4  }
0xb3: {  	[spmem:s1] =	stream.indirect.scatter.add.f32 [tilespmem:s21], [sflag:$0x5], $0x80, s17, s24, $0xb8;
	[tilespmem:$0x1C800] =	vst v63  }
0xb4: {  	_ =	swait.ge [sflag:s22], $0x4000  }
0xb5: {  	[sflag:s22] =	ssyncset.done $0x0  }
0xb6: {  	[sflag:s22] =	ssyncadd.s32 $0xFFFFC000  }
0xb7: {  	_ =	swait.ge [sflag:s6], $0x400  }
0xb8: {  	[sflag:s6] =	ssyncset.done $0x0  }
0xb9: {  	[sflag:s6] =	ssyncadd.s32 $0xFFFFFC00  }
0xba: {  	[tilespmem:s21], [sflag:$0x3] =	stream.indirect.gather [hbm4b:s4+s24], $0x80, s2, s24, $0xb8;
	[tilespmem:$0x1C800] =	vst v63  }
0xbb: {  	_ =	swait.ge [sflag:s30], $0x4000  }
0xbc: {  	[sflag:s30] =	ssyncset.done $0x0  }
0xbd: {  	[sflag:s30] =	ssyncadd.s32 $0xFFFFC000  }
0xbe: {  	[spmem:s1] =	stream.indirect.scatter.add.f32 [tilespmem:s26], [sflag:$0x5], $0x80, s18, s24, $0xb8;
	[tilespmem:$0x1C800] =	vst v63  }
0xbf: {  	_ =	swait.ge [sflag:s22], $0x4000  }
.Ltmp3:
0xc0: {  	[sflag:s22] =	ssyncset.done $0x0;
	(pc) =	sbr.rel .LBB2_2-.Ltmp3, $4  }
0xc1: {  	[sflag:s22] =	ssyncadd.s32 $0xFFFFC000  }
0xc2: {  	[tilespmem:s26], [sflag:$0x4] =	stream.indirect.gather [hbm4b:s4+s24], $0x80, s25, s24, $0xb8;
	[tilespmem:$0x1C800] =	vst v63  }
0xc3: {  	s9 =	sadd.s32 s8, s19;
	s8 =	sadd.s32 $0x100, s8  }
0xc4: {  	[tilespmem:s23], [sflag:$0x2] =	stream.linear.gather [hbm4b:s9+s2], $0x400, $0x38;
	[tilespmem:$0x1C800] =	vst v63  }
.LBB2_5:
0xc5: {  	_ =	sfence.sel $0x180000  }
0xc6: {  	[bflag:$0x0] =	sbarrier.arrive $0xFFFF  }
0xc7: {  	_ =	strace $0x9000004D  }
0xc8: {  	s0 =	stileid.u32;
	[bflag:$0x2] =	sbarrier.arrive $0xFFFF  }
0xc9: {  	p0 =	sne.s32 s0, $0x0;
	s0 =	rddreg [dreg:$0x2]  }
0xca: {  	s0 =	sadd.s32 @!p0 $0x100000, s0  }
0xcb: {  	[sflag:s0] =	ssyncadd.tile.s32 @!p0 $0x1;
	_ =	shalt  }
.Lfunc_end2:
_tile_overlayer_lowered:
.L_overlay_start_2:
0xcc: {  	(tag) =	ssettag $0x2  }
0xcd: {  	s0 =	rddreg [dreg:$0x0];
	s2 =	stileid.u32  }
0xce: {  	s1 =	rddreg [dreg:$0x1];
	p0 =	sne.s32 s2, $0x0  }
0xcf: {  	s3 =	rddreg [dreg:$0x2];
	[bflag:$0x3] =	sbarrier.arrive $0xFFFF;
	s2 =	simm.s32 @!p0 $0x1C05  }
0xd0: {  	[timem:s3], [sflag:s2] =	dma.local @!p0 [hbm:s0], s1  }
0xd1: {  	s0 =	simm.s32 @!p0 $0x5  }
0xd2: {  	_ =	swait.ge @!p0 [sflag:s0], s1  }
0xd3: {  	s1 =	ssub.s32 @!p0 $0x0, s1;
	[sflag:s0] =	ssyncset.done @!p0 $0x0  }
0xd4: {  	[sflag:s0] =	ssyncadd.s32 @!p0 s1  }
0xd5: {  	[bflag:$0x3] =	sbarrier.arrive $0xFFFF  }
0xd6: {  	_ =	shalt  }

// kernel: kernel.18.cloned.1.call-start
scs
__scs_entry_jumppad:
0x0: {  	(pc) =	sbr.rel $0x88, $3  }
0x1: {  	(tag) =	ssettag $0x0;
	lr =	simm.s32 $0x1  }
0x2: {  	[smem:$0x3F95] =	sst lr;
	_ =	strace $0xD0000000  }
0x3: {  	_ = 	snop  }
0x4: {  	_ = 	snop  }
0x5: {  	_ = 	snop  }
0x6: {  	_ = 	snop  }
0x7: {  	_ = 	snop  }
__scs_overlays_trampoline_lowered:
0x8: {  	[smem:$0x3FA4] =	sst s0  }
0x9: {  	[smem:$0x3FA5] =	sst s1  }
0xa: {  	[smem:$0x3FA6] =	sst s2  }
0xb: {  	[smem:$0x3FA7] =	sst s3  }
0xc: {  	[smem:$0x3FA8] =	sst s4  }
0xd: {  	[smem:$0x3FA9] =	sst s5  }
0xe: {  	[smem:$0x3FAA] =	sst s6  }
0xf: {  	[smem:$0x3FAB] =	sst s7  }
0x10: {  	[smem:$0x3FAC] =	sst s8  }
0x11: {  	[smem:$0x3FAD] =	sst s9;
	s0 =	simm.s32 @!p0 $0x0  }
0x12: {  	s1 =	sld [smem:$0x3F93];
	s0 =	simm.s32 @p0 $0x1  }
0x13: {  	[smem:$0x3FAE] =	sst s0;
	s0 =	simm.s32 @!p1 $0x0  }
0x14: {  	s2 =	sld [smem:$0x3F92];
	s0 =	simm.s32 @p1 $0x1  }
0x15: {  	[smem:$0x3FAF] =	sst s0;
	s0 =	simm.s32 @!p2 $0x0  }
0x16: {  	s3 =	sld [smem:$0x3FDB];
	s0 =	simm.s32 @p2 $0x1  }
0x17: {  	s4 =	simm.s32 $0x1BF5;
	[smem:$0x3FB1] =	sst s0  }
0x18: {  	s0 =	sld [smem:$0x3F94];
	_ =	swait.ge [sflag:s4], $0x0  }
0x19: {  	s7 =	sld [smem:$0x3F95]  }
0x1a: {  	s8 =	sadd.s32 $0xFFFFE003, lr  }
0x1b: {  	s9 =	sadd.s32 $0xFFFFFEF7, lr;
	s5 =	simm.s32 $0xFFFFFFFF;
	p2 =	slt.u32 s8, $0xFFFFF086  }
0x1c: {  	p1 =	slt.u32 s9, $0xF7A;
	s5 =	simm.s32 @!p2 $0x0  }
0x1d: {  	s5 =	simm.s32 @p1 $0x1;
	p0 =	seq.s32 s7, s2  }
0x1e: {  	s7 =	smul.u32 @!p0 $0xF7A, s2;
	p2 =	seq.s32 @!p0 s5, $0x0  }
0x1f: {  	s9 =	smul.u32 $0xF7A, s1;
	s8 =	simm.s32 @!p0 $0x1BF5;
	p2 =	por !p2, p0  }
0x20: {  	[sflag:s8] =	ssyncset.s32 @!p0 $0xFFFFF086;
	s6 =	sadd.s32 @!p0 s3, s7;
	s7 =	simm.s32 @!p0 $0x108  }
0x21: {  	s3 =	sadd.s32 s3, s9;
	s6 =	sadd.s32 @!p0 $0x88, s6;
	s7 =	simm.s32 @p2 $0x1082  }
0x22: {  	[simem:s7], [sflag:s8] =	dma.local @!p0 [hbm:s6], $0xF7A  }
0x23: {  	s9 =	sor.u32 $0xD0000000, s2;
	s6 =	simm.s32 $0x108;
	_ =	swait.ge @!p0 [sflag:s8], $0x0  }
0x24: {  	s3 =	sadd.s32 $0x88, s3;
	s6 =	simm.s32 @!p1 $0x1082;
	[sflag:s4] =	ssyncset.s32 $0xFFFFF086  }
0x25: {  	[simem:s6], [sflag:s4] =	dma.local [hbm:s3], $0xF7A  }
0x26: {  	[smem:$0x3F95] =	sst s1;
	(tag) =	ssettag s2;
	_ =	strace s9  }
0x27: {  	s1 =	sld [smem:$0x3FA5]  }
0x28: {  	s2 =	sld [smem:$0x3FA6]  }
0x29: {  	s4 =	sld [smem:$0x3FA8]  }
0x2a: {  	p0 =	seq.s32 s5, $0x0;
	s5 =	sld [smem:$0x3FA9]  }
0x2b: {  	s6 =	sld [smem:$0x3FAA]  }
0x2c: {  	s7 =	sld [smem:$0x3FAB]  }
0x2d: {  	s3 =	simm.s32 $0x108;
	s8 =	sld [smem:$0x3FAC]  }
0x2e: {  	s3 =	simm.s32 @!p0 $0x1082;
	s9 =	sld [smem:$0x3FAD]  }
0x2f: {  	lr =	sadd.s32 s0, s3;
	s0 =	sld [smem:$0x3FA4]  }
0x30: {  	s3 =	sld [smem:$0x3FA7]  }
0x31: {  	[smem:$0x3FB0] =	sst s10  }
0x32: {  	s10 =	sld [smem:$0x3FAE];
	_ =	sdelay $0x3  }
0x33: {  	p0 =	seq.s32 s10, $0x1;
	s10 =	sld [smem:$0x3FB0];
	_ =	sdelay $0x3  }
0x34: {  	[smem:$0x3FB0] =	sst s10  }
0x35: {  	s10 =	sld [smem:$0x3FAF];
	_ =	sdelay $0x3  }
0x36: {  	p1 =	seq.s32 s10, $0x1;
	s10 =	sld [smem:$0x3FB0];
	_ =	sdelay $0x3  }
0x37: {  	[smem:$0x3FB0] =	sst s10  }
0x38: {  	s10 =	sld [smem:$0x3FB1]  }
0x39: {  	_ = 	snop;
	(pc) =	sbr.ind lr, $3  }
0x3a: {  	_ = 	snop  }
0x3b: {  	_ = 	snop  }
0x3c: {  	p2 =	seq.s32 s10, $0x1;
	s10 =	sld [smem:$0x3FB0]  }
0x3d: {  	_ =	shalt  }
0x3e: {  	_ =	shalt  }
0x3f: {  	_ =	shalt  }
0x40: {  	_ =	shalt  }
0x41: {  	_ =	shalt  }
0x42: {  	_ =	shalt  }
0x43: {  	_ =	shalt  }
0x44: {  	_ =	shalt  }
0x45: {  	_ =	shalt  }
0x46: {  	_ =	shalt  }
0x47: {  	_ =	shalt  }
0x48: {  	_ =	shalt  }
0x49: {  	_ =	shalt  }
0x4a: {  	_ =	shalt  }
0x4b: {  	_ =	shalt  }
0x4c: {  	_ =	shalt  }
0x4d: {  	_ =	shalt  }
0x4e: {  	_ =	shalt  }
0x4f: {  	_ =	shalt  }
0x50: {  	_ =	shalt  }
0x51: {  	_ =	shalt  }
0x52: {  	_ =	shalt  }
0x53: {  	_ =	shalt  }
0x54: {  	_ =	shalt  }
0x55: {  	_ =	shalt  }
0x56: {  	_ =	shalt  }
0x57: {  	_ =	shalt  }
0x58: {  	_ =	shalt  }
0x59: {  	_ =	shalt  }
0x5a: {  	_ =	shalt  }
0x5b: {  	_ =	shalt  }
0x5c: {  	_ =	shalt  }
0x5d: {  	_ =	shalt  }
0x5e: {  	_ =	shalt  }
0x5f: {  	_ =	shalt  }
0x60: {  	_ =	shalt  }
0x61: {  	_ =	shalt  }
0x62: {  	_ =	shalt  }
0x63: {  	_ =	shalt  }
0x64: {  	_ =	shalt  }
0x65: {  	_ =	shalt  }
0x66: {  	_ =	shalt  }
0x67: {  	_ =	shalt  }
0x68: {  	_ =	shalt  }
0x69: {  	_ =	shalt  }
0x6a: {  	_ =	shalt  }
0x6b: {  	_ =	shalt  }
0x6c: {  	_ =	shalt  }
0x6d: {  	_ =	shalt  }
0x6e: {  	_ =	shalt  }
0x6f: {  	_ =	shalt  }
0x70: {  	_ =	shalt  }
0x71: {  	_ =	shalt  }
0x72: {  	_ =	shalt  }
0x73: {  	_ =	shalt  }
0x74: {  	_ =	shalt  }
0x75: {  	_ =	shalt  }
0x76: {  	_ =	shalt  }
0x77: {  	_ =	shalt  }
0x78: {  	_ =	shalt  }
0x79: {  	_ =	shalt  }
0x7a: {  	_ =	shalt  }
0x7b: {  	_ =	shalt  }
0x7c: {  	_ =	shalt  }
0x7d: {  	_ =	shalt  }
0x7e: {  	_ =	shalt  }
0x7f: {  	_ =	shalt  }
0x80: {  	_ =	shalt  }
0x81: {  	_ =	shalt  }
0x82: {  	_ =	shalt  }
0x83: {  	_ =	shalt  }
0x84: {  	_ =	shalt  }
0x85: {  	_ =	shalt  }
0x86: {  	_ =	shalt  }
0x87: {  	_ =	shalt  }
.Lfunc_end0:
.L_simem_size_0:
called_computation.3_lowered:
.L_overlay_start_0:
0x88: {  	s2 =	sld [smem:$0x3FD9]  }
0x89: {  	s3 =	sld [smem:$0x3FFE];
	_ =	sdelay $0x1  }
0x8a: {  	s1 =	srdreg.scid  }
0x8b: {  	s0 =	sand.u32 $0x1, s1  }
0x8c: {  	s16 =	sshll.u32 s0, $0xA;
	s2 =	sadd.s32 s3, s2  }
0x8d: {  	s2 =	sadd.s32 s2, s16  }
0x8e: {  	[smem:$0x3FBC] =	sst s2  }
0x8f: {  	_ = 	snop  }
0x90: {  	(tm) =	ssettm $0x1  }
0x91: {  	s17 =	sld [smem:$0x3FFB];
	_ =	sdelay $0x3  }
0x92: {  	_ =	strace s17  }
0x93: {  	s2 =	sld [smem:$0x3FFC];
	_ =	sdelay $0x3  }
0x94: {  	_ =	strace s2  }
0x95: {  	s2 =	sld [smem:$0x3FFD];
	_ =	sdelay $0x3  }
0x96: {  	_ =	strace s2  }
0x97: {  	_ =	strace $0x8FFFFFFF  }
0x98: {  	s18 =	sld [smem:$0x3FDB];
	_ =	sdelay $0x1  }
0x99: {  	s19 =	simm.s32 $_scs_section_size  }
0x9a: {  	s4 =	simm.s32 $_size__tile_overlayer_lowered;
	s5 =	simm.s32 $_tile_overlayer_lowered  }
0x9b: {  	s22 =	simm.s32 $0x1BFF;
	s21 =	sshll.u32 s5, $0x1;
	s2 =	sadd.s32 s19, s18  }
0x9c: {  	s6 =	simm.s32 $0x0;
	s20 =	sshll.u32 s4, $0x1;
	s4 =	sadd.s32 s21, s2  }
0x9d: {  	[timem:s6], [sflag:s22] =	dma.local [hbm:s4], s20  }
0x9e: {  	_ =	swait.ge [sflag:s22], s20  }
0x9f: {  	s3 =	ssub.s32 $0x0, s20;
	[sflag:s22] =	ssyncset.done $0x0  }
0xa0: {  	[sflag:s22] =	ssyncadd.s32 s3;
	_ =	sdelay $0x1  }
0xa1: {  	s23 =	simm.s32 $0x1B8B  }
0xa2: {  	_ =	swait.ge [sflag:s23], $0x1  }
0xa3: {  	[sflag:s23] =	ssyncset.done $0x0  }
0xa4: {  	s25 =	simm.s32 $0x1B8E;
	s24 =	sld [smem:$0x3FFE];
	[sflag:s23] =	ssyncadd.s32 $0xFFFFFFFF  }
0xa5: {  	s26 =	simm.s32 $execute0_lowered;
	[smem:$0x3FD2] =	sst s25  }
0xa6: {  	s4 =	sshll.u32 s26, $0x1;
	_ =	strace $0x8000004F;
	[dreg:$0x1] =	wrdreg $0xFFFFFFFF  }
0xa7: {  	s28 =	simm.s32 $_size_execute0_lowered;
	s2 =	sadd.s32 s2, s4;
	[dreg:$0x0] =	wrdreg $0x0  }
0xa8: {  	s4 =	sshll.u32 s28, $0x1;
	[dreg:$0x2] =	wrdreg s2  }
0xa9: {  	[dreg:$0x3] =	wrdreg s4  }
0xaa: {  	[dreg:$0x4] =	wrdreg $0xC0  }
0xab: {  	_ =	task [dreg:s6], $0x5FFFF  }
0xac: {  	[dreg:$0x1] =	wrdreg $0xFFFFFFFF  }
0xad: {  	[dreg:$0x0] =	wrdreg $0x60  }
0xae: {  	[dreg:$0x2] =	wrdreg s24  }
0xaf: {  	[dreg:$0x3] =	wrdreg $0xA4000  }
0xb0: {  	[dreg:$0x4] =	wrdreg $0x9  }
0xb1: {  	_ =	task.clear_ibuf [dreg:s6], $0x5FFFF;
	_ =	strace $0x9000004F  }
0xb2: {  	s29 =	simm.s32 $0x9;
	_ =	strace $0x80000051  }
0xb3: {  	_ =	swait.ge [sflag:s29], $0x1  }
0xb4: {  	[sflag:s29] =	ssyncadd.s32 $0xFFFFFFFF  }
0xb5: {  	_ =	strace $0x90000051  }
0xb6: {  	_ =	sfence  }
0xb7: {  	s30 =	sld [smem:$0x0];
	_ =	sdelay $0x2  }
0xb8: {  	s31 =	sshll.u32 s1, $0xD;
	s1 =	sshrl.u32 s1, $0x2  }
0xb9: {  	s3 =	sand.u32 $0x4000, s31;
	s1 =	sadd.s32 s1, s30  }
0xba: {  	s0 =	sor.u32 s3, s0;
	s1 =	sshll.u32 s1, $0x11  }
0xbb: {  	s0 =	sor.u32 s1, s0  }
0xbc: {  	s0 =	sadd.s32 $0x8F2B, s0  }
0xbd: {  	[sflag:s0] =	ssyncadd.remote.s32 $0x1  }
0xbe: {  	_ =	sfence.sel $0xFFFF  }
0xbf: {  	[dreg:$0x0] =	wrdreg $0xFFFFFFFF;
	(pc) =	sbr.abs _section_cstart, $3  }
0xc0: {  	[dreg:$0x1] =	wrdreg $0xFFFFFFFF  }
0xc1: {  	_ =	task.clear_ibuf [dreg:s6], $0x2FFFF;
	_ =	strace $0x9FFFFFFF  }
0xc2: {  	(tm) =	ssettm $0x7FFFFFFF  }
0xc3: {  	_ =	shalt  }
tec
execute0_lowered:
.L_overlay_start_1:
0x0: {  	(tag) =	ssettag $0x1  }
0x1: {  	s1 =	srdreg.scid  }
0x2: {  	s1 =	sand.u32 $0x1, s1  }
0x3: {  	p0 =	seq.s32 s1, $0x1  }
.Ltmp0:
0x4: {  	_ = 	snop;
	(pc) =	sbr.rel @p0 .LBB2_5-.Ltmp0, $4  }
0x5: {  	s2 =	rddreg [dreg:$0x0]  }
0x6: {  	s3 =	rddreg [dreg:$0x1];
	s4 =	simm.s32 $0x0  }
0x7: {  	[smem:$0x7FF] =	sst s4  }
0x8: {  	s0 =	rddreg [dreg:$0x2];
	_ =	strace $0x80000050;
	s1 =	stileid.u32  }
0x9: {  	v0 =	vimm.f32 $0.0e+00  }
0xa: {  	[tilespmem:$0xA000] =	vst v0  }
0xb: {  	[tilespmem:$0xA010] =	vst v0  }
0xc: {  	[tilespmem:$0xA020] =	vst v0  }
0xd: {  	[tilespmem:$0xA030] =	vst v0  }
0xe: {  	[tilespmem:$0xA040] =	vst v0  }
0xf: {  	s5 =	smul.u32 $0x280, s1;
	[tilespmem:$0xA050] =	vst v0  }
0x10: {  	[tilespmem:$0xA060] =	vst v0  }
0x11: {  	s7 =	simm.s32 $0xA000;
	s8 =	simm.s32 $0x9;
	[tilespmem:$0xA070] =	vst v0;
	s6 =	sadd.s32 s5, s3  }
0x12: {  	[spmem:s6] =	stream.linear.scatter [tilespmem:s7], [sflag:$0x9], $0x80, $0x38;
	[tilespmem:$0xAE80] =	vst v63  }
0x13: {  	_ =	swait.ge [sflag:s8], $0x80  }
0x14: {  	[sflag:s8] =	ssyncset.done $0x0  }
0x15: {  	s9 =	sadd.s32 $0x80, s6;
	[sflag:s8] =	ssyncadd.s32 $0xFFFFFF80  }
0x16: {  	[spmem:s9] =	stream.linear.scatter [tilespmem:s7], [sflag:$0x9], $0x80, $0x38;
	[tilespmem:$0xAE80] =	vst v63  }
0x17: {  	_ =	swait.ge [sflag:s8], $0x80  }
0x18: {  	[sflag:s8] =	ssyncset.done $0x0  }
0x19: {  	s18 =	sadd.s32 $0x100, s6;
	[sflag:s8] =	ssyncadd.s32 $0xFFFFFF80  }
0x1a: {  	[spmem:s18] =	stream.linear.scatter [tilespmem:s7], [sflag:$0x9], $0x80, $0x38;
	[tilespmem:$0xAE80] =	vst v63  }
0x1b: {  	_ =	swait.ge [sflag:s8], $0x80  }
0x1c: {  	[sflag:s8] =	ssyncset.done $0x0  }
0x1d: {  	s19 =	sadd.s32 $0x180, s6;
	[sflag:s8] =	ssyncadd.s32 $0xFFFFFF80  }
0x1e: {  	[spmem:s19] =	stream.linear.scatter [tilespmem:s7], [sflag:$0x9], $0x80, $0x38;
	[tilespmem:$0xAE80] =	vst v63  }
0x1f: {  	_ =	swait.ge [sflag:s8], $0x80  }
0x20: {  	[sflag:s8] =	ssyncset.done $0x0  }
0x21: {  	s20 =	sadd.s32 $0x200, s6;
	[sflag:s8] =	ssyncadd.s32 $0xFFFFFF80  }
0x22: {  	[spmem:s20] =	stream.linear.scatter [tilespmem:s7], [sflag:$0x9], $0x80, $0x38;
	[tilespmem:$0xAE80] =	vst v63  }
0x23: {  	_ =	swait.ge [sflag:s8], $0x80  }
0x24: {  	s21 =	smul.u32 $0xA00, s1;
	[sflag:s8] =	ssyncset.done $0x0  }
0x25: {  	s10 =	sadd.s32 $0xD200, s2;
	[sflag:s8] =	ssyncadd.s32 $0xFFFFFF80  }
0x26: {  	s10 =	sadd.s32 s10, s21;
	[bflag:$0x0] =	sbarrier.arrive $0xFFFF  }
0x27: {  	[tilespmem:s4], [sflag:$0x9] =	stream.linear.gather [hbm4b:s10+s4], $0x5000, $0x38;
	[tilespmem:$0xAE80] =	vst v63  }
0x28: {  	_ =	swait.ge [sflag:s8], $0x5000  }
0x29: {  	s22 =	sadd.s32 $0x3200, s2;
	[sflag:s8] =	ssyncset.done $0x0  }
0x2a: {  	s23 =	simm.s32 $0x5000;
	s9 =	sadd.s32 s22, s21;
	[sflag:s8] =	ssyncadd.s32 $0xFFFFB000  }
0x2b: {  	[tilespmem:s23], [sflag:$0x9] =	stream.linear.gather [hbm4b:s9+s4], $0x5000, $0x38;
	[tilespmem:$0xAE80] =	vst v63  }
0x2c: {  	_ =	swait.ge [sflag:s8], $0x5000  }
0x2d: {  	[sflag:s8] =	ssyncset.done $0x0  }
0x2e: {  	s11 =	sadd.s32 $0x17200, s2;
	s12 =	simm.s32 $0x80;
	[sflag:s8] =	ssyncadd.s32 $0xFFFFB000  }
0x2f: {  	[tilespmem:s7], [sflag:$0x1] =	stream.indirect.gather [hbm4b:s11+s12], $0x1, s4, s12, $0xb8;
	[tilespmem:$0xAE80] =	vst v63  }
0x30: {  	s24 =	simm.s32 $0xA080;
	s25 =	simm.s32 $0x100;
	s13 =	simm.s32 $0xA100  }
0x31: {  	[tilespmem:s24], [sflag:$0x2] =	stream.indirect.gather [hbm4b:s11+s12], $0x1, s12, s12, $0xb8;
	[tilespmem:$0xAE80] =	vst v63  }
0x32: {  	s26 =	simm.s32 $0x180;
	s14 =	simm.s32 $0xA180;
	s28 =	simm.s32 $0x200  }
0x33: {  	[tilespmem:s13], [sflag:$0x3] =	stream.indirect.gather [hbm4b:s11+s12], $0x1, s25, s12, $0xb8;
	[tilespmem:$0xAE80] =	vst v63  }
0x34: {  	s30 =	simm.s32 $0x280;
	s15 =	simm.s32 $0xA280;
	s31 =	simm.s32 $0x300  }
0x35: {  	[tilespmem:s14], [sflag:$0x4] =	stream.indirect.gather [hbm4b:s11+s12], $0x1, s26, s12, $0xb8;
	[tilespmem:$0xAE80] =	vst v63  }
0x36: {  	s17 =	simm.s32 $0x380;
	s5 =	sshrl.u32 s5, $0x3;
	s14 =	simm.s32 $0xA200  }
0x37: {  	[tilespmem:s14], [sflag:$0x5] =	stream.indirect.gather [hbm4b:s11+s12], $0x1, s28, s12, $0xb8;
	[tilespmem:$0xAE80] =	vst v63  }
0x38: {  	s16 =	simm.s32 $0xA380;
	s29 =	sadd.s32 s5, s2;
	s21 =	simm.s32 $0x8  }
0x39: {  	[tilespmem:s15], [sflag:$0x6] =	stream.indirect.gather [hbm4b:s11+s12], $0x1, s30, s12, $0xb8;
	[tilespmem:$0xAE80] =	vst v63  }
0x3a: {  	s18 =	simm.s32 $0x3;
	s19 =	simm.s32 $0x5;
	s15 =	simm.s32 $0xA300  }
0x3b: {  	[tilespmem:s15], [sflag:$0x7] =	stream.indirect.gather [hbm4b:s11+s12], $0x1, s31, s12, $0xb8;
	[tilespmem:$0xAE80] =	vst v63  }
0x3c: {  	s20 =	simm.s32 $0x7;
	s10 =	sadd.s32 s11, s5;
	s5 =	sadd.s32 $0xA3E00, s29  }
0x3d: {  	[tilespmem:s16], [sflag:$0x8] =	stream.indirect.gather [hbm4b:s11+s12], $0x1, s17, s12, $0xb8;
	[tilespmem:$0xAE80] =	vst v63  }
0x3e: {  	s9 =	sadd.s32 $0x17800, s2;
	s2 =	sadd.s32 $0x17A00, s29;
	s17 =	simm.s32 $0x1  }
.LBB2_2:
0x3f: {  	_ =	swait.ge [sflag:s17], $0x80  }
0x40: {  	s22 =	sshra.s32 s4, $0x2;
	[sflag:s17] =	ssyncset.done $0x0  }
0x41: {  	s23 =	sadd.s32 $0x5000, s22;
	[sflag:s17] =	ssyncadd.s32 $0xFFFFFF80  }
0x42: {  	[spmem:s3] =	stream.indirect.scatter.add.f32 [tilespmem:s7], [sflag:$0x9], $0x1, s23, s12, $0xb8;
	[tilespmem:$0xAE80] =	vst v63  }
0x43: {  	_ =	swait.ge [sflag:s8], $0x80  }
0x44: {  	p0 =	seq.s32 s4, $0x13000;
	[sflag:s8] =	ssyncset.done $0x0  }
0x45: {  	s23 =	simm.s32 @p0 $0x2;
	[sflag:s8] =	ssyncadd.s32 $0xFFFFFF80  }
0x46: {  	s25 =	sshra.s32 @p0 s4, $0x2;
	_ =	swait.ge @p0 [sflag:s23], $0x80  }
0x47: {  	s26 =	simm.s32 @p0 $0x80;
	s24 =	simm.s32 @p0 $0xA080;
	[sflag:s23] =	ssyncset.done @p0 $0x0  }
0x48: {  	s28 =	simm.s32 @p0 $0x9;
	[sflag:s23] =	ssyncadd.s32 @p0 $0xFFFFFF80;
	s23 =	sadd.s32 @p0 $0x5080, s25  }
0x49: {  	[spmem:s3] =	stream.indirect.scatter.add.f32 @p0 [tilespmem:s24], [sflag:$0x9], $0x1, s23, s26, $0xb8;
	[tilespmem:$0xAE80] =	vst v63  }
0x4a: {  	_ =	swait.ge @p0 [sflag:s28], $0x80  }
0x4b: {  	s30 =	simm.s32 @!p0 $0xA000;
	s23 =	sshra.s32 @!p0 s4, $0x2;
	[sflag:s28] =	ssyncset.done @p0 $0x0  }
0x4c: {  	s24 =	simm.s32 @!p0 $0x80;
	s29 =	sadd.s32 @!p0 $0x400, s23;
	[sflag:s28] =	ssyncadd.s32 @p0 $0xFFFFFF80  }
0x4d: {  	[tilespmem:s30], [sflag:$0x1] =	stream.indirect.gather @!p0 [hbm4b:s11+s24], $0x1, s29, s24, $0xb8;
	[tilespmem:$0xAE80] =	vst v63  }
0x4e: {  	s29 =	simm.s32 @!p0 $0x2  }
0x4f: {  	_ =	swait.ge @!p0 [sflag:s29], $0x80  }
0x50: {  	[sflag:s29] =	ssyncset.done @!p0 $0x0  }
0x51: {  	s30 =	simm.s32 @!p0 $0xA080;
	[sflag:s29] =	ssyncadd.s32 @!p0 $0xFFFFFF80;
	s29 =	sadd.s32 @!p0 $0x5080, s23  }
0x52: {  	[spmem:s3] =	stream.indirect.scatter.add.f32 @!p0 [tilespmem:s30], [sflag:$0x9], $0x1, s29, s24, $0xb8;
	[tilespmem:$0xAE80] =	vst v63  }
0x53: {  	s29 =	simm.s32 @!p0 $0x9  }
0x54: {  	_ =	swait.ge @!p0 [sflag:s29], $0x80  }
0x55: {  	[sflag:s29] =	ssyncset.done @!p0 $0x0  }
0x56: {  	s31 =	sadd.s32 @!p0 $0x480, s23;
	[sflag:s29] =	ssyncadd.s32 @!p0 $0xFFFFFF80  }
0x57: {  	[tilespmem:s30], [sflag:$0x2] =	stream.indirect.gather @!p0 [hbm4b:s11+s24], $0x1, s31, s24, $0xb8;
	[tilespmem:$0xAE80] =	vst v63  }
0x58: {  	_ =	swait.ge [sflag:s18], $0x80  }
0x59: {  	[sflag:s18] =	ssyncset.done $0x0  }
0x5a: {  	s31 =	sadd.s32 $0x5100, s22;
	[sflag:s18] =	ssyncadd.s32 $0xFFFFFF80  }
0x5b: {  	[spmem:s3] =	stream.indirect.scatter.add.f32 [tilespmem:s13], [sflag:$0x9], $0x1, s31, s12, $0xb8;
	[tilespmem:$0xAE80] =	vst v63  }
0x5c: {  	_ =	swait.ge [sflag:s8], $0x80  }
0x5d: {  	[sflag:s8] =	ssyncset.done $0x0  }
0x5e: {  	s30 =	simm.s32 @p0 $0x4;
	[sflag:s8] =	ssyncadd.s32 $0xFFFFFF80  }
0x5f: {  	_ =	swait.ge @p0 [sflag:s30], $0x80  }
0x60: {  	[sflag:s30] =	ssyncset.done @p0 $0x0  }
0x61: {  	s31 =	simm.s32 @p0 $0xA180;
	[sflag:s30] =	ssyncadd.s32 @p0 $0xFFFFFF80;
	s30 =	sadd.s32 @p0 $0x5180, s25  }
0x62: {  	[spmem:s3] =	stream.indirect.scatter.add.f32 @p0 [tilespmem:s31], [sflag:$0x9], $0x1, s30, s26, $0xb8;
	[tilespmem:$0xAE80] =	vst v63  }
0x63: {  	_ =	swait.ge @p0 [sflag:s28], $0x80  }
0x64: {  	[sflag:s28] =	ssyncset.done @p0 $0x0  }
0x65: {  	s30 =	sadd.s32 @!p0 $0x500, s23;
	s31 =	simm.s32 @!p0 $0xA100;
	[sflag:s28] =	ssyncadd.s32 @p0 $0xFFFFFF80  }
0x66: {  	[tilespmem:s31], [sflag:$0x3] =	stream.indirect.gather @!p0 [hbm4b:s11+s24], $0x1, s30, s24, $0xb8;
	[tilespmem:$0xAE80] =	vst v63  }
0x67: {  	s30 =	simm.s32 @!p0 $0x4  }
0x68: {  	_ =	swait.ge @!p0 [sflag:s30], $0x80  }
0x69: {  	[sflag:s30] =	ssyncset.done @!p0 $0x0  }
0x6a: {  	s31 =	simm.s32 @!p0 $0xA180;
	[sflag:s30] =	ssyncadd.s32 @!p0 $0xFFFFFF80;
	s30 =	sadd.s32 @!p0 $0x5180, s23  }
0x6b: {  	[spmem:s3] =	stream.indirect.scatter.add.f32 @!p0 [tilespmem:s31], [sflag:$0x9], $0x1, s30, s24, $0xb8;
	[tilespmem:$0xAE80] =	vst v63  }
0x6c: {  	_ =	swait.ge @!p0 [sflag:s29], $0x80  }
0x6d: {  	[sflag:s29] =	ssyncset.done @!p0 $0x0  }
0x6e: {  	s30 =	sadd.s32 @!p0 $0x580, s23;
	[sflag:s29] =	ssyncadd.s32 @!p0 $0xFFFFFF80  }
0x6f: {  	[tilespmem:s31], [sflag:$0x4] =	stream.indirect.gather @!p0 [hbm4b:s11+s24], $0x1, s30, s24, $0xb8;
	[tilespmem:$0xAE80] =	vst v63  }
0x70: {  	_ =	swait.ge [sflag:s19], $0x80  }
0x71: {  	[sflag:s19] =	ssyncset.done $0x0  }
0x72: {  	s31 =	sadd.s32 $0x5200, s22;
	[sflag:s19] =	ssyncadd.s32 $0xFFFFFF80  }
0x73: {  	[spmem:s3] =	stream.indirect.scatter.add.f32 [tilespmem:s14], [sflag:$0x9], $0x1, s31, s12, $0xb8;
	[tilespmem:$0xAE80] =	vst v63  }
0x74: {  	_ =	swait.ge [sflag:s8], $0x80  }
0x75: {  	[sflag:s8] =	ssyncset.done $0x0  }
0x76: {  	s30 =	simm.s32 @p0 $0x6;
	[sflag:s8] =	ssyncadd.s32 $0xFFFFFF80  }
0x77: {  	_ =	swait.ge @p0 [sflag:s30], $0x80  }
0x78: {  	[sflag:s30] =	ssyncset.done @p0 $0x0  }
0x79: {  	s25 =	sadd.s32 @p0 $0x5280, s25;
	[sflag:s30] =	ssyncadd.s32 @p0 $0xFFFFFF80;
	s30 =	simm.s32 @p0 $0xA280  }
0x7a: {  	[spmem:s3] =	stream.indirect.scatter.add.f32 @p0 [tilespmem:s30], [sflag:$0x9], $0x1, s25, s26, $0xb8;
	[tilespmem:$0xAE80] =	vst v63  }
0x7b: {  	_ =	swait.ge @p0 [sflag:s28], $0x80  }
0x7c: {  	[sflag:s28] =	ssyncset.done @p0 $0x0  }
0x7d: {  	s25 =	sadd.s32 @!p0 $0x600, s23;
	s26 =	simm.s32 @!p0 $0xA200;
	[sflag:s28] =	ssyncadd.s32 @p0 $0xFFFFFF80  }
0x7e: {  	[tilespmem:s26], [sflag:$0x5] =	stream.indirect.gather @!p0 [hbm4b:s11+s24], $0x1, s25, s24, $0xb8;
	[tilespmem:$0xAE80] =	vst v63  }
0x7f: {  	s25 =	simm.s32 @!p0 $0x6  }
0x80: {  	_ =	swait.ge @!p0 [sflag:s25], $0x80  }
0x81: {  	[sflag:s25] =	ssyncset.done @!p0 $0x0  }
0x82: {  	s26 =	simm.s32 @!p0 $0xA280;
	[sflag:s25] =	ssyncadd.s32 @!p0 $0xFFFFFF80;
	s25 =	sadd.s32 @!p0 $0x5280, s23  }
0x83: {  	[spmem:s3] =	stream.indirect.scatter.add.f32 @!p0 [tilespmem:s26], [sflag:$0x9], $0x1, s25, s24, $0xb8;
	[tilespmem:$0xAE80] =	vst v63  }
0x84: {  	_ =	swait.ge @!p0 [sflag:s29], $0x80  }
0x85: {  	[sflag:s29] =	ssyncset.done @!p0 $0x0  }
0x86: {  	s23 =	sadd.s32 @!p0 $0x680, s23;
	[sflag:s29] =	ssyncadd.s32 @!p0 $0xFFFFFF80  }
0x87: {  	[tilespmem:s26], [sflag:$0x6] =	stream.indirect.gather @!p0 [hbm4b:s11+s24], $0x1, s23, s24, $0xb8;
	[tilespmem:$0xAE80] =	vst v63  }
0x88: {  	_ =	swait.ge [sflag:s20], $0x80  }
0x89: {  	[sflag:s20] =	ssyncset.done $0x0  }
.Ltmp1:
0x8a: {  	s31 =	sadd.s32 $0x5300, s22;
	[sflag:s20] =	ssyncadd.s32 $0xFFFFFF80;
	(pc) =	sbr.rel @p0 .LBB2_4-.Ltmp1, $4  }
0x8b: {  	[spmem:s3] =	stream.indirect.scatter.add.f32 [tilespmem:s15], [sflag:$0x9], $0x1, s31, s12, $0xb8;
	[tilespmem:$0xAE80] =	vst v63  }
0x8c: {  	_ =	swait.ge [sflag:s8], $0x80  }
0x8d: {  	[sflag:s8] =	ssyncset.done $0x0  }
0x8e: {  	[sflag:s8] =	ssyncadd.s32 $0xFFFFFF80  }
0x8f: {  	s23 =	sadd.s32 $0x700, s22  }
0x90: {  	[tilespmem:s15], [sflag:$0x7] =	stream.indirect.gather [hbm4b:s11+s12], $0x1, s23, s12, $0xb8;
	[tilespmem:$0xAE80] =	vst v63  }
0x91: {  	_ =	swait.ge [sflag:s21], $0x80  }
0x92: {  	[sflag:s21] =	ssyncset.done $0x0  }
0x93: {  	s30 =	sadd.s32 $0x5380, s22;
	[sflag:s21] =	ssyncadd.s32 $0xFFFFFF80  }
0x94: {  	[spmem:s3] =	stream.indirect.scatter.add.f32 [tilespmem:s16], [sflag:$0x9], $0x1, s30, s12, $0xb8;
	[tilespmem:$0xAE80] =	vst v63  }
.Ltmp2:
0x95: {  	_ = 	snop;
	(pc) =	sbr.rel .LBB2_2-.Ltmp2, $4  }
0x96: {  	_ =	swait.ge [sflag:s8], $0x80  }
0x97: {  	[sflag:s8] =	ssyncset.done $0x0  }
0x98: {  	s31 =	sadd.s32 $0x780, s22;
	s4 =	sadd.s32 $0x1000, s4;
	[sflag:s8] =	ssyncadd.s32 $0xFFFFFF80  }
0x99: {  	[tilespmem:s16], [sflag:$0x8] =	stream.indirect.gather [hbm4b:s11+s12], $0x1, s31, s12, $0xb8;
	[tilespmem:$0xAE80] =	vst v63  }
.LBB2_4:
0x9a: {  	s4 =	simm.s32 $0x8  }
0x9b: {  	_ =	swait.ge [sflag:s4], $0x80  }
0x9c: {  	s24 =	sadd.s32 $0x5380, s22;
	s7 =	simm.s32 $0x80;
	[sflag:s4] =	ssyncset.done $0x0  }
0x9d: {  	s8 =	simm.s32 $0xA380;
	s25 =	simm.s32 $0x9;
	[sflag:s4] =	ssyncadd.s32 $0xFFFFFF80  }
0x9e: {  	[spmem:s3] =	stream.indirect.scatter.add.f32 [tilespmem:s8], [sflag:$0x9], $0x1, s24, s7, $0xb8;
	[tilespmem:$0xAE80] =	vst v63  }
0x9f: {  	_ =	swait.ge [sflag:s25], $0x80  }
0xa0: {  	[sflag:s25] =	ssyncset.done $0x0  }
0xa1: {  	[sflag:s25] =	ssyncadd.s32 $0xFFFFFF80  }
0xa2: {  	s26 =	simm.s32 $0xA680;
	[bflag:$0x0] =	sbarrier.arrive $0xFFFF  }
0xa3: {  	[tilespmem:s26], [sflag:$0x9] =	stream.linear.gather [spmem:s6], $0x280, $0x38;
	[tilespmem:$0xAE80] =	vst v63  }
0xa4: {  	_ =	swait.ge [sflag:s25], $0x280  }
0xa5: {  	[sflag:s25] =	ssyncset.done $0x0  }
0xa6: {  	s28 =	simm.s32 $0x0;
	s29 =	simm.s32 $0xA900;
	[sflag:s25] =	ssyncadd.s32 $0xFFFFFD80  }
0xa7: {  	[tilespmem:s29], [sflag:$0x9] =	stream.linear.gather [hbm4b:s10+s28], $0x280, $0x38;
	[tilespmem:$0xAE80] =	vst v63  }
0xa8: {  	_ =	swait.ge [sflag:s25], $0x280  }
0xa9: {  	[sflag:s25] =	ssyncset.done $0x0  }
0xaa: {  	s30 =	simm.s32 $0xAE00;
	[sflag:s25] =	ssyncadd.s32 $0xFFFFFD80  }
0xab: {  	[tilespmem:s30], [sflag:$0x9] =	stream.linear.gather [hbm4b:s9+s28], $0x80, $0x38;
	[tilespmem:$0xAE80] =	vst v63  }
0xac: {  	_ =	swait.ge [sflag:s25], $0x80  }
0xad: {  	[sflag:s25] =	ssyncset.done $0x0  }
0xae: {  	[sflag:s25] =	ssyncadd.s32 $0xFFFFFF80  }
0xaf: {  	v0 =	vld [tilespmem:$0xA680]  }
0xb0: {  	v1 =	vld [tilespmem:$0xA900]  }
0xb1: {  	v2 =	vld [tilespmem:$0xA690]  }
0xb2: {  	v3 =	vld [tilespmem:$0xA910]  }
0xb3: {  	v4 =	vld [tilespmem:$0xA6A0]  }
0xb4: {  	v5 =	vld [tilespmem:$0xA920]  }
0xb5: {  	v6 =	vld [tilespmem:$0xA6B0]  }
0xb6: {  	v7 =	vld [tilespmem:$0xA930]  }
0xb7: {  	v8 =	vld [tilespmem:$0xA6C0]  }
0xb8: {  	v9 =	vld [tilespmem:$0xA940]  }
0xb9: {  	v10 =	vld [tilespmem:$0xA6D0]  }
0xba: {  	v11 =	vld [tilespmem:$0xA950]  }
0xbb: {  	v12 =	vld [tilespmem:$0xA6E0]  }
0xbc: {  	v13 =	vld [tilespmem:$0xA960]  }
0xbd: {  	v14 =	vld [tilespmem:$0xA6F0]  }
0xbe: {  	v15 =	vld [tilespmem:$0xA970]  }
0xbf: {  	v16 =	vld [tilespmem:$0xA700]  }
0xc0: {  	v17 =	vld [tilespmem:$0xA980]  }
0xc1: {  	v18 =	vld [tilespmem:$0xA710]  }
0xc2: {  	v19 =	vld [tilespmem:$0xA990]  }
0xc3: {  	v20 =	vld [tilespmem:$0xA720]  }
0xc4: {  	v21 =	vld [tilespmem:$0xA9A0]  }
0xc5: {  	v22 =	vld [tilespmem:$0xA730]  }
0xc6: {  	v23 =	vld [tilespmem:$0xA9B0]  }
0xc7: {  	v24 =	vld [tilespmem:$0xA740]  }
0xc8: {  	v25 =	vld [tilespmem:$0xA9C0]  }
0xc9: {  	v26 =	vld [tilespmem:$0xA750]  }
0xca: {  	v27 =	vld [tilespmem:$0xA9D0]  }
0xcb: {  	v28 =	vld [tilespmem:$0xA760]  }
0xcc: {  	v29 =	vld [tilespmem:$0xA9E0]  }
0xcd: {  	v30 =	vld [tilespmem:$0xA770]  }
0xce: {  	v31 =	vld [tilespmem:$0xA9F0]  }
0xcf: {  	v32 =	vld [tilespmem:$0xA780]  }
0xd0: {  	v33 =	vld [tilespmem:$0xAA00]  }
0xd1: {  	v34 =	vld [tilespmem:$0xA790]  }
0xd2: {  	v35 =	vld [tilespmem:$0xAA10]  }
0xd3: {  	v36 =	vld [tilespmem:$0xA7A0]  }
0xd4: {  	v37 =	vld [tilespmem:$0xAA20]  }
0xd5: {  	v38 =	vld [tilespmem:$0xA7B0]  }
0xd6: {  	v39 =	vld [tilespmem:$0xAA30]  }
0xd7: {  	v40 =	vld [tilespmem:$0xA7C0]  }
0xd8: {  	v41 =	vld [tilespmem:$0xAA40]  }
0xd9: {  	v42 =	vld [tilespmem:$0xA7D0]  }
0xda: {  	v43 =	vld [tilespmem:$0xAA50]  }
0xdb: {  	v44 =	vld [tilespmem:$0xA7E0]  }
0xdc: {  	v45 =	vld [tilespmem:$0xA840];
	v0 =	vadd.f32 v1, v0  }
0xdd: {  	v47 =	vld [tilespmem:$0xAAC0];
	v2 =	vadd.f32 v3, v2  }
0xde: {  	v49 =	vld [tilespmem:$0xA850];
	v60 =	vadd.f32 v5, v4;
	[tilespmem:$0xAB80] =	vst v0  }
0xdf: {  	v51 =	vld [tilespmem:$0xAAD0];
	v61 =	vadd.f32 v7, v6;
	[tilespmem:$0xAB90] =	vst v2  }
0xe0: {  	v53 =	vld [tilespmem:$0xA860];
	v62 =	vadd.f32 v9, v8;
	[tilespmem:$0xABA0] =	vst v60  }
0xe1: {  	v55 =	vld [tilespmem:$0xAAE0];
	v63 =	vadd.f32 v11, v10;
	[tilespmem:$0xABB0] =	vst v61  }
0xe2: {  	v57 =	vld [tilespmem:$0xA870];
	v13 =	vadd.f32 v13, v12;
	[tilespmem:$0xABC0] =	vst v62  }
0xe3: {  	v59 =	vld [tilespmem:$0xAAF0];
	v15 =	vadd.f32 v15, v14;
	[tilespmem:$0xABD0] =	vst v63  }
0xe4: {  	v1 =	vld [tilespmem:$0xAA60];
	v17 =	vadd.f32 v17, v16;
	[tilespmem:$0xABE0] =	vst v13  }
0xe5: {  	v3 =	vld [tilespmem:$0xA7F0];
	v19 =	vadd.f32 v19, v18;
	[tilespmem:$0xABF0] =	vst v15  }
0xe6: {  	v4 =	vld [tilespmem:$0xAA70];
	v21 =	vadd.f32 v21, v20;
	[tilespmem:$0xAC00] =	vst v17  }
0xe7: {  	v5 =	vld [tilespmem:$0xA800];
	v23 =	vadd.f32 v23, v22;
	[tilespmem:$0xAC10] =	vst v19  }
0xe8: {  	v6 =	vld [tilespmem:$0xAA80];
	v46 =	vadd.f32 v25, v24;
	[tilespmem:$0xAC20] =	vst v21  }
0xe9: {  	v7 =	vld [tilespmem:$0xA810];
	v48 =	vadd.f32 v27, v26;
	[tilespmem:$0xAC30] =	vst v23  }
0xea: {  	v8 =	vld [tilespmem:$0xAA90];
	v50 =	vadd.f32 v29, v28;
	[tilespmem:$0xAC40] =	vst v46  }
0xeb: {  	v9 =	vld [tilespmem:$0xA820];
	v52 =	vadd.f32 v31, v30;
	[tilespmem:$0xAC50] =	vst v48  }
0xec: {  	v10 =	vld [tilespmem:$0xAAA0];
	v54 =	vadd.f32 v33, v32;
	[tilespmem:$0xAC60] =	vst v50  }
0xed: {  	v11 =	vld [tilespmem:$0xA830];
	v56 =	vadd.f32 v35, v34;
	[tilespmem:$0xAC70] =	vst v52  }
0xee: {  	v12 =	vld [tilespmem:$0xAAB0];
	v58 =	vadd.f32 v37, v36;
	[tilespmem:$0xAC80] =	vst v54  }
0xef: {  	v24 =	vadd.f32 v43, v42;
	v25 =	vld [tilespmem:$0xA890];
	[tilespmem:$0xAC90] =	vst v56  }
0xf0: {  	v27 =	vld [tilespmem:$0xAB10];
	v42 =	vadd.f32 v55, v53;
	[tilespmem:$0xACA0] =	vst v58  }
0xf1: {  	v29 =	vld [tilespmem:$0xA8A0];
	v60 =	vadd.f32 v39, v38;
	[tilespmem:$0xACD0] =	vst v24  }
0xf2: {  	v31 =	vld [tilespmem:$0xAB20];
	v62 =	vadd.f32 v41, v40;
	[tilespmem:$0xAD60] =	vst v42  }
0xf3: {  	v33 =	vld [tilespmem:$0xA8B0];
	v38 =	vadd.f32 v47, v45;
	[tilespmem:$0xACB0] =	vst v60  }
0xf4: {  	v35 =	vld [tilespmem:$0xAB30];
	v40 =	vadd.f32 v51, v49;
	[tilespmem:$0xACC0] =	vst v62  }
0xf5: {  	v37 =	vld [tilespmem:$0xA8C0];
	[tilespmem:$0xAD40] =	vst v38;
	v26 =	vadd.f32 v1, v44  }
0xf6: {  	v43 =	vld [tilespmem:$0xAB50];
	[tilespmem:$0xAD50] =	vst v40;
	v28 =	vadd.f32 v4, v3  }
0xf7: {  	v61 =	vld [tilespmem:$0xA880];
	v30 =	vadd.f32 v6, v5;
	[tilespmem:$0xACE0] =	vst v26  }
0xf8: {  	v63 =	vld [tilespmem:$0xAB00];
	v32 =	vadd.f32 v8, v7;
	[tilespmem:$0xACF0] =	vst v28  }
0xf9: {  	v39 =	vld [tilespmem:$0xAB40];
	v34 =	vadd.f32 v10, v9;
	[tilespmem:$0xAD00] =	vst v30  }
0xfa: {  	v41 =	vld [tilespmem:$0xA8D0];
	v36 =	vadd.f32 v12, v11;
	[tilespmem:$0xAD10] =	vst v32  }
0xfb: {  	v45 =	vld [tilespmem:$0xA8E0];
	v44 =	vadd.f32 v59, v57;
	[tilespmem:$0xAD20] =	vst v34  }
0xfc: {  	v47 =	vld [tilespmem:$0xAB60];
	v1 =	vadd.f32 v27, v25;
	[tilespmem:$0xAD30] =	vst v36  }
0xfd: {  	v48 =	vld [tilespmem:$0xA8F0];
	v49 =	vadd.f32 v31, v29;
	[tilespmem:$0xAD70] =	vst v44  }
0xfe: {  	v50 =	vld [tilespmem:$0xAB70];
	v51 =	vadd.f32 v35, v33;
	[tilespmem:$0xAD90] =	vst v1  }
0xff: {  	v46 =	vadd.f32 v63, v61;
	[tilespmem:$0xADA0] =	vst v49  }
0x100: {  	v52 =	vadd.f32 v39, v37;
	[tilespmem:$0xADB0] =	vst v51  }
0x101: {  	v53 =	vadd.f32 v43, v41;
	[tilespmem:$0xAD80] =	vst v46  }
0x102: {  	v54 =	vadd.f32 v47, v45;
	[tilespmem:$0xADC0] =	vst v52  }
0x103: {  	v55 =	vadd.f32 v50, v48;
	[tilespmem:$0xADD0] =	vst v53  }
0x104: {  	[tilespmem:$0xADE0] =	vst v54  }
0x105: {  	[tilespmem:$0xADF0] =	vst v55  }
0x106: {  	v0 =	vld [tilespmem:$0xAE00];
	[tilespmem:s26], [sflag:$0x9] =	stream.linear.gather [hbm4b:s5+s28], $0x280, $0x38  }
0x107: {  	_ =	swait.ge [sflag:s25], $0x280  }
0x108: {  	[sflag:s25] =	ssyncset.done $0x0  }
0x109: {  	[sflag:s25] =	ssyncadd.s32 $0xFFFFFD80  }
0x10a: {  	v1 =	vld [tilespmem:$0xA680]  }
0x10b: {  	v2 =	vld [tilespmem:$0xAB80]  }
0x10c: {  	v3 =	vld [tilespmem:$0xA690]  }
0x10d: {  	v4 =	vld [tilespmem:$0xAB90]  }
0x10e: {  	v5 =	vld [tilespmem:$0xA6A0]  }
0x10f: {  	v6 =	vld [tilespmem:$0xABA0]  }
0x110: {  	v7 =	vld [tilespmem:$0xA6B0]  }
0x111: {  	v56 =	vld [tilespmem:$0xABB0]  }
0x112: {  	v57 =	vld [tilespmem:$0xA6C0]  }
0x113: {  	v58 =	vld [tilespmem:$0xABC0]  }
0x114: {  	v59 =	vld [tilespmem:$0xA6D0]  }
0x115: {  	v60 =	vld [tilespmem:$0xABD0]  }
0x116: {  	v61 =	vld [tilespmem:$0xA6E0]  }
0x117: {  	v62 =	vld [tilespmem:$0xABE0]  }
0x118: {  	v15 =	vld [tilespmem:$0xA6F0]  }
0x119: {  	v63 =	vld [tilespmem:$0xABF0]  }
0x11a: {  	v17 =	vld [tilespmem:$0xA700]  }
0x11b: {  	v18 =	vld [tilespmem:$0xAC00]  }
0x11c: {  	v19 =	vld [tilespmem:$0xA710]  }
0x11d: {  	v20 =	vld [tilespmem:$0xAC10]  }
0x11e: {  	v21 =	vld [tilespmem:$0xA720]  }
0x11f: {  	v22 =	vld [tilespmem:$0xAC20]  }
0x120: {  	v23 =	vld [tilespmem:$0xA730]  }
0x121: {  	v24 =	vld [tilespmem:$0xAC30]  }
0x122: {  	v25 =	vld [tilespmem:$0xA740]  }
0x123: {  	v26 =	vld [tilespmem:$0xAC40]  }
0x124: {  	v27 =	vld [tilespmem:$0xA750]  }
0x125: {  	v28 =	vld [tilespmem:$0xAC50]  }
0x126: {  	v29 =	vld [tilespmem:$0xA760]  }
0x127: {  	v30 =	vld [tilespmem:$0xAC60]  }
0x128: {  	v31 =	vld [tilespmem:$0xA770]  }
0x129: {  	v32 =	vld [tilespmem:$0xAC70]  }
0x12a: {  	v33 =	vld [tilespmem:$0xA780]  }
0x12b: {  	v34 =	vld [tilespmem:$0xAC80]  }
0x12c: {  	v48 =	vld [tilespmem:$0xA790]  }
0x12d: {  	v49 =	vld [tilespmem:$0xAC90]  }
0x12e: {  	v50 =	vld [tilespmem:$0xA7A0]  }
0x12f: {  	v51 =	vld [tilespmem:$0xACA0]  }
0x130: {  	v52 =	vld [tilespmem:$0xA7B0]  }
0x131: {  	v53 =	vld [tilespmem:$0xACB0]  }
0x132: {  	v54 =	vld [tilespmem:$0xA7C0]  }
0x133: {  	v55 =	vld [tilespmem:$0xACC0]  }
0x134: {  	v43 =	vld [tilespmem:$0xA7D0]  }
0x135: {  	v44 =	vld [tilespmem:$0xACD0]  }
0x136: {  	v45 =	vld [tilespmem:$0xA7E0]  }
0x137: {  	v8 =	vld [tilespmem:$0xA800];
	v1 =	vmul.f32 v2, v1  }
0x138: {  	v9 =	vld [tilespmem:$0xAD00];
	v3 =	vmul.f32 v4, v3  }
0x139: {  	v10 =	vld [tilespmem:$0xA810];
	v5 =	vmul.f32 v6, v5;
	v1 =	vadd.f32 v1, v0  }
0x13a: {  	v11 =	vld [tilespmem:$0xAD10];
	v7 =	vmul.f32 v56, v7;
	v3 =	vadd.f32 v3, v0  }
0x13b: {  	v12 =	vld [tilespmem:$0xA820];
	v57 =	vmul.f32 v58, v57;
	v56 =	vadd.f32 v5, v0;
	[tilespmem:$0xAB80] =	vst v1  }
0x13c: {  	v13 =	vld [tilespmem:$0xAD20];
	v59 =	vmul.f32 v60, v59;
	v58 =	vadd.f32 v7, v0;
	[tilespmem:$0xAB90] =	vst v3  }
0x13d: {  	v14 =	vld [tilespmem:$0xA830];
	v61 =	vmul.f32 v62, v61;
	v60 =	vadd.f32 v57, v0;
	[tilespmem:$0xABA0] =	vst v56  }
0x13e: {  	v39 =	vld [tilespmem:$0xADC0];
	v63 =	vmul.f32 v63, v15;
	v62 =	vadd.f32 v59, v0;
	[tilespmem:$0xABB0] =	vst v58  }
0x13f: {  	v42 =	vld [tilespmem:$0xA8D0];
	v17 =	vmul.f32 v18, v17;
	v16 =	vadd.f32 v61, v0;
	[tilespmem:$0xABC0] =	vst v60  }
0x140: {  	v2 =	vld [tilespmem:$0xACE0];
	v19 =	vmul.f32 v20, v19;
	v18 =	vadd.f32 v63, v0;
	[tilespmem:$0xABD0] =	vst v62  }
0x141: {  	v4 =	vld [tilespmem:$0xA7F0];
	v21 =	vmul.f32 v22, v21;
	v20 =	vadd.f32 v17, v0;
	[tilespmem:$0xABE0] =	vst v16  }
0x142: {  	v6 =	vld [tilespmem:$0xACF0];
	v23 =	vmul.f32 v24, v23;
	v22 =	vadd.f32 v19, v0;
	[tilespmem:$0xABF0] =	vst v18  }
0x143: {  	v15 =	vld [tilespmem:$0xAD30];
	v25 =	vmul.f32 v26, v25;
	v27 =	vmul.f32 v28, v27;
	v24 =	vadd.f32 v21, v0;
	[tilespmem:$0xAC00] =	vst v20  }
0x144: {  	v29 =	vmul.f32 v30, v29;
	v36 =	vmul.f32 v49, v48;
	v48 =	vld [tilespmem:$0xAD70];
	v26 =	vadd.f32 v23, v0;
	[tilespmem:$0xAC10] =	vst v22  }
0x145: {  	v31 =	vmul.f32 v32, v31;
	v47 =	vmul.f32 v51, v50;
	v51 =	vld [tilespmem:$0xA880];
	v28 =	vadd.f32 v25, v0;
	[tilespmem:$0xAC20] =	vst v24  }
0x146: {  	v50 =	vmul.f32 v53, v52;
	v53 =	vmul.f32 v55, v54;
	v54 =	vld [tilespmem:$0xAD80];
	v30 =	vadd.f32 v27, v0;
	[tilespmem:$0xAC30] =	vst v26  }
0x147: {  	v33 =	vmul.f32 v34, v33;
	v17 =	vld [tilespmem:$0xAD40];
	v32 =	vadd.f32 v29, v0;
	[tilespmem:$0xAC40] =	vst v28  }
0x148: {  	v19 =	vld [tilespmem:$0xAD50];
	v34 =	vadd.f32 v31, v0;
	[tilespmem:$0xAC50] =	vst v30  }
0x149: {  	v21 =	vld [tilespmem:$0xAD60];
	v46 =	vadd.f32 v33, v0;
	[tilespmem:$0xAC60] =	vst v32  }
0x14a: {  	v49 =	vadd.f32 v36, v0;
	v57 =	vld [tilespmem:$0xA890];
	[tilespmem:$0xAC70] =	vst v34  }
0x14b: {  	v52 =	vadd.f32 v47, v0;
	v59 =	vld [tilespmem:$0xAD90];
	[tilespmem:$0xAC80] =	vst v46  }
0x14c: {  	v55 =	vadd.f32 v50, v0;
	v61 =	vld [tilespmem:$0xA8A0];
	v63 =	vmul.f32 v9, v8;
	[tilespmem:$0xAC90] =	vst v49  }
0x14d: {  	v27 =	vld [tilespmem:$0xADA0];
	v29 =	vmul.f32 v11, v10;
	[tilespmem:$0xACA0] =	vst v52;
	v58 =	vadd.f32 v53, v0  }
0x14e: {  	v33 =	vld [tilespmem:$0xADB0];
	v56 =	vmul.f32 v44, v43;
	[tilespmem:$0xACB0] =	vst v55;
	v31 =	vadd.f32 v63, v0  }
0x14f: {  	v36 =	vld [tilespmem:$0xA8C0];
	v32 =	vmul.f32 v13, v12;
	v34 =	vadd.f32 v29, v0;
	[tilespmem:$0xACC0] =	vst v58  }
0x150: {  	v16 =	vld [tilespmem:$0xA840];
	v2 =	vmul.f32 v2, v45;
	v60 =	vadd.f32 v56, v0;
	[tilespmem:$0xAD00] =	vst v31  }
0x151: {  	v18 =	vld [tilespmem:$0xA850];
	v4 =	vmul.f32 v6, v4;
	v37 =	vadd.f32 v32, v0;
	[tilespmem:$0xAD10] =	vst v34  }
0x152: {  	v20 =	vld [tilespmem:$0xA860];
	v35 =	vmul.f32 v15, v14;
	v62 =	vadd.f32 v2, v0;
	[tilespmem:$0xACD0] =	vst v60  }
0x153: {  	v22 =	vld [tilespmem:$0xA870];
	v50 =	vmul.f32 v54, v51;
	v28 =	vadd.f32 v4, v0;
	[tilespmem:$0xAD20] =	vst v37  }
0x154: {  	v30 =	vld [tilespmem:$0xA8B0];
	v40 =	vadd.f32 v35, v0;
	v53 =	vmul.f32 v59, v57;
	[tilespmem:$0xACE0] =	vst v62  }
0x155: {  	v45 =	vld [tilespmem:$0xADD0];
	v55 =	vadd.f32 v50, v0;
	v56 =	vmul.f32 v27, v61;
	[tilespmem:$0xACF0] =	vst v28  }
0x156: {  	v51 =	vld [tilespmem:$0xADE0];
	v59 =	vmul.f32 v39, v36;
	[tilespmem:$0xAD30] =	vst v40;
	v4 =	vadd.f32 v53, v0  }
0x157: {  	v54 =	vld [tilespmem:$0xA8F0];
	v38 =	vmul.f32 v17, v16;
	[tilespmem:$0xAD80] =	vst v55;
	v2 =	vadd.f32 v56, v0  }
0x158: {  	v41 =	vmul.f32 v19, v18;
	v47 =	vmul.f32 v48, v22;
	v48 =	vld [tilespmem:$0xA8E0];
	v1 =	vadd.f32 v59, v0;
	[tilespmem:$0xAD90] =	vst v4  }
0x159: {  	v57 =	vld [tilespmem:$0xADF0];
	v44 =	vmul.f32 v21, v20;
	v43 =	vadd.f32 v38, v0;
	[tilespmem:$0xADA0] =	vst v2  }
0x15a: {  	v46 =	vadd.f32 v41, v0;
	[tilespmem:$0xADC0] =	vst v1  }
0x15b: {  	v58 =	vmul.f32 v33, v30;
	v49 =	vadd.f32 v44, v0;
	[tilespmem:$0xAD40] =	vst v43  }
0x15c: {  	v60 =	vmul.f32 v45, v42;
	v52 =	vadd.f32 v47, v0;
	[tilespmem:$0xAD50] =	vst v46  }
0x15d: {  	v3 =	vadd.f32 v58, v0;
	[tilespmem:$0xAD60] =	vst v49;
	v61 =	vmul.f32 v51, v48  }
0x15e: {  	v62 =	vmul.f32 v57, v54;
	v4 =	vadd.f32 v60, v0;
	[tilespmem:$0xAD70] =	vst v52  }
0x15f: {  	[tilespmem:$0xADB0] =	vst v3;
	v63 =	vadd.f32 v61, v0  }
0x160: {  	[tilespmem:$0xADD0] =	vst v4;
	v0 =	vadd.f32 v62, v0  }
0x161: {  	[tilespmem:$0xADE0] =	vst v63  }
0x162: {  	s31 =	simm.s32 $0xAB80;
	[tilespmem:$0xADF0] =	vst v0  }
0x163: {  	[hbm4b:s2+s28] =	stream.linear.scatter [tilespmem:s31], [sflag:$0x9], $0x280, $0x38;
	[tilespmem:$0xAE80] =	vst v63  }
0x164: {  	_ =	swait.ge [sflag:s25], $0x280  }
0x165: {  	[sflag:s25] =	ssyncset.done $0x0  }
0x166: {  	[sflag:s25] =	ssyncadd.s32 $0xFFFFFD80  }
.LBB2_5:
0x167: {  	_ =	sfence.sel $0x180000  }
0x168: {  	[bflag:$0x0] =	sbarrier.arrive $0xFFFF  }
0x169: {  	p0 =	sne.s32 s1, $0x0;
	_ =	strace $0x90000050  }
0x16a: {  	s0 =	sadd.s32 @!p0 $0x100000, s0;
	[bflag:$0x2] =	sbarrier.arrive $0xFFFF  }
0x16b: {  	[sflag:s0] =	ssyncadd.tile.s32 @!p0 $0x1;
	_ =	shalt  }
.Lfunc_end2:
_tile_overlayer_lowered:
.L_overlay_start_2:
0x16c: {  	(tag) =	ssettag $0x2  }
0x16d: {  	s0 =	rddreg [dreg:$0x0];
	s2 =	stileid.u32  }
0x16e: {  	s1 =	rddreg [dreg:$0x1];
	p0 =	sne.s32 s2, $0x0  }
0x16f: {  	s3 =	rddreg [dreg:$0x2];
	[bflag:$0x3] =	sbarrier.arrive $0xFFFF;
	s2 =	simm.s32 @!p0 $0x1C09  }
0x170: {  	[timem:s3], [sflag:s2] =	dma.local @!p0 [hbm:s0], s1  }
0x171: {  	s0 =	simm.s32 @!p0 $0x9  }
0x172: {  	_ =	swait.ge @!p0 [sflag:s0], s1  }
0x173: {  	s1 =	ssub.s32 @!p0 $0x0, s1;
	[sflag:s0] =	ssyncset.done @!p0 $0x0  }
0x174: {  	[sflag:s0] =	ssyncadd.s32 @!p0 s1  }
0x175: {  	[bflag:$0x3] =	sbarrier.arrive $0xFFFF  }
0x176: {  	_ =	shalt  }

// kernel: kernel.9.cloned.1.call-start
scs
__scs_entry_jumppad:
0x0: {  	(pc) =	sbr.rel $0x88, $3  }
0x1: {  	(tag) =	ssettag $0x0;
	lr =	simm.s32 $0x1  }
0x2: {  	[smem:$0x3F95] =	sst lr;
	_ =	strace $0xD0000000  }
0x3: {  	_ = 	snop  }
0x4: {  	_ = 	snop  }
0x5: {  	_ = 	snop  }
0x6: {  	_ = 	snop  }
0x7: {  	_ = 	snop  }
__scs_overlays_trampoline_lowered:
0x8: {  	[smem:$0x3FA4] =	sst s0  }
0x9: {  	[smem:$0x3FA5] =	sst s1  }
0xa: {  	[smem:$0x3FA6] =	sst s2  }
0xb: {  	[smem:$0x3FA7] =	sst s3  }
0xc: {  	[smem:$0x3FA8] =	sst s4  }
0xd: {  	[smem:$0x3FA9] =	sst s5  }
0xe: {  	[smem:$0x3FAA] =	sst s6  }
0xf: {  	[smem:$0x3FAB] =	sst s7  }
0x10: {  	[smem:$0x3FAC] =	sst s8  }
0x11: {  	[smem:$0x3FAD] =	sst s9;
	s0 =	simm.s32 @!p0 $0x0  }
0x12: {  	s1 =	sld [smem:$0x3F93];
	s0 =	simm.s32 @p0 $0x1  }
0x13: {  	[smem:$0x3FAE] =	sst s0;
	s0 =	simm.s32 @!p1 $0x0  }
0x14: {  	s2 =	sld [smem:$0x3F92];
	s0 =	simm.s32 @p1 $0x1  }
0x15: {  	[smem:$0x3FAF] =	sst s0;
	s0 =	simm.s32 @!p2 $0x0  }
0x16: {  	s3 =	sld [smem:$0x3FDB];
	s0 =	simm.s32 @p2 $0x1  }
0x17: {  	s4 =	simm.s32 $0x1BF5;
	[smem:$0x3FB1] =	sst s0  }
0x18: {  	s0 =	sld [smem:$0x3F94];
	_ =	swait.ge [sflag:s4], $0x0  }
0x19: {  	s7 =	sld [smem:$0x3F95]  }
0x1a: {  	s8 =	sadd.s32 $0xFFFFE003, lr  }
0x1b: {  	s9 =	sadd.s32 $0xFFFFFEF7, lr;
	s5 =	simm.s32 $0xFFFFFFFF;
	p2 =	slt.u32 s8, $0xFFFFF086  }
0x1c: {  	p1 =	slt.u32 s9, $0xF7A;
	s5 =	simm.s32 @!p2 $0x0  }
0x1d: {  	s5 =	simm.s32 @p1 $0x1;
	p0 =	seq.s32 s7, s2  }
0x1e: {  	s7 =	smul.u32 @!p0 $0xF7A, s2;
	p2 =	seq.s32 @!p0 s5, $0x0  }
0x1f: {  	s9 =	smul.u32 $0xF7A, s1;
	s8 =	simm.s32 @!p0 $0x1BF5;
	p2 =	por !p2, p0  }
0x20: {  	[sflag:s8] =	ssyncset.s32 @!p0 $0xFFFFF086;
	s6 =	sadd.s32 @!p0 s3, s7;
	s7 =	simm.s32 @!p0 $0x108  }
0x21: {  	s3 =	sadd.s32 s3, s9;
	s6 =	sadd.s32 @!p0 $0x88, s6;
	s7 =	simm.s32 @p2 $0x1082  }
0x22: {  	[simem:s7], [sflag:s8] =	dma.local @!p0 [hbm:s6], $0xF7A  }
0x23: {  	s9 =	sor.u32 $0xD0000000, s2;
	s6 =	simm.s32 $0x108;
	_ =	swait.ge @!p0 [sflag:s8], $0x0  }
0x24: {  	s3 =	sadd.s32 $0x88, s3;
	s6 =	simm.s32 @!p1 $0x1082;
	[sflag:s4] =	ssyncset.s32 $0xFFFFF086  }
0x25: {  	[simem:s6], [sflag:s4] =	dma.local [hbm:s3], $0xF7A  }
0x26: {  	[smem:$0x3F95] =	sst s1;
	(tag) =	ssettag s2;
	_ =	strace s9  }
0x27: {  	s1 =	sld [smem:$0x3FA5]  }
0x28: {  	s2 =	sld [smem:$0x3FA6]  }
0x29: {  	s4 =	sld [smem:$0x3FA8]  }
0x2a: {  	p0 =	seq.s32 s5, $0x0;
	s5 =	sld [smem:$0x3FA9]  }
0x2b: {  	s6 =	sld [smem:$0x3FAA]  }
0x2c: {  	s7 =	sld [smem:$0x3FAB]  }
0x2d: {  	s3 =	simm.s32 $0x108;
	s8 =	sld [smem:$0x3FAC]  }
0x2e: {  	s3 =	simm.s32 @!p0 $0x1082;
	s9 =	sld [smem:$0x3FAD]  }
0x2f: {  	lr =	sadd.s32 s0, s3;
	s0 =	sld [smem:$0x3FA4]  }
0x30: {  	s3 =	sld [smem:$0x3FA7]  }
0x31: {  	[smem:$0x3FB0] =	sst s10  }
0x32: {  	s10 =	sld [smem:$0x3FAE];
	_ =	sdelay $0x3  }
0x33: {  	p0 =	seq.s32 s10, $0x1;
	s10 =	sld [smem:$0x3FB0];
	_ =	sdelay $0x3  }
0x34: {  	[smem:$0x3FB0] =	sst s10  }
0x35: {  	s10 =	sld [smem:$0x3FAF];
	_ =	sdelay $0x3  }
0x36: {  	p1 =	seq.s32 s10, $0x1;
	s10 =	sld [smem:$0x3FB0];
	_ =	sdelay $0x3  }
0x37: {  	[smem:$0x3FB0] =	sst s10  }
0x38: {  	s10 =	sld [smem:$0x3FB1]  }
0x39: {  	_ = 	snop;
	(pc) =	sbr.ind lr, $3  }
0x3a: {  	_ = 	snop  }
0x3b: {  	_ = 	snop  }
0x3c: {  	p2 =	seq.s32 s10, $0x1;
	s10 =	sld [smem:$0x3FB0]  }
0x3d: {  	_ =	shalt  }
0x3e: {  	_ =	shalt  }
0x3f: {  	_ =	shalt  }
0x40: {  	_ =	shalt  }
0x41: {  	_ =	shalt  }
0x42: {  	_ =	shalt  }
0x43: {  	_ =	shalt  }
0x44: {  	_ =	shalt  }
0x45: {  	_ =	shalt  }
0x46: {  	_ =	shalt  }
0x47: {  	_ =	shalt  }
0x48: {  	_ =	shalt  }
0x49: {  	_ =	shalt  }
0x4a: {  	_ =	shalt  }
0x4b: {  	_ =	shalt  }
0x4c: {  	_ =	shalt  }
0x4d: {  	_ =	shalt  }
0x4e: {  	_ =	shalt  }
0x4f: {  	_ =	shalt  }
0x50: {  	_ =	shalt  }
0x51: {  	_ =	shalt  }
0x52: {  	_ =	shalt  }
0x53: {  	_ =	shalt  }
0x54: {  	_ =	shalt  }
0x55: {  	_ =	shalt  }
0x56: {  	_ =	shalt  }
0x57: {  	_ =	shalt  }
0x58: {  	_ =	shalt  }
0x59: {  	_ =	shalt  }
0x5a: {  	_ =	shalt  }
0x5b: {  	_ =	shalt  }
0x5c: {  	_ =	shalt  }
0x5d: {  	_ =	shalt  }
0x5e: {  	_ =	shalt  }
0x5f: {  	_ =	shalt  }
0x60: {  	_ =	shalt  }
0x61: {  	_ =	shalt  }
0x62: {  	_ =	shalt  }
0x63: {  	_ =	shalt  }
0x64: {  	_ =	shalt  }
0x65: {  	_ =	shalt  }
0x66: {  	_ =	shalt  }
0x67: {  	_ =	shalt  }
0x68: {  	_ =	shalt  }
0x69: {  	_ =	shalt  }
0x6a: {  	_ =	shalt  }
0x6b: {  	_ =	shalt  }
0x6c: {  	_ =	shalt  }
0x6d: {  	_ =	shalt  }
0x6e: {  	_ =	shalt  }
0x6f: {  	_ =	shalt  }
0x70: {  	_ =	shalt  }
0x71: {  	_ =	shalt  }
0x72: {  	_ =	shalt  }
0x73: {  	_ =	shalt  }
0x74: {  	_ =	shalt  }
0x75: {  	_ =	shalt  }
0x76: {  	_ =	shalt  }
0x77: {  	_ =	shalt  }
0x78: {  	_ =	shalt  }
0x79: {  	_ =	shalt  }
0x7a: {  	_ =	shalt  }
0x7b: {  	_ =	shalt  }
0x7c: {  	_ =	shalt  }
0x7d: {  	_ =	shalt  }
0x7e: {  	_ =	shalt  }
0x7f: {  	_ =	shalt  }
0x80: {  	_ =	shalt  }
0x81: {  	_ =	shalt  }
0x82: {  	_ =	shalt  }
0x83: {  	_ =	shalt  }
0x84: {  	_ =	shalt  }
0x85: {  	_ =	shalt  }
0x86: {  	_ =	shalt  }
0x87: {  	_ =	shalt  }
.Lfunc_end0:
.L_simem_size_0:
called_computation_lowered:
.L_overlay_start_0:
0x88: {  	s2 =	sld [smem:$0x3FD9]  }
0x89: {  	s3 =	sld [smem:$0x3FFE];
	_ =	sdelay $0x1  }
0x8a: {  	s1 =	srdreg.scid  }
0x8b: {  	s0 =	sand.u32 $0x1, s1  }
0x8c: {  	s16 =	sshll.u32 s0, $0xA;
	s2 =	sadd.s32 s3, s2  }
0x8d: {  	s2 =	sadd.s32 s2, s16  }
0x8e: {  	[smem:$0x3FBC] =	sst s2  }
0x8f: {  	_ = 	snop  }
0x90: {  	(tm) =	ssettm $0x1  }
0x91: {  	s17 =	sld [smem:$0x3FFB];
	_ =	sdelay $0x3  }
0x92: {  	_ =	strace s17  }
0x93: {  	s2 =	sld [smem:$0x3FFC];
	_ =	sdelay $0x3  }
0x94: {  	_ =	strace s2  }
0x95: {  	s2 =	sld [smem:$0x3FFD];
	_ =	sdelay $0x3  }
0x96: {  	_ =	strace s2  }
0x97: {  	_ =	strace $0x8FFFFFFF  }
0x98: {  	s18 =	sld [smem:$0x3FDB];
	_ =	sdelay $0x1  }
0x99: {  	s19 =	simm.s32 $_scs_section_size  }
0x9a: {  	s4 =	simm.s32 $_size__tile_overlayer_lowered;
	s5 =	simm.s32 $_tile_overlayer_lowered  }
0x9b: {  	s22 =	simm.s32 $0x1BFF;
	s21 =	sshll.u32 s5, $0x1;
	s2 =	sadd.s32 s19, s18  }
0x9c: {  	s6 =	simm.s32 $0x0;
	s20 =	sshll.u32 s4, $0x1;
	s4 =	sadd.s32 s21, s2  }
0x9d: {  	[timem:s6], [sflag:s22] =	dma.local [hbm:s4], s20  }
0x9e: {  	_ =	swait.ge [sflag:s22], s20  }
0x9f: {  	s3 =	ssub.s32 $0x0, s20;
	[sflag:s22] =	ssyncset.done $0x0  }
0xa0: {  	[sflag:s22] =	ssyncadd.s32 s3;
	_ =	sdelay $0x1  }
0xa1: {  	s23 =	simm.s32 $0x1B8B  }
0xa2: {  	_ =	swait.ge [sflag:s23], $0x1  }
0xa3: {  	[sflag:s23] =	ssyncset.done $0x0  }
0xa4: {  	s25 =	simm.s32 $0x1B8E;
	s24 =	sld [smem:$0x3FFE];
	[sflag:s23] =	ssyncadd.s32 $0xFFFFFFFF  }
0xa5: {  	s26 =	simm.s32 $execute0_lowered;
	[smem:$0x3FD2] =	sst s25  }
0xa6: {  	s4 =	sshll.u32 s26, $0x1;
	_ =	strace $0x80000046;
	[dreg:$0x1] =	wrdreg $0xFFFFFFFF  }
0xa7: {  	s28 =	simm.s32 $_size_execute0_lowered;
	s2 =	sadd.s32 s2, s4;
	[dreg:$0x0] =	wrdreg $0x0  }
0xa8: {  	s4 =	sshll.u32 s28, $0x1;
	[dreg:$0x2] =	wrdreg s2  }
0xa9: {  	[dreg:$0x3] =	wrdreg s4  }
0xaa: {  	[dreg:$0x4] =	wrdreg $0xC0  }
0xab: {  	_ =	task [dreg:s6], $0x5FFFF  }
0xac: {  	[dreg:$0x1] =	wrdreg $0xFFFFFFFF  }
0xad: {  	[dreg:$0x0] =	wrdreg $0x60  }
0xae: {  	[dreg:$0x2] =	wrdreg s24  }
0xaf: {  	[dreg:$0x3] =	wrdreg $0x29000  }
0xb0: {  	[dreg:$0x4] =	wrdreg $0x9  }
0xb1: {  	_ =	task.clear_ibuf [dreg:s6], $0x5FFFF;
	_ =	strace $0x90000046  }
0xb2: {  	s29 =	simm.s32 $0x9;
	_ =	strace $0x80000048  }
0xb3: {  	_ =	swait.ge [sflag:s29], $0x1  }
0xb4: {  	[sflag:s29] =	ssyncadd.s32 $0xFFFFFFFF  }
0xb5: {  	_ =	strace $0x90000048  }
0xb6: {  	_ =	sfence  }
0xb7: {  	s30 =	sld [smem:$0x0];
	_ =	sdelay $0x2  }
0xb8: {  	s31 =	sshll.u32 s1, $0xD;
	s1 =	sshrl.u32 s1, $0x2  }
0xb9: {  	s3 =	sand.u32 $0x4000, s31;
	s1 =	sadd.s32 s1, s30  }
0xba: {  	s0 =	sor.u32 s3, s0;
	s1 =	sshll.u32 s1, $0x11  }
0xbb: {  	s0 =	sor.u32 s1, s0  }
0xbc: {  	s0 =	sadd.s32 $0x8F2B, s0  }
0xbd: {  	[sflag:s0] =	ssyncadd.remote.s32 $0x1  }
0xbe: {  	_ =	sfence.sel $0xFFFF  }
0xbf: {  	[dreg:$0x0] =	wrdreg $0xFFFFFFFF;
	(pc) =	sbr.abs _section_cstart, $3  }
0xc0: {  	[dreg:$0x1] =	wrdreg $0xFFFFFFFF  }
0xc1: {  	_ =	task.clear_ibuf [dreg:s6], $0x2FFFF;
	_ =	strace $0x9FFFFFFF  }
0xc2: {  	(tm) =	ssettm $0x7FFFFFFF  }
0xc3: {  	_ =	shalt  }
tec
execute0_lowered:
.L_overlay_start_1:
0x0: {  	(tag) =	ssettag $0x1  }
0x1: {  	s1 =	srdreg.scid;
	s10 =	rddreg [dreg:$0x0]  }
0x2: {  	s0 =	stileid.u32;
	s2 =	rddreg [dreg:$0x1];
	s3 =	simm.s32 $0x0  }
0x3: {  	s19 =	simm.s32 $0x2800;
	s11 =	sand.u32 $0x1, s1;
	s1 =	rddreg [dreg:$0x2]  }
0x4: {  	s20 =	simm.s32 $0x0;
	s30 =	sshll.u32 s0, $0x1;
	[smem:$0x7FF] =	sst s3  }
0x5: {  	s12 =	smul.u32 $0x280, s0;
	s4 =	sor.u32 s11, s30;
	_ =	strace $0x80000047  }
0x6: {  	s5 =	ssub.s32 $0x2, s11;
	p0 =	seq.s32 s11, $0x0;
	s11 =	simm.s32 $0x17200  }
0x7: {  	s4 =	smul.u32 $0x500, s4;
	s31 =	sshrl.u32 s5, $0x1;
	s13 =	sadd.s32 $0x80, s12  }
0x8: {  	s15 =	sadd.s32 $0x100, s12;
	s16 =	sadd.s32 $0x180, s12;
	s17 =	sadd.s32 $0x200, s12  }
0x9: {  	s11 =	simm.s32 @!p0 $0x17800;
	s14 =	ssub.s32 s5, s31;
	s5 =	sadd.s32 s13, s2  }
0xa: {  	s6 =	sadd.s32 s15, s2;
	s7 =	sadd.s32 s16, s2;
	s8 =	sadd.s32 s17, s2  }
0xb: {  	s13 =	sshrl.u32 s13, $0x3;
	s15 =	sshrl.u32 s15, $0x3;
	s16 =	sshrl.u32 s16, $0x3  }
0xc: {  	s18 =	sadd.s32 s11, s10;
	s17 =	sshrl.u32 s17, $0x3;
	s9 =	sadd.s32 s4, s10  }
0xd: {  	s4 =	sadd.s32 s12, s2;
	s12 =	sshrl.u32 s12, $0x3;
	s10 =	smax.u32 s14, $0x1  }
0xe: {  	s14 =	sadd.s32 s18, s16;
	s16 =	simm.s32 $0x2880;
	s9 =	sadd.s32 $0x3200, s9  }
0xf: {  	s11 =	sadd.s32 s18, s12;
	s12 =	sadd.s32 s18, s13;
	s13 =	sadd.s32 s18, s15  }
0x10: {  	v0 =	vimm.f32 $1.000000000e+00;
	v1 =	vimm.f32 $0.0e+00;
	s15 =	sadd.s32 s18, s17;
	s17 =	simm.s32 $0x1;
	s18 =	simm.s32 $0x80  }
.LBB2_1:
0x11: {  	[tilespmem:$0x2800] =	vst v0  }
0x12: {  	[tilespmem:$0x2880] =	vst v1  }
0x13: {  	[tilespmem:$0x2810] =	vst v0  }
0x14: {  	[tilespmem:$0x2890] =	vst v1  }
0x15: {  	[tilespmem:$0x2820] =	vst v0  }
0x16: {  	[tilespmem:$0x28A0] =	vst v1  }
0x17: {  	[tilespmem:$0x2830] =	vst v0  }
0x18: {  	[tilespmem:$0x28B0] =	vst v1  }
0x19: {  	[tilespmem:$0x2840] =	vst v0  }
0x1a: {  	[tilespmem:$0x28C0] =	vst v1  }
0x1b: {  	[tilespmem:$0x2850] =	vst v0  }
0x1c: {  	[tilespmem:$0x28D0] =	vst v1  }
0x1d: {  	[tilespmem:$0x2860] =	vst v0  }
0x1e: {  	[tilespmem:$0x28E0] =	vst v1  }
0x1f: {  	[tilespmem:$0x2870] =	vst v0  }
0x20: {  	[tilespmem:$0x28F0] =	vst v1  }
0x21: {  	[spmem:s4] =	stream.linear.scatter [tilespmem:s16], [sflag:$0x1], $0x80, $0x38;
	[tilespmem:$0x2B80] =	vst v63  }
0x22: {  	_ =	swait.ge [sflag:s17], $0x80  }
0x23: {  	[sflag:s17] =	ssyncset.done $0x0  }
0x24: {  	[sflag:s17] =	ssyncadd.s32 $0xFFFFFF80  }
0x25: {  	[spmem:s5] =	stream.linear.scatter [tilespmem:s16], [sflag:$0x1], $0x80, $0x38;
	[tilespmem:$0x2B80] =	vst v63  }
0x26: {  	_ =	swait.ge [sflag:s17], $0x80  }
0x27: {  	[sflag:s17] =	ssyncset.done $0x0  }
0x28: {  	[sflag:s17] =	ssyncadd.s32 $0xFFFFFF80  }
0x29: {  	[spmem:s6] =	stream.linear.scatter [tilespmem:s16], [sflag:$0x1], $0x80, $0x38;
	[tilespmem:$0x2B80] =	vst v63  }
0x2a: {  	_ =	swait.ge [sflag:s17], $0x80  }
0x2b: {  	[sflag:s17] =	ssyncset.done $0x0  }
0x2c: {  	[sflag:s17] =	ssyncadd.s32 $0xFFFFFF80  }
0x2d: {  	[spmem:s7] =	stream.linear.scatter [tilespmem:s16], [sflag:$0x1], $0x80, $0x38;
	[tilespmem:$0x2B80] =	vst v63  }
0x2e: {  	_ =	swait.ge [sflag:s17], $0x80  }
0x2f: {  	[sflag:s17] =	ssyncset.done $0x0  }
0x30: {  	[sflag:s17] =	ssyncadd.s32 $0xFFFFFF80  }
0x31: {  	[spmem:s8] =	stream.linear.scatter [tilespmem:s16], [sflag:$0x1], $0x80, $0x38;
	[tilespmem:$0x2B80] =	vst v63  }
0x32: {  	_ =	swait.ge [sflag:s17], $0x80  }
0x33: {  	[sflag:s17] =	ssyncset.done $0x0  }
0x34: {  	[sflag:s17] =	ssyncadd.s32 $0xFFFFFF80  }
0x35: {  	[bflag:$0x0] =	sbarrier.arrive $0xFFFF  }
0x36: {  	[tilespmem:s3], [sflag:$0x1] =	stream.linear.gather [hbm4b:s9+s3], $0x2800, $0x38;
	[tilespmem:$0x2B80] =	vst v63  }
0x37: {  	_ =	swait.ge [sflag:s17], $0x2800  }
0x38: {  	[sflag:s17] =	ssyncset.done $0x0  }
0x39: {  	s21 =	simm.s32 $0x0;
	[sflag:s17] =	ssyncadd.s32 $0xFFFFD800  }
0x3a: {  	[spmem:s2] =	stream.indirect.scatter.add.f32 [tilespmem:s19], [sflag:$0x1], $0x1, s21, s18, $0xb8;
	[tilespmem:$0x2B80] =	vst v63  }
0x3b: {  	_ =	swait.ge [sflag:s17], $0x80  }
0x3c: {  	s21 =	simm.s32 $0x200;
	[sflag:s17] =	ssyncset.done $0x0  }
.LBB2_2:
0x3d: {  	s22 =	sshra.s32 s21, $0x2;
	[sflag:s17] =	ssyncadd.s32 $0xFFFFFF80;
	p0 =	sne.s32 s21, $0x9E00  }
0x3e: {  	[spmem:s2] =	stream.indirect.scatter.add.f32 [tilespmem:s19], [sflag:$0x1], $0x1, s22, s18, $0xb8;
	[tilespmem:$0x2B80] =	vst v63  }
.Ltmp0:
0x3f: {  	_ = 	snop;
	(pc) =	sbr.rel @p0 .LBB2_2-.Ltmp0, $4  }
0x40: {  	_ = 	snop  }
0x41: {  	s21 =	sadd.s32 $0x200, s21  }
0x42: {  	_ =	swait.ge [sflag:s17], $0x80  }
0x43: {  	[sflag:s17] =	ssyncset.done $0x0  }
0x44: {  	[sflag:s17] =	ssyncadd.s32 $0xFFFFFF80  }
0x45: {  	[bflag:$0x0] =	sbarrier.arrive $0xFFFF  }
0x46: {  	[tilespmem:s16], [sflag:$0x1] =	stream.linear.gather [spmem:s4], $0x80, $0x38;
	[tilespmem:$0x2B80] =	vst v63  }
0x47: {  	_ =	swait.ge [sflag:s17], $0x80  }
0x48: {  	[sflag:s17] =	ssyncset.done $0x0  }
0x49: {  	[sflag:s17] =	ssyncadd.s32 $0xFFFFFF80  }
0x4a: {  	[hbm4b:s11+s3] =	stream.linear.scatter [tilespmem:s16], [sflag:$0x1], $0x80, $0x38;
	[tilespmem:$0x2B80] =	vst v63  }
0x4b: {  	_ =	swait.ge [sflag:s17], $0x80  }
0x4c: {  	[sflag:s17] =	ssyncset.done $0x0  }
0x4d: {  	[sflag:s17] =	ssyncadd.s32 $0xFFFFFF80  }
0x4e: {  	[tilespmem:s16], [sflag:$0x1] =	stream.linear.gather [spmem:s5], $0x80, $0x38;
	[tilespmem:$0x2B80] =	vst v63  }
0x4f: {  	_ =	swait.ge [sflag:s17], $0x80  }
0x50: {  	[sflag:s17] =	ssyncset.done $0x0  }
0x51: {  	[sflag:s17] =	ssyncadd.s32 $0xFFFFFF80  }
0x52: {  	[hbm4b:s12+s3] =	stream.linear.scatter [tilespmem:s16], [sflag:$0x1], $0x80, $0x38;
	[tilespmem:$0x2B80] =	vst v63  }
0x53: {  	_ =	swait.ge [sflag:s17], $0x80  }
0x54: {  	[sflag:s17] =	ssyncset.done $0x0  }
0x55: {  	[sflag:s17] =	ssyncadd.s32 $0xFFFFFF80  }
0x56: {  	[tilespmem:s16], [sflag:$0x1] =	stream.linear.gather [spmem:s6], $0x80, $0x38;
	[tilespmem:$0x2B80] =	vst v63  }
0x57: {  	_ =	swait.ge [sflag:s17], $0x80  }
0x58: {  	[sflag:s17] =	ssyncset.done $0x0  }
0x59: {  	[sflag:s17] =	ssyncadd.s32 $0xFFFFFF80  }
0x5a: {  	[hbm4b:s13+s3] =	stream.linear.scatter [tilespmem:s16], [sflag:$0x1], $0x80, $0x38;
	[tilespmem:$0x2B80] =	vst v63  }
0x5b: {  	_ =	swait.ge [sflag:s17], $0x80  }
0x5c: {  	[sflag:s17] =	ssyncset.done $0x0  }
0x5d: {  	[sflag:s17] =	ssyncadd.s32 $0xFFFFFF80  }
0x5e: {  	[tilespmem:s16], [sflag:$0x1] =	stream.linear.gather [spmem:s7], $0x80, $0x38;
	[tilespmem:$0x2B80] =	vst v63  }
0x5f: {  	_ =	swait.ge [sflag:s17], $0x80  }
0x60: {  	[sflag:s17] =	ssyncset.done $0x0  }
0x61: {  	[sflag:s17] =	ssyncadd.s32 $0xFFFFFF80  }
0x62: {  	[hbm4b:s14+s3] =	stream.linear.scatter [tilespmem:s16], [sflag:$0x1], $0x80, $0x38;
	[tilespmem:$0x2B80] =	vst v63  }
0x63: {  	_ =	swait.ge [sflag:s17], $0x80  }
0x64: {  	[sflag:s17] =	ssyncset.done $0x0  }
0x65: {  	[sflag:s17] =	ssyncadd.s32 $0xFFFFFF80  }
0x66: {  	[tilespmem:s16], [sflag:$0x1] =	stream.linear.gather [spmem:s8], $0x80, $0x38;
	[tilespmem:$0x2B80] =	vst v63  }
0x67: {  	s20 =	sadd.s32 $0x1, s20;
	_ =	swait.ge [sflag:s17], $0x80  }
0x68: {  	p0 =	sne.s32 s20, s10;
	[sflag:s17] =	ssyncset.done $0x0  }
.Ltmp1:
0x69: {  	[sflag:s17] =	ssyncadd.s32 $0xFFFFFF80;
	(pc) =	sbr.rel @p0 .LBB2_1-.Ltmp1, $4  }
0x6a: {  	[hbm4b:s15+s3] =	stream.linear.scatter [tilespmem:s16], [sflag:$0x1], $0x80, $0x38;
	[tilespmem:$0x2B80] =	vst v63  }
0x6b: {  	_ =	swait.ge [sflag:s17], $0x80  }
0x6c: {  	[sflag:s17] =	ssyncset.done $0x0  }
0x6d: {  	[sflag:s17] =	ssyncadd.s32 $0xFFFFFF80  }
0x6e: {  	_ =	sfence.sel $0x180000  }
0x6f: {  	[bflag:$0x0] =	sbarrier.arrive $0xFFFF  }
0x70: {  	p0 =	sne.s32 s0, $0x0;
	_ =	strace $0x90000047  }
0x71: {  	s0 =	sadd.s32 @!p0 $0x100000, s1;
	[bflag:$0x2] =	sbarrier.arrive $0xFFFF  }
0x72: {  	[sflag:s0] =	ssyncadd.tile.s32 @!p0 $0x1;
	_ =	shalt  }
.Lfunc_end2:
_tile_overlayer_lowered:
.L_overlay_start_2:
0x73: {  	(tag) =	ssettag $0x2  }
0x74: {  	s0 =	rddreg [dreg:$0x0];
	s2 =	stileid.u32  }
0x75: {  	s1 =	rddreg [dreg:$0x1];
	p0 =	sne.s32 s2, $0x0  }
0x76: {  	s3 =	rddreg [dreg:$0x2];
	[bflag:$0x3] =	sbarrier.arrive $0xFFFF;
	s2 =	simm.s32 @!p0 $0x1C01  }
0x77: {  	[timem:s3], [sflag:s2] =	dma.local @!p0 [hbm:s0], s1  }
0x78: {  	s0 =	simm.s32 @!p0 $0x1  }
0x79: {  	_ =	swait.ge @!p0 [sflag:s0], s1  }
0x7a: {  	s1 =	ssub.s32 @!p0 $0x0, s1;
	[sflag:s0] =	ssyncset.done @!p0 $0x0  }
0x7b: {  	[sflag:s0] =	ssyncadd.s32 @!p0 s1  }
0x7c: {  	[bflag:$0x3] =	sbarrier.arrive $0xFFFF  }
0x7d: {  	_ =	shalt  }

</sc_bundles>
